<compile_context>
chip_gen: v7x
topology: tpu7x:2x2x1
jax: 0.10.2.dev20260603
libtpu: 0.0.44.dev20260713+nightly
codegen_flags: <defaults>
</compile_context>

<pallas_src>
import functools

import jax
import jax.numpy as jnp
from jax import lax
from jax.experimental import pallas as pl
from jax.experimental.pallas import tpu as pltpu
from jax.experimental.pallas import tpu_sc as plsc

NC = 2
NS = 16
NW = NC * NS
LANES = 16
CHUNK = 2048
NBUF = 4


@functools.lru_cache(maxsize=None)
def _lookup_fn(R, V1, B, D):
    RPW = R // NW
    mesh = plsc.VectorSubcoreMesh(core_axis_name="c", subcore_axis_name="s")

    @functools.partial(
        pl.kernel,
        out_type=jax.ShapeDtypeStruct((R, B), jnp.float32),
        mesh=mesh,
        scratch_types=[
            pltpu.VMEM((V1,), jnp.float32),
            pltpu.VMEM((B,), jnp.int32),
            pltpu.VMEM((NBUF, CHUNK), jnp.float32),
            pltpu.SemaphoreType.DMA,
            pltpu.SemaphoreType.DMA((NBUF,)),
        ],
        compiler_params=pltpu.CompilerParams(needs_layout_passes=False),
    )
    def body(tabT_ref, xT_ref, out_ref, row_v, xcol_v, oc_v, sem, sem_o):
        w = lax.axis_index("s") * NC + lax.axis_index("c")
        r0 = w * RPW
        rend = r0 + RPW
        f0 = r0 // D
        split = jnp.minimum((f0 + 1) * D, rend)

        def drain_one(r, buf):
            pltpu.make_async_copy(
                oc_v.at[buf], out_ref.at[r, pl.ds(0, CHUNK)], sem_o.at[buf]
            ).wait()

        def do_rows(f, lo, hi):
            pltpu.sync_copy(xT_ref.at[f], xcol_v)

            @pl.loop(lo, hi)
            def _row(r):
                cp = pltpu.async_copy(tabT_ref.at[r], row_v, sem)

                @pl.when(r > r0)
                def _():
                    for b in range(NBUF):
                        drain_one(r, b)

                cp.wait()
                for c in range(B // CHUNK):
                    buf = c % NBUF
                    if c >= NBUF:
                        drain_one(r, buf)

                    @plsc.parallel_loop(0, CHUNK // LANES, unroll=16)
                    def _grp(k):
                        b0 = k * LANES
                        idx = xcol_v[pl.ds(c * CHUNK + b0, LANES)]
                        oc_v[buf, pl.ds(b0, LANES)] = plsc.load_gather(
                            row_v, [idx]
                        )

                    pltpu.async_copy(
                        oc_v.at[buf],
                        out_ref.at[r, pl.ds(c * CHUNK, CHUNK)],
                        sem_o.at[buf],
                    )

        do_rows(f0, r0, split)

        @pl.when(split < rend)
        def _():
            do_rows(f0 + 1, split, rend)

        for b in range(NBUF):
            drain_one(r0, b)

    return body


def _mask_body(x_ref, o_ref):
    o_ref[...] = x_ref[...] == 0


def kernel(x, tables):
    F, V1, D = tables.shape
    B = x.shape[0]
    tabT = tables.transpose(0, 2, 1).reshape(F * D, V1)
    xT = x.T
    outT = _lookup_fn(F * D, V1, B, D)(tabT, xT)
    emb = outT.reshape(F, D, B).transpose(2, 0, 1)
    maskT = pl.pallas_call(
        _mask_body,
        out_shape=jax.ShapeDtypeStruct((F, B), jnp.bool_),
    )(xT)
    return emb, maskT.T

# --- scband reference (transcript-rebuilt; emitter-appended) ---
"""Pipeline reference for scband-tabular-input-projection-31147102831179 (READ-ONLY COPY).

The authoritative reference and input builder live on the scoring server;
editing this copy changes nothing except your own understanding.
"""

import jax, jax.numpy as jnp
import numpy as np

B = 16384
F = 26
V = 100000  # cardinality per field; table has V+1 rows (index 0 = mask/pad)
D = 32


def setup_inputs(seed: int = 0) -> dict:
    key = jax.random.key(seed)
    k1, k2 = jax.random.split(key)
    x = jax.random.randint(k1, (B, F), 0, V)
    # One embedding table per attribute, num_embeddings = cardinality + 1.
    # Stacked into a single [F, V+1, D] tensor (all cardinalities equal here).
    tables = (jax.random.normal(k2, (F, V + 1, D), dtype=jnp.float32) * 0.02)
    return {"x": x, "tables": tables}


def reference(x, tables):
    # All columns are categorical (cardinality > 1, hidden_dims=None),
    # so each column is a plain embedding lookup into its own table.
    f_idx = jnp.arange(tables.shape[0])[None, :]          # [1, F]
    embeddings = tables[f_idx, x]                          # [B, F, D] gather
    nan_mask = (x == 0)                                    # [B, F] bool, index 0 is the mask token
    return embeddings, nan_mask

if __name__ == "__main__":
    import jax
    _d = setup_inputs()
    print(jax.jit(kernel)(*tuple(_d.values())))

</pallas_src>

<mosaic_0001>
#map = affine_map<(d0, d1) -> (0, 0)>
module attributes {stable_mosaic.version = 14 : i64} {
  func.func @body(%arg0: i32, %arg1: i32, %arg2: memref<832x100001xf32, #tpu.memory_space<hbm>>, %arg3: memref<26x16384xi32, #tpu.memory_space<hbm>>, %arg4: memref<832x16384xf32, #tpu.memory_space<hbm>>, %arg5: memref<100001xf32, #tpu.memory_space<vmem>>, %arg6: memref<16384xi32, #tpu.memory_space<vmem>>, %arg7: memref<4x2048xf32, #tpu.memory_space<vmem>>, %arg8: memref<!tpu.dma_semaphore, #tpu.memory_space<semaphore_mem>>, %arg9: memref<4x!tpu.dma_semaphore, #tpu.memory_space<semaphore_mem>>) attributes {dimension_semantics = [#tpu.dimension_semantics<core_parallel>, #tpu.dimension_semantics<subcore_parallel>], iteration_bounds = array<i64: 2, 16>, scalar_prefetch = 0 : i64, scratch_operands = 5 : i64, tpu.core_type = #tpu.core_type<sc_vector_subcore>, window_params = [{transform_indices = #map}, {transform_indices = #map}, {transform_indices = #map}]} {
    %mul3A = arith.constant 2 : i32
    %mul3A_0 = arith.muli %arg1, %mul3A : i32
    %add3A = arith.addi %mul3A_0, %arg0 : i32
    %mul3A_1 = arith.constant 26 : i32
    %mul3A_2 = arith.muli %add3A, %mul3A_1 : i32
    %add3A_3 = arith.constant 26 : i32
    %add3A_4 = arith.addi %mul3A_2, %add3A_3 : i32
    %jit3A = arith.constant 32 : i32
    %div3A = arith.divsi %mul3A_2, %jit3A : i32
    %sign3A = arith.constant 0 : i32
    %sign3A_5 = arith.cmpi sgt, %mul3A_2, %sign3A : i32
    %sign3A_6 = arith.extui %sign3A_5 : i1 to i32
    %sign3A_7 = arith.constant 0 : i32
    %sign3A_8 = arith.cmpi slt, %mul3A_2, %sign3A_7 : i32
    %sign3A_9 = arith.extui %sign3A_8 : i1 to i32
    %sign3A_10 = arith.subi %sign3A_6, %sign3A_9 : i32
    %sign3A_11 = arith.constant 0 : i32
    %sign3A_12 = arith.cmpi sgt, %jit3A, %sign3A_11 : i32
    %sign3A_13 = arith.extui %sign3A_12 : i1 to i32
    %sign3A_14 = arith.constant 0 : i32
    %sign3A_15 = arith.cmpi slt, %jit3A, %sign3A_14 : i32
    %sign3A_16 = arith.extui %sign3A_15 : i1 to i32
    %sign3A_17 = arith.subi %sign3A_13, %sign3A_16 : i32
    %ne3A = arith.cmpi ne, %sign3A_10, %sign3A_17 : i32
    %rem3A = arith.remsi %mul3A_2, %jit3A : i32
    %ne3A_18 = arith.constant 0 : i32
    %ne3A_19 = arith.cmpi ne, %rem3A, %ne3A_18 : i32
    %and3A = arith.andi %ne3A, %ne3A_19 : i1
    %sub3A = arith.constant 1 : i32
    %sub3A_20 = arith.subi %div3A, %sub3A : i32
    %select_n3A = arith.select %and3A, %sub3A_20, %div3A : i32
    %add3A_21 = arith.constant 1 : i32
    %add3A_22 = arith.addi %select_n3A, %add3A_21 : i32
    %mul3A_23 = arith.constant 32 : i32
    %mul3A_24 = arith.muli %add3A_22, %mul3A_23 : i32
    %min3A = arith.minsi %mul3A_24, %add3A_4 : i32
    "tpu.region"() ({
      %run_scoped3A = tpu.sem_alloc : memref<!tpu.dma_semaphore, #tpu.memory_space<semaphore_mem>>
      %dma_start3A = arith.constant 0 : i32
      %dma_start3A_105 = tpu.memref_slice %arg3[%select_n3A, %dma_start3A] : memref<26x16384xi32, #tpu.memory_space<hbm>> -> memref<1x16384xi32, #tpu.memory_space<hbm>>
      %dma_start3A_106 = tpu.memref_squeeze %dma_start3A_105 : memref<1x16384xi32, #tpu.memory_space<hbm>> -> memref<16384xi32, #tpu.memory_space<hbm>>
      %dma_start3A_107 = arith.constant 0 : i32
      %dma_start3A_108 = tpu.memref_slice %arg3[%select_n3A, %dma_start3A_107] : memref<26x16384xi32, #tpu.memory_space<hbm>> -> memref<1x16384xi32, #tpu.memory_space<hbm>>
      %dma_start3A_109 = tpu.memref_squeeze %dma_start3A_108 : memref<1x16384xi32, #tpu.memory_space<hbm>> -> memref<16384xi32, #tpu.memory_space<hbm>>
      tpu.enqueue_dma source(%dma_start3A_109 : memref<16384xi32, #tpu.memory_space<hbm>>) target(%arg6 : memref<16384xi32, #tpu.memory_space<vmem>>) target_semaphore(%run_scoped3A : memref<!tpu.dma_semaphore, #tpu.memory_space<semaphore_mem>>)
      %dma_wait3A_110 = arith.constant 0 : i32
      %dma_wait3A_111 = tpu.memref_slice %arg3[%select_n3A, %dma_wait3A_110] : memref<26x16384xi32, #tpu.memory_space<hbm>> -> memref<1x16384xi32, #tpu.memory_space<hbm>>
      %dma_wait3A_112 = tpu.memref_squeeze %dma_wait3A_111 : memref<1x16384xi32, #tpu.memory_space<hbm>> -> memref<16384xi32, #tpu.memory_space<hbm>>
      %dma_wait3A_113 = arith.constant 0 : i32
      %dma_wait3A_114 = tpu.memref_slice %arg3[%select_n3A, %dma_wait3A_113] : memref<26x16384xi32, #tpu.memory_space<hbm>> -> memref<1x16384xi32, #tpu.memory_space<hbm>>
      %dma_wait3A_115 = tpu.memref_squeeze %dma_wait3A_114 : memref<1x16384xi32, #tpu.memory_space<hbm>> -> memref<16384xi32, #tpu.memory_space<hbm>>
      tpu.wait_dma2 semaphore(%run_scoped3A : memref<!tpu.dma_semaphore, #tpu.memory_space<semaphore_mem>>) src(%dma_wait3A_115 : memref<16384xi32, #tpu.memory_space<hbm>>) dst(%arg6 : memref<16384xi32, #tpu.memory_space<vmem>>)
      tpu.yield
    }) : () -> ()
    %sub3A_25 = arith.subi %min3A, %mul3A_2 : i32
    %sub3A_26 = arith.constant 1 : i32
    %sub3A_27 = arith.constant 1 : i32
    %sub3A_28 = arith.subi %sub3A_26, %sub3A_27 : i32
    %add3A_29 = arith.addi %sub3A_25, %sub3A_28 : i32
    %div3A_30 = arith.constant 1 : i32
    %div3A_31 = arith.divsi %add3A_29, %div3A_30 : i32
    %while3A = arith.constant 1 : i32
    %while3A_32 = arith.constant 0 : i32
    %while3A_33 = arith.subi %div3A_31, %while3A_32 : i32
    %while3A_34 = arith.addi %while3A_32, %while3A_33 : i32
    %while3A_35 = arith.constant 1 : i32
    %while3A_36 = arith.divsi %while3A_33, %while3A_35 : i32
    %while3A_37 = arith.muli %while3A_36, %while3A_35 : i32
    %while3A_38 = arith.addi %while3A_32, %while3A_37 : i32
    %while3A_39 = arith.constant 1 : i32
    scf.for %while3A_105 = %while3A_32 to %while3A_38 step %while3A_39  : i32 {
      %mul3A_106 = arith.muli %while3A_105, %while3A : i32
      %add3A_107 = arith.addi %mul3A_2, %mul3A_106 : i32
      %dma_start3A = arith.constant 0 : i32
      %dma_start3A_108 = tpu.memref_slice %arg2[%add3A_107, %dma_start3A] : memref<832x100001xf32, #tpu.memory_space<hbm>> -> memref<1x100001xf32, #tpu.memory_space<hbm>>
      %dma_start3A_109 = tpu.memref_squeeze %dma_start3A_108 : memref<1x100001xf32, #tpu.memory_space<hbm>> -> memref<100001xf32, #tpu.memory_space<hbm>>
      %dma_start3A_110 = arith.constant 0 : i32
      %dma_start3A_111 = tpu.memref_slice %arg2[%add3A_107, %dma_start3A_110] : memref<832x100001xf32, #tpu.memory_space<hbm>> -> memref<1x100001xf32, #tpu.memory_space<hbm>>
      %dma_start3A_112 = tpu.memref_squeeze %dma_start3A_111 : memref<1x100001xf32, #tpu.memory_space<hbm>> -> memref<100001xf32, #tpu.memory_space<hbm>>
      tpu.enqueue_dma source(%dma_start3A_112 : memref<100001xf32, #tpu.memory_space<hbm>>) target(%arg5 : memref<100001xf32, #tpu.memory_space<vmem>>) target_semaphore(%arg8 : memref<!tpu.dma_semaphore, #tpu.memory_space<semaphore_mem>>)
      %gt3A = arith.cmpi sgt, %add3A_107, %mul3A_2 : i32
      %convert_element_type3A_113 = arith.extui %gt3A : i1 to i32
      %cond3A_114 = arith.constant 0 : i32
      %cond3A_115 = arith.cmpi ne, %convert_element_type3A_113, %cond3A_114 : i32
      scf.if %cond3A_115 {
        %dma_wait3A_337 = arith.constant 0 : i32
        %dma_wait3A_338 = arith.constant 0 : i32
        %dma_wait3A_339 = arith.constant 0 : i32
        %dma_wait3A_340 = tpu.memref_slice %arg7[%dma_wait3A_337, %dma_wait3A_339] : memref<4x2048xf32, #tpu.memory_space<vmem>> -> memref<1x2048xf32, #tpu.memory_space<vmem>>
        %dma_wait3A_341 = tpu.memref_squeeze %dma_wait3A_340 : memref<1x2048xf32, #tpu.memory_space<vmem>> -> memref<2048xf32, #tpu.memory_space<vmem>>
        %dma_wait3A_342 = arith.constant 0 : i32
        %dma_wait3A_343 = tpu.memref_slice %arg4[%add3A_107, %dma_wait3A_342] : memref<832x16384xf32, #tpu.memory_space<hbm>> -> memref<1x2048xf32, #tpu.memory_space<hbm>>
        %dma_wait3A_344 = tpu.memref_squeeze %dma_wait3A_343 : memref<1x2048xf32, #tpu.memory_space<hbm>> -> memref<2048xf32, #tpu.memory_space<hbm>>
        %dma_wait3A_345 = tpu.memref_slice %arg9[%dma_wait3A_338] : memref<4x!tpu.dma_semaphore, #tpu.memory_space<semaphore_mem>> -> memref<1x!tpu.dma_semaphore, #tpu.memory_space<semaphore_mem>>
        %dma_wait3A_346 = tpu.memref_squeeze %dma_wait3A_345 : memref<1x!tpu.dma_semaphore, #tpu.memory_space<semaphore_mem>> -> memref<!tpu.dma_semaphore, #tpu.memory_space<semaphore_mem>>
        %dma_wait3A_347 = arith.constant 0 : i32
        %dma_wait3A_348 = tpu.memref_slice %arg4[%add3A_107, %dma_wait3A_347] : memref<832x16384xf32, #tpu.memory_space<hbm>> -> memref<1x2048xf32, #tpu.memory_space<hbm>>
        %dma_wait3A_349 = tpu.memref_squeeze %dma_wait3A_348 : memref<1x2048xf32, #tpu.memory_space<hbm>> -> memref<2048xf32, #tpu.memory_space<hbm>>
        %dma_wait3A_350 = arith.constant 0 : i32
        %dma_wait3A_351 = tpu.memref_slice %arg7[%dma_wait3A_337, %dma_wait3A_350] : memref<4x2048xf32, #tpu.memory_space<vmem>> -> memref<1x2048xf32, #tpu.memory_space<vmem>>
        %dma_wait3A_352 = tpu.memref_squeeze %dma_wait3A_351 : memref<1x2048xf32, #tpu.memory_space<vmem>> -> memref<2048xf32, #tpu.memory_space<vmem>>
        tpu.wait_dma2 semaphore(%dma_wait3A_346 : memref<!tpu.dma_semaphore, #tpu.memory_space<semaphore_mem>>) src(%dma_wait3A_352 : memref<2048xf32, #tpu.memory_space<vmem>>) dst(%dma_wait3A_349 : memref<2048xf32, #tpu.memory_space<hbm>>)
        %dma_wait3A_353 = arith.constant 1 : i32
        %dma_wait3A_354 = arith.constant 1 : i32
        %dma_wait3A_355 = arith.constant 0 : i32
        %dma_wait3A_356 = tpu.memref_slice %arg7[%dma_wait3A_353, %dma_wait3A_355] : memref<4x2048xf32, #tpu.memory_space<vmem>> -> memref<1x2048xf32, #tpu.memory_space<vmem>>
        %dma_wait3A_357 = tpu.memref_squeeze %dma_wait3A_356 : memref<1x2048xf32, #tpu.memory_space<vmem>> -> memref<2048xf32, #tpu.memory_space<vmem>>
        %dma_wait3A_358 = arith.constant 0 : i32
        %dma_wait3A_359 = tpu.memref_slice %arg4[%add3A_107, %dma_wait3A_358] : memref<832x16384xf32, #tpu.memory_space<hbm>> -> memref<1x2048xf32, #tpu.memory_space<hbm>>
        %dma_wait3A_360 = tpu.memref_squeeze %dma_wait3A_359 : memref<1x2048xf32, #tpu.memory_space<hbm>> -> memref<2048xf32, #tpu.memory_space<hbm>>
        %dma_wait3A_361 = tpu.memref_slice %arg9[%dma_wait3A_354] : memref<4x!tpu.dma_semaphore, #tpu.memory_space<semaphore_mem>> -> memref<1x!tpu.dma_semaphore, #tpu.memory_space<semaphore_mem>>
        %dma_wait3A_362 = tpu.memref_squeeze %dma_wait3A_361 : memref<1x!tpu.dma_semaphore, #tpu.memory_space<semaphore_mem>> -> memref<!tpu.dma_semaphore, #tpu.memory_space<semaphore_mem>>
        %dma_wait3A_363 = arith.constant 0 : i32
        %dma_wait3A_364 = tpu.memref_slice %arg4[%add3A_107, %dma_wait3A_363] : memref<832x16384xf32, #tpu.memory_space<hbm>> -> memref<1x2048xf32, #tpu.memory_space<hbm>>
        %dma_wait3A_365 = tpu.memref_squeeze %dma_wait3A_364 : memref<1x2048xf32, #tpu.memory_space<hbm>> -> memref<2048xf32, #tpu.memory_space<hbm>>
        %dma_wait3A_366 = arith.constant 0 : i32
        %dma_wait3A_367 = tpu.memref_slice %arg7[%dma_wait3A_353, %dma_wait3A_366] : memref<4x2048xf32, #tpu.memory_space<vmem>> -> memref<1x2048xf32, #tpu.memory_space<vmem>>
        %dma_wait3A_368 = tpu.memref_squeeze %dma_wait3A_367 : memref<1x2048xf32, #tpu.memory_space<vmem>> -> memref<2048xf32, #tpu.memory_space<vmem>>
        tpu.wait_dma2 semaphore(%dma_wait3A_362 : memref<!tpu.dma_semaphore, #tpu.memory_space<semaphore_mem>>) src(%dma_wait3A_368 : memref<2048xf32, #tpu.memory_space<vmem>>) dst(%dma_wait3A_365 : memref<2048xf32, #tpu.memory_space<hbm>>)
        %dma_wait3A_369 = arith.constant 2 : i32
        %dma_wait3A_370 = arith.constant 2 : i32
        %dma_wait3A_371 = arith.constant 0 : i32
        %dma_wait3A_372 = tpu.memref_slice %arg7[%dma_wait3A_369, %dma_wait3A_371] : memref<4x2048xf32, #tpu.memory_space<vmem>> -> memref<1x2048xf32, #tpu.memory_space<vmem>>
        %dma_wait3A_373 = tpu.memref_squeeze %dma_wait3A_372 : memref<1x2048xf32, #tpu.memory_space<vmem>> -> memref<2048xf32, #tpu.memory_space<vmem>>
        %dma_wait3A_374 = arith.constant 0 : i32
        %dma_wait3A_375 = tpu.memref_slice %arg4[%add3A_107, %dma_wait3A_374] : memref<832x16384xf32, #tpu.memory_space<hbm>> -> memref<1x2048xf32, #tpu.memory_space<hbm>>
        %dma_wait3A_376 = tpu.memref_squeeze %dma_wait3A_375 : memref<1x2048xf32, #tpu.memory_space<hbm>> -> memref<2048xf32, #tpu.memory_space<hbm>>
        %dma_wait3A_377 = tpu.memref_slice %arg9[%dma_wait3A_370] : memref<4x!tpu.dma_semaphore, #tpu.memory_space<semaphore_mem>> -> memref<1x!tpu.dma_semaphore, #tpu.memory_space<semaphore_mem>>
        %dma_wait3A_378 = tpu.memref_squeeze %dma_wait3A_377 : memref<1x!tpu.dma_semaphore, #tpu.memory_space<semaphore_mem>> -> memref<!tpu.dma_semaphore, #tpu.memory_space<semaphore_mem>>
        %dma_wait3A_379 = arith.constant 0 : i32
        %dma_wait3A_380 = tpu.memref_slice %arg4[%add3A_107, %dma_wait3A_379] : memref<832x16384xf32, #tpu.memory_space<hbm>> -> memref<1x2048xf32, #tpu.memory_space<hbm>>
        %dma_wait3A_381 = tpu.memref_squeeze %dma_wait3A_380 : memref<1x2048xf32, #tpu.memory_space<hbm>> -> memref<2048xf32, #tpu.memory_space<hbm>>
        %dma_wait3A_382 = arith.constant 0 : i32
        %dma_wait3A_383 = tpu.memref_slice %arg7[%dma_wait3A_369, %dma_wait3A_382] : memref<4x2048xf32, #tpu.memory_space<vmem>> -> memref<1x2048xf32, #tpu.memory_space<vmem>>
        %dma_wait3A_384 = tpu.memref_squeeze %dma_wait3A_383 : memref<1x2048xf32, #tpu.memory_space<vmem>> -> memref<2048xf32, #tpu.memory_space<vmem>>
        tpu.wait_dma2 semaphore(%dma_wait3A_378 : memref<!tpu.dma_semaphore, #tpu.memory_space<semaphore_mem>>) src(%dma_wait3A_384 : memref<2048xf32, #tpu.memory_space<vmem>>) dst(%dma_wait3A_381 : memref<2048xf32, #tpu.memory_space<hbm>>)
        %dma_wait3A_385 = arith.constant 3 : i32
        %dma_wait3A_386 = arith.constant 3 : i32
        %dma_wait3A_387 = arith.constant 0 : i32
        %dma_wait3A_388 = tpu.memref_slice %arg7[%dma_wait3A_385, %dma_wait3A_387] : memref<4x2048xf32, #tpu.memory_space<vmem>> -> memref<1x2048xf32, #tpu.memory_space<vmem>>
        %dma_wait3A_389 = tpu.memref_squeeze %dma_wait3A_388 : memref<1x2048xf32, #tpu.memory_space<vmem>> -> memref<2048xf32, #tpu.memory_space<vmem>>
        %dma_wait3A_390 = arith.constant 0 : i32
        %dma_wait3A_391 = tpu.memref_slice %arg4[%add3A_107, %dma_wait3A_390] : memref<832x16384xf32, #tpu.memory_space<hbm>> -> memref<1x2048xf32, #tpu.memory_space<hbm>>
        %dma_wait3A_392 = tpu.memref_squeeze %dma_wait3A_391 : memref<1x2048xf32, #tpu.memory_space<hbm>> -> memref<2048xf32, #tpu.memory_space<hbm>>
        %dma_wait3A_393 = tpu.memref_slice %arg9[%dma_wait3A_386] : memref<4x!tpu.dma_semaphore, #tpu.memory_space<semaphore_mem>> -> memref<1x!tpu.dma_semaphore, #tpu.memory_space<semaphore_mem>>
        %dma_wait3A_394 = tpu.memref_squeeze %dma_wait3A_393 : memref<1x!tpu.dma_semaphore, #tpu.memory_space<semaphore_mem>> -> memref<!tpu.dma_semaphore, #tpu.memory_space<semaphore_mem>>
        %dma_wait3A_395 = arith.constant 0 : i32
        %dma_wait3A_396 = tpu.memref_slice %arg4[%add3A_107, %dma_wait3A_395] : memref<832x16384xf32, #tpu.memory_space<hbm>> -> memref<1x2048xf32, #tpu.memory_space<hbm>>
        %dma_wait3A_397 = tpu.memref_squeeze %dma_wait3A_396 : memref<1x2048xf32, #tpu.memory_space<hbm>> -> memref<2048xf32, #tpu.memory_space<hbm>>
        %dma_wait3A_398 = arith.constant 0 : i32
        %dma_wait3A_399 = tpu.memref_slice %arg7[%dma_wait3A_385, %dma_wait3A_398] : memref<4x2048xf32, #tpu.memory_space<vmem>> -> memref<1x2048xf32, #tpu.memory_space<vmem>>
        %dma_wait3A_400 = tpu.memref_squeeze %dma_wait3A_399 : memref<1x2048xf32, #tpu.memory_space<vmem>> -> memref<2048xf32, #tpu.memory_space<vmem>>
        tpu.wait_dma2 semaphore(%dma_wait3A_394 : memref<!tpu.dma_semaphore, #tpu.memory_space<semaphore_mem>>) src(%dma_wait3A_400 : memref<2048xf32, #tpu.memory_space<vmem>>) dst(%dma_wait3A_397 : memref<2048xf32, #tpu.memory_space<hbm>>)
      } else {
      }
      %dma_wait3A_116 = arith.constant 0 : i32
      %dma_wait3A_117 = tpu.memref_slice %arg2[%add3A_107, %dma_wait3A_116] : memref<832x100001xf32, #tpu.memory_space<hbm>> -> memref<1x100001xf32, #tpu.memory_space<hbm>>
      %dma_wait3A_118 = tpu.memref_squeeze %dma_wait3A_117 : memref<1x100001xf32, #tpu.memory_space<hbm>> -> memref<100001xf32, #tpu.memory_space<hbm>>
      %dma_wait3A_119 = arith.constant 0 : i32
      %dma_wait3A_120 = tpu.memref_slice %arg2[%add3A_107, %dma_wait3A_119] : memref<832x100001xf32, #tpu.memory_space<hbm>> -> memref<1x100001xf32, #tpu.memory_space<hbm>>
      %dma_wait3A_121 = tpu.memref_squeeze %dma_wait3A_120 : memref<1x100001xf32, #tpu.memory_space<hbm>> -> memref<100001xf32, #tpu.memory_space<hbm>>
      tpu.wait_dma2 semaphore(%arg8 : memref<!tpu.dma_semaphore, #tpu.memory_space<semaphore_mem>>) src(%dma_wait3A_121 : memref<100001xf32, #tpu.memory_space<hbm>>) dst(%arg5 : memref<100001xf32, #tpu.memory_space<vmem>>)
      %parallel_loop3A = arith.constant 0 : i32
      %parallel_loop3A_122 = arith.constant 128 : i32
      %parallel_loop3A_123 = arith.constant 1 : i32
      scf.for %parallel_loop3A_337 = %parallel_loop3A to %parallel_loop3A_122 step %parallel_loop3A_123  : i32 {
        %parallel_loop3A_338 = arith.constant 16 : i32
        %parallel_loop3A_339 = arith.muli %parallel_loop3A_337, %parallel_loop3A_338 : i32
        %parallel_loop3A_340 = arith.constant 0 : i32
        %parallel_loop3A_341 = arith.addi %parallel_loop3A_340, %parallel_loop3A_339 : i32
        %parallel_loop3A_342 = arith.index_cast %parallel_loop3A_341 : i32 to index
        %parallel_loop3A_343 = tpu.vector_load %arg6[%parallel_loop3A_342] {strides = array<i32>} : memref<16384xi32, #tpu.memory_space<vmem>>, vector<16xi32>,
        %parallel_loop3A_344 = tpu.vector_load_idx %arg5[%parallel_loop3A_343] : memref<100001xf32, #tpu.memory_space<vmem>>[vector<16xi32>], vector<16xf32>,
        %parallel_loop3A_345 = arith.constant 0 : i32
        %parallel_loop3A_346 = arith.index_cast %parallel_loop3A_345 : i32 to index
        %parallel_loop3A_347 = arith.index_cast %parallel_loop3A_339 : i32 to index
        %parallel_loop3A_348 = tpu.vector_load %arg7[%parallel_loop3A_346, %parallel_loop3A_347] {strides = array<i32>} : memref<4x2048xf32, #tpu.memory_space<vmem>>, vector<16xf32>,
        tpu.vector_store %arg7[%parallel_loop3A_346, %parallel_loop3A_347], %parallel_loop3A_344 {strides = array<i32>} : memref<4x2048xf32, #tpu.memory_space<vmem>>, vector<16xf32>,
      } {sc.loop_unroll_factor = 16 : i64, sc.parallel_access}
      %dma_start3A_124 = arith.constant 0 : i32
      %dma_start3A_125 = arith.constant 0 : i32
      %dma_start3A_126 = arith.constant 0 : i32
      %dma_start3A_127 = tpu.memref_slice %arg7[%dma_start3A_124, %dma_start3A_126] : memref<4x2048xf32, #tpu.memory_space<vmem>> -> memref<1x2048xf32, #tpu.memory_space<vmem>>
      %dma_start3A_128 = tpu.memref_squeeze %dma_start3A_127 : memref<1x2048xf32, #tpu.memory_space<vmem>> -> memref<2048xf32, #tpu.memory_space<vmem>>
      %dma_start3A_129 = arith.constant 0 : i32
      %dma_start3A_130 = tpu.memref_slice %arg4[%add3A_107, %dma_start3A_129] : memref<832x16384xf32, #tpu.memory_space<hbm>> -> memref<1x2048xf32, #tpu.memory_space<hbm>>
      %dma_start3A_131 = tpu.memref_squeeze %dma_start3A_130 : memref<1x2048xf32, #tpu.memory_space<hbm>> -> memref<2048xf32, #tpu.memory_space<hbm>>
      %dma_start3A_132 = tpu.memref_slice %arg9[%dma_start3A_125] : memref<4x!tpu.dma_semaphore, #tpu.memory_space<semaphore_mem>> -> memref<1x!tpu.dma_semaphore, #tpu.memory_space<semaphore_mem>>
      %dma_start3A_133 = tpu.memref_squeeze %dma_start3A_132 : memref<1x!tpu.dma_semaphore, #tpu.memory_space<semaphore_mem>> -> memref<!tpu.dma_semaphore, #tpu.memory_space<semaphore_mem>>
      %dma_start3A_134 = arith.constant 0 : i32
      %dma_start3A_135 = tpu.memref_slice %arg4[%add3A_107, %dma_start3A_134] : memref<832x16384xf32, #tpu.memory_space<hbm>> -> memref<1x2048xf32, #tpu.memory_space<hbm>>
      %dma_start3A_136 = tpu.memref_squeeze %dma_start3A_135 : memref<1x2048xf32, #tpu.memory_space<hbm>> -> memref<2048xf32, #tpu.memory_space<hbm>>
      %dma_start3A_137 = arith.constant 0 : i32
      %dma_start3A_138 = tpu.memref_slice %arg7[%dma_start3A_124, %dma_start3A_137] : memref<4x2048xf32, #tpu.memory_space<vmem>> -> memref<1x2048xf32, #tpu.memory_space<vmem>>
      %dma_start3A_139 = tpu.memref_squeeze %dma_start3A_138 : memref<1x2048xf32, #tpu.memory_space<vmem>> -> memref<2048xf32, #tpu.memory_space<vmem>>
      tpu.enqueue_dma source(%dma_start3A_139 : memref<2048xf32, #tpu.memory_space<vmem>>) target(%dma_start3A_136 : memref<2048xf32, #tpu.memory_space<hbm>>) target_semaphore(%dma_start3A_133 : memref<!tpu.dma_semaphore, #tpu.memory_space<semaphore_mem>>)
      %parallel_loop3A_140 = arith.constant 0 : i32
      %parallel_loop3A_141 = arith.constant 128 : i32
      %parallel_loop3A_142 = arith.constant 1 : i32
      scf.for %parallel_loop3A_337 = %parallel_loop3A_140 to %parallel_loop3A_141 step %parallel_loop3A_142  : i32 {
        %parallel_loop3A_338 = arith.constant 16 : i32
        %parallel_loop3A_339 = arith.muli %parallel_loop3A_337, %parallel_loop3A_338 : i32
        %parallel_loop3A_340 = arith.constant 2048 : i32
        %parallel_loop3A_341 = arith.addi %parallel_loop3A_340, %parallel_loop3A_339 : i32
        %parallel_loop3A_342 = arith.index_cast %parallel_loop3A_341 : i32 to index
        %parallel_loop3A_343 = tpu.vector_load %arg6[%parallel_loop3A_342] {strides = array<i32>} : memref<16384xi32, #tpu.memory_space<vmem>>, vector<16xi32>,
        %parallel_loop3A_344 = tpu.vector_load_idx %arg5[%parallel_loop3A_343] : memref<100001xf32, #tpu.memory_space<vmem>>[vector<16xi32>], vector<16xf32>,
        %parallel_loop3A_345 = arith.constant 1 : i32
        %parallel_loop3A_346 = arith.index_cast %parallel_loop3A_345 : i32 to index
        %parallel_loop3A_347 = arith.index_cast %parallel_loop3A_339 : i32 to index
        %parallel_loop3A_348 = tpu.vector_load %arg7[%parallel_loop3A_346, %parallel_loop3A_347] {strides = array<i32>} : memref<4x2048xf32, #tpu.memory_space<vmem>>, vector<16xf32>,
        tpu.vector_store %arg7[%parallel_loop3A_346, %parallel_loop3A_347], %parallel_loop3A_344 {strides = array<i32>} : memref<4x2048xf32, #tpu.memory_space<vmem>>, vector<16xf32>,
      } {sc.loop_unroll_factor = 16 : i64, sc.parallel_access}
      %dma_start3A_143 = arith.constant 1 : i32
      %dma_start3A_144 = arith.constant 1 : i32
      %dma_start3A_145 = arith.constant 0 : i32
      %dma_start3A_146 = tpu.memref_slice %arg7[%dma_start3A_143, %dma_start3A_145] : memref<4x2048xf32, #tpu.memory_space<vmem>> -> memref<1x2048xf32, #tpu.memory_space<vmem>>
      %dma_start3A_147 = tpu.memref_squeeze %dma_start3A_146 : memref<1x2048xf32, #tpu.memory_space<vmem>> -> memref<2048xf32, #tpu.memory_space<vmem>>
      %dma_start3A_148 = arith.constant 2048 : i32
      %dma_start3A_149 = tpu.memref_slice %arg4[%add3A_107, %dma_start3A_148] : memref<832x16384xf32, #tpu.memory_space<hbm>> -> memref<1x2048xf32, #tpu.memory_space<hbm>>
      %dma_start3A_150 = tpu.memref_squeeze %dma_start3A_149 : memref<1x2048xf32, #tpu.memory_space<hbm>> -> memref<2048xf32, #tpu.memory_space<hbm>>
      %dma_start3A_151 = tpu.memref_slice %arg9[%dma_start3A_144] : memref<4x!tpu.dma_semaphore, #tpu.memory_space<semaphore_mem>> -> memref<1x!tpu.dma_semaphore, #tpu.memory_space<semaphore_mem>>
      %dma_start3A_152 = tpu.memref_squeeze %dma_start3A_151 : memref<1x!tpu.dma_semaphore, #tpu.memory_space<semaphore_mem>> -> memref<!tpu.dma_semaphore, #tpu.memory_space<semaphore_mem>>
      %dma_start3A_153 = arith.constant 2048 : i32
      %dma_start3A_154 = tpu.memref_slice %arg4[%add3A_107, %dma_start3A_153] : memref<832x16384xf32, #tpu.memory_space<hbm>> -> memref<1x2048xf32, #tpu.memory_space<hbm>>
      %dma_start3A_155 = tpu.memref_squeeze %dma_start3A_154 : memref<1x2048xf32, #tpu.memory_space<hbm>> -> memref<2048xf32, #tpu.memory_space<hbm>>
      %dma_start3A_156 = arith.constant 0 : i32
      %dma_start3A_157 = tpu.memref_slice %arg7[%dma_start3A_143, %dma_start3A_156] : memref<4x2048xf32, #tpu.memory_space<vmem>> -> memref<1x2048xf32, #tpu.memory_space<vmem>>
      %dma_start3A_158 = tpu.memref_squeeze %dma_start3A_157 : memref<1x2048xf32, #tpu.memory_space<vmem>> -> memref<2048xf32, #tpu.memory_space<vmem>>
      tpu.enqueue_dma source(%dma_start3A_158 : memref<2048xf32, #tpu.memory_space<vmem>>) target(%dma_start3A_155 : memref<2048xf32, #tpu.memory_space<hbm>>) target_semaphore(%dma_start3A_152 : memref<!tpu.dma_semaphore, #tpu.memory_space<semaphore_mem>>)
      %parallel_loop3A_159 = arith.constant 0 : i32
      %parallel_loop3A_160 = arith.constant 128 : i32
      %parallel_loop3A_161 = arith.constant 1 : i32
      scf.for %parallel_loop3A_337 = %parallel_loop3A_159 to %parallel_loop3A_160 step %parallel_loop3A_161  : i32 {
        %parallel_loop3A_338 = arith.constant 16 : i32
        %parallel_loop3A_339 = arith.muli %parallel_loop3A_337, %parallel_loop3A_338 : i32
        %parallel_loop3A_340 = arith.constant 4096 : i32
        %parallel_loop3A_341 = arith.addi %parallel_loop3A_340, %parallel_loop3A_339 : i32
        %parallel_loop3A_342 = arith.index_cast %parallel_loop3A_341 : i32 to index
        %parallel_loop3A_343 = tpu.vector_load %arg6[%parallel_loop3A_342] {strides = array<i32>} : memref<16384xi32, #tpu.memory_space<vmem>>, vector<16xi32>,
        %parallel_loop3A_344 = tpu.vector_load_idx %arg5[%parallel_loop3A_343] : memref<100001xf32, #tpu.memory_space<vmem>>[vector<16xi32>], vector<16xf32>,
        %parallel_loop3A_345 = arith.constant 2 : i32
        %parallel_loop3A_346 = arith.index_cast %parallel_loop3A_345 : i32 to index
        %parallel_loop3A_347 = arith.index_cast %parallel_loop3A_339 : i32 to index
        %parallel_loop3A_348 = tpu.vector_load %arg7[%parallel_loop3A_346, %parallel_loop3A_347] {strides = array<i32>} : memref<4x2048xf32, #tpu.memory_space<vmem>>, vector<16xf32>,
        tpu.vector_store %arg7[%parallel_loop3A_346, %parallel_loop3A_347], %parallel_loop3A_344 {strides = array<i32>} : memref<4x2048xf32, #tpu.memory_space<vmem>>, vector<16xf32>,
      } {sc.loop_unroll_factor = 16 : i64, sc.parallel_access}
      %dma_start3A_162 = arith.constant 2 : i32
      %dma_start3A_163 = arith.constant 2 : i32
      %dma_start3A_164 = arith.constant 0 : i32
      %dma_start3A_165 = tpu.memref_slice %arg7[%dma_start3A_162, %dma_start3A_164] : memref<4x2048xf32, #tpu.memory_space<vmem>> -> memref<1x2048xf32, #tpu.memory_space<vmem>>
      %dma_start3A_166 = tpu.memref_squeeze %dma_start3A_165 : memref<1x2048xf32, #tpu.memory_space<vmem>> -> memref<2048xf32, #tpu.memory_space<vmem>>
      %dma_start3A_167 = arith.constant 4096 : i32
      %dma_start3A_168 = tpu.memref_slice %arg4[%add3A_107, %dma_start3A_167] : memref<832x16384xf32, #tpu.memory_space<hbm>> -> memref<1x2048xf32, #tpu.memory_space<hbm>>
      %dma_start3A_169 = tpu.memref_squeeze %dma_start3A_168 : memref<1x2048xf32, #tpu.memory_space<hbm>> -> memref<2048xf32, #tpu.memory_space<hbm>>
      %dma_start3A_170 = tpu.memref_slice %arg9[%dma_start3A_163] : memref<4x!tpu.dma_semaphore, #tpu.memory_space<semaphore_mem>> -> memref<1x!tpu.dma_semaphore, #tpu.memory_space<semaphore_mem>>
      %dma_start3A_171 = tpu.memref_squeeze %dma_start3A_170 : memref<1x!tpu.dma_semaphore, #tpu.memory_space<semaphore_mem>> -> memref<!tpu.dma_semaphore, #tpu.memory_space<semaphore_mem>>
      %dma_start3A_172 = arith.constant 4096 : i32
      %dma_start3A_173 = tpu.memref_slice %arg4[%add3A_107, %dma_start3A_172] : memref<832x16384xf32, #tpu.memory_space<hbm>> -> memref<1x2048xf32, #tpu.memory_space<hbm>>
      %dma_start3A_174 = tpu.memref_squeeze %dma_start3A_173 : memref<1x2048xf32, #tpu.memory_space<hbm>> -> memref<2048xf32, #tpu.memory_space<hbm>>
      %dma_start3A_175 = arith.constant 0 : i32
      %dma_start3A_176 = tpu.memref_slice %arg7[%dma_start3A_162, %dma_start3A_175] : memref<4x2048xf32, #tpu.memory_space<vmem>> -> memref<1x2048xf32, #tpu.memory_space<vmem>>
      %dma_start3A_177 = tpu.memref_squeeze %dma_start3A_176 : memref<1x2048xf32, #tpu.memory_space<vmem>> -> memref<2048xf32, #tpu.memory_space<vmem>>
      tpu.enqueue_dma source(%dma_start3A_177 : memref<2048xf32, #tpu.memory_space<vmem>>) target(%dma_start3A_174 : memref<2048xf32, #tpu.memory_space<hbm>>) target_semaphore(%dma_start3A_171 : memref<!tpu.dma_semaphore, #tpu.memory_space<semaphore_mem>>)
      %parallel_loop3A_178 = arith.constant 0 : i32
      %parallel_loop3A_179 = arith.constant 128 : i32
      %parallel_loop3A_180 = arith.constant 1 : i32
      scf.for %parallel_loop3A_337 = %parallel_loop3A_178 to %parallel_loop3A_179 step %parallel_loop3A_180  : i32 {
        %parallel_loop3A_338 = arith.constant 16 : i32
        %parallel_loop3A_339 = arith.muli %parallel_loop3A_337, %parallel_loop3A_338 : i32
        %parallel_loop3A_340 = arith.constant 6144 : i32
        %parallel_loop3A_341 = arith.addi %parallel_loop3A_340, %parallel_loop3A_339 : i32
        %parallel_loop3A_342 = arith.index_cast %parallel_loop3A_341 : i32 to index
        %parallel_loop3A_343 = tpu.vector_load %arg6[%parallel_loop3A_342] {strides = array<i32>} : memref<16384xi32, #tpu.memory_space<vmem>>, vector<16xi32>,
        %parallel_loop3A_344 = tpu.vector_load_idx %arg5[%parallel_loop3A_343] : memref<100001xf32, #tpu.memory_space<vmem>>[vector<16xi32>], vector<16xf32>,
        %parallel_loop3A_345 = arith.constant 3 : i32
        %parallel_loop3A_346 = arith.index_cast %parallel_loop3A_345 : i32 to index
        %parallel_loop3A_347 = arith.index_cast %parallel_loop3A_339 : i32 to index
        %parallel_loop3A_348 = tpu.vector_load %arg7[%parallel_loop3A_346, %parallel_loop3A_347] {strides = array<i32>} : memref<4x2048xf32, #tpu.memory_space<vmem>>, vector<16xf32>,
        tpu.vector_store %arg7[%parallel_loop3A_346, %parallel_loop3A_347], %parallel_loop3A_344 {strides = array<i32>} : memref<4x2048xf32, #tpu.memory_space<vmem>>, vector<16xf32>,
      } {sc.loop_unroll_factor = 16 : i64, sc.parallel_access}
      %dma_start3A_181 = arith.constant 3 : i32
      %dma_start3A_182 = arith.constant 3 : i32
      %dma_start3A_183 = arith.constant 0 : i32
      %dma_start3A_184 = tpu.memref_slice %arg7[%dma_start3A_181, %dma_start3A_183] : memref<4x2048xf32, #tpu.memory_space<vmem>> -> memref<1x2048xf32, #tpu.memory_space<vmem>>
      %dma_start3A_185 = tpu.memref_squeeze %dma_start3A_184 : memref<1x2048xf32, #tpu.memory_space<vmem>> -> memref<2048xf32, #tpu.memory_space<vmem>>
      %dma_start3A_186 = arith.constant 6144 : i32
      %dma_start3A_187 = tpu.memref_slice %arg4[%add3A_107, %dma_start3A_186] : memref<832x16384xf32, #tpu.memory_space<hbm>> -> memref<1x2048xf32, #tpu.memory_space<hbm>>
      %dma_start3A_188 = tpu.memref_squeeze %dma_start3A_187 : memref<1x2048xf32, #tpu.memory_space<hbm>> -> memref<2048xf32, #tpu.memory_space<hbm>>
      %dma_start3A_189 = tpu.memref_slice %arg9[%dma_start3A_182] : memref<4x!tpu.dma_semaphore, #tpu.memory_space<semaphore_mem>> -> memref<1x!tpu.dma_semaphore, #tpu.memory_space<semaphore_mem>>
      %dma_start3A_190 = tpu.memref_squeeze %dma_start3A_189 : memref<1x!tpu.dma_semaphore, #tpu.memory_space<semaphore_mem>> -> memref<!tpu.dma_semaphore, #tpu.memory_space<semaphore_mem>>
      %dma_start3A_191 = arith.constant 6144 : i32
      %dma_start3A_192 = tpu.memref_slice %arg4[%add3A_107, %dma_start3A_191] : memref<832x16384xf32, #tpu.memory_space<hbm>> -> memref<1x2048xf32, #tpu.memory_space<hbm>>
      %dma_start3A_193 = tpu.memref_squeeze %dma_start3A_192 : memref<1x2048xf32, #tpu.memory_space<hbm>> -> memref<2048xf32, #tpu.memory_space<hbm>>
      %dma_start3A_194 = arith.constant 0 : i32
      %dma_start3A_195 = tpu.memref_slice %arg7[%dma_start3A_181, %dma_start3A_194] : memref<4x2048xf32, #tpu.memory_space<vmem>> -> memref<1x2048xf32, #tpu.memory_space<vmem>>
      %dma_start3A_196 = tpu.memref_squeeze %dma_start3A_195 : memref<1x2048xf32, #tpu.memory_space<vmem>> -> memref<2048xf32, #tpu.memory_space<vmem>>
      tpu.enqueue_dma source(%dma_start3A_196 : memref<2048xf32, #tpu.memory_space<vmem>>) target(%dma_start3A_193 : memref<2048xf32, #tpu.memory_space<hbm>>) target_semaphore(%dma_start3A_190 : memref<!tpu.dma_semaphore, #tpu.memory_space<semaphore_mem>>)
      %dma_wait3A_197 = arith.constant 0 : i32
      %dma_wait3A_198 = arith.constant 0 : i32
      %dma_wait3A_199 = arith.constant 0 : i32
      %dma_wait3A_200 = tpu.memref_slice %arg7[%dma_wait3A_197, %dma_wait3A_199] : memref<4x2048xf32, #tpu.memory_space<vmem>> -> memref<1x2048xf32, #tpu.memory_space<vmem>>
      %dma_wait3A_201 = tpu.memref_squeeze %dma_wait3A_200 : memref<1x2048xf32, #tpu.memory_space<vmem>> -> memref<2048xf32, #tpu.memory_space<vmem>>
      %dma_wait3A_202 = arith.constant 0 : i32
      %dma_wait3A_203 = tpu.memref_slice %arg4[%add3A_107, %dma_wait3A_202] : memref<832x16384xf32, #tpu.memory_space<hbm>> -> memref<1x2048xf32, #tpu.memory_space<hbm>>
      %dma_wait3A_204 = tpu.memref_squeeze %dma_wait3A_203 : memref<1x2048xf32, #tpu.memory_space<hbm>> -> memref<2048xf32, #tpu.memory_space<hbm>>
      %dma_wait3A_205 = tpu.memref_slice %arg9[%dma_wait3A_198] : memref<4x!tpu.dma_semaphore, #tpu.memory_space<semaphore_mem>> -> memref<1x!tpu.dma_semaphore, #tpu.memory_space<semaphore_mem>>
      %dma_wait3A_206 = tpu.memref_squeeze %dma_wait3A_205 : memref<1x!tpu.dma_semaphore, #tpu.memory_space<semaphore_mem>> -> memref<!tpu.dma_semaphore, #tpu.memory_space<semaphore_mem>>
      %dma_wait3A_207 = arith.constant 0 : i32
      %dma_wait3A_208 = tpu.memref_slice %arg4[%add3A_107, %dma_wait3A_207] : memref<832x16384xf32, #tpu.memory_space<hbm>> -> memref<1x2048xf32, #tpu.memory_space<hbm>>
      %dma_wait3A_209 = tpu.memref_squeeze %dma_wait3A_208 : memref<1x2048xf32, #tpu.memory_space<hbm>> -> memref<2048xf32, #tpu.memory_space<hbm>>
      %dma_wait3A_210 = arith.constant 0 : i32
      %dma_wait3A_211 = tpu.memref_slice %arg7[%dma_wait3A_197, %dma_wait3A_210] : memref<4x2048xf32, #tpu.memory_space<vmem>> -> memref<1x2048xf32, #tpu.memory_space<vmem>>
      %dma_wait3A_212 = tpu.memref_squeeze %dma_wait3A_211 : memref<1x2048xf32, #tpu.memory_space<vmem>> -> memref<2048xf32, #tpu.memory_space<vmem>>
      tpu.wait_dma2 semaphore(%dma_wait3A_206 : memref<!tpu.dma_semaphore, #tpu.memory_space<semaphore_mem>>) src(%dma_wait3A_212 : memref<2048xf32, #tpu.memory_space<vmem>>) dst(%dma_wait3A_209 : memref<2048xf32, #tpu.memory_space<hbm>>)
      %parallel_loop3A_213 = arith.constant 0 : i32
      %parallel_loop3A_214 = arith.constant 128 : i32
      %parallel_loop3A_215 = arith.constant 1 : i32
      scf.for %parallel_loop3A_337 = %parallel_loop3A_213 to %parallel_loop3A_214 step %parallel_loop3A_215  : i32 {
        %parallel_loop3A_338 = arith.constant 16 : i32
        %parallel_loop3A_339 = arith.muli %parallel_loop3A_337, %parallel_loop3A_338 : i32
        %parallel_loop3A_340 = arith.constant 8192 : i32
        %parallel_loop3A_341 = arith.addi %parallel_loop3A_340, %parallel_loop3A_339 : i32
        %parallel_loop3A_342 = arith.index_cast %parallel_loop3A_341 : i32 to index
        %parallel_loop3A_343 = tpu.vector_load %arg6[%parallel_loop3A_342] {strides = array<i32>} : memref<16384xi32, #tpu.memory_space<vmem>>, vector<16xi32>,
        %parallel_loop3A_344 = tpu.vector_load_idx %arg5[%parallel_loop3A_343] : memref<100001xf32, #tpu.memory_space<vmem>>[vector<16xi32>], vector<16xf32>,
        %parallel_loop3A_345 = arith.constant 0 : i32
        %parallel_loop3A_346 = arith.index_cast %parallel_loop3A_345 : i32 to index
        %parallel_loop3A_347 = arith.index_cast %parallel_loop3A_339 : i32 to index
        %parallel_loop3A_348 = tpu.vector_load %arg7[%parallel_loop3A_346, %parallel_loop3A_347] {strides = array<i32>} : memref<4x2048xf32, #tpu.memory_space<vmem>>, vector<16xf32>,
        tpu.vector_store %arg7[%parallel_loop3A_346, %parallel_loop3A_347], %parallel_loop3A_344 {strides = array<i32>} : memref<4x2048xf32, #tpu.memory_space<vmem>>, vector<16xf32>,
      } {sc.loop_unroll_factor = 16 : i64, sc.parallel_access}
      %dma_start3A_216 = arith.constant 0 : i32
      %dma_start3A_217 = arith.constant 0 : i32
      %dma_start3A_218 = arith.constant 0 : i32
      %dma_start3A_219 = tpu.memref_slice %arg7[%dma_start3A_216, %dma_start3A_218] : memref<4x2048xf32, #tpu.memory_space<vmem>> -> memref<1x2048xf32, #tpu.memory_space<vmem>>
      %dma_start3A_220 = tpu.memref_squeeze %dma_start3A_219 : memref<1x2048xf32, #tpu.memory_space<vmem>> -> memref<2048xf32, #tpu.memory_space<vmem>>
      %dma_start3A_221 = arith.constant 8192 : i32
      %dma_start3A_222 = tpu.memref_slice %arg4[%add3A_107, %dma_start3A_221] : memref<832x16384xf32, #tpu.memory_space<hbm>> -> memref<1x2048xf32, #tpu.memory_space<hbm>>
      %dma_start3A_223 = tpu.memref_squeeze %dma_start3A_222 : memref<1x2048xf32, #tpu.memory_space<hbm>> -> memref<2048xf32, #tpu.memory_space<hbm>>
      %dma_start3A_224 = tpu.memref_slice %arg9[%dma_start3A_217] : memref<4x!tpu.dma_semaphore, #tpu.memory_space<semaphore_mem>> -> memref<1x!tpu.dma_semaphore, #tpu.memory_space<semaphore_mem>>
      %dma_start3A_225 = tpu.memref_squeeze %dma_start3A_224 : memref<1x!tpu.dma_semaphore, #tpu.memory_space<semaphore_mem>> -> memref<!tpu.dma_semaphore, #tpu.memory_space<semaphore_mem>>
      %dma_start3A_226 = arith.constant 8192 : i32
      %dma_start3A_227 = tpu.memref_slice %arg4[%add3A_107, %dma_start3A_226] : memref<832x16384xf32, #tpu.memory_space<hbm>> -> memref<1x2048xf32, #tpu.memory_space<hbm>>
      %dma_start3A_228 = tpu.memref_squeeze %dma_start3A_227 : memref<1x2048xf32, #tpu.memory_space<hbm>> -> memref<2048xf32, #tpu.memory_space<hbm>>
      %dma_start3A_229 = arith.constant 0 : i32
      %dma_start3A_230 = tpu.memref_slice %arg7[%dma_start3A_216, %dma_start3A_229] : memref<4x2048xf32, #tpu.memory_space<vmem>> -> memref<1x2048xf32, #tpu.memory_space<vmem>>
      %dma_start3A_231 = tpu.memref_squeeze %dma_start3A_230 : memref<1x2048xf32, #tpu.memory_space<vmem>> -> memref<2048xf32, #tpu.memory_space<vmem>>
      tpu.enqueue_dma source(%dma_start3A_231 : memref<2048xf32, #tpu.memory_space<vmem>>) target(%dma_start3A_228 : memref<2048xf32, #tpu.memory_space<hbm>>) target_semaphore(%dma_start3A_225 : memref<!tpu.dma_semaphore, #tpu.memory_space<semaphore_mem>>)
      %dma_wait3A_232 = arith.constant 1 : i32
      %dma_wait3A_233 = arith.constant 1 : i32
      %dma_wait3A_234 = arith.constant 0 : i32
      %dma_wait3A_235 = tpu.memref_slice %arg7[%dma_wait3A_232, %dma_wait3A_234] : memref<4x2048xf32, #tpu.memory_space<vmem>> -> memref<1x2048xf32, #tpu.memory_space<vmem>>
      %dma_wait3A_236 = tpu.memref_squeeze %dma_wait3A_235 : memref<1x2048xf32, #tpu.memory_space<vmem>> -> memref<2048xf32, #tpu.memory_space<vmem>>
      %dma_wait3A_237 = arith.constant 0 : i32
      %dma_wait3A_238 = tpu.memref_slice %arg4[%add3A_107, %dma_wait3A_237] : memref<832x16384xf32, #tpu.memory_space<hbm>> -> memref<1x2048xf32, #tpu.memory_space<hbm>>
      %dma_wait3A_239 = tpu.memref_squeeze %dma_wait3A_238 : memref<1x2048xf32, #tpu.memory_space<hbm>> -> memref<2048xf32, #tpu.memory_space<hbm>>
      %dma_wait3A_240 = tpu.memref_slice %arg9[%dma_wait3A_233] : memref<4x!tpu.dma_semaphore, #tpu.memory_space<semaphore_mem>> -> memref<1x!tpu.dma_semaphore, #tpu.memory_space<semaphore_mem>>
      %dma_wait3A_241 = tpu.memref_squeeze %dma_wait3A_240 : memref<1x!tpu.dma_semaphore, #tpu.memory_space<semaphore_mem>> -> memref<!tpu.dma_semaphore, #tpu.memory_space<semaphore_mem>>
      %dma_wait3A_242 = arith.constant 0 : i32
      %dma_wait3A_243 = tpu.memref_slice %arg4[%add3A_107, %dma_wait3A_242] : memref<832x16384xf32, #tpu.memory_space<hbm>> -> memref<1x2048xf32, #tpu.memory_space<hbm>>
      %dma_wait3A_244 = tpu.memref_squeeze %dma_wait3A_243 : memref<1x2048xf32, #tpu.memory_space<hbm>> -> memref<2048xf32, #tpu.memory_space<hbm>>
      %dma_wait3A_245 = arith.constant 0 : i32
      %dma_wait3A_246 = tpu.memref_slice %arg7[%dma_wait3A_232, %dma_wait3A_245] : memref<4x2048xf32, #tpu.memory_space<vmem>> -> memref<1x2048xf32, #tpu.memory_space<vmem>>
      %dma_wait3A_247 = tpu.memref_squeeze %dma_wait3A_246 : memref<1x2048xf32, #tpu.memory_space<vmem>> -> memref<2048xf32, #tpu.memory_space<vmem>>
      tpu.wait_dma2 semaphore(%dma_wait3A_241 : memref<!tpu.dma_semaphore, #tpu.memory_space<semaphore_mem>>) src(%dma_wait3A_247 : memref<2048xf32, #tpu.memory_space<vmem>>) dst(%dma_wait3A_244 : memref<2048xf32, #tpu.memory_space<hbm>>)
      %parallel_loop3A_248 = arith.constant 0 : i32
      %parallel_loop3A_249 = arith.constant 128 : i32
      %parallel_loop3A_250 = arith.constant 1 : i32
      scf.for %parallel_loop3A_337 = %parallel_loop3A_248 to %parallel_loop3A_249 step %parallel_loop3A_250  : i32 {
        %parallel_loop3A_338 = arith.constant 16 : i32
        %parallel_loop3A_339 = arith.muli %parallel_loop3A_337, %parallel_loop3A_338 : i32
        %parallel_loop3A_340 = arith.constant 10240 : i32
        %parallel_loop3A_341 = arith.addi %parallel_loop3A_340, %parallel_loop3A_339 : i32
        %parallel_loop3A_342 = arith.index_cast %parallel_loop3A_341 : i32 to index
        %parallel_loop3A_343 = tpu.vector_load %arg6[%parallel_loop3A_342] {strides = array<i32>} : memref<16384xi32, #tpu.memory_space<vmem>>, vector<16xi32>,
        %parallel_loop3A_344 = tpu.vector_load_idx %arg5[%parallel_loop3A_343] : memref<100001xf32, #tpu.memory_space<vmem>>[vector<16xi32>], vector<16xf32>,
        %parallel_loop3A_345 = arith.constant 1 : i32
        %parallel_loop3A_346 = arith.index_cast %parallel_loop3A_345 : i32 to index
        %parallel_loop3A_347 = arith.index_cast %parallel_loop3A_339 : i32 to index
        %parallel_loop3A_348 = tpu.vector_load %arg7[%parallel_loop3A_346, %parallel_loop3A_347] {strides = array<i32>} : memref<4x2048xf32, #tpu.memory_space<vmem>>, vector<16xf32>,
        tpu.vector_store %arg7[%parallel_loop3A_346, %parallel_loop3A_347], %parallel_loop3A_344 {strides = array<i32>} : memref<4x2048xf32, #tpu.memory_space<vmem>>, vector<16xf32>,
      } {sc.loop_unroll_factor = 16 : i64, sc.parallel_access}
      %dma_start3A_251 = arith.constant 1 : i32
      %dma_start3A_252 = arith.constant 1 : i32
      %dma_start3A_253 = arith.constant 0 : i32
      %dma_start3A_254 = tpu.memref_slice %arg7[%dma_start3A_251, %dma_start3A_253] : memref<4x2048xf32, #tpu.memory_space<vmem>> -> memref<1x2048xf32, #tpu.memory_space<vmem>>
      %dma_start3A_255 = tpu.memref_squeeze %dma_start3A_254 : memref<1x2048xf32, #tpu.memory_space<vmem>> -> memref<2048xf32, #tpu.memory_space<vmem>>
      %dma_start3A_256 = arith.constant 10240 : i32
      %dma_start3A_257 = tpu.memref_slice %arg4[%add3A_107, %dma_start3A_256] : memref<832x16384xf32, #tpu.memory_space<hbm>> -> memref<1x2048xf32, #tpu.memory_space<hbm>>
      %dma_start3A_258 = tpu.memref_squeeze %dma_start3A_257 : memref<1x2048xf32, #tpu.memory_space<hbm>> -> memref<2048xf32, #tpu.memory_space<hbm>>
      %dma_start3A_259 = tpu.memref_slice %arg9[%dma_start3A_252] : memref<4x!tpu.dma_semaphore, #tpu.memory_space<semaphore_mem>> -> memref<1x!tpu.dma_semaphore, #tpu.memory_space<semaphore_mem>>
      %dma_start3A_260 = tpu.memref_squeeze %dma_start3A_259 : memref<1x!tpu.dma_semaphore, #tpu.memory_space<semaphore_mem>> -> memref<!tpu.dma_semaphore, #tpu.memory_space<semaphore_mem>>
      %dma_start3A_261 = arith.constant 10240 : i32
      %dma_start3A_262 = tpu.memref_slice %arg4[%add3A_107, %dma_start3A_261] : memref<832x16384xf32, #tpu.memory_space<hbm>> -> memref<1x2048xf32, #tpu.memory_space<hbm>>
      %dma_start3A_263 = tpu.memref_squeeze %dma_start3A_262 : memref<1x2048xf32, #tpu.memory_space<hbm>> -> memref<2048xf32, #tpu.memory_space<hbm>>
      %dma_start3A_264 = arith.constant 0 : i32
      %dma_start3A_265 = tpu.memref_slice %arg7[%dma_start3A_251, %dma_start3A_264] : memref<4x2048xf32, #tpu.memory_space<vmem>> -> memref<1x2048xf32, #tpu.memory_space<vmem>>
      %dma_start3A_266 = tpu.memref_squeeze %dma_start3A_265 : memref<1x2048xf32, #tpu.memory_space<vmem>> -> memref<2048xf32, #tpu.memory_space<vmem>>
      tpu.enqueue_dma source(%dma_start3A_266 : memref<2048xf32, #tpu.memory_space<vmem>>) target(%dma_start3A_263 : memref<2048xf32, #tpu.memory_space<hbm>>) target_semaphore(%dma_start3A_260 : memref<!tpu.dma_semaphore, #tpu.memory_space<semaphore_mem>>)
      %dma_wait3A_267 = arith.constant 2 : i32
      %dma_wait3A_268 = arith.constant 2 : i32
      %dma_wait3A_269 = arith.constant 0 : i32
      %dma_wait3A_270 = tpu.memref_slice %arg7[%dma_wait3A_267, %dma_wait3A_269] : memref<4x2048xf32, #tpu.memory_space<vmem>> -> memref<1x2048xf32, #tpu.memory_space<vmem>>
      %dma_wait3A_271 = tpu.memref_squeeze %dma_wait3A_270 : memref<1x2048xf32, #tpu.memory_space<vmem>> -> memref<2048xf32, #tpu.memory_space<vmem>>
      %dma_wait3A_272 = arith.constant 0 : i32
      %dma_wait3A_273 = tpu.memref_slice %arg4[%add3A_107, %dma_wait3A_272] : memref<832x16384xf32, #tpu.memory_space<hbm>> -> memref<1x2048xf32, #tpu.memory_space<hbm>>
      %dma_wait3A_274 = tpu.memref_squeeze %dma_wait3A_273 : memref<1x2048xf32, #tpu.memory_space<hbm>> -> memref<2048xf32, #tpu.memory_space<hbm>>
      %dma_wait3A_275 = tpu.memref_slice %arg9[%dma_wait3A_268] : memref<4x!tpu.dma_semaphore, #tpu.memory_space<semaphore_mem>> -> memref<1x!tpu.dma_semaphore, #tpu.memory_space<semaphore_mem>>
      %dma_wait3A_276 = tpu.memref_squeeze %dma_wait3A_275 : memref<1x!tpu.dma_semaphore, #tpu.memory_space<semaphore_mem>> -> memref<!tpu.dma_semaphore, #tpu.memory_space<semaphore_mem>>
      %dma_wait3A_277 = arith.constant 0 : i32
      %dma_wait3A_278 = tpu.memref_slice %arg4[%add3A_107, %dma_wait3A_277] : memref<832x16384xf32, #tpu.memory_space<hbm>> -> memref<1x2048xf32, #tpu.memory_space<hbm>>
      %dma_wait3A_279 = tpu.memref_squeeze %dma_wait3A_278 : memref<1x2048xf32, #tpu.memory_space<hbm>> -> memref<2048xf32, #tpu.memory_space<hbm>>
      %dma_wait3A_280 = arith.constant 0 : i32
      %dma_wait3A_281 = tpu.memref_slice %arg7[%dma_wait3A_267, %dma_wait3A_280] : memref<4x2048xf32, #tpu.memory_space<vmem>> -> memref<1x2048xf32, #tpu.memory_space<vmem>>
      %dma_wait3A_282 = tpu.memref_squeeze %dma_wait3A_281 : memref<1x2048xf32, #tpu.memory_space<vmem>> -> memref<2048xf32, #tpu.memory_space<vmem>>
      tpu.wait_dma2 semaphore(%dma_wait3A_276 : memref<!tpu.dma_semaphore, #tpu.memory_space<semaphore_mem>>) src(%dma_wait3A_282 : memref<2048xf32, #tpu.memory_space<vmem>>) dst(%dma_wait3A_279 : memref<2048xf32, #tpu.memory_space<hbm>>)
      %parallel_loop3A_283 = arith.constant 0 : i32
      %parallel_loop3A_284 = arith.constant 128 : i32
      %parallel_loop3A_285 = arith.constant 1 : i32
      scf.for %parallel_loop3A_337 = %parallel_loop3A_283 to %parallel_loop3A_284 step %parallel_loop3A_285  : i32 {
        %parallel_loop3A_338 = arith.constant 16 : i32
        %parallel_loop3A_339 = arith.muli %parallel_loop3A_337, %parallel_loop3A_338 : i32
        %parallel_loop3A_340 = arith.constant 12288 : i32
        %parallel_loop3A_341 = arith.addi %parallel_loop3A_340, %parallel_loop3A_339 : i32
        %parallel_loop3A_342 = arith.index_cast %parallel_loop3A_341 : i32 to index
        %parallel_loop3A_343 = tpu.vector_load %arg6[%parallel_loop3A_342] {strides = array<i32>} : memref<16384xi32, #tpu.memory_space<vmem>>, vector<16xi32>,
        %parallel_loop3A_344 = tpu.vector_load_idx %arg5[%parallel_loop3A_343] : memref<100001xf32, #tpu.memory_space<vmem>>[vector<16xi32>], vector<16xf32>,
        %parallel_loop3A_345 = arith.constant 2 : i32
        %parallel_loop3A_346 = arith.index_cast %parallel_loop3A_345 : i32 to index
        %parallel_loop3A_347 = arith.index_cast %parallel_loop3A_339 : i32 to index
        %parallel_loop3A_348 = tpu.vector_load %arg7[%parallel_loop3A_346, %parallel_loop3A_347] {strides = array<i32>} : memref<4x2048xf32, #tpu.memory_space<vmem>>, vector<16xf32>,
        tpu.vector_store %arg7[%parallel_loop3A_346, %parallel_loop3A_347], %parallel_loop3A_344 {strides = array<i32>} : memref<4x2048xf32, #tpu.memory_space<vmem>>, vector<16xf32>,
      } {sc.loop_unroll_factor = 16 : i64, sc.parallel_access}
      %dma_start3A_286 = arith.constant 2 : i32
      %dma_start3A_287 = arith.constant 2 : i32
      %dma_start3A_288 = arith.constant 0 : i32
      %dma_start3A_289 = tpu.memref_slice %arg7[%dma_start3A_286, %dma_start3A_288] : memref<4x2048xf32, #tpu.memory_space<vmem>> -> memref<1x2048xf32, #tpu.memory_space<vmem>>
      %dma_start3A_290 = tpu.memref_squeeze %dma_start3A_289 : memref<1x2048xf32, #tpu.memory_space<vmem>> -> memref<2048xf32, #tpu.memory_space<vmem>>
      %dma_start3A_291 = arith.constant 12288 : i32
      %dma_start3A_292 = tpu.memref_slice %arg4[%add3A_107, %dma_start3A_291] : memref<832x16384xf32, #tpu.memory_space<hbm>> -> memref<1x2048xf32, #tpu.memory_space<hbm>>
      %dma_start3A_293 = tpu.memref_squeeze %dma_start3A_292 : memref<1x2048xf32, #tpu.memory_space<hbm>> -> memref<2048xf32, #tpu.memory_space<hbm>>
      %dma_start3A_294 = tpu.memref_slice %arg9[%dma_start3A_287] : memref<4x!tpu.dma_semaphore, #tpu.memory_space<semaphore_mem>> -> memref<1x!tpu.dma_semaphore, #tpu.memory_space<semaphore_mem>>
      %dma_start3A_295 = tpu.memref_squeeze %dma_start3A_294 : memref<1x!tpu.dma_semaphore, #tpu.memory_space<semaphore_mem>> -> memref<!tpu.dma_semaphore, #tpu.memory_space<semaphore_mem>>
      %dma_start3A_296 = arith.constant 12288 : i32
      %dma_start3A_297 = tpu.memref_slice %arg4[%add3A_107, %dma_start3A_296] : memref<832x16384xf32, #tpu.memory_space<hbm>> -> memref<1x2048xf32, #tpu.memory_space<hbm>>
      %dma_start3A_298 = tpu.memref_squeeze %dma_start3A_297 : memref<1x2048xf32, #tpu.memory_space<hbm>> -> memref<2048xf32, #tpu.memory_space<hbm>>
      %dma_start3A_299 = arith.constant 0 : i32
      %dma_start3A_300 = tpu.memref_slice %arg7[%dma_start3A_286, %dma_start3A_299] : memref<4x2048xf32, #tpu.memory_space<vmem>> -> memref<1x2048xf32, #tpu.memory_space<vmem>>
      %dma_start3A_301 = tpu.memref_squeeze %dma_start3A_300 : memref<1x2048xf32, #tpu.memory_space<vmem>> -> memref<2048xf32, #tpu.memory_space<vmem>>
      tpu.enqueue_dma source(%dma_start3A_301 : memref<2048xf32, #tpu.memory_space<vmem>>) target(%dma_start3A_298 : memref<2048xf32, #tpu.memory_space<hbm>>) target_semaphore(%dma_start3A_295 : memref<!tpu.dma_semaphore, #tpu.memory_space<semaphore_mem>>)
      %dma_wait3A_302 = arith.constant 3 : i32
      %dma_wait3A_303 = arith.constant 3 : i32
      %dma_wait3A_304 = arith.constant 0 : i32
      %dma_wait3A_305 = tpu.memref_slice %arg7[%dma_wait3A_302, %dma_wait3A_304] : memref<4x2048xf32, #tpu.memory_space<vmem>> -> memref<1x2048xf32, #tpu.memory_space<vmem>>
      %dma_wait3A_306 = tpu.memref_squeeze %dma_wait3A_305 : memref<1x2048xf32, #tpu.memory_space<vmem>> -> memref<2048xf32, #tpu.memory_space<vmem>>
      %dma_wait3A_307 = arith.constant 0 : i32
      %dma_wait3A_308 = tpu.memref_slice %arg4[%add3A_107, %dma_wait3A_307] : memref<832x16384xf32, #tpu.memory_space<hbm>> -> memref<1x2048xf32, #tpu.memory_space<hbm>>
      %dma_wait3A_309 = tpu.memref_squeeze %dma_wait3A_308 : memref<1x2048xf32, #tpu.memory_space<hbm>> -> memref<2048xf32, #tpu.memory_space<hbm>>
      %dma_wait3A_310 = tpu.memref_slice %arg9[%dma_wait3A_303] : memref<4x!tpu.dma_semaphore, #tpu.memory_space<semaphore_mem>> -> memref<1x!tpu.dma_semaphore, #tpu.memory_space<semaphore_mem>>
      %dma_wait3A_311 = tpu.memref_squeeze %dma_wait3A_310 : memref<1x!tpu.dma_semaphore, #tpu.memory_space<semaphore_mem>> -> memref<!tpu.dma_semaphore, #tpu.memory_space<semaphore_mem>>
      %dma_wait3A_312 = arith.constant 0 : i32
      %dma_wait3A_313 = tpu.memref_slice %arg4[%add3A_107, %dma_wait3A_312] : memref<832x16384xf32, #tpu.memory_space<hbm>> -> memref<1x2048xf32, #tpu.memory_space<hbm>>
      %dma_wait3A_314 = tpu.memref_squeeze %dma_wait3A_313 : memref<1x2048xf32, #tpu.memory_space<hbm>> -> memref<2048xf32, #tpu.memory_space<hbm>>
      %dma_wait3A_315 = arith.constant 0 : i32
      %dma_wait3A_316 = tpu.memref_slice %arg7[%dma_wait3A_302, %dma_wait3A_315] : memref<4x2048xf32, #tpu.memory_space<vmem>> -> memref<1x2048xf32, #tpu.memory_space<vmem>>
      %dma_wait3A_317 = tpu.memref_squeeze %dma_wait3A_316 : memref<1x2048xf32, #tpu.memory_space<vmem>> -> memref<2048xf32, #tpu.memory_space<vmem>>
      tpu.wait_dma2 semaphore(%dma_wait3A_311 : memref<!tpu.dma_semaphore, #tpu.memory_space<semaphore_mem>>) src(%dma_wait3A_317 : memref<2048xf32, #tpu.memory_space<vmem>>) dst(%dma_wait3A_314 : memref<2048xf32, #tpu.memory_space<hbm>>)
      %parallel_loop3A_318 = arith.constant 0 : i32
      %parallel_loop3A_319 = arith.constant 128 : i32
      %parallel_loop3A_320 = arith.constant 1 : i32
      scf.for %parallel_loop3A_337 = %parallel_loop3A_318 to %parallel_loop3A_319 step %parallel_loop3A_320  : i32 {
        %parallel_loop3A_338 = arith.constant 16 : i32
        %parallel_loop3A_339 = arith.muli %parallel_loop3A_337, %parallel_loop3A_338 : i32
        %parallel_loop3A_340 = arith.constant 14336 : i32
        %parallel_loop3A_341 = arith.addi %parallel_loop3A_340, %parallel_loop3A_339 : i32
        %parallel_loop3A_342 = arith.index_cast %parallel_loop3A_341 : i32 to index
        %parallel_loop3A_343 = tpu.vector_load %arg6[%parallel_loop3A_342] {strides = array<i32>} : memref<16384xi32, #tpu.memory_space<vmem>>, vector<16xi32>,
        %parallel_loop3A_344 = tpu.vector_load_idx %arg5[%parallel_loop3A_343] : memref<100001xf32, #tpu.memory_space<vmem>>[vector<16xi32>], vector<16xf32>,
        %parallel_loop3A_345 = arith.constant 3 : i32
        %parallel_loop3A_346 = arith.index_cast %parallel_loop3A_345 : i32 to index
        %parallel_loop3A_347 = arith.index_cast %parallel_loop3A_339 : i32 to index
        %parallel_loop3A_348 = tpu.vector_load %arg7[%parallel_loop3A_346, %parallel_loop3A_347] {strides = array<i32>} : memref<4x2048xf32, #tpu.memory_space<vmem>>, vector<16xf32>,
        tpu.vector_store %arg7[%parallel_loop3A_346, %parallel_loop3A_347], %parallel_loop3A_344 {strides = array<i32>} : memref<4x2048xf32, #tpu.memory_space<vmem>>, vector<16xf32>,
      } {sc.loop_unroll_factor = 16 : i64, sc.parallel_access}
      %dma_start3A_321 = arith.constant 3 : i32
      %dma_start3A_322 = arith.constant 3 : i32
      %dma_start3A_323 = arith.constant 0 : i32
      %dma_start3A_324 = tpu.memref_slice %arg7[%dma_start3A_321, %dma_start3A_323] : memref<4x2048xf32, #tpu.memory_space<vmem>> -> memref<1x2048xf32, #tpu.memory_space<vmem>>
      %dma_start3A_325 = tpu.memref_squeeze %dma_start3A_324 : memref<1x2048xf32, #tpu.memory_space<vmem>> -> memref<2048xf32, #tpu.memory_space<vmem>>
      %dma_start3A_326 = arith.constant 14336 : i32
      %dma_start3A_327 = tpu.memref_slice %arg4[%add3A_107, %dma_start3A_326] : memref<832x16384xf32, #tpu.memory_space<hbm>> -> memref<1x2048xf32, #tpu.memory_space<hbm>>
      %dma_start3A_328 = tpu.memref_squeeze %dma_start3A_327 : memref<1x2048xf32, #tpu.memory_space<hbm>> -> memref<2048xf32, #tpu.memory_space<hbm>>
      %dma_start3A_329 = tpu.memref_slice %arg9[%dma_start3A_322] : memref<4x!tpu.dma_semaphore, #tpu.memory_space<semaphore_mem>> -> memref<1x!tpu.dma_semaphore, #tpu.memory_space<semaphore_mem>>
      %dma_start3A_330 = tpu.memref_squeeze %dma_start3A_329 : memref<1x!tpu.dma_semaphore, #tpu.memory_space<semaphore_mem>> -> memref<!tpu.dma_semaphore, #tpu.memory_space<semaphore_mem>>
      %dma_start3A_331 = arith.constant 14336 : i32
      %dma_start3A_332 = tpu.memref_slice %arg4[%add3A_107, %dma_start3A_331] : memref<832x16384xf32, #tpu.memory_space<hbm>> -> memref<1x2048xf32, #tpu.memory_space<hbm>>
      %dma_start3A_333 = tpu.memref_squeeze %dma_start3A_332 : memref<1x2048xf32, #tpu.memory_space<hbm>> -> memref<2048xf32, #tpu.memory_space<hbm>>
      %dma_start3A_334 = arith.constant 0 : i32
      %dma_start3A_335 = tpu.memref_slice %arg7[%dma_start3A_321, %dma_start3A_334] : memref<4x2048xf32, #tpu.memory_space<vmem>> -> memref<1x2048xf32, #tpu.memory_space<vmem>>
      %dma_start3A_336 = tpu.memref_squeeze %dma_start3A_335 : memref<1x2048xf32, #tpu.memory_space<vmem>> -> memref<2048xf32, #tpu.memory_space<vmem>>
      tpu.enqueue_dma source(%dma_start3A_336 : memref<2048xf32, #tpu.memory_space<vmem>>) target(%dma_start3A_333 : memref<2048xf32, #tpu.memory_space<hbm>>) target_semaphore(%dma_start3A_330 : memref<!tpu.dma_semaphore, #tpu.memory_space<semaphore_mem>>)
    }
    %while3A_40 = arith.constant 1 : i32
    scf.for %while3A_105 = %while3A_38 to %while3A_34 step %while3A_40  : i32 {
      %mul3A_106 = arith.muli %while3A_105, %while3A : i32
      %add3A_107 = arith.addi %mul3A_2, %mul3A_106 : i32
      %dma_start3A = arith.constant 0 : i32
      %dma_start3A_108 = tpu.memref_slice %arg2[%add3A_107, %dma_start3A] : memref<832x100001xf32, #tpu.memory_space<hbm>> -> memref<1x100001xf32, #tpu.memory_space<hbm>>
      %dma_start3A_109 = tpu.memref_squeeze %dma_start3A_108 : memref<1x100001xf32, #tpu.memory_space<hbm>> -> memref<100001xf32, #tpu.memory_space<hbm>>
      %dma_start3A_110 = arith.constant 0 : i32
      %dma_start3A_111 = tpu.memref_slice %arg2[%add3A_107, %dma_start3A_110] : memref<832x100001xf32, #tpu.memory_space<hbm>> -> memref<1x100001xf32, #tpu.memory_space<hbm>>
      %dma_start3A_112 = tpu.memref_squeeze %dma_start3A_111 : memref<1x100001xf32, #tpu.memory_space<hbm>> -> memref<100001xf32, #tpu.memory_space<hbm>>
      tpu.enqueue_dma source(%dma_start3A_112 : memref<100001xf32, #tpu.memory_space<hbm>>) target(%arg5 : memref<100001xf32, #tpu.memory_space<vmem>>) target_semaphore(%arg8 : memref<!tpu.dma_semaphore, #tpu.memory_space<semaphore_mem>>)
      %gt3A = arith.cmpi sgt, %add3A_107, %mul3A_2 : i32
      %convert_element_type3A_113 = arith.extui %gt3A : i1 to i32
      %cond3A_114 = arith.constant 0 : i32
      %cond3A_115 = arith.cmpi ne, %convert_element_type3A_113, %cond3A_114 : i32
      scf.if %cond3A_115 {
        %dma_wait3A_337 = arith.constant 0 : i32
        %dma_wait3A_338 = arith.constant 0 : i32
        %dma_wait3A_339 = arith.constant 0 : i32
        %dma_wait3A_340 = tpu.memref_slice %arg7[%dma_wait3A_337, %dma_wait3A_339] : memref<4x2048xf32, #tpu.memory_space<vmem>> -> memref<1x2048xf32, #tpu.memory_space<vmem>>
        %dma_wait3A_341 = tpu.memref_squeeze %dma_wait3A_340 : memref<1x2048xf32, #tpu.memory_space<vmem>> -> memref<2048xf32, #tpu.memory_space<vmem>>
        %dma_wait3A_342 = arith.constant 0 : i32
        %dma_wait3A_343 = tpu.memref_slice %arg4[%add3A_107, %dma_wait3A_342] : memref<832x16384xf32, #tpu.memory_space<hbm>> -> memref<1x2048xf32, #tpu.memory_space<hbm>>
        %dma_wait3A_344 = tpu.memref_squeeze %dma_wait3A_343 : memref<1x2048xf32, #tpu.memory_space<hbm>> -> memref<2048xf32, #tpu.memory_space<hbm>>
        %dma_wait3A_345 = tpu.memref_slice %arg9[%dma_wait3A_338] : memref<4x!tpu.dma_semaphore, #tpu.memory_space<semaphore_mem>> -> memref<1x!tpu.dma_semaphore, #tpu.memory_space<semaphore_mem>>
        %dma_wait3A_346 = tpu.memref_squeeze %dma_wait3A_345 : memref<1x!tpu.dma_semaphore, #tpu.memory_space<semaphore_mem>> -> memref<!tpu.dma_semaphore, #tpu.memory_space<semaphore_mem>>
        %dma_wait3A_347 = arith.constant 0 : i32
        %dma_wait3A_348 = tpu.memref_slice %arg4[%add3A_107, %dma_wait3A_347] : memref<832x16384xf32, #tpu.memory_space<hbm>> -> memref<1x2048xf32, #tpu.memory_space<hbm>>
        %dma_wait3A_349 = tpu.memref_squeeze %dma_wait3A_348 : memref<1x2048xf32, #tpu.memory_space<hbm>> -> memref<2048xf32, #tpu.memory_space<hbm>>
        %dma_wait3A_350 = arith.constant 0 : i32
        %dma_wait3A_351 = tpu.memref_slice %arg7[%dma_wait3A_337, %dma_wait3A_350] : memref<4x2048xf32, #tpu.memory_space<vmem>> -> memref<1x2048xf32, #tpu.memory_space<vmem>>
        %dma_wait3A_352 = tpu.memref_squeeze %dma_wait3A_351 : memref<1x2048xf32, #tpu.memory_space<vmem>> -> memref<2048xf32, #tpu.memory_space<vmem>>
        tpu.wait_dma2 semaphore(%dma_wait3A_346 : memref<!tpu.dma_semaphore, #tpu.memory_space<semaphore_mem>>) src(%dma_wait3A_352 : memref<2048xf32, #tpu.memory_space<vmem>>) dst(%dma_wait3A_349 : memref<2048xf32, #tpu.memory_space<hbm>>)
        %dma_wait3A_353 = arith.constant 1 : i32
        %dma_wait3A_354 = arith.constant 1 : i32
        %dma_wait3A_355 = arith.constant 0 : i32
        %dma_wait3A_356 = tpu.memref_slice %arg7[%dma_wait3A_353, %dma_wait3A_355] : memref<4x2048xf32, #tpu.memory_space<vmem>> -> memref<1x2048xf32, #tpu.memory_space<vmem>>
        %dma_wait3A_357 = tpu.memref_squeeze %dma_wait3A_356 : memref<1x2048xf32, #tpu.memory_space<vmem>> -> memref<2048xf32, #tpu.memory_space<vmem>>
        %dma_wait3A_358 = arith.constant 0 : i32
        %dma_wait3A_359 = tpu.memref_slice %arg4[%add3A_107, %dma_wait3A_358] : memref<832x16384xf32, #tpu.memory_space<hbm>> -> memref<1x2048xf32, #tpu.memory_space<hbm>>
        %dma_wait3A_360 = tpu.memref_squeeze %dma_wait3A_359 : memref<1x2048xf32, #tpu.memory_space<hbm>> -> memref<2048xf32, #tpu.memory_space<hbm>>
        %dma_wait3A_361 = tpu.memref_slice %arg9[%dma_wait3A_354] : memref<4x!tpu.dma_semaphore, #tpu.memory_space<semaphore_mem>> -> memref<1x!tpu.dma_semaphore, #tpu.memory_space<semaphore_mem>>
        %dma_wait3A_362 = tpu.memref_squeeze %dma_wait3A_361 : memref<1x!tpu.dma_semaphore, #tpu.memory_space<semaphore_mem>> -> memref<!tpu.dma_semaphore, #tpu.memory_space<semaphore_mem>>
        %dma_wait3A_363 = arith.constant 0 : i32
        %dma_wait3A_364 = tpu.memref_slice %arg4[%add3A_107, %dma_wait3A_363] : memref<832x16384xf32, #tpu.memory_space<hbm>> -> memref<1x2048xf32, #tpu.memory_space<hbm>>
        %dma_wait3A_365 = tpu.memref_squeeze %dma_wait3A_364 : memref<1x2048xf32, #tpu.memory_space<hbm>> -> memref<2048xf32, #tpu.memory_space<hbm>>
        %dma_wait3A_366 = arith.constant 0 : i32
        %dma_wait3A_367 = tpu.memref_slice %arg7[%dma_wait3A_353, %dma_wait3A_366] : memref<4x2048xf32, #tpu.memory_space<vmem>> -> memref<1x2048xf32, #tpu.memory_space<vmem>>
        %dma_wait3A_368 = tpu.memref_squeeze %dma_wait3A_367 : memref<1x2048xf32, #tpu.memory_space<vmem>> -> memref<2048xf32, #tpu.memory_space<vmem>>
        tpu.wait_dma2 semaphore(%dma_wait3A_362 : memref<!tpu.dma_semaphore, #tpu.memory_space<semaphore_mem>>) src(%dma_wait3A_368 : memref<2048xf32, #tpu.memory_space<vmem>>) dst(%dma_wait3A_365 : memref<2048xf32, #tpu.memory_space<hbm>>)
        %dma_wait3A_369 = arith.constant 2 : i32
        %dma_wait3A_370 = arith.constant 2 : i32
        %dma_wait3A_371 = arith.constant 0 : i32
        %dma_wait3A_372 = tpu.memref_slice %arg7[%dma_wait3A_369, %dma_wait3A_371] : memref<4x2048xf32, #tpu.memory_space<vmem>> -> memref<1x2048xf32, #tpu.memory_space<vmem>>
        %dma_wait3A_373 = tpu.memref_squeeze %dma_wait3A_372 : memref<1x2048xf32, #tpu.memory_space<vmem>> -> memref<2048xf32, #tpu.memory_space<vmem>>
        %dma_wait3A_374 = arith.constant 0 : i32
        %dma_wait3A_375 = tpu.memref_slice %arg4[%add3A_107, %dma_wait3A_374] : memref<832x16384xf32, #tpu.memory_space<hbm>> -> memref<1x2048xf32, #tpu.memory_space<hbm>>
        %dma_wait3A_376 = tpu.memref_squeeze %dma_wait3A_375 : memref<1x2048xf32, #tpu.memory_space<hbm>> -> memref<2048xf32, #tpu.memory_space<hbm>>
        %dma_wait3A_377 = tpu.memref_slice %arg9[%dma_wait3A_370] : memref<4x!tpu.dma_semaphore, #tpu.memory_space<semaphore_mem>> -> memref<1x!tpu.dma_semaphore, #tpu.memory_space<semaphore_mem>>
        %dma_wait3A_378 = tpu.memref_squeeze %dma_wait3A_377 : memref<1x!tpu.dma_semaphore, #tpu.memory_space<semaphore_mem>> -> memref<!tpu.dma_semaphore, #tpu.memory_space<semaphore_mem>>
        %dma_wait3A_379 = arith.constant 0 : i32
        %dma_wait3A_380 = tpu.memref_slice %arg4[%add3A_107, %dma_wait3A_379] : memref<832x16384xf32, #tpu.memory_space<hbm>> -> memref<1x2048xf32, #tpu.memory_space<hbm>>
        %dma_wait3A_381 = tpu.memref_squeeze %dma_wait3A_380 : memref<1x2048xf32, #tpu.memory_space<hbm>> -> memref<2048xf32, #tpu.memory_space<hbm>>
        %dma_wait3A_382 = arith.constant 0 : i32
        %dma_wait3A_383 = tpu.memref_slice %arg7[%dma_wait3A_369, %dma_wait3A_382] : memref<4x2048xf32, #tpu.memory_space<vmem>> -> memref<1x2048xf32, #tpu.memory_space<vmem>>
        %dma_wait3A_384 = tpu.memref_squeeze %dma_wait3A_383 : memref<1x2048xf32, #tpu.memory_space<vmem>> -> memref<2048xf32, #tpu.memory_space<vmem>>
        tpu.wait_dma2 semaphore(%dma_wait3A_378 : memref<!tpu.dma_semaphore, #tpu.memory_space<semaphore_mem>>) src(%dma_wait3A_384 : memref<2048xf32, #tpu.memory_space<vmem>>) dst(%dma_wait3A_381 : memref<2048xf32, #tpu.memory_space<hbm>>)
        %dma_wait3A_385 = arith.constant 3 : i32
        %dma_wait3A_386 = arith.constant 3 : i32
        %dma_wait3A_387 = arith.constant 0 : i32
        %dma_wait3A_388 = tpu.memref_slice %arg7[%dma_wait3A_385, %dma_wait3A_387] : memref<4x2048xf32, #tpu.memory_space<vmem>> -> memref<1x2048xf32, #tpu.memory_space<vmem>>
        %dma_wait3A_389 = tpu.memref_squeeze %dma_wait3A_388 : memref<1x2048xf32, #tpu.memory_space<vmem>> -> memref<2048xf32, #tpu.memory_space<vmem>>
        %dma_wait3A_390 = arith.constant 0 : i32
        %dma_wait3A_391 = tpu.memref_slice %arg4[%add3A_107, %dma_wait3A_390] : memref<832x16384xf32, #tpu.memory_space<hbm>> -> memref<1x2048xf32, #tpu.memory_space<hbm>>
        %dma_wait3A_392 = tpu.memref_squeeze %dma_wait3A_391 : memref<1x2048xf32, #tpu.memory_space<hbm>> -> memref<2048xf32, #tpu.memory_space<hbm>>
        %dma_wait3A_393 = tpu.memref_slice %arg9[%dma_wait3A_386] : memref<4x!tpu.dma_semaphore, #tpu.memory_space<semaphore_mem>> -> memref<1x!tpu.dma_semaphore, #tpu.memory_space<semaphore_mem>>
        %dma_wait3A_394 = tpu.memref_squeeze %dma_wait3A_393 : memref<1x!tpu.dma_semaphore, #tpu.memory_space<semaphore_mem>> -> memref<!tpu.dma_semaphore, #tpu.memory_space<semaphore_mem>>
        %dma_wait3A_395 = arith.constant 0 : i32
        %dma_wait3A_396 = tpu.memref_slice %arg4[%add3A_107, %dma_wait3A_395] : memref<832x16384xf32, #tpu.memory_space<hbm>> -> memref<1x2048xf32, #tpu.memory_space<hbm>>
        %dma_wait3A_397 = tpu.memref_squeeze %dma_wait3A_396 : memref<1x2048xf32, #tpu.memory_space<hbm>> -> memref<2048xf32, #tpu.memory_space<hbm>>
        %dma_wait3A_398 = arith.constant 0 : i32
        %dma_wait3A_399 = tpu.memref_slice %arg7[%dma_wait3A_385, %dma_wait3A_398] : memref<4x2048xf32, #tpu.memory_space<vmem>> -> memref<1x2048xf32, #tpu.memory_space<vmem>>
        %dma_wait3A_400 = tpu.memref_squeeze %dma_wait3A_399 : memref<1x2048xf32, #tpu.memory_space<vmem>> -> memref<2048xf32, #tpu.memory_space<vmem>>
        tpu.wait_dma2 semaphore(%dma_wait3A_394 : memref<!tpu.dma_semaphore, #tpu.memory_space<semaphore_mem>>) src(%dma_wait3A_400 : memref<2048xf32, #tpu.memory_space<vmem>>) dst(%dma_wait3A_397 : memref<2048xf32, #tpu.memory_space<hbm>>)
      } else {
      }
      %dma_wait3A_116 = arith.constant 0 : i32
      %dma_wait3A_117 = tpu.memref_slice %arg2[%add3A_107, %dma_wait3A_116] : memref<832x100001xf32, #tpu.memory_space<hbm>> -> memref<1x100001xf32, #tpu.memory_space<hbm>>
      %dma_wait3A_118 = tpu.memref_squeeze %dma_wait3A_117 : memref<1x100001xf32, #tpu.memory_space<hbm>> -> memref<100001xf32, #tpu.memory_space<hbm>>
      %dma_wait3A_119 = arith.constant 0 : i32
      %dma_wait3A_120 = tpu.memref_slice %arg2[%add3A_107, %dma_wait3A_119] : memref<832x100001xf32, #tpu.memory_space<hbm>> -> memref<1x100001xf32, #tpu.memory_space<hbm>>
      %dma_wait3A_121 = tpu.memref_squeeze %dma_wait3A_120 : memref<1x100001xf32, #tpu.memory_space<hbm>> -> memref<100001xf32, #tpu.memory_space<hbm>>
      tpu.wait_dma2 semaphore(%arg8 : memref<!tpu.dma_semaphore, #tpu.memory_space<semaphore_mem>>) src(%dma_wait3A_121 : memref<100001xf32, #tpu.memory_space<hbm>>) dst(%arg5 : memref<100001xf32, #tpu.memory_space<vmem>>)
      %parallel_loop3A = arith.constant 0 : i32
      %parallel_loop3A_122 = arith.constant 128 : i32
      %parallel_loop3A_123 = arith.constant 1 : i32
      scf.for %parallel_loop3A_337 = %parallel_loop3A to %parallel_loop3A_122 step %parallel_loop3A_123  : i32 {
        %parallel_loop3A_338 = arith.constant 16 : i32
        %parallel_loop3A_339 = arith.muli %parallel_loop3A_337, %parallel_loop3A_338 : i32
        %parallel_loop3A_340 = arith.constant 0 : i32
        %parallel_loop3A_341 = arith.addi %parallel_loop3A_340, %parallel_loop3A_339 : i32
        %parallel_loop3A_342 = arith.index_cast %parallel_loop3A_341 : i32 to index
        %parallel_loop3A_343 = tpu.vector_load %arg6[%parallel_loop3A_342] {strides = array<i32>} : memref<16384xi32, #tpu.memory_space<vmem>>, vector<16xi32>,
        %parallel_loop3A_344 = tpu.vector_load_idx %arg5[%parallel_loop3A_343] : memref<100001xf32, #tpu.memory_space<vmem>>[vector<16xi32>], vector<16xf32>,
        %parallel_loop3A_345 = arith.constant 0 : i32
        %parallel_loop3A_346 = arith.index_cast %parallel_loop3A_345 : i32 to index
        %parallel_loop3A_347 = arith.index_cast %parallel_loop3A_339 : i32 to index
        %parallel_loop3A_348 = tpu.vector_load %arg7[%parallel_loop3A_346, %parallel_loop3A_347] {strides = array<i32>} : memref<4x2048xf32, #tpu.memory_space<vmem>>, vector<16xf32>,
        tpu.vector_store %arg7[%parallel_loop3A_346, %parallel_loop3A_347], %parallel_loop3A_344 {strides = array<i32>} : memref<4x2048xf32, #tpu.memory_space<vmem>>, vector<16xf32>,
      } {sc.loop_unroll_factor = 16 : i64, sc.parallel_access}
      %dma_start3A_124 = arith.constant 0 : i32
      %dma_start3A_125 = arith.constant 0 : i32
      %dma_start3A_126 = arith.constant 0 : i32
      %dma_start3A_127 = tpu.memref_slice %arg7[%dma_start3A_124, %dma_start3A_126] : memref<4x2048xf32, #tpu.memory_space<vmem>> -> memref<1x2048xf32, #tpu.memory_space<vmem>>
      %dma_start3A_128 = tpu.memref_squeeze %dma_start3A_127 : memref<1x2048xf32, #tpu.memory_space<vmem>> -> memref<2048xf32, #tpu.memory_space<vmem>>
      %dma_start3A_129 = arith.constant 0 : i32
      %dma_start3A_130 = tpu.memref_slice %arg4[%add3A_107, %dma_start3A_129] : memref<832x16384xf32, #tpu.memory_space<hbm>> -> memref<1x2048xf32, #tpu.memory_space<hbm>>
      %dma_start3A_131 = tpu.memref_squeeze %dma_start3A_130 : memref<1x2048xf32, #tpu.memory_space<hbm>> -> memref<2048xf32, #tpu.memory_space<hbm>>
      %dma_start3A_132 = tpu.memref_slice %arg9[%dma_start3A_125] : memref<4x!tpu.dma_semaphore, #tpu.memory_space<semaphore_mem>> -> memref<1x!tpu.dma_semaphore, #tpu.memory_space<semaphore_mem>>
      %dma_start3A_133 = tpu.memref_squeeze %dma_start3A_132 : memref<1x!tpu.dma_semaphore, #tpu.memory_space<semaphore_mem>> -> memref<!tpu.dma_semaphore, #tpu.memory_space<semaphore_mem>>
      %dma_start3A_134 = arith.constant 0 : i32
      %dma_start3A_135 = tpu.memref_slice %arg4[%add3A_107, %dma_start3A_134] : memref<832x16384xf32, #tpu.memory_space<hbm>> -> memref<1x2048xf32, #tpu.memory_space<hbm>>
      %dma_start3A_136 = tpu.memref_squeeze %dma_start3A_135 : memref<1x2048xf32, #tpu.memory_space<hbm>> -> memref<2048xf32, #tpu.memory_space<hbm>>
      %dma_start3A_137 = arith.constant 0 : i32
      %dma_start3A_138 = tpu.memref_slice %arg7[%dma_start3A_124, %dma_start3A_137] : memref<4x2048xf32, #tpu.memory_space<vmem>> -> memref<1x2048xf32, #tpu.memory_space<vmem>>
      %dma_start3A_139 = tpu.memref_squeeze %dma_start3A_138 : memref<1x2048xf32, #tpu.memory_space<vmem>> -> memref<2048xf32, #tpu.memory_space<vmem>>
      tpu.enqueue_dma source(%dma_start3A_139 : memref<2048xf32, #tpu.memory_space<vmem>>) target(%dma_start3A_136 : memref<2048xf32, #tpu.memory_space<hbm>>) target_semaphore(%dma_start3A_133 : memref<!tpu.dma_semaphore, #tpu.memory_space<semaphore_mem>>)
      %parallel_loop3A_140 = arith.constant 0 : i32
      %parallel_loop3A_141 = arith.constant 128 : i32
      %parallel_loop3A_142 = arith.constant 1 : i32
      scf.for %parallel_loop3A_337 = %parallel_loop3A_140 to %parallel_loop3A_141 step %parallel_loop3A_142  : i32 {
        %parallel_loop3A_338 = arith.constant 16 : i32
        %parallel_loop3A_339 = arith.muli %parallel_loop3A_337, %parallel_loop3A_338 : i32
        %parallel_loop3A_340 = arith.constant 2048 : i32
        %parallel_loop3A_341 = arith.addi %parallel_loop3A_340, %parallel_loop3A_339 : i32
        %parallel_loop3A_342 = arith.index_cast %parallel_loop3A_341 : i32 to index
        %parallel_loop3A_343 = tpu.vector_load %arg6[%parallel_loop3A_342] {strides = array<i32>} : memref<16384xi32, #tpu.memory_space<vmem>>, vector<16xi32>,
        %parallel_loop3A_344 = tpu.vector_load_idx %arg5[%parallel_loop3A_343] : memref<100001xf32, #tpu.memory_space<vmem>>[vector<16xi32>], vector<16xf32>,
        %parallel_loop3A_345 = arith.constant 1 : i32
        %parallel_loop3A_346 = arith.index_cast %parallel_loop3A_345 : i32 to index
        %parallel_loop3A_347 = arith.index_cast %parallel_loop3A_339 : i32 to index
        %parallel_loop3A_348 = tpu.vector_load %arg7[%parallel_loop3A_346, %parallel_loop3A_347] {strides = array<i32>} : memref<4x2048xf32, #tpu.memory_space<vmem>>, vector<16xf32>,
        tpu.vector_store %arg7[%parallel_loop3A_346, %parallel_loop3A_347], %parallel_loop3A_344 {strides = array<i32>} : memref<4x2048xf32, #tpu.memory_space<vmem>>, vector<16xf32>,
      } {sc.loop_unroll_factor = 16 : i64, sc.parallel_access}
      %dma_start3A_143 = arith.constant 1 : i32
      %dma_start3A_144 = arith.constant 1 : i32
      %dma_start3A_145 = arith.constant 0 : i32
      %dma_start3A_146 = tpu.memref_slice %arg7[%dma_start3A_143, %dma_start3A_145] : memref<4x2048xf32, #tpu.memory_space<vmem>> -> memref<1x2048xf32, #tpu.memory_space<vmem>>
      %dma_start3A_147 = tpu.memref_squeeze %dma_start3A_146 : memref<1x2048xf32, #tpu.memory_space<vmem>> -> memref<2048xf32, #tpu.memory_space<vmem>>
      %dma_start3A_148 = arith.constant 2048 : i32
      %dma_start3A_149 = tpu.memref_slice %arg4[%add3A_107, %dma_start3A_148] : memref<832x16384xf32, #tpu.memory_space<hbm>> -> memref<1x2048xf32, #tpu.memory_space<hbm>>
      %dma_start3A_150 = tpu.memref_squeeze %dma_start3A_149 : memref<1x2048xf32, #tpu.memory_space<hbm>> -> memref<2048xf32, #tpu.memory_space<hbm>>
      %dma_start3A_151 = tpu.memref_slice %arg9[%dma_start3A_144] : memref<4x!tpu.dma_semaphore, #tpu.memory_space<semaphore_mem>> -> memref<1x!tpu.dma_semaphore, #tpu.memory_space<semaphore_mem>>
      %dma_start3A_152 = tpu.memref_squeeze %dma_start3A_151 : memref<1x!tpu.dma_semaphore, #tpu.memory_space<semaphore_mem>> -> memref<!tpu.dma_semaphore, #tpu.memory_space<semaphore_mem>>
      %dma_start3A_153 = arith.constant 2048 : i32
      %dma_start3A_154 = tpu.memref_slice %arg4[%add3A_107, %dma_start3A_153] : memref<832x16384xf32, #tpu.memory_space<hbm>> -> memref<1x2048xf32, #tpu.memory_space<hbm>>
      %dma_start3A_155 = tpu.memref_squeeze %dma_start3A_154 : memref<1x2048xf32, #tpu.memory_space<hbm>> -> memref<2048xf32, #tpu.memory_space<hbm>>
      %dma_start3A_156 = arith.constant 0 : i32
      %dma_start3A_157 = tpu.memref_slice %arg7[%dma_start3A_143, %dma_start3A_156] : memref<4x2048xf32, #tpu.memory_space<vmem>> -> memref<1x2048xf32, #tpu.memory_space<vmem>>
      %dma_start3A_158 = tpu.memref_squeeze %dma_start3A_157 : memref<1x2048xf32, #tpu.memory_space<vmem>> -> memref<2048xf32, #tpu.memory_space<vmem>>
      tpu.enqueue_dma source(%dma_start3A_158 : memref<2048xf32, #tpu.memory_space<vmem>>) target(%dma_start3A_155 : memref<2048xf32, #tpu.memory_space<hbm>>) target_semaphore(%dma_start3A_152 : memref<!tpu.dma_semaphore, #tpu.memory_space<semaphore_mem>>)
      %parallel_loop3A_159 = arith.constant 0 : i32
      %parallel_loop3A_160 = arith.constant 128 : i32
      %parallel_loop3A_161 = arith.constant 1 : i32
      scf.for %parallel_loop3A_337 = %parallel_loop3A_159 to %parallel_loop3A_160 step %parallel_loop3A_161  : i32 {
        %parallel_loop3A_338 = arith.constant 16 : i32
        %parallel_loop3A_339 = arith.muli %parallel_loop3A_337, %parallel_loop3A_338 : i32
        %parallel_loop3A_340 = arith.constant 4096 : i32
        %parallel_loop3A_341 = arith.addi %parallel_loop3A_340, %parallel_loop3A_339 : i32
        %parallel_loop3A_342 = arith.index_cast %parallel_loop3A_341 : i32 to index
        %parallel_loop3A_343 = tpu.vector_load %arg6[%parallel_loop3A_342] {strides = array<i32>} : memref<16384xi32, #tpu.memory_space<vmem>>, vector<16xi32>,
        %parallel_loop3A_344 = tpu.vector_load_idx %arg5[%parallel_loop3A_343] : memref<100001xf32, #tpu.memory_space<vmem>>[vector<16xi32>], vector<16xf32>,
        %parallel_loop3A_345 = arith.constant 2 : i32
        %parallel_loop3A_346 = arith.index_cast %parallel_loop3A_345 : i32 to index
        %parallel_loop3A_347 = arith.index_cast %parallel_loop3A_339 : i32 to index
        %parallel_loop3A_348 = tpu.vector_load %arg7[%parallel_loop3A_346, %parallel_loop3A_347] {strides = array<i32>} : memref<4x2048xf32, #tpu.memory_space<vmem>>, vector<16xf32>,
        tpu.vector_store %arg7[%parallel_loop3A_346, %parallel_loop3A_347], %parallel_loop3A_344 {strides = array<i32>} : memref<4x2048xf32, #tpu.memory_space<vmem>>, vector<16xf32>,
      } {sc.loop_unroll_factor = 16 : i64, sc.parallel_access}
      %dma_start3A_162 = arith.constant 2 : i32
      %dma_start3A_163 = arith.constant 2 : i32
      %dma_start3A_164 = arith.constant 0 : i32
      %dma_start3A_165 = tpu.memref_slice %arg7[%dma_start3A_162, %dma_start3A_164] : memref<4x2048xf32, #tpu.memory_space<vmem>> -> memref<1x2048xf32, #tpu.memory_space<vmem>>
      %dma_start3A_166 = tpu.memref_squeeze %dma_start3A_165 : memref<1x2048xf32, #tpu.memory_space<vmem>> -> memref<2048xf32, #tpu.memory_space<vmem>>
      %dma_start3A_167 = arith.constant 4096 : i32
      %dma_start3A_168 = tpu.memref_slice %arg4[%add3A_107, %dma_start3A_167] : memref<832x16384xf32, #tpu.memory_space<hbm>> -> memref<1x2048xf32, #tpu.memory_space<hbm>>
      %dma_start3A_169 = tpu.memref_squeeze %dma_start3A_168 : memref<1x2048xf32, #tpu.memory_space<hbm>> -> memref<2048xf32, #tpu.memory_space<hbm>>
      %dma_start3A_170 = tpu.memref_slice %arg9[%dma_start3A_163] : memref<4x!tpu.dma_semaphore, #tpu.memory_space<semaphore_mem>> -> memref<1x!tpu.dma_semaphore, #tpu.memory_space<semaphore_mem>>
      %dma_start3A_171 = tpu.memref_squeeze %dma_start3A_170 : memref<1x!tpu.dma_semaphore, #tpu.memory_space<semaphore_mem>> -> memref<!tpu.dma_semaphore, #tpu.memory_space<semaphore_mem>>
      %dma_start3A_172 = arith.constant 4096 : i32
      %dma_start3A_173 = tpu.memref_slice %arg4[%add3A_107, %dma_start3A_172] : memref<832x16384xf32, #tpu.memory_space<hbm>> -> memref<1x2048xf32, #tpu.memory_space<hbm>>
      %dma_start3A_174 = tpu.memref_squeeze %dma_start3A_173 : memref<1x2048xf32, #tpu.memory_space<hbm>> -> memref<2048xf32, #tpu.memory_space<hbm>>
      %dma_start3A_175 = arith.constant 0 : i32
      %dma_start3A_176 = tpu.memref_slice %arg7[%dma_start3A_162, %dma_start3A_175] : memref<4x2048xf32, #tpu.memory_space<vmem>> -> memref<1x2048xf32, #tpu.memory_space<vmem>>
      %dma_start3A_177 = tpu.memref_squeeze %dma_start3A_176 : memref<1x2048xf32, #tpu.memory_space<vmem>> -> memref<2048xf32, #tpu.memory_space<vmem>>
      tpu.enqueue_dma source(%dma_start3A_177 : memref<2048xf32, #tpu.memory_space<vmem>>) target(%dma_start3A_174 : memref<2048xf32, #tpu.memory_space<hbm>>) target_semaphore(%dma_start3A_171 : memref<!tpu.dma_semaphore, #tpu.memory_space<semaphore_mem>>)
      %parallel_loop3A_178 = arith.constant 0 : i32
      %parallel_loop3A_179 = arith.constant 128 : i32
      %parallel_loop3A_180 = arith.constant 1 : i32
      scf.for %parallel_loop3A_337 = %parallel_loop3A_178 to %parallel_loop3A_179 step %parallel_loop3A_180  : i32 {
        %parallel_loop3A_338 = arith.constant 16 : i32
        %parallel_loop3A_339 = arith.muli %parallel_loop3A_337, %parallel_loop3A_338 : i32
        %parallel_loop3A_340 = arith.constant 6144 : i32
        %parallel_loop3A_341 = arith.addi %parallel_loop3A_340, %parallel_loop3A_339 : i32
        %parallel_loop3A_342 = arith.index_cast %parallel_loop3A_341 : i32 to index
        %parallel_loop3A_343 = tpu.vector_load %arg6[%parallel_loop3A_342] {strides = array<i32>} : memref<16384xi32, #tpu.memory_space<vmem>>, vector<16xi32>,
        %parallel_loop3A_344 = tpu.vector_load_idx %arg5[%parallel_loop3A_343] : memref<100001xf32, #tpu.memory_space<vmem>>[vector<16xi32>], vector<16xf32>,
        %parallel_loop3A_345 = arith.constant 3 : i32
        %parallel_loop3A_346 = arith.index_cast %parallel_loop3A_345 : i32 to index
        %parallel_loop3A_347 = arith.index_cast %parallel_loop3A_339 : i32 to index
        %parallel_loop3A_348 = tpu.vector_load %arg7[%parallel_loop3A_346, %parallel_loop3A_347] {strides = array<i32>} : memref<4x2048xf32, #tpu.memory_space<vmem>>, vector<16xf32>,
        tpu.vector_store %arg7[%parallel_loop3A_346, %parallel_loop3A_347], %parallel_loop3A_344 {strides = array<i32>} : memref<4x2048xf32, #tpu.memory_space<vmem>>, vector<16xf32>,
      } {sc.loop_unroll_factor = 16 : i64, sc.parallel_access}
      %dma_start3A_181 = arith.constant 3 : i32
      %dma_start3A_182 = arith.constant 3 : i32
      %dma_start3A_183 = arith.constant 0 : i32
      %dma_start3A_184 = tpu.memref_slice %arg7[%dma_start3A_181, %dma_start3A_183] : memref<4x2048xf32, #tpu.memory_space<vmem>> -> memref<1x2048xf32, #tpu.memory_space<vmem>>
      %dma_start3A_185 = tpu.memref_squeeze %dma_start3A_184 : memref<1x2048xf32, #tpu.memory_space<vmem>> -> memref<2048xf32, #tpu.memory_space<vmem>>
      %dma_start3A_186 = arith.constant 6144 : i32
      %dma_start3A_187 = tpu.memref_slice %arg4[%add3A_107, %dma_start3A_186] : memref<832x16384xf32, #tpu.memory_space<hbm>> -> memref<1x2048xf32, #tpu.memory_space<hbm>>
      %dma_start3A_188 = tpu.memref_squeeze %dma_start3A_187 : memref<1x2048xf32, #tpu.memory_space<hbm>> -> memref<2048xf32, #tpu.memory_space<hbm>>
      %dma_start3A_189 = tpu.memref_slice %arg9[%dma_start3A_182] : memref<4x!tpu.dma_semaphore, #tpu.memory_space<semaphore_mem>> -> memref<1x!tpu.dma_semaphore, #tpu.memory_space<semaphore_mem>>
      %dma_start3A_190 = tpu.memref_squeeze %dma_start3A_189 : memref<1x!tpu.dma_semaphore, #tpu.memory_space<semaphore_mem>> -> memref<!tpu.dma_semaphore, #tpu.memory_space<semaphore_mem>>
      %dma_start3A_191 = arith.constant 6144 : i32
      %dma_start3A_192 = tpu.memref_slice %arg4[%add3A_107, %dma_start3A_191] : memref<832x16384xf32, #tpu.memory_space<hbm>> -> memref<1x2048xf32, #tpu.memory_space<hbm>>
      %dma_start3A_193 = tpu.memref_squeeze %dma_start3A_192 : memref<1x2048xf32, #tpu.memory_space<hbm>> -> memref<2048xf32, #tpu.memory_space<hbm>>
      %dma_start3A_194 = arith.constant 0 : i32
      %dma_start3A_195 = tpu.memref_slice %arg7[%dma_start3A_181, %dma_start3A_194] : memref<4x2048xf32, #tpu.memory_space<vmem>> -> memref<1x2048xf32, #tpu.memory_space<vmem>>
      %dma_start3A_196 = tpu.memref_squeeze %dma_start3A_195 : memref<1x2048xf32, #tpu.memory_space<vmem>> -> memref<2048xf32, #tpu.memory_space<vmem>>
      tpu.enqueue_dma source(%dma_start3A_196 : memref<2048xf32, #tpu.memory_space<vmem>>) target(%dma_start3A_193 : memref<2048xf32, #tpu.memory_space<hbm>>) target_semaphore(%dma_start3A_190 : memref<!tpu.dma_semaphore, #tpu.memory_space<semaphore_mem>>)
      %dma_wait3A_197 = arith.constant 0 : i32
      %dma_wait3A_198 = arith.constant 0 : i32
      %dma_wait3A_199 = arith.constant 0 : i32
      %dma_wait3A_200 = tpu.memref_slice %arg7[%dma_wait3A_197, %dma_wait3A_199] : memref<4x2048xf32, #tpu.memory_space<vmem>> -> memref<1x2048xf32, #tpu.memory_space<vmem>>
      %dma_wait3A_201 = tpu.memref_squeeze %dma_wait3A_200 : memref<1x2048xf32, #tpu.memory_space<vmem>> -> memref<2048xf32, #tpu.memory_space<vmem>>
      %dma_wait3A_202 = arith.constant 0 : i32
      %dma_wait3A_203 = tpu.memref_slice %arg4[%add3A_107, %dma_wait3A_202] : memref<832x16384xf32, #tpu.memory_space<hbm>> -> memref<1x2048xf32, #tpu.memory_space<hbm>>
      %dma_wait3A_204 = tpu.memref_squeeze %dma_wait3A_203 : memref<1x2048xf32, #tpu.memory_space<hbm>> -> memref<2048xf32, #tpu.memory_space<hbm>>
      %dma_wait3A_205 = tpu.memref_slice %arg9[%dma_wait3A_198] : memref<4x!tpu.dma_semaphore, #tpu.memory_space<semaphore_mem>> -> memref<1x!tpu.dma_semaphore, #tpu.memory_space<semaphore_mem>>
      %dma_wait3A_206 = tpu.memref_squeeze %dma_wait3A_205 : memref<1x!tpu.dma_semaphore, #tpu.memory_space<semaphore_mem>> -> memref<!tpu.dma_semaphore, #tpu.memory_space<semaphore_mem>>
      %dma_wait3A_207 = arith.constant 0 : i32
      %dma_wait3A_208 = tpu.memref_slice %arg4[%add3A_107, %dma_wait3A_207] : memref<832x16384xf32, #tpu.memory_space<hbm>> -> memref<1x2048xf32, #tpu.memory_space<hbm>>
      %dma_wait3A_209 = tpu.memref_squeeze %dma_wait3A_208 : memref<1x2048xf32, #tpu.memory_space<hbm>> -> memref<2048xf32, #tpu.memory_space<hbm>>
      %dma_wait3A_210 = arith.constant 0 : i32
      %dma_wait3A_211 = tpu.memref_slice %arg7[%dma_wait3A_197, %dma_wait3A_210] : memref<4x2048xf32, #tpu.memory_space<vmem>> -> memref<1x2048xf32, #tpu.memory_space<vmem>>
      %dma_wait3A_212 = tpu.memref_squeeze %dma_wait3A_211 : memref<1x2048xf32, #tpu.memory_space<vmem>> -> memref<2048xf32, #tpu.memory_space<vmem>>
      tpu.wait_dma2 semaphore(%dma_wait3A_206 : memref<!tpu.dma_semaphore, #tpu.memory_space<semaphore_mem>>) src(%dma_wait3A_212 : memref<2048xf32, #tpu.memory_space<vmem>>) dst(%dma_wait3A_209 : memref<2048xf32, #tpu.memory_space<hbm>>)
      %parallel_loop3A_213 = arith.constant 0 : i32
      %parallel_loop3A_214 = arith.constant 128 : i32
      %parallel_loop3A_215 = arith.constant 1 : i32
      scf.for %parallel_loop3A_337 = %parallel_loop3A_213 to %parallel_loop3A_214 step %parallel_loop3A_215  : i32 {
        %parallel_loop3A_338 = arith.constant 16 : i32
        %parallel_loop3A_339 = arith.muli %parallel_loop3A_337, %parallel_loop3A_338 : i32
        %parallel_loop3A_340 = arith.constant 8192 : i32
        %parallel_loop3A_341 = arith.addi %parallel_loop3A_340, %parallel_loop3A_339 : i32
        %parallel_loop3A_342 = arith.index_cast %parallel_loop3A_341 : i32 to index
        %parallel_loop3A_343 = tpu.vector_load %arg6[%parallel_loop3A_342] {strides = array<i32>} : memref<16384xi32, #tpu.memory_space<vmem>>, vector<16xi32>,
        %parallel_loop3A_344 = tpu.vector_load_idx %arg5[%parallel_loop3A_343] : memref<100001xf32, #tpu.memory_space<vmem>>[vector<16xi32>], vector<16xf32>,
        %parallel_loop3A_345 = arith.constant 0 : i32
        %parallel_loop3A_346 = arith.index_cast %parallel_loop3A_345 : i32 to index
        %parallel_loop3A_347 = arith.index_cast %parallel_loop3A_339 : i32 to index
        %parallel_loop3A_348 = tpu.vector_load %arg7[%parallel_loop3A_346, %parallel_loop3A_347] {strides = array<i32>} : memref<4x2048xf32, #tpu.memory_space<vmem>>, vector<16xf32>,
        tpu.vector_store %arg7[%parallel_loop3A_346, %parallel_loop3A_347], %parallel_loop3A_344 {strides = array<i32>} : memref<4x2048xf32, #tpu.memory_space<vmem>>, vector<16xf32>,
      } {sc.loop_unroll_factor = 16 : i64, sc.parallel_access}
      %dma_start3A_216 = arith.constant 0 : i32
      %dma_start3A_217 = arith.constant 0 : i32
      %dma_start3A_218 = arith.constant 0 : i32
      %dma_start3A_219 = tpu.memref_slice %arg7[%dma_start3A_216, %dma_start3A_218] : memref<4x2048xf32, #tpu.memory_space<vmem>> -> memref<1x2048xf32, #tpu.memory_space<vmem>>
      %dma_start3A_220 = tpu.memref_squeeze %dma_start3A_219 : memref<1x2048xf32, #tpu.memory_space<vmem>> -> memref<2048xf32, #tpu.memory_space<vmem>>
      %dma_start3A_221 = arith.constant 8192 : i32
      %dma_start3A_222 = tpu.memref_slice %arg4[%add3A_107, %dma_start3A_221] : memref<832x16384xf32, #tpu.memory_space<hbm>> -> memref<1x2048xf32, #tpu.memory_space<hbm>>
      %dma_start3A_223 = tpu.memref_squeeze %dma_start3A_222 : memref<1x2048xf32, #tpu.memory_space<hbm>> -> memref<2048xf32, #tpu.memory_space<hbm>>
      %dma_start3A_224 = tpu.memref_slice %arg9[%dma_start3A_217] : memref<4x!tpu.dma_semaphore, #tpu.memory_space<semaphore_mem>> -> memref<1x!tpu.dma_semaphore, #tpu.memory_space<semaphore_mem>>
      %dma_start3A_225 = tpu.memref_squeeze %dma_start3A_224 : memref<1x!tpu.dma_semaphore, #tpu.memory_space<semaphore_mem>> -> memref<!tpu.dma_semaphore, #tpu.memory_space<semaphore_mem>>
      %dma_start3A_226 = arith.constant 8192 : i32
      %dma_start3A_227 = tpu.memref_slice %arg4[%add3A_107, %dma_start3A_226] : memref<832x16384xf32, #tpu.memory_space<hbm>> -> memref<1x2048xf32, #tpu.memory_space<hbm>>
      %dma_start3A_228 = tpu.memref_squeeze %dma_start3A_227 : memref<1x2048xf32, #tpu.memory_space<hbm>> -> memref<2048xf32, #tpu.memory_space<hbm>>
      %dma_start3A_229 = arith.constant 0 : i32
      %dma_start3A_230 = tpu.memref_slice %arg7[%dma_start3A_216, %dma_start3A_229] : memref<4x2048xf32, #tpu.memory_space<vmem>> -> memref<1x2048xf32, #tpu.memory_space<vmem>>
      %dma_start3A_231 = tpu.memref_squeeze %dma_start3A_230 : memref<1x2048xf32, #tpu.memory_space<vmem>> -> memref<2048xf32, #tpu.memory_space<vmem>>
      tpu.enqueue_dma source(%dma_start3A_231 : memref<2048xf32, #tpu.memory_space<vmem>>) target(%dma_start3A_228 : memref<2048xf32, #tpu.memory_space<hbm>>) target_semaphore(%dma_start3A_225 : memref<!tpu.dma_semaphore, #tpu.memory_space<semaphore_mem>>)
      %dma_wait3A_232 = arith.constant 1 : i32
      %dma_wait3A_233 = arith.constant 1 : i32
      %dma_wait3A_234 = arith.constant 0 : i32
      %dma_wait3A_235 = tpu.memref_slice %arg7[%dma_wait3A_232, %dma_wait3A_234] : memref<4x2048xf32, #tpu.memory_space<vmem>> -> memref<1x2048xf32, #tpu.memory_space<vmem>>
      %dma_wait3A_236 = tpu.memref_squeeze %dma_wait3A_235 : memref<1x2048xf32, #tpu.memory_space<vmem>> -> memref<2048xf32, #tpu.memory_space<vmem>>
      %dma_wait3A_237 = arith.constant 0 : i32
      %dma_wait3A_238 = tpu.memref_slice %arg4[%add3A_107, %dma_wait3A_237] : memref<832x16384xf32, #tpu.memory_space<hbm>> -> memref<1x2048xf32, #tpu.memory_space<hbm>>
      %dma_wait3A_239 = tpu.memref_squeeze %dma_wait3A_238 : memref<1x2048xf32, #tpu.memory_space<hbm>> -> memref<2048xf32, #tpu.memory_space<hbm>>
      %dma_wait3A_240 = tpu.memref_slice %arg9[%dma_wait3A_233] : memref<4x!tpu.dma_semaphore, #tpu.memory_space<semaphore_mem>> -> memref<1x!tpu.dma_semaphore, #tpu.memory_space<semaphore_mem>>
      %dma_wait3A_241 = tpu.memref_squeeze %dma_wait3A_240 : memref<1x!tpu.dma_semaphore, #tpu.memory_space<semaphore_mem>> -> memref<!tpu.dma_semaphore, #tpu.memory_space<semaphore_mem>>
      %dma_wait3A_242 = arith.constant 0 : i32
      %dma_wait3A_243 = tpu.memref_slice %arg4[%add3A_107, %dma_wait3A_242] : memref<832x16384xf32, #tpu.memory_space<hbm>> -> memref<1x2048xf32, #tpu.memory_space<hbm>>
      %dma_wait3A_244 = tpu.memref_squeeze %dma_wait3A_243 : memref<1x2048xf32, #tpu.memory_space<hbm>> -> memref<2048xf32, #tpu.memory_space<hbm>>
      %dma_wait3A_245 = arith.constant 0 : i32
      %dma_wait3A_246 = tpu.memref_slice %arg7[%dma_wait3A_232, %dma_wait3A_245] : memref<4x2048xf32, #tpu.memory_space<vmem>> -> memref<1x2048xf32, #tpu.memory_space<vmem>>
      %dma_wait3A_247 = tpu.memref_squeeze %dma_wait3A_246 : memref<1x2048xf32, #tpu.memory_space<vmem>> -> memref<2048xf32, #tpu.memory_space<vmem>>
      tpu.wait_dma2 semaphore(%dma_wait3A_241 : memref<!tpu.dma_semaphore, #tpu.memory_space<semaphore_mem>>) src(%dma_wait3A_247 : memref<2048xf32, #tpu.memory_space<vmem>>) dst(%dma_wait3A_244 : memref<2048xf32, #tpu.memory_space<hbm>>)
      %parallel_loop3A_248 = arith.constant 0 : i32
      %parallel_loop3A_249 = arith.constant 128 : i32
      %parallel_loop3A_250 = arith.constant 1 : i32
      scf.for %parallel_loop3A_337 = %parallel_loop3A_248 to %parallel_loop3A_249 step %parallel_loop3A_250  : i32 {
        %parallel_loop3A_338 = arith.constant 16 : i32
        %parallel_loop3A_339 = arith.muli %parallel_loop3A_337, %parallel_loop3A_338 : i32
        %parallel_loop3A_340 = arith.constant 10240 : i32
        %parallel_loop3A_341 = arith.addi %parallel_loop3A_340, %parallel_loop3A_339 : i32
        %parallel_loop3A_342 = arith.index_cast %parallel_loop3A_341 : i32 to index
        %parallel_loop3A_343 = tpu.vector_load %arg6[%parallel_loop3A_342] {strides = array<i32>} : memref<16384xi32, #tpu.memory_space<vmem>>, vector<16xi32>,
        %parallel_loop3A_344 = tpu.vector_load_idx %arg5[%parallel_loop3A_343] : memref<100001xf32, #tpu.memory_space<vmem>>[vector<16xi32>], vector<16xf32>,
        %parallel_loop3A_345 = arith.constant 1 : i32
        %parallel_loop3A_346 = arith.index_cast %parallel_loop3A_345 : i32 to index
        %parallel_loop3A_347 = arith.index_cast %parallel_loop3A_339 : i32 to index
        %parallel_loop3A_348 = tpu.vector_load %arg7[%parallel_loop3A_346, %parallel_loop3A_347] {strides = array<i32>} : memref<4x2048xf32, #tpu.memory_space<vmem>>, vector<16xf32>,
        tpu.vector_store %arg7[%parallel_loop3A_346, %parallel_loop3A_347], %parallel_loop3A_344 {strides = array<i32>} : memref<4x2048xf32, #tpu.memory_space<vmem>>, vector<16xf32>,
      } {sc.loop_unroll_factor = 16 : i64, sc.parallel_access}
      %dma_start3A_251 = arith.constant 1 : i32
      %dma_start3A_252 = arith.constant 1 : i32
      %dma_start3A_253 = arith.constant 0 : i32
      %dma_start3A_254 = tpu.memref_slice %arg7[%dma_start3A_251, %dma_start3A_253] : memref<4x2048xf32, #tpu.memory_space<vmem>> -> memref<1x2048xf32, #tpu.memory_space<vmem>>
      %dma_start3A_255 = tpu.memref_squeeze %dma_start3A_254 : memref<1x2048xf32, #tpu.memory_space<vmem>> -> memref<2048xf32, #tpu.memory_space<vmem>>
      %dma_start3A_256 = arith.constant 10240 : i32
      %dma_start3A_257 = tpu.memref_slice %arg4[%add3A_107, %dma_start3A_256] : memref<832x16384xf32, #tpu.memory_space<hbm>> -> memref<1x2048xf32, #tpu.memory_space<hbm>>
      %dma_start3A_258 = tpu.memref_squeeze %dma_start3A_257 : memref<1x2048xf32, #tpu.memory_space<hbm>> -> memref<2048xf32, #tpu.memory_space<hbm>>
      %dma_start3A_259 = tpu.memref_slice %arg9[%dma_start3A_252] : memref<4x!tpu.dma_semaphore, #tpu.memory_space<semaphore_mem>> -> memref<1x!tpu.dma_semaphore, #tpu.memory_space<semaphore_mem>>
      %dma_start3A_260 = tpu.memref_squeeze %dma_start3A_259 : memref<1x!tpu.dma_semaphore, #tpu.memory_space<semaphore_mem>> -> memref<!tpu.dma_semaphore, #tpu.memory_space<semaphore_mem>>
      %dma_start3A_261 = arith.constant 10240 : i32
      %dma_start3A_262 = tpu.memref_slice %arg4[%add3A_107, %dma_start3A_261] : memref<832x16384xf32, #tpu.memory_space<hbm>> -> memref<1x2048xf32, #tpu.memory_space<hbm>>
      %dma_start3A_263 = tpu.memref_squeeze %dma_start3A_262 : memref<1x2048xf32, #tpu.memory_space<hbm>> -> memref<2048xf32, #tpu.memory_space<hbm>>
      %dma_start3A_264 = arith.constant 0 : i32
      %dma_start3A_265 = tpu.memref_slice %arg7[%dma_start3A_251, %dma_start3A_264] : memref<4x2048xf32, #tpu.memory_space<vmem>> -> memref<1x2048xf32, #tpu.memory_space<vmem>>
      %dma_start3A_266 = tpu.memref_squeeze %dma_start3A_265 : memref<1x2048xf32, #tpu.memory_space<vmem>> -> memref<2048xf32, #tpu.memory_space<vmem>>
      tpu.enqueue_dma source(%dma_start3A_266 : memref<2048xf32, #tpu.memory_space<vmem>>) target(%dma_start3A_263 : memref<2048xf32, #tpu.memory_space<hbm>>) target_semaphore(%dma_start3A_260 : memref<!tpu.dma_semaphore, #tpu.memory_space<semaphore_mem>>)
      %dma_wait3A_267 = arith.constant 2 : i32
      %dma_wait3A_268 = arith.constant 2 : i32
      %dma_wait3A_269 = arith.constant 0 : i32
      %dma_wait3A_270 = tpu.memref_slice %arg7[%dma_wait3A_267, %dma_wait3A_269] : memref<4x2048xf32, #tpu.memory_space<vmem>> -> memref<1x2048xf32, #tpu.memory_space<vmem>>
      %dma_wait3A_271 = tpu.memref_squeeze %dma_wait3A_270 : memref<1x2048xf32, #tpu.memory_space<vmem>> -> memref<2048xf32, #tpu.memory_space<vmem>>
      %dma_wait3A_272 = arith.constant 0 : i32
      %dma_wait3A_273 = tpu.memref_slice %arg4[%add3A_107, %dma_wait3A_272] : memref<832x16384xf32, #tpu.memory_space<hbm>> -> memref<1x2048xf32, #tpu.memory_space<hbm>>
      %dma_wait3A_274 = tpu.memref_squeeze %dma_wait3A_273 : memref<1x2048xf32, #tpu.memory_space<hbm>> -> memref<2048xf32, #tpu.memory_space<hbm>>
      %dma_wait3A_275 = tpu.memref_slice %arg9[%dma_wait3A_268] : memref<4x!tpu.dma_semaphore, #tpu.memory_space<semaphore_mem>> -> memref<1x!tpu.dma_semaphore, #tpu.memory_space<semaphore_mem>>
      %dma_wait3A_276 = tpu.memref_squeeze %dma_wait3A_275 : memref<1x!tpu.dma_semaphore, #tpu.memory_space<semaphore_mem>> -> memref<!tpu.dma_semaphore, #tpu.memory_space<semaphore_mem>>
      %dma_wait3A_277 = arith.constant 0 : i32
      %dma_wait3A_278 = tpu.memref_slice %arg4[%add3A_107, %dma_wait3A_277] : memref<832x16384xf32, #tpu.memory_space<hbm>> -> memref<1x2048xf32, #tpu.memory_space<hbm>>
      %dma_wait3A_279 = tpu.memref_squeeze %dma_wait3A_278 : memref<1x2048xf32, #tpu.memory_space<hbm>> -> memref<2048xf32, #tpu.memory_space<hbm>>
      %dma_wait3A_280 = arith.constant 0 : i32
      %dma_wait3A_281 = tpu.memref_slice %arg7[%dma_wait3A_267, %dma_wait3A_280] : memref<4x2048xf32, #tpu.memory_space<vmem>> -> memref<1x2048xf32, #tpu.memory_space<vmem>>
      %dma_wait3A_282 = tpu.memref_squeeze %dma_wait3A_281 : memref<1x2048xf32, #tpu.memory_space<vmem>> -> memref<2048xf32, #tpu.memory_space<vmem>>
      tpu.wait_dma2 semaphore(%dma_wait3A_276 : memref<!tpu.dma_semaphore, #tpu.memory_space<semaphore_mem>>) src(%dma_wait3A_282 : memref<2048xf32, #tpu.memory_space<vmem>>) dst(%dma_wait3A_279 : memref<2048xf32, #tpu.memory_space<hbm>>)
      %parallel_loop3A_283 = arith.constant 0 : i32
      %parallel_loop3A_284 = arith.constant 128 : i32
      %parallel_loop3A_285 = arith.constant 1 : i32
      scf.for %parallel_loop3A_337 = %parallel_loop3A_283 to %parallel_loop3A_284 step %parallel_loop3A_285  : i32 {
        %parallel_loop3A_338 = arith.constant 16 : i32
        %parallel_loop3A_339 = arith.muli %parallel_loop3A_337, %parallel_loop3A_338 : i32
        %parallel_loop3A_340 = arith.constant 12288 : i32
        %parallel_loop3A_341 = arith.addi %parallel_loop3A_340, %parallel_loop3A_339 : i32
        %parallel_loop3A_342 = arith.index_cast %parallel_loop3A_341 : i32 to index
        %parallel_loop3A_343 = tpu.vector_load %arg6[%parallel_loop3A_342] {strides = array<i32>} : memref<16384xi32, #tpu.memory_space<vmem>>, vector<16xi32>,
        %parallel_loop3A_344 = tpu.vector_load_idx %arg5[%parallel_loop3A_343] : memref<100001xf32, #tpu.memory_space<vmem>>[vector<16xi32>], vector<16xf32>,
        %parallel_loop3A_345 = arith.constant 2 : i32
        %parallel_loop3A_346 = arith.index_cast %parallel_loop3A_345 : i32 to index
        %parallel_loop3A_347 = arith.index_cast %parallel_loop3A_339 : i32 to index
        %parallel_loop3A_348 = tpu.vector_load %arg7[%parallel_loop3A_346, %parallel_loop3A_347] {strides = array<i32>} : memref<4x2048xf32, #tpu.memory_space<vmem>>, vector<16xf32>,
        tpu.vector_store %arg7[%parallel_loop3A_346, %parallel_loop3A_347], %parallel_loop3A_344 {strides = array<i32>} : memref<4x2048xf32, #tpu.memory_space<vmem>>, vector<16xf32>,
      } {sc.loop_unroll_factor = 16 : i64, sc.parallel_access}
      %dma_start3A_286 = arith.constant 2 : i32
      %dma_start3A_287 = arith.constant 2 : i32
      %dma_start3A_288 = arith.constant 0 : i32
      %dma_start3A_289 = tpu.memref_slice %arg7[%dma_start3A_286, %dma_start3A_288] : memref<4x2048xf32, #tpu.memory_space<vmem>> -> memref<1x2048xf32, #tpu.memory_space<vmem>>
      %dma_start3A_290 = tpu.memref_squeeze %dma_start3A_289 : memref<1x2048xf32, #tpu.memory_space<vmem>> -> memref<2048xf32, #tpu.memory_space<vmem>>
      %dma_start3A_291 = arith.constant 12288 : i32
      %dma_start3A_292 = tpu.memref_slice %arg4[%add3A_107, %dma_start3A_291] : memref<832x16384xf32, #tpu.memory_space<hbm>> -> memref<1x2048xf32, #tpu.memory_space<hbm>>
      %dma_start3A_293 = tpu.memref_squeeze %dma_start3A_292 : memref<1x2048xf32, #tpu.memory_space<hbm>> -> memref<2048xf32, #tpu.memory_space<hbm>>
      %dma_start3A_294 = tpu.memref_slice %arg9[%dma_start3A_287] : memref<4x!tpu.dma_semaphore, #tpu.memory_space<semaphore_mem>> -> memref<1x!tpu.dma_semaphore, #tpu.memory_space<semaphore_mem>>
      %dma_start3A_295 = tpu.memref_squeeze %dma_start3A_294 : memref<1x!tpu.dma_semaphore, #tpu.memory_space<semaphore_mem>> -> memref<!tpu.dma_semaphore, #tpu.memory_space<semaphore_mem>>
      %dma_start3A_296 = arith.constant 12288 : i32
      %dma_start3A_297 = tpu.memref_slice %arg4[%add3A_107, %dma_start3A_296] : memref<832x16384xf32, #tpu.memory_space<hbm>> -> memref<1x2048xf32, #tpu.memory_space<hbm>>
      %dma_start3A_298 = tpu.memref_squeeze %dma_start3A_297 : memref<1x2048xf32, #tpu.memory_space<hbm>> -> memref<2048xf32, #tpu.memory_space<hbm>>
      %dma_start3A_299 = arith.constant 0 : i32
      %dma_start3A_300 = tpu.memref_slice %arg7[%dma_start3A_286, %dma_start3A_299] : memref<4x2048xf32, #tpu.memory_space<vmem>> -> memref<1x2048xf32, #tpu.memory_space<vmem>>
      %dma_start3A_301 = tpu.memref_squeeze %dma_start3A_300 : memref<1x2048xf32, #tpu.memory_space<vmem>> -> memref<2048xf32, #tpu.memory_space<vmem>>
      tpu.enqueue_dma source(%dma_start3A_301 : memref<2048xf32, #tpu.memory_space<vmem>>) target(%dma_start3A_298 : memref<2048xf32, #tpu.memory_space<hbm>>) target_semaphore(%dma_start3A_295 : memref<!tpu.dma_semaphore, #tpu.memory_space<semaphore_mem>>)
      %dma_wait3A_302 = arith.constant 3 : i32
      %dma_wait3A_303 = arith.constant 3 : i32
      %dma_wait3A_304 = arith.constant 0 : i32
      %dma_wait3A_305 = tpu.memref_slice %arg7[%dma_wait3A_302, %dma_wait3A_304] : memref<4x2048xf32, #tpu.memory_space<vmem>> -> memref<1x2048xf32, #tpu.memory_space<vmem>>
      %dma_wait3A_306 = tpu.memref_squeeze %dma_wait3A_305 : memref<1x2048xf32, #tpu.memory_space<vmem>> -> memref<2048xf32, #tpu.memory_space<vmem>>
      %dma_wait3A_307 = arith.constant 0 : i32
      %dma_wait3A_308 = tpu.memref_slice %arg4[%add3A_107, %dma_wait3A_307] : memref<832x16384xf32, #tpu.memory_space<hbm>> -> memref<1x2048xf32, #tpu.memory_space<hbm>>
      %dma_wait3A_309 = tpu.memref_squeeze %dma_wait3A_308 : memref<1x2048xf32, #tpu.memory_space<hbm>> -> memref<2048xf32, #tpu.memory_space<hbm>>
      %dma_wait3A_310 = tpu.memref_slice %arg9[%dma_wait3A_303] : memref<4x!tpu.dma_semaphore, #tpu.memory_space<semaphore_mem>> -> memref<1x!tpu.dma_semaphore, #tpu.memory_space<semaphore_mem>>
      %dma_wait3A_311 = tpu.memref_squeeze %dma_wait3A_310 : memref<1x!tpu.dma_semaphore, #tpu.memory_space<semaphore_mem>> -> memref<!tpu.dma_semaphore, #tpu.memory_space<semaphore_mem>>
      %dma_wait3A_312 = arith.constant 0 : i32
      %dma_wait3A_313 = tpu.memref_slice %arg4[%add3A_107, %dma_wait3A_312] : memref<832x16384xf32, #tpu.memory_space<hbm>> -> memref<1x2048xf32, #tpu.memory_space<hbm>>
      %dma_wait3A_314 = tpu.memref_squeeze %dma_wait3A_313 : memref<1x2048xf32, #tpu.memory_space<hbm>> -> memref<2048xf32, #tpu.memory_space<hbm>>
      %dma_wait3A_315 = arith.constant 0 : i32
      %dma_wait3A_316 = tpu.memref_slice %arg7[%dma_wait3A_302, %dma_wait3A_315] : memref<4x2048xf32, #tpu.memory_space<vmem>> -> memref<1x2048xf32, #tpu.memory_space<vmem>>
      %dma_wait3A_317 = tpu.memref_squeeze %dma_wait3A_316 : memref<1x2048xf32, #tpu.memory_space<vmem>> -> memref<2048xf32, #tpu.memory_space<vmem>>
      tpu.wait_dma2 semaphore(%dma_wait3A_311 : memref<!tpu.dma_semaphore, #tpu.memory_space<semaphore_mem>>) src(%dma_wait3A_317 : memref<2048xf32, #tpu.memory_space<vmem>>) dst(%dma_wait3A_314 : memref<2048xf32, #tpu.memory_space<hbm>>)
      %parallel_loop3A_318 = arith.constant 0 : i32
      %parallel_loop3A_319 = arith.constant 128 : i32
      %parallel_loop3A_320 = arith.constant 1 : i32
      scf.for %parallel_loop3A_337 = %parallel_loop3A_318 to %parallel_loop3A_319 step %parallel_loop3A_320  : i32 {
        %parallel_loop3A_338 = arith.constant 16 : i32
        %parallel_loop3A_339 = arith.muli %parallel_loop3A_337, %parallel_loop3A_338 : i32
        %parallel_loop3A_340 = arith.constant 14336 : i32
        %parallel_loop3A_341 = arith.addi %parallel_loop3A_340, %parallel_loop3A_339 : i32
        %parallel_loop3A_342 = arith.index_cast %parallel_loop3A_341 : i32 to index
        %parallel_loop3A_343 = tpu.vector_load %arg6[%parallel_loop3A_342] {strides = array<i32>} : memref<16384xi32, #tpu.memory_space<vmem>>, vector<16xi32>,
        %parallel_loop3A_344 = tpu.vector_load_idx %arg5[%parallel_loop3A_343] : memref<100001xf32, #tpu.memory_space<vmem>>[vector<16xi32>], vector<16xf32>,
        %parallel_loop3A_345 = arith.constant 3 : i32
        %parallel_loop3A_346 = arith.index_cast %parallel_loop3A_345 : i32 to index
        %parallel_loop3A_347 = arith.index_cast %parallel_loop3A_339 : i32 to index
        %parallel_loop3A_348 = tpu.vector_load %arg7[%parallel_loop3A_346, %parallel_loop3A_347] {strides = array<i32>} : memref<4x2048xf32, #tpu.memory_space<vmem>>, vector<16xf32>,
        tpu.vector_store %arg7[%parallel_loop3A_346, %parallel_loop3A_347], %parallel_loop3A_344 {strides = array<i32>} : memref<4x2048xf32, #tpu.memory_space<vmem>>, vector<16xf32>,
      } {sc.loop_unroll_factor = 16 : i64, sc.parallel_access}
      %dma_start3A_321 = arith.constant 3 : i32
      %dma_start3A_322 = arith.constant 3 : i32
      %dma_start3A_323 = arith.constant 0 : i32
      %dma_start3A_324 = tpu.memref_slice %arg7[%dma_start3A_321, %dma_start3A_323] : memref<4x2048xf32, #tpu.memory_space<vmem>> -> memref<1x2048xf32, #tpu.memory_space<vmem>>
      %dma_start3A_325 = tpu.memref_squeeze %dma_start3A_324 : memref<1x2048xf32, #tpu.memory_space<vmem>> -> memref<2048xf32, #tpu.memory_space<vmem>>
      %dma_start3A_326 = arith.constant 14336 : i32
      %dma_start3A_327 = tpu.memref_slice %arg4[%add3A_107, %dma_start3A_326] : memref<832x16384xf32, #tpu.memory_space<hbm>> -> memref<1x2048xf32, #tpu.memory_space<hbm>>
      %dma_start3A_328 = tpu.memref_squeeze %dma_start3A_327 : memref<1x2048xf32, #tpu.memory_space<hbm>> -> memref<2048xf32, #tpu.memory_space<hbm>>
      %dma_start3A_329 = tpu.memref_slice %arg9[%dma_start3A_322] : memref<4x!tpu.dma_semaphore, #tpu.memory_space<semaphore_mem>> -> memref<1x!tpu.dma_semaphore, #tpu.memory_space<semaphore_mem>>
      %dma_start3A_330 = tpu.memref_squeeze %dma_start3A_329 : memref<1x!tpu.dma_semaphore, #tpu.memory_space<semaphore_mem>> -> memref<!tpu.dma_semaphore, #tpu.memory_space<semaphore_mem>>
      %dma_start3A_331 = arith.constant 14336 : i32
      %dma_start3A_332 = tpu.memref_slice %arg4[%add3A_107, %dma_start3A_331] : memref<832x16384xf32, #tpu.memory_space<hbm>> -> memref<1x2048xf32, #tpu.memory_space<hbm>>
      %dma_start3A_333 = tpu.memref_squeeze %dma_start3A_332 : memref<1x2048xf32, #tpu.memory_space<hbm>> -> memref<2048xf32, #tpu.memory_space<hbm>>
      %dma_start3A_334 = arith.constant 0 : i32
      %dma_start3A_335 = tpu.memref_slice %arg7[%dma_start3A_321, %dma_start3A_334] : memref<4x2048xf32, #tpu.memory_space<vmem>> -> memref<1x2048xf32, #tpu.memory_space<vmem>>
      %dma_start3A_336 = tpu.memref_squeeze %dma_start3A_335 : memref<1x2048xf32, #tpu.memory_space<vmem>> -> memref<2048xf32, #tpu.memory_space<vmem>>
      tpu.enqueue_dma source(%dma_start3A_336 : memref<2048xf32, #tpu.memory_space<vmem>>) target(%dma_start3A_333 : memref<2048xf32, #tpu.memory_space<hbm>>) target_semaphore(%dma_start3A_330 : memref<!tpu.dma_semaphore, #tpu.memory_space<semaphore_mem>>)
    }
    %lt3A = arith.cmpi slt, %min3A, %add3A_4 : i32
    %convert_element_type3A = arith.extui %lt3A : i1 to i32
    %cond3A = arith.constant 0 : i32
    %cond3A_41 = arith.cmpi ne, %convert_element_type3A, %cond3A : i32
    scf.if %cond3A_41 {
      %add3A_105 = arith.constant 1 : i32
      %add3A_106 = arith.addi %select_n3A, %add3A_105 : i32
      "tpu.region"() ({
        %run_scoped3A = tpu.sem_alloc : memref<!tpu.dma_semaphore, #tpu.memory_space<semaphore_mem>>
        %dma_start3A = arith.constant 0 : i32
        %dma_start3A_124 = tpu.memref_slice %arg3[%add3A_106, %dma_start3A] : memref<26x16384xi32, #tpu.memory_space<hbm>> -> memref<1x16384xi32, #tpu.memory_space<hbm>>
        %dma_start3A_125 = tpu.memref_squeeze %dma_start3A_124 : memref<1x16384xi32, #tpu.memory_space<hbm>> -> memref<16384xi32, #tpu.memory_space<hbm>>
        %dma_start3A_126 = arith.constant 0 : i32
        %dma_start3A_127 = tpu.memref_slice %arg3[%add3A_106, %dma_start3A_126] : memref<26x16384xi32, #tpu.memory_space<hbm>> -> memref<1x16384xi32, #tpu.memory_space<hbm>>
        %dma_start3A_128 = tpu.memref_squeeze %dma_start3A_127 : memref<1x16384xi32, #tpu.memory_space<hbm>> -> memref<16384xi32, #tpu.memory_space<hbm>>
        tpu.enqueue_dma source(%dma_start3A_128 : memref<16384xi32, #tpu.memory_space<hbm>>) target(%arg6 : memref<16384xi32, #tpu.memory_space<vmem>>) target_semaphore(%run_scoped3A : memref<!tpu.dma_semaphore, #tpu.memory_space<semaphore_mem>>)
        %dma_wait3A_129 = arith.constant 0 : i32
        %dma_wait3A_130 = tpu.memref_slice %arg3[%add3A_106, %dma_wait3A_129] : memref<26x16384xi32, #tpu.memory_space<hbm>> -> memref<1x16384xi32, #tpu.memory_space<hbm>>
        %dma_wait3A_131 = tpu.memref_squeeze %dma_wait3A_130 : memref<1x16384xi32, #tpu.memory_space<hbm>> -> memref<16384xi32, #tpu.memory_space<hbm>>
        %dma_wait3A_132 = arith.constant 0 : i32
        %dma_wait3A_133 = tpu.memref_slice %arg3[%add3A_106, %dma_wait3A_132] : memref<26x16384xi32, #tpu.memory_space<hbm>> -> memref<1x16384xi32, #tpu.memory_space<hbm>>
        %dma_wait3A_134 = tpu.memref_squeeze %dma_wait3A_133 : memref<1x16384xi32, #tpu.memory_space<hbm>> -> memref<16384xi32, #tpu.memory_space<hbm>>
        tpu.wait_dma2 semaphore(%run_scoped3A : memref<!tpu.dma_semaphore, #tpu.memory_space<semaphore_mem>>) src(%dma_wait3A_134 : memref<16384xi32, #tpu.memory_space<hbm>>) dst(%arg6 : memref<16384xi32, #tpu.memory_space<vmem>>)
        tpu.yield
      }) : () -> ()
      %sub3A_107 = arith.subi %add3A_4, %min3A : i32
      %sub3A_108 = arith.constant 1 : i32
      %sub3A_109 = arith.constant 1 : i32
      %sub3A_110 = arith.subi %sub3A_108, %sub3A_109 : i32
      %add3A_111 = arith.addi %sub3A_107, %sub3A_110 : i32
      %div3A_112 = arith.constant 1 : i32
      %div3A_113 = arith.divsi %add3A_111, %div3A_112 : i32
      %while3A_114 = arith.constant 1 : i32
      %while3A_115 = arith.constant 0 : i32
      %while3A_116 = arith.subi %div3A_113, %while3A_115 : i32
      %while3A_117 = arith.addi %while3A_115, %while3A_116 : i32
      %while3A_118 = arith.constant 1 : i32
      %while3A_119 = arith.divsi %while3A_116, %while3A_118 : i32
      %while3A_120 = arith.muli %while3A_119, %while3A_118 : i32
      %while3A_121 = arith.addi %while3A_115, %while3A_120 : i32
      %while3A_122 = arith.constant 1 : i32
      scf.for %while3A_124 = %while3A_115 to %while3A_121 step %while3A_122  : i32 {
        %mul3A_125 = arith.muli %while3A_124, %while3A_114 : i32
        %add3A_126 = arith.addi %min3A, %mul3A_125 : i32
        %dma_start3A = arith.constant 0 : i32
        %dma_start3A_127 = tpu.memref_slice %arg2[%add3A_126, %dma_start3A] : memref<832x100001xf32, #tpu.memory_space<hbm>> -> memref<1x100001xf32, #tpu.memory_space<hbm>>
        %dma_start3A_128 = tpu.memref_squeeze %dma_start3A_127 : memref<1x100001xf32, #tpu.memory_space<hbm>> -> memref<100001xf32, #tpu.memory_space<hbm>>
        %dma_start3A_129 = arith.constant 0 : i32
        %dma_start3A_130 = tpu.memref_slice %arg2[%add3A_126, %dma_start3A_129] : memref<832x100001xf32, #tpu.memory_space<hbm>> -> memref<1x100001xf32, #tpu.memory_space<hbm>>
        %dma_start3A_131 = tpu.memref_squeeze %dma_start3A_130 : memref<1x100001xf32, #tpu.memory_space<hbm>> -> memref<100001xf32, #tpu.memory_space<hbm>>
        tpu.enqueue_dma source(%dma_start3A_131 : memref<100001xf32, #tpu.memory_space<hbm>>) target(%arg5 : memref<100001xf32, #tpu.memory_space<vmem>>) target_semaphore(%arg8 : memref<!tpu.dma_semaphore, #tpu.memory_space<semaphore_mem>>)
        %gt3A = arith.cmpi sgt, %add3A_126, %mul3A_2 : i32
        %convert_element_type3A_132 = arith.extui %gt3A : i1 to i32
        %cond3A_133 = arith.constant 0 : i32
        %cond3A_134 = arith.cmpi ne, %convert_element_type3A_132, %cond3A_133 : i32
        scf.if %cond3A_134 {
          %dma_wait3A_356 = arith.constant 0 : i32
          %dma_wait3A_357 = arith.constant 0 : i32
          %dma_wait3A_358 = arith.constant 0 : i32
          %dma_wait3A_359 = tpu.memref_slice %arg7[%dma_wait3A_356, %dma_wait3A_358] : memref<4x2048xf32, #tpu.memory_space<vmem>> -> memref<1x2048xf32, #tpu.memory_space<vmem>>
          %dma_wait3A_360 = tpu.memref_squeeze %dma_wait3A_359 : memref<1x2048xf32, #tpu.memory_space<vmem>> -> memref<2048xf32, #tpu.memory_space<vmem>>
          %dma_wait3A_361 = arith.constant 0 : i32
          %dma_wait3A_362 = tpu.memref_slice %arg4[%add3A_126, %dma_wait3A_361] : memref<832x16384xf32, #tpu.memory_space<hbm>> -> memref<1x2048xf32, #tpu.memory_space<hbm>>
          %dma_wait3A_363 = tpu.memref_squeeze %dma_wait3A_362 : memref<1x2048xf32, #tpu.memory_space<hbm>> -> memref<2048xf32, #tpu.memory_space<hbm>>
          %dma_wait3A_364 = tpu.memref_slice %arg9[%dma_wait3A_357] : memref<4x!tpu.dma_semaphore, #tpu.memory_space<semaphore_mem>> -> memref<1x!tpu.dma_semaphore, #tpu.memory_space<semaphore_mem>>
          %dma_wait3A_365 = tpu.memref_squeeze %dma_wait3A_364 : memref<1x!tpu.dma_semaphore, #tpu.memory_space<semaphore_mem>> -> memref<!tpu.dma_semaphore, #tpu.memory_space<semaphore_mem>>
          %dma_wait3A_366 = arith.constant 0 : i32
          %dma_wait3A_367 = tpu.memref_slice %arg4[%add3A_126, %dma_wait3A_366] : memref<832x16384xf32, #tpu.memory_space<hbm>> -> memref<1x2048xf32, #tpu.memory_space<hbm>>
          %dma_wait3A_368 = tpu.memref_squeeze %dma_wait3A_367 : memref<1x2048xf32, #tpu.memory_space<hbm>> -> memref<2048xf32, #tpu.memory_space<hbm>>
          %dma_wait3A_369 = arith.constant 0 : i32
          %dma_wait3A_370 = tpu.memref_slice %arg7[%dma_wait3A_356, %dma_wait3A_369] : memref<4x2048xf32, #tpu.memory_space<vmem>> -> memref<1x2048xf32, #tpu.memory_space<vmem>>
          %dma_wait3A_371 = tpu.memref_squeeze %dma_wait3A_370 : memref<1x2048xf32, #tpu.memory_space<vmem>> -> memref<2048xf32, #tpu.memory_space<vmem>>
          tpu.wait_dma2 semaphore(%dma_wait3A_365 : memref<!tpu.dma_semaphore, #tpu.memory_space<semaphore_mem>>) src(%dma_wait3A_371 : memref<2048xf32, #tpu.memory_space<vmem>>) dst(%dma_wait3A_368 : memref<2048xf32, #tpu.memory_space<hbm>>)
          %dma_wait3A_372 = arith.constant 1 : i32
          %dma_wait3A_373 = arith.constant 1 : i32
          %dma_wait3A_374 = arith.constant 0 : i32
          %dma_wait3A_375 = tpu.memref_slice %arg7[%dma_wait3A_372, %dma_wait3A_374] : memref<4x2048xf32, #tpu.memory_space<vmem>> -> memref<1x2048xf32, #tpu.memory_space<vmem>>
          %dma_wait3A_376 = tpu.memref_squeeze %dma_wait3A_375 : memref<1x2048xf32, #tpu.memory_space<vmem>> -> memref<2048xf32, #tpu.memory_space<vmem>>
          %dma_wait3A_377 = arith.constant 0 : i32
          %dma_wait3A_378 = tpu.memref_slice %arg4[%add3A_126, %dma_wait3A_377] : memref<832x16384xf32, #tpu.memory_space<hbm>> -> memref<1x2048xf32, #tpu.memory_space<hbm>>
          %dma_wait3A_379 = tpu.memref_squeeze %dma_wait3A_378 : memref<1x2048xf32, #tpu.memory_space<hbm>> -> memref<2048xf32, #tpu.memory_space<hbm>>
          %dma_wait3A_380 = tpu.memref_slice %arg9[%dma_wait3A_373] : memref<4x!tpu.dma_semaphore, #tpu.memory_space<semaphore_mem>> -> memref<1x!tpu.dma_semaphore, #tpu.memory_space<semaphore_mem>>
          %dma_wait3A_381 = tpu.memref_squeeze %dma_wait3A_380 : memref<1x!tpu.dma_semaphore, #tpu.memory_space<semaphore_mem>> -> memref<!tpu.dma_semaphore, #tpu.memory_space<semaphore_mem>>
          %dma_wait3A_382 = arith.constant 0 : i32
          %dma_wait3A_383 = tpu.memref_slice %arg4[%add3A_126, %dma_wait3A_382] : memref<832x16384xf32, #tpu.memory_space<hbm>> -> memref<1x2048xf32, #tpu.memory_space<hbm>>
          %dma_wait3A_384 = tpu.memref_squeeze %dma_wait3A_383 : memref<1x2048xf32, #tpu.memory_space<hbm>> -> memref<2048xf32, #tpu.memory_space<hbm>>
          %dma_wait3A_385 = arith.constant 0 : i32
          %dma_wait3A_386 = tpu.memref_slice %arg7[%dma_wait3A_372, %dma_wait3A_385] : memref<4x2048xf32, #tpu.memory_space<vmem>> -> memref<1x2048xf32, #tpu.memory_space<vmem>>
          %dma_wait3A_387 = tpu.memref_squeeze %dma_wait3A_386 : memref<1x2048xf32, #tpu.memory_space<vmem>> -> memref<2048xf32, #tpu.memory_space<vmem>>
          tpu.wait_dma2 semaphore(%dma_wait3A_381 : memref<!tpu.dma_semaphore, #tpu.memory_space<semaphore_mem>>) src(%dma_wait3A_387 : memref<2048xf32, #tpu.memory_space<vmem>>) dst(%dma_wait3A_384 : memref<2048xf32, #tpu.memory_space<hbm>>)
          %dma_wait3A_388 = arith.constant 2 : i32
          %dma_wait3A_389 = arith.constant 2 : i32
          %dma_wait3A_390 = arith.constant 0 : i32
          %dma_wait3A_391 = tpu.memref_slice %arg7[%dma_wait3A_388, %dma_wait3A_390] : memref<4x2048xf32, #tpu.memory_space<vmem>> -> memref<1x2048xf32, #tpu.memory_space<vmem>>
          %dma_wait3A_392 = tpu.memref_squeeze %dma_wait3A_391 : memref<1x2048xf32, #tpu.memory_space<vmem>> -> memref<2048xf32, #tpu.memory_space<vmem>>
          %dma_wait3A_393 = arith.constant 0 : i32
          %dma_wait3A_394 = tpu.memref_slice %arg4[%add3A_126, %dma_wait3A_393] : memref<832x16384xf32, #tpu.memory_space<hbm>> -> memref<1x2048xf32, #tpu.memory_space<hbm>>
          %dma_wait3A_395 = tpu.memref_squeeze %dma_wait3A_394 : memref<1x2048xf32, #tpu.memory_space<hbm>> -> memref<2048xf32, #tpu.memory_space<hbm>>
          %dma_wait3A_396 = tpu.memref_slice %arg9[%dma_wait3A_389] : memref<4x!tpu.dma_semaphore, #tpu.memory_space<semaphore_mem>> -> memref<1x!tpu.dma_semaphore, #tpu.memory_space<semaphore_mem>>
          %dma_wait3A_397 = tpu.memref_squeeze %dma_wait3A_396 : memref<1x!tpu.dma_semaphore, #tpu.memory_space<semaphore_mem>> -> memref<!tpu.dma_semaphore, #tpu.memory_space<semaphore_mem>>
          %dma_wait3A_398 = arith.constant 0 : i32
          %dma_wait3A_399 = tpu.memref_slice %arg4[%add3A_126, %dma_wait3A_398] : memref<832x16384xf32, #tpu.memory_space<hbm>> -> memref<1x2048xf32, #tpu.memory_space<hbm>>
          %dma_wait3A_400 = tpu.memref_squeeze %dma_wait3A_399 : memref<1x2048xf32, #tpu.memory_space<hbm>> -> memref<2048xf32, #tpu.memory_space<hbm>>
          %dma_wait3A_401 = arith.constant 0 : i32
          %dma_wait3A_402 = tpu.memref_slice %arg7[%dma_wait3A_388, %dma_wait3A_401] : memref<4x2048xf32, #tpu.memory_space<vmem>> -> memref<1x2048xf32, #tpu.memory_space<vmem>>
          %dma_wait3A_403 = tpu.memref_squeeze %dma_wait3A_402 : memref<1x2048xf32, #tpu.memory_space<vmem>> -> memref<2048xf32, #tpu.memory_space<vmem>>
          tpu.wait_dma2 semaphore(%dma_wait3A_397 : memref<!tpu.dma_semaphore, #tpu.memory_space<semaphore_mem>>) src(%dma_wait3A_403 : memref<2048xf32, #tpu.memory_space<vmem>>) dst(%dma_wait3A_400 : memref<2048xf32, #tpu.memory_space<hbm>>)
          %dma_wait3A_404 = arith.constant 3 : i32
          %dma_wait3A_405 = arith.constant 3 : i32
          %dma_wait3A_406 = arith.constant 0 : i32
          %dma_wait3A_407 = tpu.memref_slice %arg7[%dma_wait3A_404, %dma_wait3A_406] : memref<4x2048xf32, #tpu.memory_space<vmem>> -> memref<1x2048xf32, #tpu.memory_space<vmem>>
          %dma_wait3A_408 = tpu.memref_squeeze %dma_wait3A_407 : memref<1x2048xf32, #tpu.memory_space<vmem>> -> memref<2048xf32, #tpu.memory_space<vmem>>
          %dma_wait3A_409 = arith.constant 0 : i32
          %dma_wait3A_410 = tpu.memref_slice %arg4[%add3A_126, %dma_wait3A_409] : memref<832x16384xf32, #tpu.memory_space<hbm>> -> memref<1x2048xf32, #tpu.memory_space<hbm>>
          %dma_wait3A_411 = tpu.memref_squeeze %dma_wait3A_410 : memref<1x2048xf32, #tpu.memory_space<hbm>> -> memref<2048xf32, #tpu.memory_space<hbm>>
          %dma_wait3A_412 = tpu.memref_slice %arg9[%dma_wait3A_405] : memref<4x!tpu.dma_semaphore, #tpu.memory_space<semaphore_mem>> -> memref<1x!tpu.dma_semaphore, #tpu.memory_space<semaphore_mem>>
          %dma_wait3A_413 = tpu.memref_squeeze %dma_wait3A_412 : memref<1x!tpu.dma_semaphore, #tpu.memory_space<semaphore_mem>> -> memref<!tpu.dma_semaphore, #tpu.memory_space<semaphore_mem>>
          %dma_wait3A_414 = arith.constant 0 : i32
          %dma_wait3A_415 = tpu.memref_slice %arg4[%add3A_126, %dma_wait3A_414] : memref<832x16384xf32, #tpu.memory_space<hbm>> -> memref<1x2048xf32, #tpu.memory_space<hbm>>
          %dma_wait3A_416 = tpu.memref_squeeze %dma_wait3A_415 : memref<1x2048xf32, #tpu.memory_space<hbm>> -> memref<2048xf32, #tpu.memory_space<hbm>>
          %dma_wait3A_417 = arith.constant 0 : i32
          %dma_wait3A_418 = tpu.memref_slice %arg7[%dma_wait3A_404, %dma_wait3A_417] : memref<4x2048xf32, #tpu.memory_space<vmem>> -> memref<1x2048xf32, #tpu.memory_space<vmem>>
          %dma_wait3A_419 = tpu.memref_squeeze %dma_wait3A_418 : memref<1x2048xf32, #tpu.memory_space<vmem>> -> memref<2048xf32, #tpu.memory_space<vmem>>
          tpu.wait_dma2 semaphore(%dma_wait3A_413 : memref<!tpu.dma_semaphore, #tpu.memory_space<semaphore_mem>>) src(%dma_wait3A_419 : memref<2048xf32, #tpu.memory_space<vmem>>) dst(%dma_wait3A_416 : memref<2048xf32, #tpu.memory_space<hbm>>)
        } else {
        }
        %dma_wait3A_135 = arith.constant 0 : i32
        %dma_wait3A_136 = tpu.memref_slice %arg2[%add3A_126, %dma_wait3A_135] : memref<832x100001xf32, #tpu.memory_space<hbm>> -> memref<1x100001xf32, #tpu.memory_space<hbm>>
        %dma_wait3A_137 = tpu.memref_squeeze %dma_wait3A_136 : memref<1x100001xf32, #tpu.memory_space<hbm>> -> memref<100001xf32, #tpu.memory_space<hbm>>
        %dma_wait3A_138 = arith.constant 0 : i32
        %dma_wait3A_139 = tpu.memref_slice %arg2[%add3A_126, %dma_wait3A_138] : memref<832x100001xf32, #tpu.memory_space<hbm>> -> memref<1x100001xf32, #tpu.memory_space<hbm>>
        %dma_wait3A_140 = tpu.memref_squeeze %dma_wait3A_139 : memref<1x100001xf32, #tpu.memory_space<hbm>> -> memref<100001xf32, #tpu.memory_space<hbm>>
        tpu.wait_dma2 semaphore(%arg8 : memref<!tpu.dma_semaphore, #tpu.memory_space<semaphore_mem>>) src(%dma_wait3A_140 : memref<100001xf32, #tpu.memory_space<hbm>>) dst(%arg5 : memref<100001xf32, #tpu.memory_space<vmem>>)
        %parallel_loop3A = arith.constant 0 : i32
        %parallel_loop3A_141 = arith.constant 128 : i32
        %parallel_loop3A_142 = arith.constant 1 : i32
        scf.for %parallel_loop3A_356 = %parallel_loop3A to %parallel_loop3A_141 step %parallel_loop3A_142  : i32 {
          %parallel_loop3A_357 = arith.constant 16 : i32
          %parallel_loop3A_358 = arith.muli %parallel_loop3A_356, %parallel_loop3A_357 : i32
          %parallel_loop3A_359 = arith.constant 0 : i32
          %parallel_loop3A_360 = arith.addi %parallel_loop3A_359, %parallel_loop3A_358 : i32
          %parallel_loop3A_361 = arith.index_cast %parallel_loop3A_360 : i32 to index
          %parallel_loop3A_362 = tpu.vector_load %arg6[%parallel_loop3A_361] {strides = array<i32>} : memref<16384xi32, #tpu.memory_space<vmem>>, vector<16xi32>,
          %parallel_loop3A_363 = tpu.vector_load_idx %arg5[%parallel_loop3A_362] : memref<100001xf32, #tpu.memory_space<vmem>>[vector<16xi32>], vector<16xf32>,
          %parallel_loop3A_364 = arith.constant 0 : i32
          %parallel_loop3A_365 = arith.index_cast %parallel_loop3A_364 : i32 to index
          %parallel_loop3A_366 = arith.index_cast %parallel_loop3A_358 : i32 to index
          %parallel_loop3A_367 = tpu.vector_load %arg7[%parallel_loop3A_365, %parallel_loop3A_366] {strides = array<i32>} : memref<4x2048xf32, #tpu.memory_space<vmem>>, vector<16xf32>,
          tpu.vector_store %arg7[%parallel_loop3A_365, %parallel_loop3A_366], %parallel_loop3A_363 {strides = array<i32>} : memref<4x2048xf32, #tpu.memory_space<vmem>>, vector<16xf32>,
        } {sc.loop_unroll_factor = 16 : i64, sc.parallel_access}
        %dma_start3A_143 = arith.constant 0 : i32
        %dma_start3A_144 = arith.constant 0 : i32
        %dma_start3A_145 = arith.constant 0 : i32
        %dma_start3A_146 = tpu.memref_slice %arg7[%dma_start3A_143, %dma_start3A_145] : memref<4x2048xf32, #tpu.memory_space<vmem>> -> memref<1x2048xf32, #tpu.memory_space<vmem>>
        %dma_start3A_147 = tpu.memref_squeeze %dma_start3A_146 : memref<1x2048xf32, #tpu.memory_space<vmem>> -> memref<2048xf32, #tpu.memory_space<vmem>>
        %dma_start3A_148 = arith.constant 0 : i32
        %dma_start3A_149 = tpu.memref_slice %arg4[%add3A_126, %dma_start3A_148] : memref<832x16384xf32, #tpu.memory_space<hbm>> -> memref<1x2048xf32, #tpu.memory_space<hbm>>
        %dma_start3A_150 = tpu.memref_squeeze %dma_start3A_149 : memref<1x2048xf32, #tpu.memory_space<hbm>> -> memref<2048xf32, #tpu.memory_space<hbm>>
        %dma_start3A_151 = tpu.memref_slice %arg9[%dma_start3A_144] : memref<4x!tpu.dma_semaphore, #tpu.memory_space<semaphore_mem>> -> memref<1x!tpu.dma_semaphore, #tpu.memory_space<semaphore_mem>>
        %dma_start3A_152 = tpu.memref_squeeze %dma_start3A_151 : memref<1x!tpu.dma_semaphore, #tpu.memory_space<semaphore_mem>> -> memref<!tpu.dma_semaphore, #tpu.memory_space<semaphore_mem>>
        %dma_start3A_153 = arith.constant 0 : i32
        %dma_start3A_154 = tpu.memref_slice %arg4[%add3A_126, %dma_start3A_153] : memref<832x16384xf32, #tpu.memory_space<hbm>> -> memref<1x2048xf32, #tpu.memory_space<hbm>>
        %dma_start3A_155 = tpu.memref_squeeze %dma_start3A_154 : memref<1x2048xf32, #tpu.memory_space<hbm>> -> memref<2048xf32, #tpu.memory_space<hbm>>
        %dma_start3A_156 = arith.constant 0 : i32
        %dma_start3A_157 = tpu.memref_slice %arg7[%dma_start3A_143, %dma_start3A_156] : memref<4x2048xf32, #tpu.memory_space<vmem>> -> memref<1x2048xf32, #tpu.memory_space<vmem>>
        %dma_start3A_158 = tpu.memref_squeeze %dma_start3A_157 : memref<1x2048xf32, #tpu.memory_space<vmem>> -> memref<2048xf32, #tpu.memory_space<vmem>>
        tpu.enqueue_dma source(%dma_start3A_158 : memref<2048xf32, #tpu.memory_space<vmem>>) target(%dma_start3A_155 : memref<2048xf32, #tpu.memory_space<hbm>>) target_semaphore(%dma_start3A_152 : memref<!tpu.dma_semaphore, #tpu.memory_space<semaphore_mem>>)
        %parallel_loop3A_159 = arith.constant 0 : i32
        %parallel_loop3A_160 = arith.constant 128 : i32
        %parallel_loop3A_161 = arith.constant 1 : i32
        scf.for %parallel_loop3A_356 = %parallel_loop3A_159 to %parallel_loop3A_160 step %parallel_loop3A_161  : i32 {
          %parallel_loop3A_357 = arith.constant 16 : i32
          %parallel_loop3A_358 = arith.muli %parallel_loop3A_356, %parallel_loop3A_357 : i32
          %parallel_loop3A_359 = arith.constant 2048 : i32
          %parallel_loop3A_360 = arith.addi %parallel_loop3A_359, %parallel_loop3A_358 : i32
          %parallel_loop3A_361 = arith.index_cast %parallel_loop3A_360 : i32 to index
          %parallel_loop3A_362 = tpu.vector_load %arg6[%parallel_loop3A_361] {strides = array<i32>} : memref<16384xi32, #tpu.memory_space<vmem>>, vector<16xi32>,
          %parallel_loop3A_363 = tpu.vector_load_idx %arg5[%parallel_loop3A_362] : memref<100001xf32, #tpu.memory_space<vmem>>[vector<16xi32>], vector<16xf32>,
          %parallel_loop3A_364 = arith.constant 1 : i32
          %parallel_loop3A_365 = arith.index_cast %parallel_loop3A_364 : i32 to index
          %parallel_loop3A_366 = arith.index_cast %parallel_loop3A_358 : i32 to index
          %parallel_loop3A_367 = tpu.vector_load %arg7[%parallel_loop3A_365, %parallel_loop3A_366] {strides = array<i32>} : memref<4x2048xf32, #tpu.memory_space<vmem>>, vector<16xf32>,
          tpu.vector_store %arg7[%parallel_loop3A_365, %parallel_loop3A_366], %parallel_loop3A_363 {strides = array<i32>} : memref<4x2048xf32, #tpu.memory_space<vmem>>, vector<16xf32>,
        } {sc.loop_unroll_factor = 16 : i64, sc.parallel_access}
        %dma_start3A_162 = arith.constant 1 : i32
        %dma_start3A_163 = arith.constant 1 : i32
        %dma_start3A_164 = arith.constant 0 : i32
        %dma_start3A_165 = tpu.memref_slice %arg7[%dma_start3A_162, %dma_start3A_164] : memref<4x2048xf32, #tpu.memory_space<vmem>> -> memref<1x2048xf32, #tpu.memory_space<vmem>>
        %dma_start3A_166 = tpu.memref_squeeze %dma_start3A_165 : memref<1x2048xf32, #tpu.memory_space<vmem>> -> memref<2048xf32, #tpu.memory_space<vmem>>
        %dma_start3A_167 = arith.constant 2048 : i32
        %dma_start3A_168 = tpu.memref_slice %arg4[%add3A_126, %dma_start3A_167] : memref<832x16384xf32, #tpu.memory_space<hbm>> -> memref<1x2048xf32, #tpu.memory_space<hbm>>
        %dma_start3A_169 = tpu.memref_squeeze %dma_start3A_168 : memref<1x2048xf32, #tpu.memory_space<hbm>> -> memref<2048xf32, #tpu.memory_space<hbm>>
        %dma_start3A_170 = tpu.memref_slice %arg9[%dma_start3A_163] : memref<4x!tpu.dma_semaphore, #tpu.memory_space<semaphore_mem>> -> memref<1x!tpu.dma_semaphore, #tpu.memory_space<semaphore_mem>>
        %dma_start3A_171 = tpu.memref_squeeze %dma_start3A_170 : memref<1x!tpu.dma_semaphore, #tpu.memory_space<semaphore_mem>> -> memref<!tpu.dma_semaphore, #tpu.memory_space<semaphore_mem>>
        %dma_start3A_172 = arith.constant 2048 : i32
        %dma_start3A_173 = tpu.memref_slice %arg4[%add3A_126, %dma_start3A_172] : memref<832x16384xf32, #tpu.memory_space<hbm>> -> memref<1x2048xf32, #tpu.memory_space<hbm>>
        %dma_start3A_174 = tpu.memref_squeeze %dma_start3A_173 : memref<1x2048xf32, #tpu.memory_space<hbm>> -> memref<2048xf32, #tpu.memory_space<hbm>>
        %dma_start3A_175 = arith.constant 0 : i32
        %dma_start3A_176 = tpu.memref_slice %arg7[%dma_start3A_162, %dma_start3A_175] : memref<4x2048xf32, #tpu.memory_space<vmem>> -> memref<1x2048xf32, #tpu.memory_space<vmem>>
        %dma_start3A_177 = tpu.memref_squeeze %dma_start3A_176 : memref<1x2048xf32, #tpu.memory_space<vmem>> -> memref<2048xf32, #tpu.memory_space<vmem>>
        tpu.enqueue_dma source(%dma_start3A_177 : memref<2048xf32, #tpu.memory_space<vmem>>) target(%dma_start3A_174 : memref<2048xf32, #tpu.memory_space<hbm>>) target_semaphore(%dma_start3A_171 : memref<!tpu.dma_semaphore, #tpu.memory_space<semaphore_mem>>)
        %parallel_loop3A_178 = arith.constant 0 : i32
        %parallel_loop3A_179 = arith.constant 128 : i32
        %parallel_loop3A_180 = arith.constant 1 : i32
        scf.for %parallel_loop3A_356 = %parallel_loop3A_178 to %parallel_loop3A_179 step %parallel_loop3A_180  : i32 {
          %parallel_loop3A_357 = arith.constant 16 : i32
          %parallel_loop3A_358 = arith.muli %parallel_loop3A_356, %parallel_loop3A_357 : i32
          %parallel_loop3A_359 = arith.constant 4096 : i32
          %parallel_loop3A_360 = arith.addi %parallel_loop3A_359, %parallel_loop3A_358 : i32
          %parallel_loop3A_361 = arith.index_cast %parallel_loop3A_360 : i32 to index
          %parallel_loop3A_362 = tpu.vector_load %arg6[%parallel_loop3A_361] {strides = array<i32>} : memref<16384xi32, #tpu.memory_space<vmem>>, vector<16xi32>,
          %parallel_loop3A_363 = tpu.vector_load_idx %arg5[%parallel_loop3A_362] : memref<100001xf32, #tpu.memory_space<vmem>>[vector<16xi32>], vector<16xf32>,
          %parallel_loop3A_364 = arith.constant 2 : i32
          %parallel_loop3A_365 = arith.index_cast %parallel_loop3A_364 : i32 to index
          %parallel_loop3A_366 = arith.index_cast %parallel_loop3A_358 : i32 to index
          %parallel_loop3A_367 = tpu.vector_load %arg7[%parallel_loop3A_365, %parallel_loop3A_366] {strides = array<i32>} : memref<4x2048xf32, #tpu.memory_space<vmem>>, vector<16xf32>,
          tpu.vector_store %arg7[%parallel_loop3A_365, %parallel_loop3A_366], %parallel_loop3A_363 {strides = array<i32>} : memref<4x2048xf32, #tpu.memory_space<vmem>>, vector<16xf32>,
        } {sc.loop_unroll_factor = 16 : i64, sc.parallel_access}
        %dma_start3A_181 = arith.constant 2 : i32
        %dma_start3A_182 = arith.constant 2 : i32
        %dma_start3A_183 = arith.constant 0 : i32
        %dma_start3A_184 = tpu.memref_slice %arg7[%dma_start3A_181, %dma_start3A_183] : memref<4x2048xf32, #tpu.memory_space<vmem>> -> memref<1x2048xf32, #tpu.memory_space<vmem>>
        %dma_start3A_185 = tpu.memref_squeeze %dma_start3A_184 : memref<1x2048xf32, #tpu.memory_space<vmem>> -> memref<2048xf32, #tpu.memory_space<vmem>>
        %dma_start3A_186 = arith.constant 4096 : i32
        %dma_start3A_187 = tpu.memref_slice %arg4[%add3A_126, %dma_start3A_186] : memref<832x16384xf32, #tpu.memory_space<hbm>> -> memref<1x2048xf32, #tpu.memory_space<hbm>>
        %dma_start3A_188 = tpu.memref_squeeze %dma_start3A_187 : memref<1x2048xf32, #tpu.memory_space<hbm>> -> memref<2048xf32, #tpu.memory_space<hbm>>
        %dma_start3A_189 = tpu.memref_slice %arg9[%dma_start3A_182] : memref<4x!tpu.dma_semaphore, #tpu.memory_space<semaphore_mem>> -> memref<1x!tpu.dma_semaphore, #tpu.memory_space<semaphore_mem>>
        %dma_start3A_190 = tpu.memref_squeeze %dma_start3A_189 : memref<1x!tpu.dma_semaphore, #tpu.memory_space<semaphore_mem>> -> memref<!tpu.dma_semaphore, #tpu.memory_space<semaphore_mem>>
        %dma_start3A_191 = arith.constant 4096 : i32
        %dma_start3A_192 = tpu.memref_slice %arg4[%add3A_126, %dma_start3A_191] : memref<832x16384xf32, #tpu.memory_space<hbm>> -> memref<1x2048xf32, #tpu.memory_space<hbm>>
        %dma_start3A_193 = tpu.memref_squeeze %dma_start3A_192 : memref<1x2048xf32, #tpu.memory_space<hbm>> -> memref<2048xf32, #tpu.memory_space<hbm>>
        %dma_start3A_194 = arith.constant 0 : i32
        %dma_start3A_195 = tpu.memref_slice %arg7[%dma_start3A_181, %dma_start3A_194] : memref<4x2048xf32, #tpu.memory_space<vmem>> -> memref<1x2048xf32, #tpu.memory_space<vmem>>
        %dma_start3A_196 = tpu.memref_squeeze %dma_start3A_195 : memref<1x2048xf32, #tpu.memory_space<vmem>> -> memref<2048xf32, #tpu.memory_space<vmem>>
        tpu.enqueue_dma source(%dma_start3A_196 : memref<2048xf32, #tpu.memory_space<vmem>>) target(%dma_start3A_193 : memref<2048xf32, #tpu.memory_space<hbm>>) target_semaphore(%dma_start3A_190 : memref<!tpu.dma_semaphore, #tpu.memory_space<semaphore_mem>>)
        %parallel_loop3A_197 = arith.constant 0 : i32
        %parallel_loop3A_198 = arith.constant 128 : i32
        %parallel_loop3A_199 = arith.constant 1 : i32
        scf.for %parallel_loop3A_356 = %parallel_loop3A_197 to %parallel_loop3A_198 step %parallel_loop3A_199  : i32 {
          %parallel_loop3A_357 = arith.constant 16 : i32
          %parallel_loop3A_358 = arith.muli %parallel_loop3A_356, %parallel_loop3A_357 : i32
          %parallel_loop3A_359 = arith.constant 6144 : i32
          %parallel_loop3A_360 = arith.addi %parallel_loop3A_359, %parallel_loop3A_358 : i32
          %parallel_loop3A_361 = arith.index_cast %parallel_loop3A_360 : i32 to index
          %parallel_loop3A_362 = tpu.vector_load %arg6[%parallel_loop3A_361] {strides = array<i32>} : memref<16384xi32, #tpu.memory_space<vmem>>, vector<16xi32>,
          %parallel_loop3A_363 = tpu.vector_load_idx %arg5[%parallel_loop3A_362] : memref<100001xf32, #tpu.memory_space<vmem>>[vector<16xi32>], vector<16xf32>,
          %parallel_loop3A_364 = arith.constant 3 : i32
          %parallel_loop3A_365 = arith.index_cast %parallel_loop3A_364 : i32 to index
          %parallel_loop3A_366 = arith.index_cast %parallel_loop3A_358 : i32 to index
          %parallel_loop3A_367 = tpu.vector_load %arg7[%parallel_loop3A_365, %parallel_loop3A_366] {strides = array<i32>} : memref<4x2048xf32, #tpu.memory_space<vmem>>, vector<16xf32>,
          tpu.vector_store %arg7[%parallel_loop3A_365, %parallel_loop3A_366], %parallel_loop3A_363 {strides = array<i32>} : memref<4x2048xf32, #tpu.memory_space<vmem>>, vector<16xf32>,
        } {sc.loop_unroll_factor = 16 : i64, sc.parallel_access}
        %dma_start3A_200 = arith.constant 3 : i32
        %dma_start3A_201 = arith.constant 3 : i32
        %dma_start3A_202 = arith.constant 0 : i32
        %dma_start3A_203 = tpu.memref_slice %arg7[%dma_start3A_200, %dma_start3A_202] : memref<4x2048xf32, #tpu.memory_space<vmem>> -> memref<1x2048xf32, #tpu.memory_space<vmem>>
        %dma_start3A_204 = tpu.memref_squeeze %dma_start3A_203 : memref<1x2048xf32, #tpu.memory_space<vmem>> -> memref<2048xf32, #tpu.memory_space<vmem>>
        %dma_start3A_205 = arith.constant 6144 : i32
        %dma_start3A_206 = tpu.memref_slice %arg4[%add3A_126, %dma_start3A_205] : memref<832x16384xf32, #tpu.memory_space<hbm>> -> memref<1x2048xf32, #tpu.memory_space<hbm>>
        %dma_start3A_207 = tpu.memref_squeeze %dma_start3A_206 : memref<1x2048xf32, #tpu.memory_space<hbm>> -> memref<2048xf32, #tpu.memory_space<hbm>>
        %dma_start3A_208 = tpu.memref_slice %arg9[%dma_start3A_201] : memref<4x!tpu.dma_semaphore, #tpu.memory_space<semaphore_mem>> -> memref<1x!tpu.dma_semaphore, #tpu.memory_space<semaphore_mem>>
        %dma_start3A_209 = tpu.memref_squeeze %dma_start3A_208 : memref<1x!tpu.dma_semaphore, #tpu.memory_space<semaphore_mem>> -> memref<!tpu.dma_semaphore, #tpu.memory_space<semaphore_mem>>
        %dma_start3A_210 = arith.constant 6144 : i32
        %dma_start3A_211 = tpu.memref_slice %arg4[%add3A_126, %dma_start3A_210] : memref<832x16384xf32, #tpu.memory_space<hbm>> -> memref<1x2048xf32, #tpu.memory_space<hbm>>
        %dma_start3A_212 = tpu.memref_squeeze %dma_start3A_211 : memref<1x2048xf32, #tpu.memory_space<hbm>> -> memref<2048xf32, #tpu.memory_space<hbm>>
        %dma_start3A_213 = arith.constant 0 : i32
        %dma_start3A_214 = tpu.memref_slice %arg7[%dma_start3A_200, %dma_start3A_213] : memref<4x2048xf32, #tpu.memory_space<vmem>> -> memref<1x2048xf32, #tpu.memory_space<vmem>>
        %dma_start3A_215 = tpu.memref_squeeze %dma_start3A_214 : memref<1x2048xf32, #tpu.memory_space<vmem>> -> memref<2048xf32, #tpu.memory_space<vmem>>
        tpu.enqueue_dma source(%dma_start3A_215 : memref<2048xf32, #tpu.memory_space<vmem>>) target(%dma_start3A_212 : memref<2048xf32, #tpu.memory_space<hbm>>) target_semaphore(%dma_start3A_209 : memref<!tpu.dma_semaphore, #tpu.memory_space<semaphore_mem>>)
        %dma_wait3A_216 = arith.constant 0 : i32
        %dma_wait3A_217 = arith.constant 0 : i32
        %dma_wait3A_218 = arith.constant 0 : i32
        %dma_wait3A_219 = tpu.memref_slice %arg7[%dma_wait3A_216, %dma_wait3A_218] : memref<4x2048xf32, #tpu.memory_space<vmem>> -> memref<1x2048xf32, #tpu.memory_space<vmem>>
        %dma_wait3A_220 = tpu.memref_squeeze %dma_wait3A_219 : memref<1x2048xf32, #tpu.memory_space<vmem>> -> memref<2048xf32, #tpu.memory_space<vmem>>
        %dma_wait3A_221 = arith.constant 0 : i32
        %dma_wait3A_222 = tpu.memref_slice %arg4[%add3A_126, %dma_wait3A_221] : memref<832x16384xf32, #tpu.memory_space<hbm>> -> memref<1x2048xf32, #tpu.memory_space<hbm>>
        %dma_wait3A_223 = tpu.memref_squeeze %dma_wait3A_222 : memref<1x2048xf32, #tpu.memory_space<hbm>> -> memref<2048xf32, #tpu.memory_space<hbm>>
        %dma_wait3A_224 = tpu.memref_slice %arg9[%dma_wait3A_217] : memref<4x!tpu.dma_semaphore, #tpu.memory_space<semaphore_mem>> -> memref<1x!tpu.dma_semaphore, #tpu.memory_space<semaphore_mem>>
        %dma_wait3A_225 = tpu.memref_squeeze %dma_wait3A_224 : memref<1x!tpu.dma_semaphore, #tpu.memory_space<semaphore_mem>> -> memref<!tpu.dma_semaphore, #tpu.memory_space<semaphore_mem>>
        %dma_wait3A_226 = arith.constant 0 : i32
        %dma_wait3A_227 = tpu.memref_slice %arg4[%add3A_126, %dma_wait3A_226] : memref<832x16384xf32, #tpu.memory_space<hbm>> -> memref<1x2048xf32, #tpu.memory_space<hbm>>
        %dma_wait3A_228 = tpu.memref_squeeze %dma_wait3A_227 : memref<1x2048xf32, #tpu.memory_space<hbm>> -> memref<2048xf32, #tpu.memory_space<hbm>>
        %dma_wait3A_229 = arith.constant 0 : i32
        %dma_wait3A_230 = tpu.memref_slice %arg7[%dma_wait3A_216, %dma_wait3A_229] : memref<4x2048xf32, #tpu.memory_space<vmem>> -> memref<1x2048xf32, #tpu.memory_space<vmem>>
        %dma_wait3A_231 = tpu.memref_squeeze %dma_wait3A_230 : memref<1x2048xf32, #tpu.memory_space<vmem>> -> memref<2048xf32, #tpu.memory_space<vmem>>
        tpu.wait_dma2 semaphore(%dma_wait3A_225 : memref<!tpu.dma_semaphore, #tpu.memory_space<semaphore_mem>>) src(%dma_wait3A_231 : memref<2048xf32, #tpu.memory_space<vmem>>) dst(%dma_wait3A_228 : memref<2048xf32, #tpu.memory_space<hbm>>)
        %parallel_loop3A_232 = arith.constant 0 : i32
        %parallel_loop3A_233 = arith.constant 128 : i32
        %parallel_loop3A_234 = arith.constant 1 : i32
        scf.for %parallel_loop3A_356 = %parallel_loop3A_232 to %parallel_loop3A_233 step %parallel_loop3A_234  : i32 {
          %parallel_loop3A_357 = arith.constant 16 : i32
          %parallel_loop3A_358 = arith.muli %parallel_loop3A_356, %parallel_loop3A_357 : i32
          %parallel_loop3A_359 = arith.constant 8192 : i32
          %parallel_loop3A_360 = arith.addi %parallel_loop3A_359, %parallel_loop3A_358 : i32
          %parallel_loop3A_361 = arith.index_cast %parallel_loop3A_360 : i32 to index
          %parallel_loop3A_362 = tpu.vector_load %arg6[%parallel_loop3A_361] {strides = array<i32>} : memref<16384xi32, #tpu.memory_space<vmem>>, vector<16xi32>,
          %parallel_loop3A_363 = tpu.vector_load_idx %arg5[%parallel_loop3A_362] : memref<100001xf32, #tpu.memory_space<vmem>>[vector<16xi32>], vector<16xf32>,
          %parallel_loop3A_364 = arith.constant 0 : i32
          %parallel_loop3A_365 = arith.index_cast %parallel_loop3A_364 : i32 to index
          %parallel_loop3A_366 = arith.index_cast %parallel_loop3A_358 : i32 to index
          %parallel_loop3A_367 = tpu.vector_load %arg7[%parallel_loop3A_365, %parallel_loop3A_366] {strides = array<i32>} : memref<4x2048xf32, #tpu.memory_space<vmem>>, vector<16xf32>,
          tpu.vector_store %arg7[%parallel_loop3A_365, %parallel_loop3A_366], %parallel_loop3A_363 {strides = array<i32>} : memref<4x2048xf32, #tpu.memory_space<vmem>>, vector<16xf32>,
        } {sc.loop_unroll_factor = 16 : i64, sc.parallel_access}
        %dma_start3A_235 = arith.constant 0 : i32
        %dma_start3A_236 = arith.constant 0 : i32
        %dma_start3A_237 = arith.constant 0 : i32
        %dma_start3A_238 = tpu.memref_slice %arg7[%dma_start3A_235, %dma_start3A_237] : memref<4x2048xf32, #tpu.memory_space<vmem>> -> memref<1x2048xf32, #tpu.memory_space<vmem>>
        %dma_start3A_239 = tpu.memref_squeeze %dma_start3A_238 : memref<1x2048xf32, #tpu.memory_space<vmem>> -> memref<2048xf32, #tpu.memory_space<vmem>>
        %dma_start3A_240 = arith.constant 8192 : i32
        %dma_start3A_241 = tpu.memref_slice %arg4[%add3A_126, %dma_start3A_240] : memref<832x16384xf32, #tpu.memory_space<hbm>> -> memref<1x2048xf32, #tpu.memory_space<hbm>>
        %dma_start3A_242 = tpu.memref_squeeze %dma_start3A_241 : memref<1x2048xf32, #tpu.memory_space<hbm>> -> memref<2048xf32, #tpu.memory_space<hbm>>
        %dma_start3A_243 = tpu.memref_slice %arg9[%dma_start3A_236] : memref<4x!tpu.dma_semaphore, #tpu.memory_space<semaphore_mem>> -> memref<1x!tpu.dma_semaphore, #tpu.memory_space<semaphore_mem>>
        %dma_start3A_244 = tpu.memref_squeeze %dma_start3A_243 : memref<1x!tpu.dma_semaphore, #tpu.memory_space<semaphore_mem>> -> memref<!tpu.dma_semaphore, #tpu.memory_space<semaphore_mem>>
        %dma_start3A_245 = arith.constant 8192 : i32
        %dma_start3A_246 = tpu.memref_slice %arg4[%add3A_126, %dma_start3A_245] : memref<832x16384xf32, #tpu.memory_space<hbm>> -> memref<1x2048xf32, #tpu.memory_space<hbm>>
        %dma_start3A_247 = tpu.memref_squeeze %dma_start3A_246 : memref<1x2048xf32, #tpu.memory_space<hbm>> -> memref<2048xf32, #tpu.memory_space<hbm>>
        %dma_start3A_248 = arith.constant 0 : i32
        %dma_start3A_249 = tpu.memref_slice %arg7[%dma_start3A_235, %dma_start3A_248] : memref<4x2048xf32, #tpu.memory_space<vmem>> -> memref<1x2048xf32, #tpu.memory_space<vmem>>
        %dma_start3A_250 = tpu.memref_squeeze %dma_start3A_249 : memref<1x2048xf32, #tpu.memory_space<vmem>> -> memref<2048xf32, #tpu.memory_space<vmem>>
        tpu.enqueue_dma source(%dma_start3A_250 : memref<2048xf32, #tpu.memory_space<vmem>>) target(%dma_start3A_247 : memref<2048xf32, #tpu.memory_space<hbm>>) target_semaphore(%dma_start3A_244 : memref<!tpu.dma_semaphore, #tpu.memory_space<semaphore_mem>>)
        %dma_wait3A_251 = arith.constant 1 : i32
        %dma_wait3A_252 = arith.constant 1 : i32
        %dma_wait3A_253 = arith.constant 0 : i32
        %dma_wait3A_254 = tpu.memref_slice %arg7[%dma_wait3A_251, %dma_wait3A_253] : memref<4x2048xf32, #tpu.memory_space<vmem>> -> memref<1x2048xf32, #tpu.memory_space<vmem>>
        %dma_wait3A_255 = tpu.memref_squeeze %dma_wait3A_254 : memref<1x2048xf32, #tpu.memory_space<vmem>> -> memref<2048xf32, #tpu.memory_space<vmem>>
        %dma_wait3A_256 = arith.constant 0 : i32
        %dma_wait3A_257 = tpu.memref_slice %arg4[%add3A_126, %dma_wait3A_256] : memref<832x16384xf32, #tpu.memory_space<hbm>> -> memref<1x2048xf32, #tpu.memory_space<hbm>>
        %dma_wait3A_258 = tpu.memref_squeeze %dma_wait3A_257 : memref<1x2048xf32, #tpu.memory_space<hbm>> -> memref<2048xf32, #tpu.memory_space<hbm>>
        %dma_wait3A_259 = tpu.memref_slice %arg9[%dma_wait3A_252] : memref<4x!tpu.dma_semaphore, #tpu.memory_space<semaphore_mem>> -> memref<1x!tpu.dma_semaphore, #tpu.memory_space<semaphore_mem>>
        %dma_wait3A_260 = tpu.memref_squeeze %dma_wait3A_259 : memref<1x!tpu.dma_semaphore, #tpu.memory_space<semaphore_mem>> -> memref<!tpu.dma_semaphore, #tpu.memory_space<semaphore_mem>>
        %dma_wait3A_261 = arith.constant 0 : i32
        %dma_wait3A_262 = tpu.memref_slice %arg4[%add3A_126, %dma_wait3A_261] : memref<832x16384xf32, #tpu.memory_space<hbm>> -> memref<1x2048xf32, #tpu.memory_space<hbm>>
        %dma_wait3A_263 = tpu.memref_squeeze %dma_wait3A_262 : memref<1x2048xf32, #tpu.memory_space<hbm>> -> memref<2048xf32, #tpu.memory_space<hbm>>
        %dma_wait3A_264 = arith.constant 0 : i32
        %dma_wait3A_265 = tpu.memref_slice %arg7[%dma_wait3A_251, %dma_wait3A_264] : memref<4x2048xf32, #tpu.memory_space<vmem>> -> memref<1x2048xf32, #tpu.memory_space<vmem>>
        %dma_wait3A_266 = tpu.memref_squeeze %dma_wait3A_265 : memref<1x2048xf32, #tpu.memory_space<vmem>> -> memref<2048xf32, #tpu.memory_space<vmem>>
        tpu.wait_dma2 semaphore(%dma_wait3A_260 : memref<!tpu.dma_semaphore, #tpu.memory_space<semaphore_mem>>) src(%dma_wait3A_266 : memref<2048xf32, #tpu.memory_space<vmem>>) dst(%dma_wait3A_263 : memref<2048xf32, #tpu.memory_space<hbm>>)
        %parallel_loop3A_267 = arith.constant 0 : i32
        %parallel_loop3A_268 = arith.constant 128 : i32
        %parallel_loop3A_269 = arith.constant 1 : i32
        scf.for %parallel_loop3A_356 = %parallel_loop3A_267 to %parallel_loop3A_268 step %parallel_loop3A_269  : i32 {
          %parallel_loop3A_357 = arith.constant 16 : i32
          %parallel_loop3A_358 = arith.muli %parallel_loop3A_356, %parallel_loop3A_357 : i32
          %parallel_loop3A_359 = arith.constant 10240 : i32
          %parallel_loop3A_360 = arith.addi %parallel_loop3A_359, %parallel_loop3A_358 : i32
          %parallel_loop3A_361 = arith.index_cast %parallel_loop3A_360 : i32 to index
          %parallel_loop3A_362 = tpu.vector_load %arg6[%parallel_loop3A_361] {strides = array<i32>} : memref<16384xi32, #tpu.memory_space<vmem>>, vector<16xi32>,
          %parallel_loop3A_363 = tpu.vector_load_idx %arg5[%parallel_loop3A_362] : memref<100001xf32, #tpu.memory_space<vmem>>[vector<16xi32>], vector<16xf32>,
          %parallel_loop3A_364 = arith.constant 1 : i32
          %parallel_loop3A_365 = arith.index_cast %parallel_loop3A_364 : i32 to index
          %parallel_loop3A_366 = arith.index_cast %parallel_loop3A_358 : i32 to index
          %parallel_loop3A_367 = tpu.vector_load %arg7[%parallel_loop3A_365, %parallel_loop3A_366] {strides = array<i32>} : memref<4x2048xf32, #tpu.memory_space<vmem>>, vector<16xf32>,
          tpu.vector_store %arg7[%parallel_loop3A_365, %parallel_loop3A_366], %parallel_loop3A_363 {strides = array<i32>} : memref<4x2048xf32, #tpu.memory_space<vmem>>, vector<16xf32>,
        } {sc.loop_unroll_factor = 16 : i64, sc.parallel_access}
        %dma_start3A_270 = arith.constant 1 : i32
        %dma_start3A_271 = arith.constant 1 : i32
        %dma_start3A_272 = arith.constant 0 : i32
        %dma_start3A_273 = tpu.memref_slice %arg7[%dma_start3A_270, %dma_start3A_272] : memref<4x2048xf32, #tpu.memory_space<vmem>> -> memref<1x2048xf32, #tpu.memory_space<vmem>>
        %dma_start3A_274 = tpu.memref_squeeze %dma_start3A_273 : memref<1x2048xf32, #tpu.memory_space<vmem>> -> memref<2048xf32, #tpu.memory_space<vmem>>
        %dma_start3A_275 = arith.constant 10240 : i32
        %dma_start3A_276 = tpu.memref_slice %arg4[%add3A_126, %dma_start3A_275] : memref<832x16384xf32, #tpu.memory_space<hbm>> -> memref<1x2048xf32, #tpu.memory_space<hbm>>
        %dma_start3A_277 = tpu.memref_squeeze %dma_start3A_276 : memref<1x2048xf32, #tpu.memory_space<hbm>> -> memref<2048xf32, #tpu.memory_space<hbm>>
        %dma_start3A_278 = tpu.memref_slice %arg9[%dma_start3A_271] : memref<4x!tpu.dma_semaphore, #tpu.memory_space<semaphore_mem>> -> memref<1x!tpu.dma_semaphore, #tpu.memory_space<semaphore_mem>>
        %dma_start3A_279 = tpu.memref_squeeze %dma_start3A_278 : memref<1x!tpu.dma_semaphore, #tpu.memory_space<semaphore_mem>> -> memref<!tpu.dma_semaphore, #tpu.memory_space<semaphore_mem>>
        %dma_start3A_280 = arith.constant 10240 : i32
        %dma_start3A_281 = tpu.memref_slice %arg4[%add3A_126, %dma_start3A_280] : memref<832x16384xf32, #tpu.memory_space<hbm>> -> memref<1x2048xf32, #tpu.memory_space<hbm>>
        %dma_start3A_282 = tpu.memref_squeeze %dma_start3A_281 : memref<1x2048xf32, #tpu.memory_space<hbm>> -> memref<2048xf32, #tpu.memory_space<hbm>>
        %dma_start3A_283 = arith.constant 0 : i32
        %dma_start3A_284 = tpu.memref_slice %arg7[%dma_start3A_270, %dma_start3A_283] : memref<4x2048xf32, #tpu.memory_space<vmem>> -> memref<1x2048xf32, #tpu.memory_space<vmem>>
        %dma_start3A_285 = tpu.memref_squeeze %dma_start3A_284 : memref<1x2048xf32, #tpu.memory_space<vmem>> -> memref<2048xf32, #tpu.memory_space<vmem>>
        tpu.enqueue_dma source(%dma_start3A_285 : memref<2048xf32, #tpu.memory_space<vmem>>) target(%dma_start3A_282 : memref<2048xf32, #tpu.memory_space<hbm>>) target_semaphore(%dma_start3A_279 : memref<!tpu.dma_semaphore, #tpu.memory_space<semaphore_mem>>)
        %dma_wait3A_286 = arith.constant 2 : i32
        %dma_wait3A_287 = arith.constant 2 : i32
        %dma_wait3A_288 = arith.constant 0 : i32
        %dma_wait3A_289 = tpu.memref_slice %arg7[%dma_wait3A_286, %dma_wait3A_288] : memref<4x2048xf32, #tpu.memory_space<vmem>> -> memref<1x2048xf32, #tpu.memory_space<vmem>>
        %dma_wait3A_290 = tpu.memref_squeeze %dma_wait3A_289 : memref<1x2048xf32, #tpu.memory_space<vmem>> -> memref<2048xf32, #tpu.memory_space<vmem>>
        %dma_wait3A_291 = arith.constant 0 : i32
        %dma_wait3A_292 = tpu.memref_slice %arg4[%add3A_126, %dma_wait3A_291] : memref<832x16384xf32, #tpu.memory_space<hbm>> -> memref<1x2048xf32, #tpu.memory_space<hbm>>
        %dma_wait3A_293 = tpu.memref_squeeze %dma_wait3A_292 : memref<1x2048xf32, #tpu.memory_space<hbm>> -> memref<2048xf32, #tpu.memory_space<hbm>>
        %dma_wait3A_294 = tpu.memref_slice %arg9[%dma_wait3A_287] : memref<4x!tpu.dma_semaphore, #tpu.memory_space<semaphore_mem>> -> memref<1x!tpu.dma_semaphore, #tpu.memory_space<semaphore_mem>>
        %dma_wait3A_295 = tpu.memref_squeeze %dma_wait3A_294 : memref<1x!tpu.dma_semaphore, #tpu.memory_space<semaphore_mem>> -> memref<!tpu.dma_semaphore, #tpu.memory_space<semaphore_mem>>
        %dma_wait3A_296 = arith.constant 0 : i32
        %dma_wait3A_297 = tpu.memref_slice %arg4[%add3A_126, %dma_wait3A_296] : memref<832x16384xf32, #tpu.memory_space<hbm>> -> memref<1x2048xf32, #tpu.memory_space<hbm>>
        %dma_wait3A_298 = tpu.memref_squeeze %dma_wait3A_297 : memref<1x2048xf32, #tpu.memory_space<hbm>> -> memref<2048xf32, #tpu.memory_space<hbm>>
        %dma_wait3A_299 = arith.constant 0 : i32
        %dma_wait3A_300 = tpu.memref_slice %arg7[%dma_wait3A_286, %dma_wait3A_299] : memref<4x2048xf32, #tpu.memory_space<vmem>> -> memref<1x2048xf32, #tpu.memory_space<vmem>>
        %dma_wait3A_301 = tpu.memref_squeeze %dma_wait3A_300 : memref<1x2048xf32, #tpu.memory_space<vmem>> -> memref<2048xf32, #tpu.memory_space<vmem>>
        tpu.wait_dma2 semaphore(%dma_wait3A_295 : memref<!tpu.dma_semaphore, #tpu.memory_space<semaphore_mem>>) src(%dma_wait3A_301 : memref<2048xf32, #tpu.memory_space<vmem>>) dst(%dma_wait3A_298 : memref<2048xf32, #tpu.memory_space<hbm>>)
        %parallel_loop3A_302 = arith.constant 0 : i32
        %parallel_loop3A_303 = arith.constant 128 : i32
        %parallel_loop3A_304 = arith.constant 1 : i32
        scf.for %parallel_loop3A_356 = %parallel_loop3A_302 to %parallel_loop3A_303 step %parallel_loop3A_304  : i32 {
          %parallel_loop3A_357 = arith.constant 16 : i32
          %parallel_loop3A_358 = arith.muli %parallel_loop3A_356, %parallel_loop3A_357 : i32
          %parallel_loop3A_359 = arith.constant 12288 : i32
          %parallel_loop3A_360 = arith.addi %parallel_loop3A_359, %parallel_loop3A_358 : i32
          %parallel_loop3A_361 = arith.index_cast %parallel_loop3A_360 : i32 to index
          %parallel_loop3A_362 = tpu.vector_load %arg6[%parallel_loop3A_361] {strides = array<i32>} : memref<16384xi32, #tpu.memory_space<vmem>>, vector<16xi32>,
          %parallel_loop3A_363 = tpu.vector_load_idx %arg5[%parallel_loop3A_362] : memref<100001xf32, #tpu.memory_space<vmem>>[vector<16xi32>], vector<16xf32>,
          %parallel_loop3A_364 = arith.constant 2 : i32
          %parallel_loop3A_365 = arith.index_cast %parallel_loop3A_364 : i32 to index
          %parallel_loop3A_366 = arith.index_cast %parallel_loop3A_358 : i32 to index
          %parallel_loop3A_367 = tpu.vector_load %arg7[%parallel_loop3A_365, %parallel_loop3A_366] {strides = array<i32>} : memref<4x2048xf32, #tpu.memory_space<vmem>>, vector<16xf32>,
          tpu.vector_store %arg7[%parallel_loop3A_365, %parallel_loop3A_366], %parallel_loop3A_363 {strides = array<i32>} : memref<4x2048xf32, #tpu.memory_space<vmem>>, vector<16xf32>,
        } {sc.loop_unroll_factor = 16 : i64, sc.parallel_access}
        %dma_start3A_305 = arith.constant 2 : i32
        %dma_start3A_306 = arith.constant 2 : i32
        %dma_start3A_307 = arith.constant 0 : i32
        %dma_start3A_308 = tpu.memref_slice %arg7[%dma_start3A_305, %dma_start3A_307] : memref<4x2048xf32, #tpu.memory_space<vmem>> -> memref<1x2048xf32, #tpu.memory_space<vmem>>
        %dma_start3A_309 = tpu.memref_squeeze %dma_start3A_308 : memref<1x2048xf32, #tpu.memory_space<vmem>> -> memref<2048xf32, #tpu.memory_space<vmem>>
        %dma_start3A_310 = arith.constant 12288 : i32
        %dma_start3A_311 = tpu.memref_slice %arg4[%add3A_126, %dma_start3A_310] : memref<832x16384xf32, #tpu.memory_space<hbm>> -> memref<1x2048xf32, #tpu.memory_space<hbm>>
        %dma_start3A_312 = tpu.memref_squeeze %dma_start3A_311 : memref<1x2048xf32, #tpu.memory_space<hbm>> -> memref<2048xf32, #tpu.memory_space<hbm>>
        %dma_start3A_313 = tpu.memref_slice %arg9[%dma_start3A_306] : memref<4x!tpu.dma_semaphore, #tpu.memory_space<semaphore_mem>> -> memref<1x!tpu.dma_semaphore, #tpu.memory_space<semaphore_mem>>
        %dma_start3A_314 = tpu.memref_squeeze %dma_start3A_313 : memref<1x!tpu.dma_semaphore, #tpu.memory_space<semaphore_mem>> -> memref<!tpu.dma_semaphore, #tpu.memory_space<semaphore_mem>>
        %dma_start3A_315 = arith.constant 12288 : i32
        %dma_start3A_316 = tpu.memref_slice %arg4[%add3A_126, %dma_start3A_315] : memref<832x16384xf32, #tpu.memory_space<hbm>> -> memref<1x2048xf32, #tpu.memory_space<hbm>>
        %dma_start3A_317 = tpu.memref_squeeze %dma_start3A_316 : memref<1x2048xf32, #tpu.memory_space<hbm>> -> memref<2048xf32, #tpu.memory_space<hbm>>
        %dma_start3A_318 = arith.constant 0 : i32
        %dma_start3A_319 = tpu.memref_slice %arg7[%dma_start3A_305, %dma_start3A_318] : memref<4x2048xf32, #tpu.memory_space<vmem>> -> memref<1x2048xf32, #tpu.memory_space<vmem>>
        %dma_start3A_320 = tpu.memref_squeeze %dma_start3A_319 : memref<1x2048xf32, #tpu.memory_space<vmem>> -> memref<2048xf32, #tpu.memory_space<vmem>>
        tpu.enqueue_dma source(%dma_start3A_320 : memref<2048xf32, #tpu.memory_space<vmem>>) target(%dma_start3A_317 : memref<2048xf32, #tpu.memory_space<hbm>>) target_semaphore(%dma_start3A_314 : memref<!tpu.dma_semaphore, #tpu.memory_space<semaphore_mem>>)
        %dma_wait3A_321 = arith.constant 3 : i32
        %dma_wait3A_322 = arith.constant 3 : i32
        %dma_wait3A_323 = arith.constant 0 : i32
        %dma_wait3A_324 = tpu.memref_slice %arg7[%dma_wait3A_321, %dma_wait3A_323] : memref<4x2048xf32, #tpu.memory_space<vmem>> -> memref<1x2048xf32, #tpu.memory_space<vmem>>
        %dma_wait3A_325 = tpu.memref_squeeze %dma_wait3A_324 : memref<1x2048xf32, #tpu.memory_space<vmem>> -> memref<2048xf32, #tpu.memory_space<vmem>>
        %dma_wait3A_326 = arith.constant 0 : i32
        %dma_wait3A_327 = tpu.memref_slice %arg4[%add3A_126, %dma_wait3A_326] : memref<832x16384xf32, #tpu.memory_space<hbm>> -> memref<1x2048xf32, #tpu.memory_space<hbm>>
        %dma_wait3A_328 = tpu.memref_squeeze %dma_wait3A_327 : memref<1x2048xf32, #tpu.memory_space<hbm>> -> memref<2048xf32, #tpu.memory_space<hbm>>
        %dma_wait3A_329 = tpu.memref_slice %arg9[%dma_wait3A_322] : memref<4x!tpu.dma_semaphore, #tpu.memory_space<semaphore_mem>> -> memref<1x!tpu.dma_semaphore, #tpu.memory_space<semaphore_mem>>
        %dma_wait3A_330 = tpu.memref_squeeze %dma_wait3A_329 : memref<1x!tpu.dma_semaphore, #tpu.memory_space<semaphore_mem>> -> memref<!tpu.dma_semaphore, #tpu.memory_space<semaphore_mem>>
        %dma_wait3A_331 = arith.constant 0 : i32
        %dma_wait3A_332 = tpu.memref_slice %arg4[%add3A_126, %dma_wait3A_331] : memref<832x16384xf32, #tpu.memory_space<hbm>> -> memref<1x2048xf32, #tpu.memory_space<hbm>>
        %dma_wait3A_333 = tpu.memref_squeeze %dma_wait3A_332 : memref<1x2048xf32, #tpu.memory_space<hbm>> -> memref<2048xf32, #tpu.memory_space<hbm>>
        %dma_wait3A_334 = arith.constant 0 : i32
        %dma_wait3A_335 = tpu.memref_slice %arg7[%dma_wait3A_321, %dma_wait3A_334] : memref<4x2048xf32, #tpu.memory_space<vmem>> -> memref<1x2048xf32, #tpu.memory_space<vmem>>
        %dma_wait3A_336 = tpu.memref_squeeze %dma_wait3A_335 : memref<1x2048xf32, #tpu.memory_space<vmem>> -> memref<2048xf32, #tpu.memory_space<vmem>>
        tpu.wait_dma2 semaphore(%dma_wait3A_330 : memref<!tpu.dma_semaphore, #tpu.memory_space<semaphore_mem>>) src(%dma_wait3A_336 : memref<2048xf32, #tpu.memory_space<vmem>>) dst(%dma_wait3A_333 : memref<2048xf32, #tpu.memory_space<hbm>>)
        %parallel_loop3A_337 = arith.constant 0 : i32
        %parallel_loop3A_338 = arith.constant 128 : i32
        %parallel_loop3A_339 = arith.constant 1 : i32
        scf.for %parallel_loop3A_356 = %parallel_loop3A_337 to %parallel_loop3A_338 step %parallel_loop3A_339  : i32 {
          %parallel_loop3A_357 = arith.constant 16 : i32
          %parallel_loop3A_358 = arith.muli %parallel_loop3A_356, %parallel_loop3A_357 : i32
          %parallel_loop3A_359 = arith.constant 14336 : i32
          %parallel_loop3A_360 = arith.addi %parallel_loop3A_359, %parallel_loop3A_358 : i32
          %parallel_loop3A_361 = arith.index_cast %parallel_loop3A_360 : i32 to index
          %parallel_loop3A_362 = tpu.vector_load %arg6[%parallel_loop3A_361] {strides = array<i32>} : memref<16384xi32, #tpu.memory_space<vmem>>, vector<16xi32>,
          %parallel_loop3A_363 = tpu.vector_load_idx %arg5[%parallel_loop3A_362] : memref<100001xf32, #tpu.memory_space<vmem>>[vector<16xi32>], vector<16xf32>,
          %parallel_loop3A_364 = arith.constant 3 : i32
          %parallel_loop3A_365 = arith.index_cast %parallel_loop3A_364 : i32 to index
          %parallel_loop3A_366 = arith.index_cast %parallel_loop3A_358 : i32 to index
          %parallel_loop3A_367 = tpu.vector_load %arg7[%parallel_loop3A_365, %parallel_loop3A_366] {strides = array<i32>} : memref<4x2048xf32, #tpu.memory_space<vmem>>, vector<16xf32>,
          tpu.vector_store %arg7[%parallel_loop3A_365, %parallel_loop3A_366], %parallel_loop3A_363 {strides = array<i32>} : memref<4x2048xf32, #tpu.memory_space<vmem>>, vector<16xf32>,
        } {sc.loop_unroll_factor = 16 : i64, sc.parallel_access}
        %dma_start3A_340 = arith.constant 3 : i32
        %dma_start3A_341 = arith.constant 3 : i32
        %dma_start3A_342 = arith.constant 0 : i32
        %dma_start3A_343 = tpu.memref_slice %arg7[%dma_start3A_340, %dma_start3A_342] : memref<4x2048xf32, #tpu.memory_space<vmem>> -> memref<1x2048xf32, #tpu.memory_space<vmem>>
        %dma_start3A_344 = tpu.memref_squeeze %dma_start3A_343 : memref<1x2048xf32, #tpu.memory_space<vmem>> -> memref<2048xf32, #tpu.memory_space<vmem>>
        %dma_start3A_345 = arith.constant 14336 : i32
        %dma_start3A_346 = tpu.memref_slice %arg4[%add3A_126, %dma_start3A_345] : memref<832x16384xf32, #tpu.memory_space<hbm>> -> memref<1x2048xf32, #tpu.memory_space<hbm>>
        %dma_start3A_347 = tpu.memref_squeeze %dma_start3A_346 : memref<1x2048xf32, #tpu.memory_space<hbm>> -> memref<2048xf32, #tpu.memory_space<hbm>>
        %dma_start3A_348 = tpu.memref_slice %arg9[%dma_start3A_341] : memref<4x!tpu.dma_semaphore, #tpu.memory_space<semaphore_mem>> -> memref<1x!tpu.dma_semaphore, #tpu.memory_space<semaphore_mem>>
        %dma_start3A_349 = tpu.memref_squeeze %dma_start3A_348 : memref<1x!tpu.dma_semaphore, #tpu.memory_space<semaphore_mem>> -> memref<!tpu.dma_semaphore, #tpu.memory_space<semaphore_mem>>
        %dma_start3A_350 = arith.constant 14336 : i32
        %dma_start3A_351 = tpu.memref_slice %arg4[%add3A_126, %dma_start3A_350] : memref<832x16384xf32, #tpu.memory_space<hbm>> -> memref<1x2048xf32, #tpu.memory_space<hbm>>
        %dma_start3A_352 = tpu.memref_squeeze %dma_start3A_351 : memref<1x2048xf32, #tpu.memory_space<hbm>> -> memref<2048xf32, #tpu.memory_space<hbm>>
        %dma_start3A_353 = arith.constant 0 : i32
        %dma_start3A_354 = tpu.memref_slice %arg7[%dma_start3A_340, %dma_start3A_353] : memref<4x2048xf32, #tpu.memory_space<vmem>> -> memref<1x2048xf32, #tpu.memory_space<vmem>>
        %dma_start3A_355 = tpu.memref_squeeze %dma_start3A_354 : memref<1x2048xf32, #tpu.memory_space<vmem>> -> memref<2048xf32, #tpu.memory_space<vmem>>
        tpu.enqueue_dma source(%dma_start3A_355 : memref<2048xf32, #tpu.memory_space<vmem>>) target(%dma_start3A_352 : memref<2048xf32, #tpu.memory_space<hbm>>) target_semaphore(%dma_start3A_349 : memref<!tpu.dma_semaphore, #tpu.memory_space<semaphore_mem>>)
      }
      %while3A_123 = arith.constant 1 : i32
      scf.for %while3A_124 = %while3A_121 to %while3A_117 step %while3A_123  : i32 {
        %mul3A_125 = arith.muli %while3A_124, %while3A_114 : i32
        %add3A_126 = arith.addi %min3A, %mul3A_125 : i32
        %dma_start3A = arith.constant 0 : i32
        %dma_start3A_127 = tpu.memref_slice %arg2[%add3A_126, %dma_start3A] : memref<832x100001xf32, #tpu.memory_space<hbm>> -> memref<1x100001xf32, #tpu.memory_space<hbm>>
        %dma_start3A_128 = tpu.memref_squeeze %dma_start3A_127 : memref<1x100001xf32, #tpu.memory_space<hbm>> -> memref<100001xf32, #tpu.memory_space<hbm>>
        %dma_start3A_129 = arith.constant 0 : i32
        %dma_start3A_130 = tpu.memref_slice %arg2[%add3A_126, %dma_start3A_129] : memref<832x100001xf32, #tpu.memory_space<hbm>> -> memref<1x100001xf32, #tpu.memory_space<hbm>>
        %dma_start3A_131 = tpu.memref_squeeze %dma_start3A_130 : memref<1x100001xf32, #tpu.memory_space<hbm>> -> memref<100001xf32, #tpu.memory_space<hbm>>
        tpu.enqueue_dma source(%dma_start3A_131 : memref<100001xf32, #tpu.memory_space<hbm>>) target(%arg5 : memref<100001xf32, #tpu.memory_space<vmem>>) target_semaphore(%arg8 : memref<!tpu.dma_semaphore, #tpu.memory_space<semaphore_mem>>)
        %gt3A = arith.cmpi sgt, %add3A_126, %mul3A_2 : i32
        %convert_element_type3A_132 = arith.extui %gt3A : i1 to i32
        %cond3A_133 = arith.constant 0 : i32
        %cond3A_134 = arith.cmpi ne, %convert_element_type3A_132, %cond3A_133 : i32
        scf.if %cond3A_134 {
          %dma_wait3A_356 = arith.constant 0 : i32
          %dma_wait3A_357 = arith.constant 0 : i32
          %dma_wait3A_358 = arith.constant 0 : i32
          %dma_wait3A_359 = tpu.memref_slice %arg7[%dma_wait3A_356, %dma_wait3A_358] : memref<4x2048xf32, #tpu.memory_space<vmem>> -> memref<1x2048xf32, #tpu.memory_space<vmem>>
          %dma_wait3A_360 = tpu.memref_squeeze %dma_wait3A_359 : memref<1x2048xf32, #tpu.memory_space<vmem>> -> memref<2048xf32, #tpu.memory_space<vmem>>
          %dma_wait3A_361 = arith.constant 0 : i32
          %dma_wait3A_362 = tpu.memref_slice %arg4[%add3A_126, %dma_wait3A_361] : memref<832x16384xf32, #tpu.memory_space<hbm>> -> memref<1x2048xf32, #tpu.memory_space<hbm>>
          %dma_wait3A_363 = tpu.memref_squeeze %dma_wait3A_362 : memref<1x2048xf32, #tpu.memory_space<hbm>> -> memref<2048xf32, #tpu.memory_space<hbm>>
          %dma_wait3A_364 = tpu.memref_slice %arg9[%dma_wait3A_357] : memref<4x!tpu.dma_semaphore, #tpu.memory_space<semaphore_mem>> -> memref<1x!tpu.dma_semaphore, #tpu.memory_space<semaphore_mem>>
          %dma_wait3A_365 = tpu.memref_squeeze %dma_wait3A_364 : memref<1x!tpu.dma_semaphore, #tpu.memory_space<semaphore_mem>> -> memref<!tpu.dma_semaphore, #tpu.memory_space<semaphore_mem>>
          %dma_wait3A_366 = arith.constant 0 : i32
          %dma_wait3A_367 = tpu.memref_slice %arg4[%add3A_126, %dma_wait3A_366] : memref<832x16384xf32, #tpu.memory_space<hbm>> -> memref<1x2048xf32, #tpu.memory_space<hbm>>
          %dma_wait3A_368 = tpu.memref_squeeze %dma_wait3A_367 : memref<1x2048xf32, #tpu.memory_space<hbm>> -> memref<2048xf32, #tpu.memory_space<hbm>>
          %dma_wait3A_369 = arith.constant 0 : i32
          %dma_wait3A_370 = tpu.memref_slice %arg7[%dma_wait3A_356, %dma_wait3A_369] : memref<4x2048xf32, #tpu.memory_space<vmem>> -> memref<1x2048xf32, #tpu.memory_space<vmem>>
          %dma_wait3A_371 = tpu.memref_squeeze %dma_wait3A_370 : memref<1x2048xf32, #tpu.memory_space<vmem>> -> memref<2048xf32, #tpu.memory_space<vmem>>
          tpu.wait_dma2 semaphore(%dma_wait3A_365 : memref<!tpu.dma_semaphore, #tpu.memory_space<semaphore_mem>>) src(%dma_wait3A_371 : memref<2048xf32, #tpu.memory_space<vmem>>) dst(%dma_wait3A_368 : memref<2048xf32, #tpu.memory_space<hbm>>)
          %dma_wait3A_372 = arith.constant 1 : i32
          %dma_wait3A_373 = arith.constant 1 : i32
          %dma_wait3A_374 = arith.constant 0 : i32
          %dma_wait3A_375 = tpu.memref_slice %arg7[%dma_wait3A_372, %dma_wait3A_374] : memref<4x2048xf32, #tpu.memory_space<vmem>> -> memref<1x2048xf32, #tpu.memory_space<vmem>>
          %dma_wait3A_376 = tpu.memref_squeeze %dma_wait3A_375 : memref<1x2048xf32, #tpu.memory_space<vmem>> -> memref<2048xf32, #tpu.memory_space<vmem>>
          %dma_wait3A_377 = arith.constant 0 : i32
          %dma_wait3A_378 = tpu.memref_slice %arg4[%add3A_126, %dma_wait3A_377] : memref<832x16384xf32, #tpu.memory_space<hbm>> -> memref<1x2048xf32, #tpu.memory_space<hbm>>
          %dma_wait3A_379 = tpu.memref_squeeze %dma_wait3A_378 : memref<1x2048xf32, #tpu.memory_space<hbm>> -> memref<2048xf32, #tpu.memory_space<hbm>>
          %dma_wait3A_380 = tpu.memref_slice %arg9[%dma_wait3A_373] : memref<4x!tpu.dma_semaphore, #tpu.memory_space<semaphore_mem>> -> memref<1x!tpu.dma_semaphore, #tpu.memory_space<semaphore_mem>>
          %dma_wait3A_381 = tpu.memref_squeeze %dma_wait3A_380 : memref<1x!tpu.dma_semaphore, #tpu.memory_space<semaphore_mem>> -> memref<!tpu.dma_semaphore, #tpu.memory_space<semaphore_mem>>
          %dma_wait3A_382 = arith.constant 0 : i32
          %dma_wait3A_383 = tpu.memref_slice %arg4[%add3A_126, %dma_wait3A_382] : memref<832x16384xf32, #tpu.memory_space<hbm>> -> memref<1x2048xf32, #tpu.memory_space<hbm>>
          %dma_wait3A_384 = tpu.memref_squeeze %dma_wait3A_383 : memref<1x2048xf32, #tpu.memory_space<hbm>> -> memref<2048xf32, #tpu.memory_space<hbm>>
          %dma_wait3A_385 = arith.constant 0 : i32
          %dma_wait3A_386 = tpu.memref_slice %arg7[%dma_wait3A_372, %dma_wait3A_385] : memref<4x2048xf32, #tpu.memory_space<vmem>> -> memref<1x2048xf32, #tpu.memory_space<vmem>>
          %dma_wait3A_387 = tpu.memref_squeeze %dma_wait3A_386 : memref<1x2048xf32, #tpu.memory_space<vmem>> -> memref<2048xf32, #tpu.memory_space<vmem>>
          tpu.wait_dma2 semaphore(%dma_wait3A_381 : memref<!tpu.dma_semaphore, #tpu.memory_space<semaphore_mem>>) src(%dma_wait3A_387 : memref<2048xf32, #tpu.memory_space<vmem>>) dst(%dma_wait3A_384 : memref<2048xf32, #tpu.memory_space<hbm>>)
          %dma_wait3A_388 = arith.constant 2 : i32
          %dma_wait3A_389 = arith.constant 2 : i32
          %dma_wait3A_390 = arith.constant 0 : i32
          %dma_wait3A_391 = tpu.memref_slice %arg7[%dma_wait3A_388, %dma_wait3A_390] : memref<4x2048xf32, #tpu.memory_space<vmem>> -> memref<1x2048xf32, #tpu.memory_space<vmem>>
          %dma_wait3A_392 = tpu.memref_squeeze %dma_wait3A_391 : memref<1x2048xf32, #tpu.memory_space<vmem>> -> memref<2048xf32, #tpu.memory_space<vmem>>
          %dma_wait3A_393 = arith.constant 0 : i32
          %dma_wait3A_394 = tpu.memref_slice %arg4[%add3A_126, %dma_wait3A_393] : memref<832x16384xf32, #tpu.memory_space<hbm>> -> memref<1x2048xf32, #tpu.memory_space<hbm>>
          %dma_wait3A_395 = tpu.memref_squeeze %dma_wait3A_394 : memref<1x2048xf32, #tpu.memory_space<hbm>> -> memref<2048xf32, #tpu.memory_space<hbm>>
          %dma_wait3A_396 = tpu.memref_slice %arg9[%dma_wait3A_389] : memref<4x!tpu.dma_semaphore, #tpu.memory_space<semaphore_mem>> -> memref<1x!tpu.dma_semaphore, #tpu.memory_space<semaphore_mem>>
          %dma_wait3A_397 = tpu.memref_squeeze %dma_wait3A_396 : memref<1x!tpu.dma_semaphore, #tpu.memory_space<semaphore_mem>> -> memref<!tpu.dma_semaphore, #tpu.memory_space<semaphore_mem>>
          %dma_wait3A_398 = arith.constant 0 : i32
          %dma_wait3A_399 = tpu.memref_slice %arg4[%add3A_126, %dma_wait3A_398] : memref<832x16384xf32, #tpu.memory_space<hbm>> -> memref<1x2048xf32, #tpu.memory_space<hbm>>
          %dma_wait3A_400 = tpu.memref_squeeze %dma_wait3A_399 : memref<1x2048xf32, #tpu.memory_space<hbm>> -> memref<2048xf32, #tpu.memory_space<hbm>>
          %dma_wait3A_401 = arith.constant 0 : i32
          %dma_wait3A_402 = tpu.memref_slice %arg7[%dma_wait3A_388, %dma_wait3A_401] : memref<4x2048xf32, #tpu.memory_space<vmem>> -> memref<1x2048xf32, #tpu.memory_space<vmem>>
          %dma_wait3A_403 = tpu.memref_squeeze %dma_wait3A_402 : memref<1x2048xf32, #tpu.memory_space<vmem>> -> memref<2048xf32, #tpu.memory_space<vmem>>
          tpu.wait_dma2 semaphore(%dma_wait3A_397 : memref<!tpu.dma_semaphore, #tpu.memory_space<semaphore_mem>>) src(%dma_wait3A_403 : memref<2048xf32, #tpu.memory_space<vmem>>) dst(%dma_wait3A_400 : memref<2048xf32, #tpu.memory_space<hbm>>)
          %dma_wait3A_404 = arith.constant 3 : i32
          %dma_wait3A_405 = arith.constant 3 : i32
          %dma_wait3A_406 = arith.constant 0 : i32
          %dma_wait3A_407 = tpu.memref_slice %arg7[%dma_wait3A_404, %dma_wait3A_406] : memref<4x2048xf32, #tpu.memory_space<vmem>> -> memref<1x2048xf32, #tpu.memory_space<vmem>>
          %dma_wait3A_408 = tpu.memref_squeeze %dma_wait3A_407 : memref<1x2048xf32, #tpu.memory_space<vmem>> -> memref<2048xf32, #tpu.memory_space<vmem>>
          %dma_wait3A_409 = arith.constant 0 : i32
          %dma_wait3A_410 = tpu.memref_slice %arg4[%add3A_126, %dma_wait3A_409] : memref<832x16384xf32, #tpu.memory_space<hbm>> -> memref<1x2048xf32, #tpu.memory_space<hbm>>
          %dma_wait3A_411 = tpu.memref_squeeze %dma_wait3A_410 : memref<1x2048xf32, #tpu.memory_space<hbm>> -> memref<2048xf32, #tpu.memory_space<hbm>>
          %dma_wait3A_412 = tpu.memref_slice %arg9[%dma_wait3A_405] : memref<4x!tpu.dma_semaphore, #tpu.memory_space<semaphore_mem>> -> memref<1x!tpu.dma_semaphore, #tpu.memory_space<semaphore_mem>>
          %dma_wait3A_413 = tpu.memref_squeeze %dma_wait3A_412 : memref<1x!tpu.dma_semaphore, #tpu.memory_space<semaphore_mem>> -> memref<!tpu.dma_semaphore, #tpu.memory_space<semaphore_mem>>
          %dma_wait3A_414 = arith.constant 0 : i32
          %dma_wait3A_415 = tpu.memref_slice %arg4[%add3A_126, %dma_wait3A_414] : memref<832x16384xf32, #tpu.memory_space<hbm>> -> memref<1x2048xf32, #tpu.memory_space<hbm>>
          %dma_wait3A_416 = tpu.memref_squeeze %dma_wait3A_415 : memref<1x2048xf32, #tpu.memory_space<hbm>> -> memref<2048xf32, #tpu.memory_space<hbm>>
          %dma_wait3A_417 = arith.constant 0 : i32
          %dma_wait3A_418 = tpu.memref_slice %arg7[%dma_wait3A_404, %dma_wait3A_417] : memref<4x2048xf32, #tpu.memory_space<vmem>> -> memref<1x2048xf32, #tpu.memory_space<vmem>>
          %dma_wait3A_419 = tpu.memref_squeeze %dma_wait3A_418 : memref<1x2048xf32, #tpu.memory_space<vmem>> -> memref<2048xf32, #tpu.memory_space<vmem>>
          tpu.wait_dma2 semaphore(%dma_wait3A_413 : memref<!tpu.dma_semaphore, #tpu.memory_space<semaphore_mem>>) src(%dma_wait3A_419 : memref<2048xf32, #tpu.memory_space<vmem>>) dst(%dma_wait3A_416 : memref<2048xf32, #tpu.memory_space<hbm>>)
        } else {
        }
        %dma_wait3A_135 = arith.constant 0 : i32
        %dma_wait3A_136 = tpu.memref_slice %arg2[%add3A_126, %dma_wait3A_135] : memref<832x100001xf32, #tpu.memory_space<hbm>> -> memref<1x100001xf32, #tpu.memory_space<hbm>>
        %dma_wait3A_137 = tpu.memref_squeeze %dma_wait3A_136 : memref<1x100001xf32, #tpu.memory_space<hbm>> -> memref<100001xf32, #tpu.memory_space<hbm>>
        %dma_wait3A_138 = arith.constant 0 : i32
        %dma_wait3A_139 = tpu.memref_slice %arg2[%add3A_126, %dma_wait3A_138] : memref<832x100001xf32, #tpu.memory_space<hbm>> -> memref<1x100001xf32, #tpu.memory_space<hbm>>
        %dma_wait3A_140 = tpu.memref_squeeze %dma_wait3A_139 : memref<1x100001xf32, #tpu.memory_space<hbm>> -> memref<100001xf32, #tpu.memory_space<hbm>>
        tpu.wait_dma2 semaphore(%arg8 : memref<!tpu.dma_semaphore, #tpu.memory_space<semaphore_mem>>) src(%dma_wait3A_140 : memref<100001xf32, #tpu.memory_space<hbm>>) dst(%arg5 : memref<100001xf32, #tpu.memory_space<vmem>>)
        %parallel_loop3A = arith.constant 0 : i32
        %parallel_loop3A_141 = arith.constant 128 : i32
        %parallel_loop3A_142 = arith.constant 1 : i32
        scf.for %parallel_loop3A_356 = %parallel_loop3A to %parallel_loop3A_141 step %parallel_loop3A_142  : i32 {
          %parallel_loop3A_357 = arith.constant 16 : i32
          %parallel_loop3A_358 = arith.muli %parallel_loop3A_356, %parallel_loop3A_357 : i32
          %parallel_loop3A_359 = arith.constant 0 : i32
          %parallel_loop3A_360 = arith.addi %parallel_loop3A_359, %parallel_loop3A_358 : i32
          %parallel_loop3A_361 = arith.index_cast %parallel_loop3A_360 : i32 to index
          %parallel_loop3A_362 = tpu.vector_load %arg6[%parallel_loop3A_361] {strides = array<i32>} : memref<16384xi32, #tpu.memory_space<vmem>>, vector<16xi32>,
          %parallel_loop3A_363 = tpu.vector_load_idx %arg5[%parallel_loop3A_362] : memref<100001xf32, #tpu.memory_space<vmem>>[vector<16xi32>], vector<16xf32>,
          %parallel_loop3A_364 = arith.constant 0 : i32
          %parallel_loop3A_365 = arith.index_cast %parallel_loop3A_364 : i32 to index
          %parallel_loop3A_366 = arith.index_cast %parallel_loop3A_358 : i32 to index
          %parallel_loop3A_367 = tpu.vector_load %arg7[%parallel_loop3A_365, %parallel_loop3A_366] {strides = array<i32>} : memref<4x2048xf32, #tpu.memory_space<vmem>>, vector<16xf32>,
          tpu.vector_store %arg7[%parallel_loop3A_365, %parallel_loop3A_366], %parallel_loop3A_363 {strides = array<i32>} : memref<4x2048xf32, #tpu.memory_space<vmem>>, vector<16xf32>,
        } {sc.loop_unroll_factor = 16 : i64, sc.parallel_access}
        %dma_start3A_143 = arith.constant 0 : i32
        %dma_start3A_144 = arith.constant 0 : i32
        %dma_start3A_145 = arith.constant 0 : i32
        %dma_start3A_146 = tpu.memref_slice %arg7[%dma_start3A_143, %dma_start3A_145] : memref<4x2048xf32, #tpu.memory_space<vmem>> -> memref<1x2048xf32, #tpu.memory_space<vmem>>
        %dma_start3A_147 = tpu.memref_squeeze %dma_start3A_146 : memref<1x2048xf32, #tpu.memory_space<vmem>> -> memref<2048xf32, #tpu.memory_space<vmem>>
        %dma_start3A_148 = arith.constant 0 : i32
        %dma_start3A_149 = tpu.memref_slice %arg4[%add3A_126, %dma_start3A_148] : memref<832x16384xf32, #tpu.memory_space<hbm>> -> memref<1x2048xf32, #tpu.memory_space<hbm>>
        %dma_start3A_150 = tpu.memref_squeeze %dma_start3A_149 : memref<1x2048xf32, #tpu.memory_space<hbm>> -> memref<2048xf32, #tpu.memory_space<hbm>>
        %dma_start3A_151 = tpu.memref_slice %arg9[%dma_start3A_144] : memref<4x!tpu.dma_semaphore, #tpu.memory_space<semaphore_mem>> -> memref<1x!tpu.dma_semaphore, #tpu.memory_space<semaphore_mem>>
        %dma_start3A_152 = tpu.memref_squeeze %dma_start3A_151 : memref<1x!tpu.dma_semaphore, #tpu.memory_space<semaphore_mem>> -> memref<!tpu.dma_semaphore, #tpu.memory_space<semaphore_mem>>
        %dma_start3A_153 = arith.constant 0 : i32
        %dma_start3A_154 = tpu.memref_slice %arg4[%add3A_126, %dma_start3A_153] : memref<832x16384xf32, #tpu.memory_space<hbm>> -> memref<1x2048xf32, #tpu.memory_space<hbm>>
        %dma_start3A_155 = tpu.memref_squeeze %dma_start3A_154 : memref<1x2048xf32, #tpu.memory_space<hbm>> -> memref<2048xf32, #tpu.memory_space<hbm>>
        %dma_start3A_156 = arith.constant 0 : i32
        %dma_start3A_157 = tpu.memref_slice %arg7[%dma_start3A_143, %dma_start3A_156] : memref<4x2048xf32, #tpu.memory_space<vmem>> -> memref<1x2048xf32, #tpu.memory_space<vmem>>
        %dma_start3A_158 = tpu.memref_squeeze %dma_start3A_157 : memref<1x2048xf32, #tpu.memory_space<vmem>> -> memref<2048xf32, #tpu.memory_space<vmem>>
        tpu.enqueue_dma source(%dma_start3A_158 : memref<2048xf32, #tpu.memory_space<vmem>>) target(%dma_start3A_155 : memref<2048xf32, #tpu.memory_space<hbm>>) target_semaphore(%dma_start3A_152 : memref<!tpu.dma_semaphore, #tpu.memory_space<semaphore_mem>>)
        %parallel_loop3A_159 = arith.constant 0 : i32
        %parallel_loop3A_160 = arith.constant 128 : i32
        %parallel_loop3A_161 = arith.constant 1 : i32
        scf.for %parallel_loop3A_356 = %parallel_loop3A_159 to %parallel_loop3A_160 step %parallel_loop3A_161  : i32 {
          %parallel_loop3A_357 = arith.constant 16 : i32
          %parallel_loop3A_358 = arith.muli %parallel_loop3A_356, %parallel_loop3A_357 : i32
          %parallel_loop3A_359 = arith.constant 2048 : i32
          %parallel_loop3A_360 = arith.addi %parallel_loop3A_359, %parallel_loop3A_358 : i32
          %parallel_loop3A_361 = arith.index_cast %parallel_loop3A_360 : i32 to index
          %parallel_loop3A_362 = tpu.vector_load %arg6[%parallel_loop3A_361] {strides = array<i32>} : memref<16384xi32, #tpu.memory_space<vmem>>, vector<16xi32>,
          %parallel_loop3A_363 = tpu.vector_load_idx %arg5[%parallel_loop3A_362] : memref<100001xf32, #tpu.memory_space<vmem>>[vector<16xi32>], vector<16xf32>,
          %parallel_loop3A_364 = arith.constant 1 : i32
          %parallel_loop3A_365 = arith.index_cast %parallel_loop3A_364 : i32 to index
          %parallel_loop3A_366 = arith.index_cast %parallel_loop3A_358 : i32 to index
          %parallel_loop3A_367 = tpu.vector_load %arg7[%parallel_loop3A_365, %parallel_loop3A_366] {strides = array<i32>} : memref<4x2048xf32, #tpu.memory_space<vmem>>, vector<16xf32>,
          tpu.vector_store %arg7[%parallel_loop3A_365, %parallel_loop3A_366], %parallel_loop3A_363 {strides = array<i32>} : memref<4x2048xf32, #tpu.memory_space<vmem>>, vector<16xf32>,
        } {sc.loop_unroll_factor = 16 : i64, sc.parallel_access}
        %dma_start3A_162 = arith.constant 1 : i32
        %dma_start3A_163 = arith.constant 1 : i32
        %dma_start3A_164 = arith.constant 0 : i32
        %dma_start3A_165 = tpu.memref_slice %arg7[%dma_start3A_162, %dma_start3A_164] : memref<4x2048xf32, #tpu.memory_space<vmem>> -> memref<1x2048xf32, #tpu.memory_space<vmem>>
        %dma_start3A_166 = tpu.memref_squeeze %dma_start3A_165 : memref<1x2048xf32, #tpu.memory_space<vmem>> -> memref<2048xf32, #tpu.memory_space<vmem>>
        %dma_start3A_167 = arith.constant 2048 : i32
        %dma_start3A_168 = tpu.memref_slice %arg4[%add3A_126, %dma_start3A_167] : memref<832x16384xf32, #tpu.memory_space<hbm>> -> memref<1x2048xf32, #tpu.memory_space<hbm>>
        %dma_start3A_169 = tpu.memref_squeeze %dma_start3A_168 : memref<1x2048xf32, #tpu.memory_space<hbm>> -> memref<2048xf32, #tpu.memory_space<hbm>>
        %dma_start3A_170 = tpu.memref_slice %arg9[%dma_start3A_163] : memref<4x!tpu.dma_semaphore, #tpu.memory_space<semaphore_mem>> -> memref<1x!tpu.dma_semaphore, #tpu.memory_space<semaphore_mem>>
        %dma_start3A_171 = tpu.memref_squeeze %dma_start3A_170 : memref<1x!tpu.dma_semaphore, #tpu.memory_space<semaphore_mem>> -> memref<!tpu.dma_semaphore, #tpu.memory_space<semaphore_mem>>
        %dma_start3A_172 = arith.constant 2048 : i32
        %dma_start3A_173 = tpu.memref_slice %arg4[%add3A_126, %dma_start3A_172] : memref<832x16384xf32, #tpu.memory_space<hbm>> -> memref<1x2048xf32, #tpu.memory_space<hbm>>
        %dma_start3A_174 = tpu.memref_squeeze %dma_start3A_173 : memref<1x2048xf32, #tpu.memory_space<hbm>> -> memref<2048xf32, #tpu.memory_space<hbm>>
        %dma_start3A_175 = arith.constant 0 : i32
        %dma_start3A_176 = tpu.memref_slice %arg7[%dma_start3A_162, %dma_start3A_175] : memref<4x2048xf32, #tpu.memory_space<vmem>> -> memref<1x2048xf32, #tpu.memory_space<vmem>>
        %dma_start3A_177 = tpu.memref_squeeze %dma_start3A_176 : memref<1x2048xf32, #tpu.memory_space<vmem>> -> memref<2048xf32, #tpu.memory_space<vmem>>
        tpu.enqueue_dma source(%dma_start3A_177 : memref<2048xf32, #tpu.memory_space<vmem>>) target(%dma_start3A_174 : memref<2048xf32, #tpu.memory_space<hbm>>) target_semaphore(%dma_start3A_171 : memref<!tpu.dma_semaphore, #tpu.memory_space<semaphore_mem>>)
        %parallel_loop3A_178 = arith.constant 0 : i32
        %parallel_loop3A_179 = arith.constant 128 : i32
        %parallel_loop3A_180 = arith.constant 1 : i32
        scf.for %parallel_loop3A_356 = %parallel_loop3A_178 to %parallel_loop3A_179 step %parallel_loop3A_180  : i32 {
          %parallel_loop3A_357 = arith.constant 16 : i32
          %parallel_loop3A_358 = arith.muli %parallel_loop3A_356, %parallel_loop3A_357 : i32
          %parallel_loop3A_359 = arith.constant 4096 : i32
          %parallel_loop3A_360 = arith.addi %parallel_loop3A_359, %parallel_loop3A_358 : i32
          %parallel_loop3A_361 = arith.index_cast %parallel_loop3A_360 : i32 to index
          %parallel_loop3A_362 = tpu.vector_load %arg6[%parallel_loop3A_361] {strides = array<i32>} : memref<16384xi32, #tpu.memory_space<vmem>>, vector<16xi32>,
          %parallel_loop3A_363 = tpu.vector_load_idx %arg5[%parallel_loop3A_362] : memref<100001xf32, #tpu.memory_space<vmem>>[vector<16xi32>], vector<16xf32>,
          %parallel_loop3A_364 = arith.constant 2 : i32
          %parallel_loop3A_365 = arith.index_cast %parallel_loop3A_364 : i32 to index
          %parallel_loop3A_366 = arith.index_cast %parallel_loop3A_358 : i32 to index
          %parallel_loop3A_367 = tpu.vector_load %arg7[%parallel_loop3A_365, %parallel_loop3A_366] {strides = array<i32>} : memref<4x2048xf32, #tpu.memory_space<vmem>>, vector<16xf32>,
          tpu.vector_store %arg7[%parallel_loop3A_365, %parallel_loop3A_366], %parallel_loop3A_363 {strides = array<i32>} : memref<4x2048xf32, #tpu.memory_space<vmem>>, vector<16xf32>,
        } {sc.loop_unroll_factor = 16 : i64, sc.parallel_access}
        %dma_start3A_181 = arith.constant 2 : i32
        %dma_start3A_182 = arith.constant 2 : i32
        %dma_start3A_183 = arith.constant 0 : i32
        %dma_start3A_184 = tpu.memref_slice %arg7[%dma_start3A_181, %dma_start3A_183] : memref<4x2048xf32, #tpu.memory_space<vmem>> -> memref<1x2048xf32, #tpu.memory_space<vmem>>
        %dma_start3A_185 = tpu.memref_squeeze %dma_start3A_184 : memref<1x2048xf32, #tpu.memory_space<vmem>> -> memref<2048xf32, #tpu.memory_space<vmem>>
        %dma_start3A_186 = arith.constant 4096 : i32
        %dma_start3A_187 = tpu.memref_slice %arg4[%add3A_126, %dma_start3A_186] : memref<832x16384xf32, #tpu.memory_space<hbm>> -> memref<1x2048xf32, #tpu.memory_space<hbm>>
        %dma_start3A_188 = tpu.memref_squeeze %dma_start3A_187 : memref<1x2048xf32, #tpu.memory_space<hbm>> -> memref<2048xf32, #tpu.memory_space<hbm>>
        %dma_start3A_189 = tpu.memref_slice %arg9[%dma_start3A_182] : memref<4x!tpu.dma_semaphore, #tpu.memory_space<semaphore_mem>> -> memref<1x!tpu.dma_semaphore, #tpu.memory_space<semaphore_mem>>
        %dma_start3A_190 = tpu.memref_squeeze %dma_start3A_189 : memref<1x!tpu.dma_semaphore, #tpu.memory_space<semaphore_mem>> -> memref<!tpu.dma_semaphore, #tpu.memory_space<semaphore_mem>>
        %dma_start3A_191 = arith.constant 4096 : i32
        %dma_start3A_192 = tpu.memref_slice %arg4[%add3A_126, %dma_start3A_191] : memref<832x16384xf32, #tpu.memory_space<hbm>> -> memref<1x2048xf32, #tpu.memory_space<hbm>>
        %dma_start3A_193 = tpu.memref_squeeze %dma_start3A_192 : memref<1x2048xf32, #tpu.memory_space<hbm>> -> memref<2048xf32, #tpu.memory_space<hbm>>
        %dma_start3A_194 = arith.constant 0 : i32
        %dma_start3A_195 = tpu.memref_slice %arg7[%dma_start3A_181, %dma_start3A_194] : memref<4x2048xf32, #tpu.memory_space<vmem>> -> memref<1x2048xf32, #tpu.memory_space<vmem>>
        %dma_start3A_196 = tpu.memref_squeeze %dma_start3A_195 : memref<1x2048xf32, #tpu.memory_space<vmem>> -> memref<2048xf32, #tpu.memory_space<vmem>>
        tpu.enqueue_dma source(%dma_start3A_196 : memref<2048xf32, #tpu.memory_space<vmem>>) target(%dma_start3A_193 : memref<2048xf32, #tpu.memory_space<hbm>>) target_semaphore(%dma_start3A_190 : memref<!tpu.dma_semaphore, #tpu.memory_space<semaphore_mem>>)
        %parallel_loop3A_197 = arith.constant 0 : i32
        %parallel_loop3A_198 = arith.constant 128 : i32
        %parallel_loop3A_199 = arith.constant 1 : i32
        scf.for %parallel_loop3A_356 = %parallel_loop3A_197 to %parallel_loop3A_198 step %parallel_loop3A_199  : i32 {
          %parallel_loop3A_357 = arith.constant 16 : i32
          %parallel_loop3A_358 = arith.muli %parallel_loop3A_356, %parallel_loop3A_357 : i32
          %parallel_loop3A_359 = arith.constant 6144 : i32
          %parallel_loop3A_360 = arith.addi %parallel_loop3A_359, %parallel_loop3A_358 : i32
          %parallel_loop3A_361 = arith.index_cast %parallel_loop3A_360 : i32 to index
          %parallel_loop3A_362 = tpu.vector_load %arg6[%parallel_loop3A_361] {strides = array<i32>} : memref<16384xi32, #tpu.memory_space<vmem>>, vector<16xi32>,
          %parallel_loop3A_363 = tpu.vector_load_idx %arg5[%parallel_loop3A_362] : memref<100001xf32, #tpu.memory_space<vmem>>[vector<16xi32>], vector<16xf32>,
          %parallel_loop3A_364 = arith.constant 3 : i32
          %parallel_loop3A_365 = arith.index_cast %parallel_loop3A_364 : i32 to index
          %parallel_loop3A_366 = arith.index_cast %parallel_loop3A_358 : i32 to index
          %parallel_loop3A_367 = tpu.vector_load %arg7[%parallel_loop3A_365, %parallel_loop3A_366] {strides = array<i32>} : memref<4x2048xf32, #tpu.memory_space<vmem>>, vector<16xf32>,
          tpu.vector_store %arg7[%parallel_loop3A_365, %parallel_loop3A_366], %parallel_loop3A_363 {strides = array<i32>} : memref<4x2048xf32, #tpu.memory_space<vmem>>, vector<16xf32>,
        } {sc.loop_unroll_factor = 16 : i64, sc.parallel_access}
        %dma_start3A_200 = arith.constant 3 : i32
        %dma_start3A_201 = arith.constant 3 : i32
        %dma_start3A_202 = arith.constant 0 : i32
        %dma_start3A_203 = tpu.memref_slice %arg7[%dma_start3A_200, %dma_start3A_202] : memref<4x2048xf32, #tpu.memory_space<vmem>> -> memref<1x2048xf32, #tpu.memory_space<vmem>>
        %dma_start3A_204 = tpu.memref_squeeze %dma_start3A_203 : memref<1x2048xf32, #tpu.memory_space<vmem>> -> memref<2048xf32, #tpu.memory_space<vmem>>
        %dma_start3A_205 = arith.constant 6144 : i32
        %dma_start3A_206 = tpu.memref_slice %arg4[%add3A_126, %dma_start3A_205] : memref<832x16384xf32, #tpu.memory_space<hbm>> -> memref<1x2048xf32, #tpu.memory_space<hbm>>
        %dma_start3A_207 = tpu.memref_squeeze %dma_start3A_206 : memref<1x2048xf32, #tpu.memory_space<hbm>> -> memref<2048xf32, #tpu.memory_space<hbm>>
        %dma_start3A_208 = tpu.memref_slice %arg9[%dma_start3A_201] : memref<4x!tpu.dma_semaphore, #tpu.memory_space<semaphore_mem>> -> memref<1x!tpu.dma_semaphore, #tpu.memory_space<semaphore_mem>>
        %dma_start3A_209 = tpu.memref_squeeze %dma_start3A_208 : memref<1x!tpu.dma_semaphore, #tpu.memory_space<semaphore_mem>> -> memref<!tpu.dma_semaphore, #tpu.memory_space<semaphore_mem>>
        %dma_start3A_210 = arith.constant 6144 : i32
        %dma_start3A_211 = tpu.memref_slice %arg4[%add3A_126, %dma_start3A_210] : memref<832x16384xf32, #tpu.memory_space<hbm>> -> memref<1x2048xf32, #tpu.memory_space<hbm>>
        %dma_start3A_212 = tpu.memref_squeeze %dma_start3A_211 : memref<1x2048xf32, #tpu.memory_space<hbm>> -> memref<2048xf32, #tpu.memory_space<hbm>>
        %dma_start3A_213 = arith.constant 0 : i32
        %dma_start3A_214 = tpu.memref_slice %arg7[%dma_start3A_200, %dma_start3A_213] : memref<4x2048xf32, #tpu.memory_space<vmem>> -> memref<1x2048xf32, #tpu.memory_space<vmem>>
        %dma_start3A_215 = tpu.memref_squeeze %dma_start3A_214 : memref<1x2048xf32, #tpu.memory_space<vmem>> -> memref<2048xf32, #tpu.memory_space<vmem>>
        tpu.enqueue_dma source(%dma_start3A_215 : memref<2048xf32, #tpu.memory_space<vmem>>) target(%dma_start3A_212 : memref<2048xf32, #tpu.memory_space<hbm>>) target_semaphore(%dma_start3A_209 : memref<!tpu.dma_semaphore, #tpu.memory_space<semaphore_mem>>)
        %dma_wait3A_216 = arith.constant 0 : i32
        %dma_wait3A_217 = arith.constant 0 : i32
        %dma_wait3A_218 = arith.constant 0 : i32
        %dma_wait3A_219 = tpu.memref_slice %arg7[%dma_wait3A_216, %dma_wait3A_218] : memref<4x2048xf32, #tpu.memory_space<vmem>> -> memref<1x2048xf32, #tpu.memory_space<vmem>>
        %dma_wait3A_220 = tpu.memref_squeeze %dma_wait3A_219 : memref<1x2048xf32, #tpu.memory_space<vmem>> -> memref<2048xf32, #tpu.memory_space<vmem>>
        %dma_wait3A_221 = arith.constant 0 : i32
        %dma_wait3A_222 = tpu.memref_slice %arg4[%add3A_126, %dma_wait3A_221] : memref<832x16384xf32, #tpu.memory_space<hbm>> -> memref<1x2048xf32, #tpu.memory_space<hbm>>
        %dma_wait3A_223 = tpu.memref_squeeze %dma_wait3A_222 : memref<1x2048xf32, #tpu.memory_space<hbm>> -> memref<2048xf32, #tpu.memory_space<hbm>>
        %dma_wait3A_224 = tpu.memref_slice %arg9[%dma_wait3A_217] : memref<4x!tpu.dma_semaphore, #tpu.memory_space<semaphore_mem>> -> memref<1x!tpu.dma_semaphore, #tpu.memory_space<semaphore_mem>>
        %dma_wait3A_225 = tpu.memref_squeeze %dma_wait3A_224 : memref<1x!tpu.dma_semaphore, #tpu.memory_space<semaphore_mem>> -> memref<!tpu.dma_semaphore, #tpu.memory_space<semaphore_mem>>
        %dma_wait3A_226 = arith.constant 0 : i32
        %dma_wait3A_227 = tpu.memref_slice %arg4[%add3A_126, %dma_wait3A_226] : memref<832x16384xf32, #tpu.memory_space<hbm>> -> memref<1x2048xf32, #tpu.memory_space<hbm>>
        %dma_wait3A_228 = tpu.memref_squeeze %dma_wait3A_227 : memref<1x2048xf32, #tpu.memory_space<hbm>> -> memref<2048xf32, #tpu.memory_space<hbm>>
        %dma_wait3A_229 = arith.constant 0 : i32
        %dma_wait3A_230 = tpu.memref_slice %arg7[%dma_wait3A_216, %dma_wait3A_229] : memref<4x2048xf32, #tpu.memory_space<vmem>> -> memref<1x2048xf32, #tpu.memory_space<vmem>>
        %dma_wait3A_231 = tpu.memref_squeeze %dma_wait3A_230 : memref<1x2048xf32, #tpu.memory_space<vmem>> -> memref<2048xf32, #tpu.memory_space<vmem>>
        tpu.wait_dma2 semaphore(%dma_wait3A_225 : memref<!tpu.dma_semaphore, #tpu.memory_space<semaphore_mem>>) src(%dma_wait3A_231 : memref<2048xf32, #tpu.memory_space<vmem>>) dst(%dma_wait3A_228 : memref<2048xf32, #tpu.memory_space<hbm>>)
        %parallel_loop3A_232 = arith.constant 0 : i32
        %parallel_loop3A_233 = arith.constant 128 : i32
        %parallel_loop3A_234 = arith.constant 1 : i32
        scf.for %parallel_loop3A_356 = %parallel_loop3A_232 to %parallel_loop3A_233 step %parallel_loop3A_234  : i32 {
          %parallel_loop3A_357 = arith.constant 16 : i32
          %parallel_loop3A_358 = arith.muli %parallel_loop3A_356, %parallel_loop3A_357 : i32
          %parallel_loop3A_359 = arith.constant 8192 : i32
          %parallel_loop3A_360 = arith.addi %parallel_loop3A_359, %parallel_loop3A_358 : i32
          %parallel_loop3A_361 = arith.index_cast %parallel_loop3A_360 : i32 to index
          %parallel_loop3A_362 = tpu.vector_load %arg6[%parallel_loop3A_361] {strides = array<i32>} : memref<16384xi32, #tpu.memory_space<vmem>>, vector<16xi32>,
          %parallel_loop3A_363 = tpu.vector_load_idx %arg5[%parallel_loop3A_362] : memref<100001xf32, #tpu.memory_space<vmem>>[vector<16xi32>], vector<16xf32>,
          %parallel_loop3A_364 = arith.constant 0 : i32
          %parallel_loop3A_365 = arith.index_cast %parallel_loop3A_364 : i32 to index
          %parallel_loop3A_366 = arith.index_cast %parallel_loop3A_358 : i32 to index
          %parallel_loop3A_367 = tpu.vector_load %arg7[%parallel_loop3A_365, %parallel_loop3A_366] {strides = array<i32>} : memref<4x2048xf32, #tpu.memory_space<vmem>>, vector<16xf32>,
          tpu.vector_store %arg7[%parallel_loop3A_365, %parallel_loop3A_366], %parallel_loop3A_363 {strides = array<i32>} : memref<4x2048xf32, #tpu.memory_space<vmem>>, vector<16xf32>,
        } {sc.loop_unroll_factor = 16 : i64, sc.parallel_access}
        %dma_start3A_235 = arith.constant 0 : i32
        %dma_start3A_236 = arith.constant 0 : i32
        %dma_start3A_237 = arith.constant 0 : i32
        %dma_start3A_238 = tpu.memref_slice %arg7[%dma_start3A_235, %dma_start3A_237] : memref<4x2048xf32, #tpu.memory_space<vmem>> -> memref<1x2048xf32, #tpu.memory_space<vmem>>
        %dma_start3A_239 = tpu.memref_squeeze %dma_start3A_238 : memref<1x2048xf32, #tpu.memory_space<vmem>> -> memref<2048xf32, #tpu.memory_space<vmem>>
        %dma_start3A_240 = arith.constant 8192 : i32
        %dma_start3A_241 = tpu.memref_slice %arg4[%add3A_126, %dma_start3A_240] : memref<832x16384xf32, #tpu.memory_space<hbm>> -> memref<1x2048xf32, #tpu.memory_space<hbm>>
        %dma_start3A_242 = tpu.memref_squeeze %dma_start3A_241 : memref<1x2048xf32, #tpu.memory_space<hbm>> -> memref<2048xf32, #tpu.memory_space<hbm>>
        %dma_start3A_243 = tpu.memref_slice %arg9[%dma_start3A_236] : memref<4x!tpu.dma_semaphore, #tpu.memory_space<semaphore_mem>> -> memref<1x!tpu.dma_semaphore, #tpu.memory_space<semaphore_mem>>
        %dma_start3A_244 = tpu.memref_squeeze %dma_start3A_243 : memref<1x!tpu.dma_semaphore, #tpu.memory_space<semaphore_mem>> -> memref<!tpu.dma_semaphore, #tpu.memory_space<semaphore_mem>>
        %dma_start3A_245 = arith.constant 8192 : i32
        %dma_start3A_246 = tpu.memref_slice %arg4[%add3A_126, %dma_start3A_245] : memref<832x16384xf32, #tpu.memory_space<hbm>> -> memref<1x2048xf32, #tpu.memory_space<hbm>>
        %dma_start3A_247 = tpu.memref_squeeze %dma_start3A_246 : memref<1x2048xf32, #tpu.memory_space<hbm>> -> memref<2048xf32, #tpu.memory_space<hbm>>
        %dma_start3A_248 = arith.constant 0 : i32
        %dma_start3A_249 = tpu.memref_slice %arg7[%dma_start3A_235, %dma_start3A_248] : memref<4x2048xf32, #tpu.memory_space<vmem>> -> memref<1x2048xf32, #tpu.memory_space<vmem>>
        %dma_start3A_250 = tpu.memref_squeeze %dma_start3A_249 : memref<1x2048xf32, #tpu.memory_space<vmem>> -> memref<2048xf32, #tpu.memory_space<vmem>>
        tpu.enqueue_dma source(%dma_start3A_250 : memref<2048xf32, #tpu.memory_space<vmem>>) target(%dma_start3A_247 : memref<2048xf32, #tpu.memory_space<hbm>>) target_semaphore(%dma_start3A_244 : memref<!tpu.dma_semaphore, #tpu.memory_space<semaphore_mem>>)
        %dma_wait3A_251 = arith.constant 1 : i32
        %dma_wait3A_252 = arith.constant 1 : i32
        %dma_wait3A_253 = arith.constant 0 : i32
        %dma_wait3A_254 = tpu.memref_slice %arg7[%dma_wait3A_251, %dma_wait3A_253] : memref<4x2048xf32, #tpu.memory_space<vmem>> -> memref<1x2048xf32, #tpu.memory_space<vmem>>
        %dma_wait3A_255 = tpu.memref_squeeze %dma_wait3A_254 : memref<1x2048xf32, #tpu.memory_space<vmem>> -> memref<2048xf32, #tpu.memory_space<vmem>>
        %dma_wait3A_256 = arith.constant 0 : i32
        %dma_wait3A_257 = tpu.memref_slice %arg4[%add3A_126, %dma_wait3A_256] : memref<832x16384xf32, #tpu.memory_space<hbm>> -> memref<1x2048xf32, #tpu.memory_space<hbm>>
        %dma_wait3A_258 = tpu.memref_squeeze %dma_wait3A_257 : memref<1x2048xf32, #tpu.memory_space<hbm>> -> memref<2048xf32, #tpu.memory_space<hbm>>
        %dma_wait3A_259 = tpu.memref_slice %arg9[%dma_wait3A_252] : memref<4x!tpu.dma_semaphore, #tpu.memory_space<semaphore_mem>> -> memref<1x!tpu.dma_semaphore, #tpu.memory_space<semaphore_mem>>
        %dma_wait3A_260 = tpu.memref_squeeze %dma_wait3A_259 : memref<1x!tpu.dma_semaphore, #tpu.memory_space<semaphore_mem>> -> memref<!tpu.dma_semaphore, #tpu.memory_space<semaphore_mem>>
        %dma_wait3A_261 = arith.constant 0 : i32
        %dma_wait3A_262 = tpu.memref_slice %arg4[%add3A_126, %dma_wait3A_261] : memref<832x16384xf32, #tpu.memory_space<hbm>> -> memref<1x2048xf32, #tpu.memory_space<hbm>>
        %dma_wait3A_263 = tpu.memref_squeeze %dma_wait3A_262 : memref<1x2048xf32, #tpu.memory_space<hbm>> -> memref<2048xf32, #tpu.memory_space<hbm>>
        %dma_wait3A_264 = arith.constant 0 : i32
        %dma_wait3A_265 = tpu.memref_slice %arg7[%dma_wait3A_251, %dma_wait3A_264] : memref<4x2048xf32, #tpu.memory_space<vmem>> -> memref<1x2048xf32, #tpu.memory_space<vmem>>
        %dma_wait3A_266 = tpu.memref_squeeze %dma_wait3A_265 : memref<1x2048xf32, #tpu.memory_space<vmem>> -> memref<2048xf32, #tpu.memory_space<vmem>>
        tpu.wait_dma2 semaphore(%dma_wait3A_260 : memref<!tpu.dma_semaphore, #tpu.memory_space<semaphore_mem>>) src(%dma_wait3A_266 : memref<2048xf32, #tpu.memory_space<vmem>>) dst(%dma_wait3A_263 : memref<2048xf32, #tpu.memory_space<hbm>>)
        %parallel_loop3A_267 = arith.constant 0 : i32
        %parallel_loop3A_268 = arith.constant 128 : i32
        %parallel_loop3A_269 = arith.constant 1 : i32
        scf.for %parallel_loop3A_356 = %parallel_loop3A_267 to %parallel_loop3A_268 step %parallel_loop3A_269  : i32 {
          %parallel_loop3A_357 = arith.constant 16 : i32
          %parallel_loop3A_358 = arith.muli %parallel_loop3A_356, %parallel_loop3A_357 : i32
          %parallel_loop3A_359 = arith.constant 10240 : i32
          %parallel_loop3A_360 = arith.addi %parallel_loop3A_359, %parallel_loop3A_358 : i32
          %parallel_loop3A_361 = arith.index_cast %parallel_loop3A_360 : i32 to index
          %parallel_loop3A_362 = tpu.vector_load %arg6[%parallel_loop3A_361] {strides = array<i32>} : memref<16384xi32, #tpu.memory_space<vmem>>, vector<16xi32>,
          %parallel_loop3A_363 = tpu.vector_load_idx %arg5[%parallel_loop3A_362] : memref<100001xf32, #tpu.memory_space<vmem>>[vector<16xi32>], vector<16xf32>,
          %parallel_loop3A_364 = arith.constant 1 : i32
          %parallel_loop3A_365 = arith.index_cast %parallel_loop3A_364 : i32 to index
          %parallel_loop3A_366 = arith.index_cast %parallel_loop3A_358 : i32 to index
          %parallel_loop3A_367 = tpu.vector_load %arg7[%parallel_loop3A_365, %parallel_loop3A_366] {strides = array<i32>} : memref<4x2048xf32, #tpu.memory_space<vmem>>, vector<16xf32>,
          tpu.vector_store %arg7[%parallel_loop3A_365, %parallel_loop3A_366], %parallel_loop3A_363 {strides = array<i32>} : memref<4x2048xf32, #tpu.memory_space<vmem>>, vector<16xf32>,
        } {sc.loop_unroll_factor = 16 : i64, sc.parallel_access}
        %dma_start3A_270 = arith.constant 1 : i32
        %dma_start3A_271 = arith.constant 1 : i32
        %dma_start3A_272 = arith.constant 0 : i32
        %dma_start3A_273 = tpu.memref_slice %arg7[%dma_start3A_270, %dma_start3A_272] : memref<4x2048xf32, #tpu.memory_space<vmem>> -> memref<1x2048xf32, #tpu.memory_space<vmem>>
        %dma_start3A_274 = tpu.memref_squeeze %dma_start3A_273 : memref<1x2048xf32, #tpu.memory_space<vmem>> -> memref<2048xf32, #tpu.memory_space<vmem>>
        %dma_start3A_275 = arith.constant 10240 : i32
        %dma_start3A_276 = tpu.memref_slice %arg4[%add3A_126, %dma_start3A_275] : memref<832x16384xf32, #tpu.memory_space<hbm>> -> memref<1x2048xf32, #tpu.memory_space<hbm>>
        %dma_start3A_277 = tpu.memref_squeeze %dma_start3A_276 : memref<1x2048xf32, #tpu.memory_space<hbm>> -> memref<2048xf32, #tpu.memory_space<hbm>>
        %dma_start3A_278 = tpu.memref_slice %arg9[%dma_start3A_271] : memref<4x!tpu.dma_semaphore, #tpu.memory_space<semaphore_mem>> -> memref<1x!tpu.dma_semaphore, #tpu.memory_space<semaphore_mem>>
        %dma_start3A_279 = tpu.memref_squeeze %dma_start3A_278 : memref<1x!tpu.dma_semaphore, #tpu.memory_space<semaphore_mem>> -> memref<!tpu.dma_semaphore, #tpu.memory_space<semaphore_mem>>
        %dma_start3A_280 = arith.constant 10240 : i32
        %dma_start3A_281 = tpu.memref_slice %arg4[%add3A_126, %dma_start3A_280] : memref<832x16384xf32, #tpu.memory_space<hbm>> -> memref<1x2048xf32, #tpu.memory_space<hbm>>
        %dma_start3A_282 = tpu.memref_squeeze %dma_start3A_281 : memref<1x2048xf32, #tpu.memory_space<hbm>> -> memref<2048xf32, #tpu.memory_space<hbm>>
        %dma_start3A_283 = arith.constant 0 : i32
        %dma_start3A_284 = tpu.memref_slice %arg7[%dma_start3A_270, %dma_start3A_283] : memref<4x2048xf32, #tpu.memory_space<vmem>> -> memref<1x2048xf32, #tpu.memory_space<vmem>>
        %dma_start3A_285 = tpu.memref_squeeze %dma_start3A_284 : memref<1x2048xf32, #tpu.memory_space<vmem>> -> memref<2048xf32, #tpu.memory_space<vmem>>
        tpu.enqueue_dma source(%dma_start3A_285 : memref<2048xf32, #tpu.memory_space<vmem>>) target(%dma_start3A_282 : memref<2048xf32, #tpu.memory_space<hbm>>) target_semaphore(%dma_start3A_279 : memref<!tpu.dma_semaphore, #tpu.memory_space<semaphore_mem>>)
        %dma_wait3A_286 = arith.constant 2 : i32
        %dma_wait3A_287 = arith.constant 2 : i32
        %dma_wait3A_288 = arith.constant 0 : i32
        %dma_wait3A_289 = tpu.memref_slice %arg7[%dma_wait3A_286, %dma_wait3A_288] : memref<4x2048xf32, #tpu.memory_space<vmem>> -> memref<1x2048xf32, #tpu.memory_space<vmem>>
        %dma_wait3A_290 = tpu.memref_squeeze %dma_wait3A_289 : memref<1x2048xf32, #tpu.memory_space<vmem>> -> memref<2048xf32, #tpu.memory_space<vmem>>
        %dma_wait3A_291 = arith.constant 0 : i32
        %dma_wait3A_292 = tpu.memref_slice %arg4[%add3A_126, %dma_wait3A_291] : memref<832x16384xf32, #tpu.memory_space<hbm>> -> memref<1x2048xf32, #tpu.memory_space<hbm>>
        %dma_wait3A_293 = tpu.memref_squeeze %dma_wait3A_292 : memref<1x2048xf32, #tpu.memory_space<hbm>> -> memref<2048xf32, #tpu.memory_space<hbm>>
        %dma_wait3A_294 = tpu.memref_slice %arg9[%dma_wait3A_287] : memref<4x!tpu.dma_semaphore, #tpu.memory_space<semaphore_mem>> -> memref<1x!tpu.dma_semaphore, #tpu.memory_space<semaphore_mem>>
        %dma_wait3A_295 = tpu.memref_squeeze %dma_wait3A_294 : memref<1x!tpu.dma_semaphore, #tpu.memory_space<semaphore_mem>> -> memref<!tpu.dma_semaphore, #tpu.memory_space<semaphore_mem>>
        %dma_wait3A_296 = arith.constant 0 : i32
        %dma_wait3A_297 = tpu.memref_slice %arg4[%add3A_126, %dma_wait3A_296] : memref<832x16384xf32, #tpu.memory_space<hbm>> -> memref<1x2048xf32, #tpu.memory_space<hbm>>
        %dma_wait3A_298 = tpu.memref_squeeze %dma_wait3A_297 : memref<1x2048xf32, #tpu.memory_space<hbm>> -> memref<2048xf32, #tpu.memory_space<hbm>>
        %dma_wait3A_299 = arith.constant 0 : i32
        %dma_wait3A_300 = tpu.memref_slice %arg7[%dma_wait3A_286, %dma_wait3A_299] : memref<4x2048xf32, #tpu.memory_space<vmem>> -> memref<1x2048xf32, #tpu.memory_space<vmem>>
        %dma_wait3A_301 = tpu.memref_squeeze %dma_wait3A_300 : memref<1x2048xf32, #tpu.memory_space<vmem>> -> memref<2048xf32, #tpu.memory_space<vmem>>
        tpu.wait_dma2 semaphore(%dma_wait3A_295 : memref<!tpu.dma_semaphore, #tpu.memory_space<semaphore_mem>>) src(%dma_wait3A_301 : memref<2048xf32, #tpu.memory_space<vmem>>) dst(%dma_wait3A_298 : memref<2048xf32, #tpu.memory_space<hbm>>)
        %parallel_loop3A_302 = arith.constant 0 : i32
        %parallel_loop3A_303 = arith.constant 128 : i32
        %parallel_loop3A_304 = arith.constant 1 : i32
        scf.for %parallel_loop3A_356 = %parallel_loop3A_302 to %parallel_loop3A_303 step %parallel_loop3A_304  : i32 {
          %parallel_loop3A_357 = arith.constant 16 : i32
          %parallel_loop3A_358 = arith.muli %parallel_loop3A_356, %parallel_loop3A_357 : i32
          %parallel_loop3A_359 = arith.constant 12288 : i32
          %parallel_loop3A_360 = arith.addi %parallel_loop3A_359, %parallel_loop3A_358 : i32
          %parallel_loop3A_361 = arith.index_cast %parallel_loop3A_360 : i32 to index
          %parallel_loop3A_362 = tpu.vector_load %arg6[%parallel_loop3A_361] {strides = array<i32>} : memref<16384xi32, #tpu.memory_space<vmem>>, vector<16xi32>,
          %parallel_loop3A_363 = tpu.vector_load_idx %arg5[%parallel_loop3A_362] : memref<100001xf32, #tpu.memory_space<vmem>>[vector<16xi32>], vector<16xf32>,
          %parallel_loop3A_364 = arith.constant 2 : i32
          %parallel_loop3A_365 = arith.index_cast %parallel_loop3A_364 : i32 to index
          %parallel_loop3A_366 = arith.index_cast %parallel_loop3A_358 : i32 to index
          %parallel_loop3A_367 = tpu.vector_load %arg7[%parallel_loop3A_365, %parallel_loop3A_366] {strides = array<i32>} : memref<4x2048xf32, #tpu.memory_space<vmem>>, vector<16xf32>,
          tpu.vector_store %arg7[%parallel_loop3A_365, %parallel_loop3A_366], %parallel_loop3A_363 {strides = array<i32>} : memref<4x2048xf32, #tpu.memory_space<vmem>>, vector<16xf32>,
        } {sc.loop_unroll_factor = 16 : i64, sc.parallel_access}
        %dma_start3A_305 = arith.constant 2 : i32
        %dma_start3A_306 = arith.constant 2 : i32
        %dma_start3A_307 = arith.constant 0 : i32
        %dma_start3A_308 = tpu.memref_slice %arg7[%dma_start3A_305, %dma_start3A_307] : memref<4x2048xf32, #tpu.memory_space<vmem>> -> memref<1x2048xf32, #tpu.memory_space<vmem>>
        %dma_start3A_309 = tpu.memref_squeeze %dma_start3A_308 : memref<1x2048xf32, #tpu.memory_space<vmem>> -> memref<2048xf32, #tpu.memory_space<vmem>>
        %dma_start3A_310 = arith.constant 12288 : i32
        %dma_start3A_311 = tpu.memref_slice %arg4[%add3A_126, %dma_start3A_310] : memref<832x16384xf32, #tpu.memory_space<hbm>> -> memref<1x2048xf32, #tpu.memory_space<hbm>>
        %dma_start3A_312 = tpu.memref_squeeze %dma_start3A_311 : memref<1x2048xf32, #tpu.memory_space<hbm>> -> memref<2048xf32, #tpu.memory_space<hbm>>
        %dma_start3A_313 = tpu.memref_slice %arg9[%dma_start3A_306] : memref<4x!tpu.dma_semaphore, #tpu.memory_space<semaphore_mem>> -> memref<1x!tpu.dma_semaphore, #tpu.memory_space<semaphore_mem>>
        %dma_start3A_314 = tpu.memref_squeeze %dma_start3A_313 : memref<1x!tpu.dma_semaphore, #tpu.memory_space<semaphore_mem>> -> memref<!tpu.dma_semaphore, #tpu.memory_space<semaphore_mem>>
        %dma_start3A_315 = arith.constant 12288 : i32
        %dma_start3A_316 = tpu.memref_slice %arg4[%add3A_126, %dma_start3A_315] : memref<832x16384xf32, #tpu.memory_space<hbm>> -> memref<1x2048xf32, #tpu.memory_space<hbm>>
        %dma_start3A_317 = tpu.memref_squeeze %dma_start3A_316 : memref<1x2048xf32, #tpu.memory_space<hbm>> -> memref<2048xf32, #tpu.memory_space<hbm>>
        %dma_start3A_318 = arith.constant 0 : i32
        %dma_start3A_319 = tpu.memref_slice %arg7[%dma_start3A_305, %dma_start3A_318] : memref<4x2048xf32, #tpu.memory_space<vmem>> -> memref<1x2048xf32, #tpu.memory_space<vmem>>
        %dma_start3A_320 = tpu.memref_squeeze %dma_start3A_319 : memref<1x2048xf32, #tpu.memory_space<vmem>> -> memref<2048xf32, #tpu.memory_space<vmem>>
        tpu.enqueue_dma source(%dma_start3A_320 : memref<2048xf32, #tpu.memory_space<vmem>>) target(%dma_start3A_317 : memref<2048xf32, #tpu.memory_space<hbm>>) target_semaphore(%dma_start3A_314 : memref<!tpu.dma_semaphore, #tpu.memory_space<semaphore_mem>>)
        %dma_wait3A_321 = arith.constant 3 : i32
        %dma_wait3A_322 = arith.constant 3 : i32
        %dma_wait3A_323 = arith.constant 0 : i32
        %dma_wait3A_324 = tpu.memref_slice %arg7[%dma_wait3A_321, %dma_wait3A_323] : memref<4x2048xf32, #tpu.memory_space<vmem>> -> memref<1x2048xf32, #tpu.memory_space<vmem>>
        %dma_wait3A_325 = tpu.memref_squeeze %dma_wait3A_324 : memref<1x2048xf32, #tpu.memory_space<vmem>> -> memref<2048xf32, #tpu.memory_space<vmem>>
        %dma_wait3A_326 = arith.constant 0 : i32
        %dma_wait3A_327 = tpu.memref_slice %arg4[%add3A_126, %dma_wait3A_326] : memref<832x16384xf32, #tpu.memory_space<hbm>> -> memref<1x2048xf32, #tpu.memory_space<hbm>>
        %dma_wait3A_328 = tpu.memref_squeeze %dma_wait3A_327 : memref<1x2048xf32, #tpu.memory_space<hbm>> -> memref<2048xf32, #tpu.memory_space<hbm>>
        %dma_wait3A_329 = tpu.memref_slice %arg9[%dma_wait3A_322] : memref<4x!tpu.dma_semaphore, #tpu.memory_space<semaphore_mem>> -> memref<1x!tpu.dma_semaphore, #tpu.memory_space<semaphore_mem>>
        %dma_wait3A_330 = tpu.memref_squeeze %dma_wait3A_329 : memref<1x!tpu.dma_semaphore, #tpu.memory_space<semaphore_mem>> -> memref<!tpu.dma_semaphore, #tpu.memory_space<semaphore_mem>>
        %dma_wait3A_331 = arith.constant 0 : i32
        %dma_wait3A_332 = tpu.memref_slice %arg4[%add3A_126, %dma_wait3A_331] : memref<832x16384xf32, #tpu.memory_space<hbm>> -> memref<1x2048xf32, #tpu.memory_space<hbm>>
        %dma_wait3A_333 = tpu.memref_squeeze %dma_wait3A_332 : memref<1x2048xf32, #tpu.memory_space<hbm>> -> memref<2048xf32, #tpu.memory_space<hbm>>
        %dma_wait3A_334 = arith.constant 0 : i32
        %dma_wait3A_335 = tpu.memref_slice %arg7[%dma_wait3A_321, %dma_wait3A_334] : memref<4x2048xf32, #tpu.memory_space<vmem>> -> memref<1x2048xf32, #tpu.memory_space<vmem>>
        %dma_wait3A_336 = tpu.memref_squeeze %dma_wait3A_335 : memref<1x2048xf32, #tpu.memory_space<vmem>> -> memref<2048xf32, #tpu.memory_space<vmem>>
        tpu.wait_dma2 semaphore(%dma_wait3A_330 : memref<!tpu.dma_semaphore, #tpu.memory_space<semaphore_mem>>) src(%dma_wait3A_336 : memref<2048xf32, #tpu.memory_space<vmem>>) dst(%dma_wait3A_333 : memref<2048xf32, #tpu.memory_space<hbm>>)
        %parallel_loop3A_337 = arith.constant 0 : i32
        %parallel_loop3A_338 = arith.constant 128 : i32
        %parallel_loop3A_339 = arith.constant 1 : i32
        scf.for %parallel_loop3A_356 = %parallel_loop3A_337 to %parallel_loop3A_338 step %parallel_loop3A_339  : i32 {
          %parallel_loop3A_357 = arith.constant 16 : i32
          %parallel_loop3A_358 = arith.muli %parallel_loop3A_356, %parallel_loop3A_357 : i32
          %parallel_loop3A_359 = arith.constant 14336 : i32
          %parallel_loop3A_360 = arith.addi %parallel_loop3A_359, %parallel_loop3A_358 : i32
          %parallel_loop3A_361 = arith.index_cast %parallel_loop3A_360 : i32 to index
          %parallel_loop3A_362 = tpu.vector_load %arg6[%parallel_loop3A_361] {strides = array<i32>} : memref<16384xi32, #tpu.memory_space<vmem>>, vector<16xi32>,
          %parallel_loop3A_363 = tpu.vector_load_idx %arg5[%parallel_loop3A_362] : memref<100001xf32, #tpu.memory_space<vmem>>[vector<16xi32>], vector<16xf32>,
          %parallel_loop3A_364 = arith.constant 3 : i32
          %parallel_loop3A_365 = arith.index_cast %parallel_loop3A_364 : i32 to index
          %parallel_loop3A_366 = arith.index_cast %parallel_loop3A_358 : i32 to index
          %parallel_loop3A_367 = tpu.vector_load %arg7[%parallel_loop3A_365, %parallel_loop3A_366] {strides = array<i32>} : memref<4x2048xf32, #tpu.memory_space<vmem>>, vector<16xf32>,
          tpu.vector_store %arg7[%parallel_loop3A_365, %parallel_loop3A_366], %parallel_loop3A_363 {strides = array<i32>} : memref<4x2048xf32, #tpu.memory_space<vmem>>, vector<16xf32>,
        } {sc.loop_unroll_factor = 16 : i64, sc.parallel_access}
        %dma_start3A_340 = arith.constant 3 : i32
        %dma_start3A_341 = arith.constant 3 : i32
        %dma_start3A_342 = arith.constant 0 : i32
        %dma_start3A_343 = tpu.memref_slice %arg7[%dma_start3A_340, %dma_start3A_342] : memref<4x2048xf32, #tpu.memory_space<vmem>> -> memref<1x2048xf32, #tpu.memory_space<vmem>>
        %dma_start3A_344 = tpu.memref_squeeze %dma_start3A_343 : memref<1x2048xf32, #tpu.memory_space<vmem>> -> memref<2048xf32, #tpu.memory_space<vmem>>
        %dma_start3A_345 = arith.constant 14336 : i32
        %dma_start3A_346 = tpu.memref_slice %arg4[%add3A_126, %dma_start3A_345] : memref<832x16384xf32, #tpu.memory_space<hbm>> -> memref<1x2048xf32, #tpu.memory_space<hbm>>
        %dma_start3A_347 = tpu.memref_squeeze %dma_start3A_346 : memref<1x2048xf32, #tpu.memory_space<hbm>> -> memref<2048xf32, #tpu.memory_space<hbm>>
        %dma_start3A_348 = tpu.memref_slice %arg9[%dma_start3A_341] : memref<4x!tpu.dma_semaphore, #tpu.memory_space<semaphore_mem>> -> memref<1x!tpu.dma_semaphore, #tpu.memory_space<semaphore_mem>>
        %dma_start3A_349 = tpu.memref_squeeze %dma_start3A_348 : memref<1x!tpu.dma_semaphore, #tpu.memory_space<semaphore_mem>> -> memref<!tpu.dma_semaphore, #tpu.memory_space<semaphore_mem>>
        %dma_start3A_350 = arith.constant 14336 : i32
        %dma_start3A_351 = tpu.memref_slice %arg4[%add3A_126, %dma_start3A_350] : memref<832x16384xf32, #tpu.memory_space<hbm>> -> memref<1x2048xf32, #tpu.memory_space<hbm>>
        %dma_start3A_352 = tpu.memref_squeeze %dma_start3A_351 : memref<1x2048xf32, #tpu.memory_space<hbm>> -> memref<2048xf32, #tpu.memory_space<hbm>>
        %dma_start3A_353 = arith.constant 0 : i32
        %dma_start3A_354 = tpu.memref_slice %arg7[%dma_start3A_340, %dma_start3A_353] : memref<4x2048xf32, #tpu.memory_space<vmem>> -> memref<1x2048xf32, #tpu.memory_space<vmem>>
        %dma_start3A_355 = tpu.memref_squeeze %dma_start3A_354 : memref<1x2048xf32, #tpu.memory_space<vmem>> -> memref<2048xf32, #tpu.memory_space<vmem>>
        tpu.enqueue_dma source(%dma_start3A_355 : memref<2048xf32, #tpu.memory_space<vmem>>) target(%dma_start3A_352 : memref<2048xf32, #tpu.memory_space<hbm>>) target_semaphore(%dma_start3A_349 : memref<!tpu.dma_semaphore, #tpu.memory_space<semaphore_mem>>)
      }
    } else {
    }
    %dma_wait3A = arith.constant 0 : i32
    %dma_wait3A_42 = arith.constant 0 : i32
    %dma_wait3A_43 = arith.constant 0 : i32
    %dma_wait3A_44 = tpu.memref_slice %arg7[%dma_wait3A, %dma_wait3A_43] : memref<4x2048xf32, #tpu.memory_space<vmem>> -> memref<1x2048xf32, #tpu.memory_space<vmem>>
    %dma_wait3A_45 = tpu.memref_squeeze %dma_wait3A_44 : memref<1x2048xf32, #tpu.memory_space<vmem>> -> memref<2048xf32, #tpu.memory_space<vmem>>
    %dma_wait3A_46 = arith.constant 0 : i32
    %dma_wait3A_47 = tpu.memref_slice %arg4[%mul3A_2, %dma_wait3A_46] : memref<832x16384xf32, #tpu.memory_space<hbm>> -> memref<1x2048xf32, #tpu.memory_space<hbm>>
    %dma_wait3A_48 = tpu.memref_squeeze %dma_wait3A_47 : memref<1x2048xf32, #tpu.memory_space<hbm>> -> memref<2048xf32, #tpu.memory_space<hbm>>
    %dma_wait3A_49 = tpu.memref_slice %arg9[%dma_wait3A_42] : memref<4x!tpu.dma_semaphore, #tpu.memory_space<semaphore_mem>> -> memref<1x!tpu.dma_semaphore, #tpu.memory_space<semaphore_mem>>
    %dma_wait3A_50 = tpu.memref_squeeze %dma_wait3A_49 : memref<1x!tpu.dma_semaphore, #tpu.memory_space<semaphore_mem>> -> memref<!tpu.dma_semaphore, #tpu.memory_space<semaphore_mem>>
    %dma_wait3A_51 = arith.constant 0 : i32
    %dma_wait3A_52 = tpu.memref_slice %arg4[%mul3A_2, %dma_wait3A_51] : memref<832x16384xf32, #tpu.memory_space<hbm>> -> memref<1x2048xf32, #tpu.memory_space<hbm>>
    %dma_wait3A_53 = tpu.memref_squeeze %dma_wait3A_52 : memref<1x2048xf32, #tpu.memory_space<hbm>> -> memref<2048xf32, #tpu.memory_space<hbm>>
    %dma_wait3A_54 = arith.constant 0 : i32
    %dma_wait3A_55 = tpu.memref_slice %arg7[%dma_wait3A, %dma_wait3A_54] : memref<4x2048xf32, #tpu.memory_space<vmem>> -> memref<1x2048xf32, #tpu.memory_space<vmem>>
    %dma_wait3A_56 = tpu.memref_squeeze %dma_wait3A_55 : memref<1x2048xf32, #tpu.memory_space<vmem>> -> memref<2048xf32, #tpu.memory_space<vmem>>
    tpu.wait_dma2 semaphore(%dma_wait3A_50 : memref<!tpu.dma_semaphore, #tpu.memory_space<semaphore_mem>>) src(%dma_wait3A_56 : memref<2048xf32, #tpu.memory_space<vmem>>) dst(%dma_wait3A_53 : memref<2048xf32, #tpu.memory_space<hbm>>)
    %dma_wait3A_57 = arith.constant 1 : i32
    %dma_wait3A_58 = arith.constant 1 : i32
    %dma_wait3A_59 = arith.constant 0 : i32
    %dma_wait3A_60 = tpu.memref_slice %arg7[%dma_wait3A_57, %dma_wait3A_59] : memref<4x2048xf32, #tpu.memory_space<vmem>> -> memref<1x2048xf32, #tpu.memory_space<vmem>>
    %dma_wait3A_61 = tpu.memref_squeeze %dma_wait3A_60 : memref<1x2048xf32, #tpu.memory_space<vmem>> -> memref<2048xf32, #tpu.memory_space<vmem>>
    %dma_wait3A_62 = arith.constant 0 : i32
    %dma_wait3A_63 = tpu.memref_slice %arg4[%mul3A_2, %dma_wait3A_62] : memref<832x16384xf32, #tpu.memory_space<hbm>> -> memref<1x2048xf32, #tpu.memory_space<hbm>>
    %dma_wait3A_64 = tpu.memref_squeeze %dma_wait3A_63 : memref<1x2048xf32, #tpu.memory_space<hbm>> -> memref<2048xf32, #tpu.memory_space<hbm>>
    %dma_wait3A_65 = tpu.memref_slice %arg9[%dma_wait3A_58] : memref<4x!tpu.dma_semaphore, #tpu.memory_space<semaphore_mem>> -> memref<1x!tpu.dma_semaphore, #tpu.memory_space<semaphore_mem>>
    %dma_wait3A_66 = tpu.memref_squeeze %dma_wait3A_65 : memref<1x!tpu.dma_semaphore, #tpu.memory_space<semaphore_mem>> -> memref<!tpu.dma_semaphore, #tpu.memory_space<semaphore_mem>>
    %dma_wait3A_67 = arith.constant 0 : i32
    %dma_wait3A_68 = tpu.memref_slice %arg4[%mul3A_2, %dma_wait3A_67] : memref<832x16384xf32, #tpu.memory_space<hbm>> -> memref<1x2048xf32, #tpu.memory_space<hbm>>
    %dma_wait3A_69 = tpu.memref_squeeze %dma_wait3A_68 : memref<1x2048xf32, #tpu.memory_space<hbm>> -> memref<2048xf32, #tpu.memory_space<hbm>>
    %dma_wait3A_70 = arith.constant 0 : i32
    %dma_wait3A_71 = tpu.memref_slice %arg7[%dma_wait3A_57, %dma_wait3A_70] : memref<4x2048xf32, #tpu.memory_space<vmem>> -> memref<1x2048xf32, #tpu.memory_space<vmem>>
    %dma_wait3A_72 = tpu.memref_squeeze %dma_wait3A_71 : memref<1x2048xf32, #tpu.memory_space<vmem>> -> memref<2048xf32, #tpu.memory_space<vmem>>
    tpu.wait_dma2 semaphore(%dma_wait3A_66 : memref<!tpu.dma_semaphore, #tpu.memory_space<semaphore_mem>>) src(%dma_wait3A_72 : memref<2048xf32, #tpu.memory_space<vmem>>) dst(%dma_wait3A_69 : memref<2048xf32, #tpu.memory_space<hbm>>)
    %dma_wait3A_73 = arith.constant 2 : i32
    %dma_wait3A_74 = arith.constant 2 : i32
    %dma_wait3A_75 = arith.constant 0 : i32
    %dma_wait3A_76 = tpu.memref_slice %arg7[%dma_wait3A_73, %dma_wait3A_75] : memref<4x2048xf32, #tpu.memory_space<vmem>> -> memref<1x2048xf32, #tpu.memory_space<vmem>>
    %dma_wait3A_77 = tpu.memref_squeeze %dma_wait3A_76 : memref<1x2048xf32, #tpu.memory_space<vmem>> -> memref<2048xf32, #tpu.memory_space<vmem>>
    %dma_wait3A_78 = arith.constant 0 : i32
    %dma_wait3A_79 = tpu.memref_slice %arg4[%mul3A_2, %dma_wait3A_78] : memref<832x16384xf32, #tpu.memory_space<hbm>> -> memref<1x2048xf32, #tpu.memory_space<hbm>>
    %dma_wait3A_80 = tpu.memref_squeeze %dma_wait3A_79 : memref<1x2048xf32, #tpu.memory_space<hbm>> -> memref<2048xf32, #tpu.memory_space<hbm>>
    %dma_wait3A_81 = tpu.memref_slice %arg9[%dma_wait3A_74] : memref<4x!tpu.dma_semaphore, #tpu.memory_space<semaphore_mem>> -> memref<1x!tpu.dma_semaphore, #tpu.memory_space<semaphore_mem>>
    %dma_wait3A_82 = tpu.memref_squeeze %dma_wait3A_81 : memref<1x!tpu.dma_semaphore, #tpu.memory_space<semaphore_mem>> -> memref<!tpu.dma_semaphore, #tpu.memory_space<semaphore_mem>>
    %dma_wait3A_83 = arith.constant 0 : i32
    %dma_wait3A_84 = tpu.memref_slice %arg4[%mul3A_2, %dma_wait3A_83] : memref<832x16384xf32, #tpu.memory_space<hbm>> -> memref<1x2048xf32, #tpu.memory_space<hbm>>
    %dma_wait3A_85 = tpu.memref_squeeze %dma_wait3A_84 : memref<1x2048xf32, #tpu.memory_space<hbm>> -> memref<2048xf32, #tpu.memory_space<hbm>>
    %dma_wait3A_86 = arith.constant 0 : i32
    %dma_wait3A_87 = tpu.memref_slice %arg7[%dma_wait3A_73, %dma_wait3A_86] : memref<4x2048xf32, #tpu.memory_space<vmem>> -> memref<1x2048xf32, #tpu.memory_space<vmem>>
    %dma_wait3A_88 = tpu.memref_squeeze %dma_wait3A_87 : memref<1x2048xf32, #tpu.memory_space<vmem>> -> memref<2048xf32, #tpu.memory_space<vmem>>
    tpu.wait_dma2 semaphore(%dma_wait3A_82 : memref<!tpu.dma_semaphore, #tpu.memory_space<semaphore_mem>>) src(%dma_wait3A_88 : memref<2048xf32, #tpu.memory_space<vmem>>) dst(%dma_wait3A_85 : memref<2048xf32, #tpu.memory_space<hbm>>)
    %dma_wait3A_89 = arith.constant 3 : i32
    %dma_wait3A_90 = arith.constant 3 : i32
    %dma_wait3A_91 = arith.constant 0 : i32
    %dma_wait3A_92 = tpu.memref_slice %arg7[%dma_wait3A_89, %dma_wait3A_91] : memref<4x2048xf32, #tpu.memory_space<vmem>> -> memref<1x2048xf32, #tpu.memory_space<vmem>>
    %dma_wait3A_93 = tpu.memref_squeeze %dma_wait3A_92 : memref<1x2048xf32, #tpu.memory_space<vmem>> -> memref<2048xf32, #tpu.memory_space<vmem>>
    %dma_wait3A_94 = arith.constant 0 : i32
    %dma_wait3A_95 = tpu.memref_slice %arg4[%mul3A_2, %dma_wait3A_94] : memref<832x16384xf32, #tpu.memory_space<hbm>> -> memref<1x2048xf32, #tpu.memory_space<hbm>>
    %dma_wait3A_96 = tpu.memref_squeeze %dma_wait3A_95 : memref<1x2048xf32, #tpu.memory_space<hbm>> -> memref<2048xf32, #tpu.memory_space<hbm>>
    %dma_wait3A_97 = tpu.memref_slice %arg9[%dma_wait3A_90] : memref<4x!tpu.dma_semaphore, #tpu.memory_space<semaphore_mem>> -> memref<1x!tpu.dma_semaphore, #tpu.memory_space<semaphore_mem>>
    %dma_wait3A_98 = tpu.memref_squeeze %dma_wait3A_97 : memref<1x!tpu.dma_semaphore, #tpu.memory_space<semaphore_mem>> -> memref<!tpu.dma_semaphore, #tpu.memory_space<semaphore_mem>>
    %dma_wait3A_99 = arith.constant 0 : i32
    %dma_wait3A_100 = tpu.memref_slice %arg4[%mul3A_2, %dma_wait3A_99] : memref<832x16384xf32, #tpu.memory_space<hbm>> -> memref<1x2048xf32, #tpu.memory_space<hbm>>
    %dma_wait3A_101 = tpu.memref_squeeze %dma_wait3A_100 : memref<1x2048xf32, #tpu.memory_space<hbm>> -> memref<2048xf32, #tpu.memory_space<hbm>>
    %dma_wait3A_102 = arith.constant 0 : i32
    %dma_wait3A_103 = tpu.memref_slice %arg7[%dma_wait3A_89, %dma_wait3A_102] : memref<4x2048xf32, #tpu.memory_space<vmem>> -> memref<1x2048xf32, #tpu.memory_space<vmem>>
    %dma_wait3A_104 = tpu.memref_squeeze %dma_wait3A_103 : memref<1x2048xf32, #tpu.memory_space<vmem>> -> memref<2048xf32, #tpu.memory_space<vmem>>
    tpu.wait_dma2 semaphore(%dma_wait3A_98 : memref<!tpu.dma_semaphore, #tpu.memory_space<semaphore_mem>>) src(%dma_wait3A_104 : memref<2048xf32, #tpu.memory_space<vmem>>) dst(%dma_wait3A_101 : memref<2048xf32, #tpu.memory_space<hbm>>)
    return
  }
}

module attributes {stable_mosaic.version = 14 : i64} {
  func.func @_mask_body(%arg0: memref<26x16384xi32, #tpu.memory_space<vmem>>, %arg1: memref<26x16384xi32, #tpu.memory_space<vmem>>) attributes {dimension_semantics = [], scalar_prefetch = 0 : i64, scratch_operands = 0 : i64, tpu.core_type = #tpu.core_type<tc>} {
    %get3A = arith.constant 0 : index
    %get3A_0 = arith.constant 0 : index
    %get3A_1 = vector.load %arg0[%get3A, %get3A_0] : memref<26x16384xi32, #tpu.memory_space<vmem>>, vector<26x16384xi32>
    %eq3A = arith.constant 0 : i32
    %eq3A_2 = vector.broadcast %eq3A : i32 to vector<26x16384xi32>
    %eq3A_3 = arith.cmpi eq, %get3A_1, %eq3A_2 : vector<26x16384xi32>
    %swap3A = arith.constant 0 : index
    %swap3A_4 = arith.constant 0 : index
    %swap3A_5 = vector.load %arg1[%swap3A, %swap3A_4] : memref<26x16384xi32, #tpu.memory_space<vmem>>, vector<26x16384xi32>
    %swap3A_6 = arith.extui %eq3A_3 : vector<26x16384xi1> to vector<26x16384xi32>
    %swap3A_7 = arith.constant dense<0> : vector<26x16384xi32>
    %swap3A_8 = arith.cmpi ne, %swap3A_5, %swap3A_7 : vector<26x16384xi32>
    tpu.vector_store %arg1[%swap3A, %swap3A_4], %swap3A_6 {strides = array<i32>} : memref<26x16384xi32, #tpu.memory_space<vmem>>, vector<26x16384xi32>,
    return
  }
}

</mosaic_0001>

<sc_bundles>
// kernel: kernel.4.cloned.1.call-start
scs
__scs_entry_jumppad:
0x0: {  	(pc) =	sbr.rel $0x88, $3  }
0x1: {  	(tag) =	ssettag $0x0;
	lr =	simm.s32 $0x1  }
0x2: {  	[smem:$0x3F9F] =	sst lr;
	_ =	strace $0xD0000000  }
0x3: {  	_ = 	snop  }
0x4: {  	_ = 	snop  }
0x5: {  	_ = 	snop  }
0x6: {  	_ = 	snop  }
0x7: {  	_ = 	snop  }
__scs_overlays_trampoline_lowered:
0x8: {  	[smem:$0x3FAE] =	sst s0  }
0x9: {  	[smem:$0x3FAF] =	sst s1  }
0xa: {  	[smem:$0x3FB0] =	sst s2  }
0xb: {  	[smem:$0x3FB1] =	sst s3  }
0xc: {  	[smem:$0x3FB2] =	sst s4  }
0xd: {  	[smem:$0x3FB3] =	sst s5  }
0xe: {  	[smem:$0x3FB4] =	sst s6  }
0xf: {  	[smem:$0x3FB5] =	sst s7  }
0x10: {  	[smem:$0x3FB6] =	sst s8  }
0x11: {  	[smem:$0x3FB7] =	sst s9;
	s0 =	simm.s32 @!p0 $0x0  }
0x12: {  	s1 =	sld [smem:$0x3F9D];
	s0 =	simm.s32 @p0 $0x1  }
0x13: {  	[smem:$0x3FB8] =	sst s0;
	s0 =	simm.s32 @!p1 $0x0  }
0x14: {  	s2 =	sld [smem:$0x3F9C];
	s0 =	simm.s32 @p1 $0x1  }
0x15: {  	[smem:$0x3FB9] =	sst s0;
	s0 =	simm.s32 @!p2 $0x0  }
0x16: {  	s3 =	sld [smem:$0x3FDB];
	s0 =	simm.s32 @p2 $0x1  }
0x17: {  	s4 =	simm.s32 $0x1BF5;
	[smem:$0x3FBB] =	sst s0  }
0x18: {  	s0 =	sld [smem:$0x3F9E];
	_ =	swait.ge [sflag:s4], $0x0  }
0x19: {  	s7 =	sld [smem:$0x3F9F]  }
0x1a: {  	s8 =	sadd.s32 $0xFFFFE003, lr  }
0x1b: {  	s9 =	sadd.s32 $0xFFFFFEF7, lr;
	s5 =	simm.s32 $0xFFFFFFFF;
	p2 =	slt.u32 s8, $0xFFFFF086  }
0x1c: {  	p1 =	slt.u32 s9, $0xF7A;
	s5 =	simm.s32 @!p2 $0x0  }
0x1d: {  	s5 =	simm.s32 @p1 $0x1;
	p0 =	seq.s32 s7, s2  }
0x1e: {  	s7 =	smul.u32 @!p0 $0xF7A, s2;
	p2 =	seq.s32 @!p0 s5, $0x0  }
0x1f: {  	s9 =	smul.u32 $0xF7A, s1;
	s8 =	simm.s32 @!p0 $0x1BF5;
	p2 =	por !p2, p0  }
0x20: {  	[sflag:s8] =	ssyncset.s32 @!p0 $0xFFFFF086;
	s6 =	sadd.s32 @!p0 s3, s7;
	s7 =	simm.s32 @!p0 $0x108  }
0x21: {  	s3 =	sadd.s32 s3, s9;
	s6 =	sadd.s32 @!p0 $0x88, s6;
	s7 =	simm.s32 @p2 $0x1082  }
0x22: {  	[simem:s7], [sflag:s8] =	dma.local @!p0 [hbm:s6], $0xF7A  }
0x23: {  	s9 =	sor.u32 $0xD0000000, s2;
	s6 =	simm.s32 $0x108;
	_ =	swait.ge @!p0 [sflag:s8], $0x0  }
0x24: {  	s3 =	sadd.s32 $0x88, s3;
	s6 =	simm.s32 @!p1 $0x1082;
	[sflag:s4] =	ssyncset.s32 $0xFFFFF086  }
0x25: {  	[simem:s6], [sflag:s4] =	dma.local [hbm:s3], $0xF7A  }
0x26: {  	[smem:$0x3F9F] =	sst s1;
	(tag) =	ssettag s2;
	_ =	strace s9  }
0x27: {  	s1 =	sld [smem:$0x3FAF]  }
0x28: {  	s2 =	sld [smem:$0x3FB0]  }
0x29: {  	s4 =	sld [smem:$0x3FB2]  }
0x2a: {  	p0 =	seq.s32 s5, $0x0;
	s5 =	sld [smem:$0x3FB3]  }
0x2b: {  	s6 =	sld [smem:$0x3FB4]  }
0x2c: {  	s7 =	sld [smem:$0x3FB5]  }
0x2d: {  	s3 =	simm.s32 $0x108;
	s8 =	sld [smem:$0x3FB6]  }
0x2e: {  	s3 =	simm.s32 @!p0 $0x1082;
	s9 =	sld [smem:$0x3FB7]  }
0x2f: {  	lr =	sadd.s32 s0, s3;
	s0 =	sld [smem:$0x3FAE]  }
0x30: {  	s3 =	sld [smem:$0x3FB1]  }
0x31: {  	[smem:$0x3FBA] =	sst s10  }
0x32: {  	s10 =	sld [smem:$0x3FB8];
	_ =	sdelay $0x3  }
0x33: {  	p0 =	seq.s32 s10, $0x1;
	s10 =	sld [smem:$0x3FBA];
	_ =	sdelay $0x3  }
0x34: {  	[smem:$0x3FBA] =	sst s10  }
0x35: {  	s10 =	sld [smem:$0x3FB9];
	_ =	sdelay $0x3  }
0x36: {  	p1 =	seq.s32 s10, $0x1;
	s10 =	sld [smem:$0x3FBA];
	_ =	sdelay $0x3  }
0x37: {  	[smem:$0x3FBA] =	sst s10  }
0x38: {  	s10 =	sld [smem:$0x3FBB]  }
0x39: {  	_ = 	snop;
	(pc) =	sbr.ind lr, $3  }
0x3a: {  	_ = 	snop  }
0x3b: {  	_ = 	snop  }
0x3c: {  	p2 =	seq.s32 s10, $0x1;
	s10 =	sld [smem:$0x3FBA]  }
0x3d: {  	_ =	shalt  }
0x3e: {  	_ =	shalt  }
0x3f: {  	_ =	shalt  }
0x40: {  	_ =	shalt  }
0x41: {  	_ =	shalt  }
0x42: {  	_ =	shalt  }
0x43: {  	_ =	shalt  }
0x44: {  	_ =	shalt  }
0x45: {  	_ =	shalt  }
0x46: {  	_ =	shalt  }
0x47: {  	_ =	shalt  }
0x48: {  	_ =	shalt  }
0x49: {  	_ =	shalt  }
0x4a: {  	_ =	shalt  }
0x4b: {  	_ =	shalt  }
0x4c: {  	_ =	shalt  }
0x4d: {  	_ =	shalt  }
0x4e: {  	_ =	shalt  }
0x4f: {  	_ =	shalt  }
0x50: {  	_ =	shalt  }
0x51: {  	_ =	shalt  }
0x52: {  	_ =	shalt  }
0x53: {  	_ =	shalt  }
0x54: {  	_ =	shalt  }
0x55: {  	_ =	shalt  }
0x56: {  	_ =	shalt  }
0x57: {  	_ =	shalt  }
0x58: {  	_ =	shalt  }
0x59: {  	_ =	shalt  }
0x5a: {  	_ =	shalt  }
0x5b: {  	_ =	shalt  }
0x5c: {  	_ =	shalt  }
0x5d: {  	_ =	shalt  }
0x5e: {  	_ =	shalt  }
0x5f: {  	_ =	shalt  }
0x60: {  	_ =	shalt  }
0x61: {  	_ =	shalt  }
0x62: {  	_ =	shalt  }
0x63: {  	_ =	shalt  }
0x64: {  	_ =	shalt  }
0x65: {  	_ =	shalt  }
0x66: {  	_ =	shalt  }
0x67: {  	_ =	shalt  }
0x68: {  	_ =	shalt  }
0x69: {  	_ =	shalt  }
0x6a: {  	_ =	shalt  }
0x6b: {  	_ =	shalt  }
0x6c: {  	_ =	shalt  }
0x6d: {  	_ =	shalt  }
0x6e: {  	_ =	shalt  }
0x6f: {  	_ =	shalt  }
0x70: {  	_ =	shalt  }
0x71: {  	_ =	shalt  }
0x72: {  	_ =	shalt  }
0x73: {  	_ =	shalt  }
0x74: {  	_ =	shalt  }
0x75: {  	_ =	shalt  }
0x76: {  	_ =	shalt  }
0x77: {  	_ =	shalt  }
0x78: {  	_ =	shalt  }
0x79: {  	_ =	shalt  }
0x7a: {  	_ =	shalt  }
0x7b: {  	_ =	shalt  }
0x7c: {  	_ =	shalt  }
0x7d: {  	_ =	shalt  }
0x7e: {  	_ =	shalt  }
0x7f: {  	_ =	shalt  }
0x80: {  	_ =	shalt  }
0x81: {  	_ =	shalt  }
0x82: {  	_ =	shalt  }
0x83: {  	_ =	shalt  }
0x84: {  	_ =	shalt  }
0x85: {  	_ =	shalt  }
0x86: {  	_ =	shalt  }
0x87: {  	_ =	shalt  }
.Lfunc_end0:
.L_simem_size_0:
called_computation_lowered:
.L_overlay_start_0:
0x88: {  	s2 =	sld [smem:$0x3FD9]  }
0x89: {  	s3 =	sld [smem:$0x3FFE];
	_ =	sdelay $0x1  }
0x8a: {  	s1 =	srdreg.scid  }
0x8b: {  	s0 =	sand.u32 $0x1, s1  }
0x8c: {  	s15 =	sshll.u32 s0, $0xA;
	s2 =	sadd.s32 s3, s2  }
0x8d: {  	s2 =	sadd.s32 s2, s15  }
0x8e: {  	[smem:$0x3FC6] =	sst s2  }
0x8f: {  	_ = 	snop  }
0x90: {  	s2 =	sld [smem:$0x3FD0];
	_ =	sdelay $0x1  }
0x91: {  	s16 =	sld [smem:$0x3FC9]  }
0x92: {  	s5 =	simm.s32 $0xA;
	s6 =	simm.s32 $0x10;
	s4 =	sld [smem:$0x3FC8]  }
0x93: {  	[smem:s6], [sflag:s5] =	dma.local [hbm:s2], $0x1  }
0x94: {  	_ =	swait.eq [sflag:s5], $0x1  }
0x95: {  	[sflag:s5] =	ssyncset.done $0x0  }
0x96: {  	[sflag:s5] =	ssyncadd.s32 $0xFFFFFFFF  }
0x97: {  	s17 =	sld [smem:$0x10];
	(tm) =	ssettm $0x1  }
0x98: {  	s18 =	sld [smem:$0x3FFB];
	_ =	sdelay $0x3  }
0x99: {  	_ =	strace s18  }
0x9a: {  	s5 =	sld [smem:$0x3FFC];
	_ =	sdelay $0x3  }
0x9b: {  	_ =	strace s5  }
0x9c: {  	s5 =	sld [smem:$0x3FFD];
	_ =	sdelay $0x3  }
0x9d: {  	_ =	strace s5  }
0x9e: {  	_ =	strace $0x8FFFFFFF  }
0x9f: {  	s19 =	sld [smem:$0x3FDB];
	_ =	sdelay $0x1  }
0xa0: {  	s20 =	simm.s32 $_scs_section_size  }
0xa1: {  	s7 =	simm.s32 $_size__tile_overlayer_lowered;
	s8 =	simm.s32 $_tile_overlayer_lowered  }
0xa2: {  	s23 =	simm.s32 $0x1BFF;
	s22 =	sshll.u32 s8, $0x1;
	s5 =	sadd.s32 s20, s19  }
0xa3: {  	s9 =	simm.s32 $0x0;
	s21 =	sshll.u32 s7, $0x1;
	s7 =	sadd.s32 s22, s5  }
0xa4: {  	[timem:s9], [sflag:s23] =	dma.local [hbm:s7], s21  }
0xa5: {  	_ =	swait.ge [sflag:s23], s21  }
0xa6: {  	s6 =	ssub.s32 $0x0, s21;
	[sflag:s23] =	ssyncset.done $0x0  }
0xa7: {  	[sflag:s23] =	ssyncadd.s32 s6;
	_ =	sdelay $0x1  }
0xa8: {  	s24 =	simm.s32 $0x1B8B  }
0xa9: {  	_ =	swait.ge [sflag:s24], $0x1  }
0xaa: {  	[sflag:s24] =	ssyncset.done $0x0  }
0xab: {  	s25 =	simm.s32 $0x1B8E;
	[sflag:s24] =	ssyncadd.s32 $0xFFFFFFFF  }
0xac: {  	s26 =	simm.s32 $execute0_lowered;
	[smem:$0x3FD2] =	sst s25  }
0xad: {  	s6 =	sshll.u32 s26, $0x1;
	_ =	strace $0x80000046;
	[dreg:$0x1] =	wrdreg $0xFFFFFFFF  }
0xae: {  	s28 =	simm.s32 $_size_execute0_lowered;
	s5 =	sadd.s32 s5, s6;
	[dreg:$0x0] =	wrdreg $0x0  }
0xaf: {  	s6 =	sshll.u32 s28, $0x1;
	[dreg:$0x2] =	wrdreg s5  }
0xb0: {  	[dreg:$0x3] =	wrdreg s6  }
0xb1: {  	[dreg:$0x4] =	wrdreg $0xC0  }
0xb2: {  	_ =	task [dreg:s9], $0x5FFFF  }
0xb3: {  	[dreg:$0x1] =	wrdreg $0xFFFFFFFF  }
0xb4: {  	[dreg:$0x0] =	wrdreg $0x60  }
0xb5: {  	[dreg:$0x2] =	wrdreg s4  }
0xb6: {  	[dreg:$0x3] =	wrdreg s16  }
0xb7: {  	[dreg:$0x4] =	wrdreg s17  }
0xb8: {  	[dreg:$0x5] =	wrdreg $0x9  }
0xb9: {  	_ =	task.clear_ibuf [dreg:s9], $0x6FFFF;
	_ =	strace $0x90000046  }
0xba: {  	s29 =	simm.s32 $0x9;
	_ =	strace $0x80000048  }
0xbb: {  	_ =	swait.ge [sflag:s29], $0x1  }
0xbc: {  	[sflag:s29] =	ssyncadd.s32 $0xFFFFFFFF  }
0xbd: {  	_ =	strace $0x90000048  }
0xbe: {  	_ =	sfence  }
0xbf: {  	s30 =	sld [smem:$0x0];
	_ =	sdelay $0x2  }
0xc0: {  	s31 =	sshll.u32 s1, $0xD;
	s1 =	sshrl.u32 s1, $0x2  }
0xc1: {  	s3 =	sand.u32 $0x4000, s31;
	s1 =	sadd.s32 s1, s30  }
0xc2: {  	s0 =	sor.u32 s3, s0;
	s1 =	sshll.u32 s1, $0x11  }
0xc3: {  	s0 =	sor.u32 s1, s0  }
0xc4: {  	s0 =	sadd.s32 $0x8F2B, s0  }
0xc5: {  	[sflag:s0] =	ssyncadd.remote.s32 $0x1  }
0xc6: {  	_ =	sfence.sel $0xFFFF  }
0xc7: {  	[dreg:$0x0] =	wrdreg $0xFFFFFFFF;
	(pc) =	sbr.abs _section_cstart, $3  }
0xc8: {  	[dreg:$0x1] =	wrdreg $0xFFFFFFFF  }
0xc9: {  	_ =	task.clear_ibuf [dreg:s9], $0x2FFFF;
	_ =	strace $0x9FFFFFFF  }
0xca: {  	(tm) =	ssettm $0x7FFFFFFF  }
0xcb: {  	_ =	shalt  }
tec
execute0_lowered:
.L_overlay_start_1:
0x0: {  	(tag) =	ssettag $0x1  }
0x1: {  	s0 =	srdreg.scid  }
0x2: {  	s2 =	stileid.u32;
	s1 =	rddreg [dreg:$0x1]  }
0x3: {  	s9 =	rddreg [dreg:$0x2];
	s4 =	simm.s32 $0x0;
	s12 =	simm.s32 $0x1D480  }
0x4: {  	s13 =	simm.s32 $0x1D680;
	s14 =	simm.s32 $0x1D880;
	s15 =	simm.s32 $0x1DA80  }
0x5: {  	s28 =	simm.s32 $0x1E280;
	s29 =	simm.s32 $0x1E480;
	s30 =	simm.s32 $0x1E680  }
0x6: {  	s31 =	simm.s32 $0x2;
	[smem:$0x7FF] =	sst s4;
	s19 =	sadd.s32 $0x800, s9  }
0x7: {  	s20 =	sadd.s32 $0x1000, s9;
	_ =	strace $0x80000047;
	[dreg:$0x8] =	wrdreg s19  }
0x8: {  	s0 =	sand.u32 $0x1, s0;
	s21 =	sadd.s32 $0x1800, s9;
	[dreg:$0x9] =	wrdreg s20  }
0x9: {  	s2 =	sshll.u32 s2, $0x1;
	s22 =	sadd.s32 $0x2000, s9;
	[dreg:$0xa] =	wrdreg s21  }
0xa: {  	s23 =	sadd.s32 $0x2800, s9;
	s25 =	sadd.s32 $0x3000, s9;
	[dreg:$0xb] =	wrdreg s22  }
0xb: {  	s26 =	sadd.s32 $0x3800, s9;
	s9 =	simm.s32 $0x1CE80;
	[dreg:$0xc] =	wrdreg s23  }
0xc: {  	s2 =	sor.u32 s0, s2;
	s0 =	ssub.s32 $0x2, s0;
	[dreg:$0xd] =	wrdreg s25  }
0xd: {  	[dreg:$0xe] =	wrdreg s26;
	s23 =	simm.s32 $0x1;
	s19 =	simm.s32 $0x1C880  }
0xe: {  	s20 =	simm.s32 $0x1CA80;
	s25 =	simm.s32 $0x1DE80;
	s10 =	smul.u32 $0x1A, s2  }
0xf: {  	s26 =	simm.s32 $0x1E080;
	s21 =	simm.s32 $0x5;
	s16 =	sshrl.u32 s0, $0x1  }
0x10: {  	s0 =	ssub.s32 s0, s16;
	s3 =	sshrl.u32 s10, $0x5;
	s5 =	sadd.s32 $0x1A, s10  }
0x11: {  	s6 =	sshrl.u32 s10, $0x1;
	s8 =	sshll.u32 s10, $0x6;
	[dreg:$0x4] =	wrdreg s10  }
0x12: {  	s0 =	smax.u32 s0, $0x1;
	s3 =	sadd.s32 $0x1, s3;
	s6 =	sand.u32 $0x70, s6  }
0x13: {  	s8 =	sand.u32 $0xC000, s8;
	[dreg:$0x11] =	wrdreg s0;
	s0 =	simm.s32 $0x4  }
0x14: {  	s7 =	sshll.u32 s3, $0x5;
	s6 =	sadd.s32 s1, s6;
	s24 =	sshll.u32 s3, $0x4  }
0x15: {  	s3 =	sshll.u32 s3, $0xB;
	s11 =	smin.u32 s7, s5;
	s17 =	sadd.s32 s8, s6  }
0x16: {  	s2 =	sand.u32 $0x70, s24;
	s3 =	sand.u32 $0xFFFC000, s3;
	p1 =	sge.u32 s7, s5  }
0x17: {  	s8 =	simm.s32 $0x1E400;
	s24 =	simm.s32 $0x1DC80;
	[dreg:$0x6] =	wrdreg s17  }
0x18: {  	s18 =	ssub.s32 s11, s10;
	s1 =	sadd.s32 s1, s2;
	[dreg:$0x5] =	wrdreg s11  }
.Ltmp0:
0x19: {  	s17 =	simm.s32 $0x1E600;
	s10 =	simm.s32 $0x1D080;
	(pc) =	sbr.rel .LBB2_1-.Ltmp0, $4  }
0x1a: {  	s2 =	simm.s32 $0x3;
	s1 =	sadd.s32 s3, s1;
	[dreg:$0x7] =	wrdreg s18  }
0x1b: {  	p0 =	slt.s32 s18, $0x1;
	[dreg:$0xf] =	wrdreg s1;
	s1 =	ssub.s32 s5, s11  }
0x1c: {  	s3 =	simm.s32 $0x0;
	s5 =	simm.s32 $0x1CC80;
	p2 =	slt.s32 @!p1 s1, $0x1  }
0x1d: {  	s11 =	simm.s32 $0x1D280;
	[dreg:$0x10] =	wrdreg s1;
	p2 =	por p1, p2  }
.LBB2_37:
0x1e: {  	_ =	swait.ge [sflag:s31], $0x800  }
0x1f: {  	[sflag:s31] =	ssyncset.done $0x0  }
0x20: {  	[sflag:s31] =	ssyncadd.s32 $0xFFFFF800  }
0x21: {  	_ =	swait.ge [sflag:s2], $0x800  }
0x22: {  	[sflag:s2] =	ssyncset.done $0x0  }
0x23: {  	[sflag:s2] =	ssyncadd.s32 $0xFFFFF800  }
0x24: {  	_ =	swait.ge [sflag:s0], $0x800  }
0x25: {  	[sflag:s0] =	ssyncset.done $0x0  }
0x26: {  	[sflag:s0] =	ssyncadd.s32 $0xFFFFF800  }
0x27: {  	_ =	swait.ge [sflag:s21], $0x800  }
0x28: {  	s3 =	rddreg [dreg:$0x12]  }
0x29: {  	s1 =	rddreg [dreg:$0x11];
	s3 =	sadd.s32 $0x1, s3  }
0x2a: {  	p3 =	sne.s32 s3, s1  }
.Ltmp1:
0x2b: {  	_ = 	snop;
	(pc) =	sbr.rel @!p3 .LBB2_38-.Ltmp1, $3  }
0x2c: {  	_ =	sdelay $0x1  }
0x2d: {  	[sflag:s21] =	ssyncset.done $0x0  }
0x2e: {  	[sflag:s21] =	ssyncadd.s32 $0xFFFFF800  }
.LBB2_1:
0x2f: {  	[dreg:$0x12] =	wrdreg s3  }
0x30: {  	s1 =	rddreg [dreg:$0x6];
	s18 =	simm.s32 $0x80;
	s7 =	simm.s32 $0x400  }
.Ltmp2:
0x31: {  	s6 =	simm.s32 $0x18700;
	s22 =	simm.s32 $0x6;
	(pc) =	sbr.rel @p0 .LBB2_19-.Ltmp2, $4  }
0x32: {  	[tilespmem:s6], [sflag:$0x6] =	stream.strided.gather [hbm4b:s1+s18], $0x4000, s7, s18, $0x38;
	[tilespmem:$0x1E700] =	vst v63  }
0x33: {  	_ =	swait.ge [sflag:s22], $0x4000  }
0x34: {  	[sflag:s22] =	ssyncset.done $0x0  }
0x35: {  	s7 =	simm.s32 $0x0;
	s6 =	simm.s32 $0x1C700;
	[sflag:s22] =	ssyncadd.s32 $0xFFFFC000  }
.LBB2_2:
0x36: {  	s1 =	rddreg [dreg:$0x4]  }
0x37: {  	s1 =	sadd.s32 s1, s7  }
0x38: {  	s16 =	sshrl.u32 s1, $0x3  }
0x39: {  	s1 =	sshll.u32 s1, $0x7;
	s3 =	smul.u32 $0xC3800, s16  }
0x3a: {  	s18 =	sand.u32 $0x380, s1  }
0x3b: {  	s1 =	sor.u32 s18, s3  }
0x3c: {  	s22 =	rddreg [dreg:$0x0];
	p3 =	seq.s32 s7, $0x0;
	s1 =	sshrl.u32 s1, $0x3  }
0x3d: {  	s3 =	simm.s32 $0x80;
	s1 =	sadd.s32 s22, s1;
	s22 =	simm.s32 $0x400  }
0x3e: {  	[tilespmem:s4], [sflag:$0x1] =	stream.strided.gather [hbm4b:s1+s3], $0x18700, s22, s3, $0x38;
	[tilespmem:$0x1E700] =	vst v63  }
0x3f: {  	s1 =	simm.s32 @!p3 $0x2  }
0x40: {  	_ =	swait.ge @!p3 [sflag:s1], $0x800  }
0x41: {  	[sflag:s1] =	ssyncset.done @!p3 $0x0  }
0x42: {  	[sflag:s1] =	ssyncadd.s32 @!p3 $0xFFFFF800;
	s1 =	simm.s32 @!p3 $0x3  }
0x43: {  	_ =	swait.ge @!p3 [sflag:s1], $0x800  }
0x44: {  	[sflag:s1] =	ssyncset.done @!p3 $0x0  }
0x45: {  	[sflag:s1] =	ssyncadd.s32 @!p3 $0xFFFFF800;
	s1 =	simm.s32 @!p3 $0x4  }
0x46: {  	_ =	swait.ge @!p3 [sflag:s1], $0x800  }
0x47: {  	[sflag:s1] =	ssyncset.done @!p3 $0x0  }
0x48: {  	[sflag:s1] =	ssyncadd.s32 @!p3 $0xFFFFF800;
	s1 =	simm.s32 @!p3 $0x5  }
0x49: {  	_ =	swait.ge @!p3 [sflag:s1], $0x800  }
0x4a: {  	[sflag:s1] =	ssyncset.done @!p3 $0x0  }
0x4b: {  	[sflag:s1] =	ssyncadd.s32 @!p3 $0xFFFFF800  }
0x4c: {  	_ =	swait.ge [sflag:s23], $0x18700  }
0x4d: {  	[sflag:s23] =	ssyncset.done $0x0  }
0x4e: {  	s22 =	simm.s32 $0x18780;
	[sflag:s23] =	ssyncadd.s32 $0xFFFE7900  }
0x4f: {  	v0 =	vld [tilespmem:s22+$0x70]  }
0x50: {  	v1 =	vld [tilespmem:s22+$0xFFFFFF90]  }
0x51: {  	v2 =	vld [tilespmem:s22+$0xFFFFFFA0]  }
0x52: {  	v3 =	vld [tilespmem:s22+$0xFFFFFFB0]  }
0x53: {  	v4 =	vld [tilespmem:s22+$0xFFFFFFC0]  }
0x54: {  	v5 =	vld [tilespmem:s22+$0xFFFFFFD0]  }
0x55: {  	v6 =	vld [tilespmem:s22+$0xFFFFFFE0]  }
0x56: {  	v7 =	vld [tilespmem:s22+$0xFFFFFFF0]  }
0x57: {  	v8 =	vld [tilespmem:s22+$0x0]  }
0x58: {  	v9 =	vld [tilespmem:s22+$0x10]  }
0x59: {  	v10 =	vld [tilespmem:s22+$0x20]  }
0x5a: {  	v11 =	vld [tilespmem:s22+$0x30]  }
0x5b: {  	v12 =	vld [tilespmem:s22+$0x40]  }
0x5c: {  	v13 =	vld [tilespmem:s22+$0x50]  }
0x5d: {  	v14 =	vld [tilespmem:s22+$0x60]  }
0x5e: {  	v15 =	vld [tilespmem:s22+$0xFFFFFF80]  }
0x5f: {  	v0 =	vld.idx.msk [tilespmem:v0+s4+$0x0], $0xffff  }
0x60: {  	v1 =	vld.idx.msk [tilespmem:v1+s4+$0x0], $0xffff  }
0x61: {  	v2 =	vld.idx.msk [tilespmem:v2+s4+$0x0], $0xffff  }
0x62: {  	v3 =	vld.idx.msk [tilespmem:v3+s4+$0x0], $0xffff  }
0x63: {  	v4 =	vld.idx.msk [tilespmem:v4+s4+$0x0], $0xffff  }
0x64: {  	s22 =	simm.s32 $0x1C900;
	v5 =	vld.idx.msk [tilespmem:v5+s4+$0x0], $0xffff  }
0x65: {  	v6 =	vld.idx.msk [tilespmem:v6+s4+$0x0], $0xffff;
	[tilespmem:s22+$0x70] =	vst v0  }
0x66: {  	v7 =	vld.idx.msk [tilespmem:v7+s4+$0x0], $0xffff;
	[tilespmem:s22+$0xFFFFFE10] =	vst v1  }
0x67: {  	v15 =	vld.idx.msk [tilespmem:v15+s4+$0x0], $0xffff;
	[tilespmem:s22+$0xFFFFFE20] =	vst v2  }
0x68: {  	v8 =	vld.idx.msk [tilespmem:v8+s4+$0x0], $0xffff;
	[tilespmem:s22+$0xFFFFFE30] =	vst v3  }
0x69: {  	[tilespmem:s22+$0xFFFFFE40] =	vst v4;
	v0 =	vld.idx.msk [tilespmem:v9+s4+$0x0], $0xffff  }
0x6a: {  	[tilespmem:s22+$0xFFFFFE50] =	vst v5;
	v1 =	vld.idx.msk [tilespmem:v10+s4+$0x0], $0xffff  }
0x6b: {  	[tilespmem:s22+$0xFFFFFE60] =	vst v6;
	v2 =	vld.idx.msk [tilespmem:v11+s4+$0x0], $0xffff  }
0x6c: {  	[tilespmem:s22+$0xFFFFFE70] =	vst v7;
	v3 =	vld.idx.msk [tilespmem:v12+s4+$0x0], $0xffff  }
0x6d: {  	[tilespmem:s22+$0xFFFFFE00] =	vst v15;
	v4 =	vld.idx.msk [tilespmem:v13+s4+$0x0], $0xffff  }
0x6e: {  	s3 =	simm.s32 $0x18880;
	s1 =	simm.s32 $0x0;
	[tilespmem:s22+$0x0] =	vst v8;
	v5 =	vld.idx.msk [tilespmem:v14+s4+$0x0], $0xffff  }
.LBB2_3:
0x6f: {  	v6 =	vld [tilespmem:s3+$0x70];
	s1 =	sadd.s32 $0x10, s1;
	[tilespmem:s22+$0x10] =	vst v0  }
0x70: {  	v0 =	vld [tilespmem:s3+$0xFFFFFF90];
	p3 =	slt.u32 s1, $0x70;
	[tilespmem:s22+$0x20] =	vst v1  }
0x71: {  	v1 =	vld [tilespmem:s3+$0xFFFFFFA0];
	[tilespmem:s22+$0x30] =	vst v2  }
0x72: {  	v2 =	vld [tilespmem:s3+$0xFFFFFFB0];
	[tilespmem:s22+$0x40] =	vst v3  }
0x73: {  	v3 =	vld [tilespmem:s3+$0xFFFFFFC0];
	[tilespmem:s22+$0x50] =	vst v4  }
0x74: {  	v4 =	vld [tilespmem:s3+$0xFFFFFFD0];
	[tilespmem:s22+$0x60] =	vst v5  }
0x75: {  	v5 =	vld [tilespmem:s3+$0xFFFFFFE0]  }
0x76: {  	v7 =	vld [tilespmem:s3+$0xFFFFFFF0]  }
0x77: {  	v6 =	vld.idx.msk [tilespmem:v6+s4+$0x0], $0xffff  }
0x78: {  	v8 =	vld [tilespmem:s3+$0x0]  }
0x79: {  	v9 =	vld [tilespmem:s3+$0x10]  }
0x7a: {  	v10 =	vld [tilespmem:s3+$0x20]  }
0x7b: {  	v11 =	vld [tilespmem:s3+$0x30]  }
0x7c: {  	s22 =	sadd.s32 $0x400, s22;
	v12 =	vld [tilespmem:s3+$0x40]  }
0x7d: {  	v13 =	vld [tilespmem:s3+$0x50];
	[tilespmem:s22+$0x70] =	vst v6  }
0x7e: {  	v6 =	vld [tilespmem:s3+$0x60]  }
0x7f: {  	v14 =	vld [tilespmem:s3+$0xFFFFFF80]  }
0x80: {  	v0 =	vld.idx.msk [tilespmem:v0+s4+$0x0], $0xffff  }
0x81: {  	v1 =	vld.idx.msk [tilespmem:v1+s4+$0x0], $0xffff  }
0x82: {  	v2 =	vld.idx.msk [tilespmem:v2+s4+$0x0], $0xffff  }
0x83: {  	v3 =	vld.idx.msk [tilespmem:v3+s4+$0x0], $0xffff  }
0x84: {  	v4 =	vld.idx.msk [tilespmem:v4+s4+$0x0], $0xffff  }
0x85: {  	v5 =	vld.idx.msk [tilespmem:v5+s4+$0x0], $0xffff  }
0x86: {  	[tilespmem:s22+$0xFFFFFE10] =	vst v0;
	v7 =	vld.idx.msk [tilespmem:v7+s4+$0x0], $0xffff  }
0x87: {  	v14 =	vld.idx.msk [tilespmem:v14+s4+$0x0], $0xffff;
	[tilespmem:s22+$0xFFFFFE20] =	vst v1  }
0x88: {  	[tilespmem:s22+$0xFFFFFE30] =	vst v2;
	v8 =	vld.idx.msk [tilespmem:v8+s4+$0x0], $0xffff  }
0x89: {  	[tilespmem:s22+$0xFFFFFE40] =	vst v3;
	v0 =	vld.idx.msk [tilespmem:v9+s4+$0x0], $0xffff  }
.Ltmp3:
0x8a: {  	[tilespmem:s22+$0xFFFFFE50] =	vst v4;
	v1 =	vld.idx.msk [tilespmem:v10+s4+$0x0], $0xffff;
	(pc) =	sbr.rel @p3 .LBB2_3-.Ltmp3, $4  }
0x8b: {  	[tilespmem:s22+$0xFFFFFE60] =	vst v5;
	v2 =	vld.idx.msk [tilespmem:v11+s4+$0x0], $0xffff  }
0x8c: {  	[tilespmem:s22+$0xFFFFFE70] =	vst v7;
	v3 =	vld.idx.msk [tilespmem:v12+s4+$0x0], $0xffff  }
0x8d: {  	[tilespmem:s22+$0xFFFFFE00] =	vst v14;
	v4 =	vld.idx.msk [tilespmem:v13+s4+$0x0], $0xffff  }
0x8e: {  	s3 =	sadd.s32 $0x100, s3;
	[tilespmem:s22+$0x0] =	vst v8;
	v5 =	vld.idx.msk [tilespmem:v6+s4+$0x0], $0xffff  }
0x8f: {  	[tilespmem:s22+$0x10] =	vst v0  }
0x90: {  	[tilespmem:s22+$0x20] =	vst v1  }
0x91: {  	s1 =	sshll.u32 s16, $0x11;
	[tilespmem:s22+$0x30] =	vst v2  }
0x92: {  	s1 =	sor.u32 s18, s1;
	[tilespmem:s22+$0x40] =	vst v3  }
0x93: {  	s18 =	rddreg [dreg:$0x2];
	s16 =	sshrl.u32 s1, $0x3;
	[tilespmem:s22+$0x50] =	vst v4  }
0x94: {  	s1 =	sadd.s32 s18, s16;
	[tilespmem:s22+$0x60] =	vst v5  }
0x95: {  	[hbm4b:s1+s4] =	stream.linear.scatter [tilespmem:s6], [sflag:$0x2], $0x80, $0x38;
	[tilespmem:$0x1E700] =	vst v63  }
0x96: {  	s3 =	sadd.s32 $0x80, s1;
	s22 =	simm.s32 $0x1C900  }
0x97: {  	[hbm4b:s3+s4] =	stream.linear.scatter [tilespmem:s22], [sflag:$0x2], $0x80, $0x38;
	[tilespmem:$0x1E700] =	vst v63  }
0x98: {  	s18 =	sadd.s32 $0x100, s1;
	s22 =	simm.s32 $0x1CB00  }
0x99: {  	[hbm4b:s18+s4] =	stream.linear.scatter [tilespmem:s22], [sflag:$0x2], $0x80, $0x38;
	[tilespmem:$0x1E700] =	vst v63  }
0x9a: {  	s18 =	sadd.s32 $0x180, s1;
	s22 =	simm.s32 $0x1CD00  }
0x9b: {  	[hbm4b:s18+s4] =	stream.linear.scatter [tilespmem:s22], [sflag:$0x2], $0x80, $0x38;
	[tilespmem:$0x1E700] =	vst v63  }
0x9c: {  	s18 =	sadd.s32 $0x200, s1;
	s22 =	simm.s32 $0x1CF00  }
0x9d: {  	[hbm4b:s18+s4] =	stream.linear.scatter [tilespmem:s22], [sflag:$0x2], $0x80, $0x38;
	[tilespmem:$0x1E700] =	vst v63  }
0x9e: {  	s18 =	sadd.s32 $0x280, s1;
	s22 =	simm.s32 $0x1D100  }
0x9f: {  	[hbm4b:s18+s4] =	stream.linear.scatter [tilespmem:s22], [sflag:$0x2], $0x80, $0x38;
	[tilespmem:$0x1E700] =	vst v63  }
0xa0: {  	s18 =	sadd.s32 $0x300, s1;
	s22 =	simm.s32 $0x1D300  }
0xa1: {  	[hbm4b:s18+s4] =	stream.linear.scatter [tilespmem:s22], [sflag:$0x2], $0x80, $0x38;
	[tilespmem:$0x1E700] =	vst v63  }
0xa2: {  	s18 =	sadd.s32 $0x380, s1;
	s22 =	simm.s32 $0x1D500  }
0xa3: {  	[hbm4b:s18+s4] =	stream.linear.scatter [tilespmem:s22], [sflag:$0x2], $0x80, $0x38;
	[tilespmem:$0x1E700] =	vst v63  }
0xa4: {  	s18 =	sadd.s32 $0x400, s1;
	s22 =	simm.s32 $0x1D700  }
0xa5: {  	[hbm4b:s18+s4] =	stream.linear.scatter [tilespmem:s22], [sflag:$0x2], $0x80, $0x38;
	[tilespmem:$0x1E700] =	vst v63  }
0xa6: {  	s18 =	sadd.s32 $0x480, s1;
	s22 =	simm.s32 $0x1D900  }
0xa7: {  	[hbm4b:s18+s4] =	stream.linear.scatter [tilespmem:s22], [sflag:$0x2], $0x80, $0x38;
	[tilespmem:$0x1E700] =	vst v63  }
0xa8: {  	s18 =	sadd.s32 $0x500, s1;
	s22 =	simm.s32 $0x1DB00  }
0xa9: {  	[hbm4b:s18+s4] =	stream.linear.scatter [tilespmem:s22], [sflag:$0x2], $0x80, $0x38;
	[tilespmem:$0x1E700] =	vst v63  }
0xaa: {  	s18 =	sadd.s32 $0x580, s1;
	s22 =	simm.s32 $0x1DD00  }
0xab: {  	[hbm4b:s18+s4] =	stream.linear.scatter [tilespmem:s22], [sflag:$0x2], $0x80, $0x38;
	[tilespmem:$0x1E700] =	vst v63  }
0xac: {  	s18 =	sadd.s32 $0x600, s1;
	s22 =	simm.s32 $0x1DF00  }
0xad: {  	[hbm4b:s18+s4] =	stream.linear.scatter [tilespmem:s22], [sflag:$0x2], $0x80, $0x38;
	[tilespmem:$0x1E700] =	vst v63  }
0xae: {  	s18 =	sadd.s32 $0x680, s1;
	s22 =	simm.s32 $0x1E100  }
0xaf: {  	[hbm4b:s18+s4] =	stream.linear.scatter [tilespmem:s22], [sflag:$0x2], $0x80, $0x38;
	[tilespmem:$0x1E700] =	vst v63  }
0xb0: {  	s18 =	sadd.s32 $0x700, s1;
	s22 =	simm.s32 $0x1E300  }
0xb1: {  	[hbm4b:s18+s4] =	stream.linear.scatter [tilespmem:s22], [sflag:$0x2], $0x80, $0x38;
	[tilespmem:$0x1E700] =	vst v63  }
0xb2: {  	s1 =	sadd.s32 $0x780, s1;
	s18 =	simm.s32 $0x1E500;
	s22 =	simm.s32 $0x18FF0  }
0xb3: {  	[hbm4b:s1+s4] =	stream.linear.scatter [tilespmem:s18], [sflag:$0x2], $0x80, $0x38;
	[tilespmem:$0x1E700] =	vst v63  }
0xb4: {  	v0 =	vld [tilespmem:s22+$0x0]  }
0xb5: {  	v1 =	vld [tilespmem:s22+$0xFFFFFF20]  }
0xb6: {  	v2 =	vld [tilespmem:s22+$0xFFFFFF30]  }
0xb7: {  	v3 =	vld [tilespmem:s22+$0xFFFFFF40]  }
0xb8: {  	v4 =	vld [tilespmem:s22+$0xFFFFFF50]  }
0xb9: {  	v5 =	vld [tilespmem:s22+$0xFFFFFF60]  }
0xba: {  	v6 =	vld [tilespmem:s22+$0xFFFFFF70]  }
0xbb: {  	v7 =	vld [tilespmem:s22+$0xFFFFFF80]  }
0xbc: {  	v8 =	vld [tilespmem:s22+$0xFFFFFF90]  }
0xbd: {  	v9 =	vld [tilespmem:s22+$0xFFFFFFA0]  }
0xbe: {  	v10 =	vld [tilespmem:s22+$0xFFFFFFB0]  }
0xbf: {  	v11 =	vld [tilespmem:s22+$0xFFFFFFC0]  }
0xc0: {  	v12 =	vld [tilespmem:s22+$0xFFFFFFD0]  }
0xc1: {  	v13 =	vld [tilespmem:s22+$0xFFFFFFE0]  }
0xc2: {  	v14 =	vld [tilespmem:s22+$0xFFFFFFF0]  }
0xc3: {  	v15 =	vld [tilespmem:s22+$0xFFFFFF10]  }
0xc4: {  	v0 =	vld.idx.msk [tilespmem:v0+s4+$0x0], $0xffff  }
0xc5: {  	v1 =	vld.idx.msk [tilespmem:v1+s4+$0x0], $0xffff  }
0xc6: {  	v2 =	vld.idx.msk [tilespmem:v2+s4+$0x0], $0xffff  }
0xc7: {  	v3 =	vld.idx.msk [tilespmem:v3+s4+$0x0], $0xffff  }
0xc8: {  	v4 =	vld.idx.msk [tilespmem:v4+s4+$0x0], $0xffff  }
0xc9: {  	s18 =	simm.s32 $0x1C980;
	v5 =	vld.idx.msk [tilespmem:v5+s4+$0x0], $0xffff  }
0xca: {  	v6 =	vld.idx.msk [tilespmem:v6+s4+$0x0], $0xffff;
	[tilespmem:s18+$0x70] =	vst v0  }
0xcb: {  	v7 =	vld.idx.msk [tilespmem:v7+s4+$0x0], $0xffff;
	[tilespmem:s18+$0xFFFFFE10] =	vst v1  }
0xcc: {  	v15 =	vld.idx.msk [tilespmem:v15+s4+$0x0], $0xffff;
	[tilespmem:s18+$0xFFFFFE20] =	vst v2  }
0xcd: {  	v8 =	vld.idx.msk [tilespmem:v8+s4+$0x0], $0xffff;
	[tilespmem:s18+$0xFFFFFE30] =	vst v3  }
0xce: {  	[tilespmem:s18+$0xFFFFFE40] =	vst v4;
	v0 =	vld.idx.msk [tilespmem:v9+s4+$0x0], $0xffff  }
0xcf: {  	[tilespmem:s18+$0xFFFFFE50] =	vst v5;
	v1 =	vld.idx.msk [tilespmem:v10+s4+$0x0], $0xffff  }
0xd0: {  	[tilespmem:s18+$0xFFFFFE60] =	vst v6;
	v2 =	vld.idx.msk [tilespmem:v11+s4+$0x0], $0xffff  }
0xd1: {  	[tilespmem:s18+$0xFFFFFE70] =	vst v7;
	v3 =	vld.idx.msk [tilespmem:v12+s4+$0x0], $0xffff  }
0xd2: {  	[tilespmem:s18+$0xFFFFFE00] =	vst v15;
	v4 =	vld.idx.msk [tilespmem:v13+s4+$0x0], $0xffff  }
0xd3: {  	s3 =	simm.s32 $0x190F0;
	s1 =	simm.s32 $0x0;
	[tilespmem:s18+$0x0] =	vst v8;
	v5 =	vld.idx.msk [tilespmem:v14+s4+$0x0], $0xffff  }
.LBB2_5:
0xd4: {  	v6 =	vld [tilespmem:s3+$0x0];
	s1 =	sadd.s32 $0x10, s1;
	[tilespmem:s18+$0x10] =	vst v0  }
0xd5: {  	v0 =	vld [tilespmem:s3+$0xFFFFFF20];
	p3 =	slt.u32 s1, $0x70;
	[tilespmem:s18+$0x20] =	vst v1  }
0xd6: {  	v1 =	vld [tilespmem:s3+$0xFFFFFF30];
	[tilespmem:s18+$0x30] =	vst v2  }
0xd7: {  	v2 =	vld [tilespmem:s3+$0xFFFFFF40];
	[tilespmem:s18+$0x40] =	vst v3  }
0xd8: {  	v3 =	vld [tilespmem:s3+$0xFFFFFF50];
	[tilespmem:s18+$0x50] =	vst v4  }
0xd9: {  	v4 =	vld [tilespmem:s3+$0xFFFFFF60];
	[tilespmem:s18+$0x60] =	vst v5  }
0xda: {  	v5 =	vld [tilespmem:s3+$0xFFFFFF70]  }
0xdb: {  	v7 =	vld [tilespmem:s3+$0xFFFFFF80]  }
0xdc: {  	v6 =	vld.idx.msk [tilespmem:v6+s4+$0x0], $0xffff  }
0xdd: {  	v8 =	vld [tilespmem:s3+$0xFFFFFF90]  }
0xde: {  	v9 =	vld [tilespmem:s3+$0xFFFFFFA0]  }
0xdf: {  	v10 =	vld [tilespmem:s3+$0xFFFFFFB0]  }
0xe0: {  	v11 =	vld [tilespmem:s3+$0xFFFFFFC0]  }
0xe1: {  	s18 =	sadd.s32 $0x400, s18;
	v12 =	vld [tilespmem:s3+$0xFFFFFFD0]  }
0xe2: {  	v13 =	vld [tilespmem:s3+$0xFFFFFFE0];
	[tilespmem:s18+$0x70] =	vst v6  }
0xe3: {  	v6 =	vld [tilespmem:s3+$0xFFFFFFF0]  }
0xe4: {  	v14 =	vld [tilespmem:s3+$0xFFFFFF10]  }
0xe5: {  	v0 =	vld.idx.msk [tilespmem:v0+s4+$0x0], $0xffff  }
0xe6: {  	v1 =	vld.idx.msk [tilespmem:v1+s4+$0x0], $0xffff  }
0xe7: {  	v2 =	vld.idx.msk [tilespmem:v2+s4+$0x0], $0xffff  }
0xe8: {  	v3 =	vld.idx.msk [tilespmem:v3+s4+$0x0], $0xffff  }
0xe9: {  	v4 =	vld.idx.msk [tilespmem:v4+s4+$0x0], $0xffff  }
0xea: {  	v5 =	vld.idx.msk [tilespmem:v5+s4+$0x0], $0xffff  }
0xeb: {  	[tilespmem:s18+$0xFFFFFE10] =	vst v0;
	v7 =	vld.idx.msk [tilespmem:v7+s4+$0x0], $0xffff  }
0xec: {  	v14 =	vld.idx.msk [tilespmem:v14+s4+$0x0], $0xffff;
	[tilespmem:s18+$0xFFFFFE20] =	vst v1  }
0xed: {  	[tilespmem:s18+$0xFFFFFE30] =	vst v2;
	v8 =	vld.idx.msk [tilespmem:v8+s4+$0x0], $0xffff  }
0xee: {  	[tilespmem:s18+$0xFFFFFE40] =	vst v3;
	v0 =	vld.idx.msk [tilespmem:v9+s4+$0x0], $0xffff  }
.Ltmp4:
0xef: {  	[tilespmem:s18+$0xFFFFFE50] =	vst v4;
	v1 =	vld.idx.msk [tilespmem:v10+s4+$0x0], $0xffff;
	(pc) =	sbr.rel @p3 .LBB2_5-.Ltmp4, $4  }
0xf0: {  	[tilespmem:s18+$0xFFFFFE60] =	vst v5;
	v2 =	vld.idx.msk [tilespmem:v11+s4+$0x0], $0xffff  }
0xf1: {  	[tilespmem:s18+$0xFFFFFE70] =	vst v7;
	v3 =	vld.idx.msk [tilespmem:v12+s4+$0x0], $0xffff  }
0xf2: {  	[tilespmem:s18+$0xFFFFFE00] =	vst v14;
	v4 =	vld.idx.msk [tilespmem:v13+s4+$0x0], $0xffff  }
0xf3: {  	s3 =	sadd.s32 $0x100, s3;
	[tilespmem:s18+$0x0] =	vst v8;
	v5 =	vld.idx.msk [tilespmem:v6+s4+$0x0], $0xffff  }
0xf4: {  	[tilespmem:s18+$0x10] =	vst v0  }
0xf5: {  	[tilespmem:s18+$0x20] =	vst v1  }
0xf6: {  	[tilespmem:s18+$0x30] =	vst v2  }
0xf7: {  	[tilespmem:s18+$0x40] =	vst v3  }
0xf8: {  	[tilespmem:s18+$0x50] =	vst v4  }
0xf9: {  	[tilespmem:s18+$0x60] =	vst v5  }
0xfa: {  	s1 =	rddreg [dreg:$0x8]  }
0xfb: {  	s22 =	simm.s32 $0x1C780;
	s1 =	sadd.s32 s16, s1  }
0xfc: {  	[hbm4b:s1+s4] =	stream.linear.scatter [tilespmem:s22], [sflag:$0x3], $0x80, $0x38;
	[tilespmem:$0x1E700] =	vst v63  }
0xfd: {  	s18 =	simm.s32 $0x1C980;
	s3 =	sadd.s32 $0x80, s1  }
0xfe: {  	[hbm4b:s3+s4] =	stream.linear.scatter [tilespmem:s18], [sflag:$0x3], $0x80, $0x38;
	[tilespmem:$0x1E700] =	vst v63  }
0xff: {  	s3 =	sadd.s32 $0x100, s1;
	s18 =	simm.s32 $0x1CB80  }
0x100: {  	[hbm4b:s3+s4] =	stream.linear.scatter [tilespmem:s18], [sflag:$0x3], $0x80, $0x38;
	[tilespmem:$0x1E700] =	vst v63  }
0x101: {  	s3 =	sadd.s32 $0x180, s1;
	s18 =	simm.s32 $0x1CD80  }
0x102: {  	[hbm4b:s3+s4] =	stream.linear.scatter [tilespmem:s18], [sflag:$0x3], $0x80, $0x38;
	[tilespmem:$0x1E700] =	vst v63  }
0x103: {  	s3 =	sadd.s32 $0x200, s1;
	s18 =	simm.s32 $0x1CF80  }
0x104: {  	[hbm4b:s3+s4] =	stream.linear.scatter [tilespmem:s18], [sflag:$0x3], $0x80, $0x38;
	[tilespmem:$0x1E700] =	vst v63  }
0x105: {  	s3 =	sadd.s32 $0x280, s1;
	s18 =	simm.s32 $0x1D180  }
0x106: {  	[hbm4b:s3+s4] =	stream.linear.scatter [tilespmem:s18], [sflag:$0x3], $0x80, $0x38;
	[tilespmem:$0x1E700] =	vst v63  }
0x107: {  	s3 =	sadd.s32 $0x300, s1;
	s18 =	simm.s32 $0x1D380  }
0x108: {  	[hbm4b:s3+s4] =	stream.linear.scatter [tilespmem:s18], [sflag:$0x3], $0x80, $0x38;
	[tilespmem:$0x1E700] =	vst v63  }
0x109: {  	s3 =	sadd.s32 $0x380, s1;
	s18 =	simm.s32 $0x1D580  }
0x10a: {  	[hbm4b:s3+s4] =	stream.linear.scatter [tilespmem:s18], [sflag:$0x3], $0x80, $0x38;
	[tilespmem:$0x1E700] =	vst v63  }
0x10b: {  	s3 =	sadd.s32 $0x400, s1;
	s18 =	simm.s32 $0x1D780  }
0x10c: {  	[hbm4b:s3+s4] =	stream.linear.scatter [tilespmem:s18], [sflag:$0x3], $0x80, $0x38;
	[tilespmem:$0x1E700] =	vst v63  }
0x10d: {  	s3 =	sadd.s32 $0x480, s1;
	s18 =	simm.s32 $0x1D980  }
0x10e: {  	[hbm4b:s3+s4] =	stream.linear.scatter [tilespmem:s18], [sflag:$0x3], $0x80, $0x38;
	[tilespmem:$0x1E700] =	vst v63  }
0x10f: {  	s3 =	sadd.s32 $0x500, s1;
	s18 =	simm.s32 $0x1DB80  }
0x110: {  	[hbm4b:s3+s4] =	stream.linear.scatter [tilespmem:s18], [sflag:$0x3], $0x80, $0x38;
	[tilespmem:$0x1E700] =	vst v63  }
0x111: {  	s3 =	sadd.s32 $0x580, s1;
	s18 =	simm.s32 $0x1DD80  }
0x112: {  	[hbm4b:s3+s4] =	stream.linear.scatter [tilespmem:s18], [sflag:$0x3], $0x80, $0x38;
	[tilespmem:$0x1E700] =	vst v63  }
0x113: {  	s3 =	sadd.s32 $0x600, s1;
	s18 =	simm.s32 $0x1DF80  }
0x114: {  	[hbm4b:s3+s4] =	stream.linear.scatter [tilespmem:s18], [sflag:$0x3], $0x80, $0x38;
	[tilespmem:$0x1E700] =	vst v63  }
0x115: {  	s3 =	sadd.s32 $0x680, s1;
	s18 =	simm.s32 $0x1E180  }
0x116: {  	[hbm4b:s3+s4] =	stream.linear.scatter [tilespmem:s18], [sflag:$0x3], $0x80, $0x38;
	[tilespmem:$0x1E700] =	vst v63  }
0x117: {  	s3 =	sadd.s32 $0x700, s1;
	s18 =	simm.s32 $0x1E380  }
0x118: {  	[hbm4b:s3+s4] =	stream.linear.scatter [tilespmem:s18], [sflag:$0x3], $0x80, $0x38;
	[tilespmem:$0x1E700] =	vst v63  }
0x119: {  	s1 =	sadd.s32 $0x780, s1;
	s18 =	simm.s32 $0x1E580  }
0x11a: {  	[hbm4b:s1+s4] =	stream.linear.scatter [tilespmem:s18], [sflag:$0x3], $0x80, $0x38;
	[tilespmem:$0x1E700] =	vst v63  }
0x11b: {  	s18 =	simm.s32 $0x197F0  }
0x11c: {  	v0 =	vld [tilespmem:s18+$0x0]  }
0x11d: {  	v1 =	vld [tilespmem:s18+$0xFFFFFF20]  }
0x11e: {  	v2 =	vld [tilespmem:s18+$0xFFFFFF30]  }
0x11f: {  	v3 =	vld [tilespmem:s18+$0xFFFFFF40]  }
0x120: {  	v4 =	vld [tilespmem:s18+$0xFFFFFF50]  }
0x121: {  	v5 =	vld [tilespmem:s18+$0xFFFFFF60]  }
0x122: {  	v6 =	vld [tilespmem:s18+$0xFFFFFF70]  }
0x123: {  	v7 =	vld [tilespmem:s18+$0xFFFFFF80]  }
0x124: {  	v8 =	vld [tilespmem:s18+$0xFFFFFF90]  }
0x125: {  	v9 =	vld [tilespmem:s18+$0xFFFFFFA0]  }
0x126: {  	v10 =	vld [tilespmem:s18+$0xFFFFFFB0]  }
0x127: {  	v11 =	vld [tilespmem:s18+$0xFFFFFFC0]  }
0x128: {  	v12 =	vld [tilespmem:s18+$0xFFFFFFD0]  }
0x129: {  	v13 =	vld [tilespmem:s18+$0xFFFFFFE0]  }
0x12a: {  	v14 =	vld [tilespmem:s18+$0xFFFFFFF0]  }
0x12b: {  	v15 =	vld [tilespmem:s18+$0xFFFFFF10]  }
0x12c: {  	v0 =	vld.idx.msk [tilespmem:v0+s4+$0x0], $0xffff  }
0x12d: {  	v1 =	vld.idx.msk [tilespmem:v1+s4+$0x0], $0xffff  }
0x12e: {  	v2 =	vld.idx.msk [tilespmem:v2+s4+$0x0], $0xffff  }
0x12f: {  	v3 =	vld.idx.msk [tilespmem:v3+s4+$0x0], $0xffff  }
0x130: {  	v4 =	vld.idx.msk [tilespmem:v4+s4+$0x0], $0xffff  }
0x131: {  	s18 =	simm.s32 $0x1CA00;
	v5 =	vld.idx.msk [tilespmem:v5+s4+$0x0], $0xffff  }
0x132: {  	v6 =	vld.idx.msk [tilespmem:v6+s4+$0x0], $0xffff;
	[tilespmem:s18+$0x70] =	vst v0  }
0x133: {  	v7 =	vld.idx.msk [tilespmem:v7+s4+$0x0], $0xffff;
	[tilespmem:s18+$0xFFFFFE10] =	vst v1  }
0x134: {  	v15 =	vld.idx.msk [tilespmem:v15+s4+$0x0], $0xffff;
	[tilespmem:s18+$0xFFFFFE20] =	vst v2  }
0x135: {  	v8 =	vld.idx.msk [tilespmem:v8+s4+$0x0], $0xffff;
	[tilespmem:s18+$0xFFFFFE30] =	vst v3  }
0x136: {  	[tilespmem:s18+$0xFFFFFE40] =	vst v4;
	v0 =	vld.idx.msk [tilespmem:v9+s4+$0x0], $0xffff  }
0x137: {  	[tilespmem:s18+$0xFFFFFE50] =	vst v5;
	v1 =	vld.idx.msk [tilespmem:v10+s4+$0x0], $0xffff  }
0x138: {  	[tilespmem:s18+$0xFFFFFE60] =	vst v6;
	v2 =	vld.idx.msk [tilespmem:v11+s4+$0x0], $0xffff  }
0x139: {  	[tilespmem:s18+$0xFFFFFE70] =	vst v7;
	v3 =	vld.idx.msk [tilespmem:v12+s4+$0x0], $0xffff  }
0x13a: {  	[tilespmem:s18+$0xFFFFFE00] =	vst v15;
	v4 =	vld.idx.msk [tilespmem:v13+s4+$0x0], $0xffff  }
0x13b: {  	s3 =	simm.s32 $0x198F0;
	s1 =	simm.s32 $0x0;
	[tilespmem:s18+$0x0] =	vst v8;
	v5 =	vld.idx.msk [tilespmem:v14+s4+$0x0], $0xffff  }
.LBB2_7:
0x13c: {  	v6 =	vld [tilespmem:s3+$0x0];
	s1 =	sadd.s32 $0x10, s1;
	[tilespmem:s18+$0x10] =	vst v0  }
0x13d: {  	v0 =	vld [tilespmem:s3+$0xFFFFFF20];
	p3 =	slt.u32 s1, $0x70;
	[tilespmem:s18+$0x20] =	vst v1  }
0x13e: {  	v1 =	vld [tilespmem:s3+$0xFFFFFF30];
	[tilespmem:s18+$0x30] =	vst v2  }
0x13f: {  	v2 =	vld [tilespmem:s3+$0xFFFFFF40];
	[tilespmem:s18+$0x40] =	vst v3  }
0x140: {  	v3 =	vld [tilespmem:s3+$0xFFFFFF50];
	[tilespmem:s18+$0x50] =	vst v4  }
0x141: {  	v4 =	vld [tilespmem:s3+$0xFFFFFF60];
	[tilespmem:s18+$0x60] =	vst v5  }
0x142: {  	v5 =	vld [tilespmem:s3+$0xFFFFFF70]  }
0x143: {  	v7 =	vld [tilespmem:s3+$0xFFFFFF80]  }
0x144: {  	v6 =	vld.idx.msk [tilespmem:v6+s4+$0x0], $0xffff  }
0x145: {  	v8 =	vld [tilespmem:s3+$0xFFFFFF90]  }
0x146: {  	v9 =	vld [tilespmem:s3+$0xFFFFFFA0]  }
0x147: {  	v10 =	vld [tilespmem:s3+$0xFFFFFFB0]  }
0x148: {  	v11 =	vld [tilespmem:s3+$0xFFFFFFC0]  }
0x149: {  	s18 =	sadd.s32 $0x400, s18;
	v12 =	vld [tilespmem:s3+$0xFFFFFFD0]  }
0x14a: {  	v13 =	vld [tilespmem:s3+$0xFFFFFFE0];
	[tilespmem:s18+$0x70] =	vst v6  }
0x14b: {  	v6 =	vld [tilespmem:s3+$0xFFFFFFF0]  }
0x14c: {  	v14 =	vld [tilespmem:s3+$0xFFFFFF10]  }
0x14d: {  	v0 =	vld.idx.msk [tilespmem:v0+s4+$0x0], $0xffff  }
0x14e: {  	v1 =	vld.idx.msk [tilespmem:v1+s4+$0x0], $0xffff  }
0x14f: {  	v2 =	vld.idx.msk [tilespmem:v2+s4+$0x0], $0xffff  }
0x150: {  	v3 =	vld.idx.msk [tilespmem:v3+s4+$0x0], $0xffff  }
0x151: {  	v4 =	vld.idx.msk [tilespmem:v4+s4+$0x0], $0xffff  }
0x152: {  	v5 =	vld.idx.msk [tilespmem:v5+s4+$0x0], $0xffff  }
0x153: {  	[tilespmem:s18+$0xFFFFFE10] =	vst v0;
	v7 =	vld.idx.msk [tilespmem:v7+s4+$0x0], $0xffff  }
0x154: {  	v14 =	vld.idx.msk [tilespmem:v14+s4+$0x0], $0xffff;
	[tilespmem:s18+$0xFFFFFE20] =	vst v1  }
0x155: {  	[tilespmem:s18+$0xFFFFFE30] =	vst v2;
	v8 =	vld.idx.msk [tilespmem:v8+s4+$0x0], $0xffff  }
0x156: {  	[tilespmem:s18+$0xFFFFFE40] =	vst v3;
	v0 =	vld.idx.msk [tilespmem:v9+s4+$0x0], $0xffff  }
.Ltmp5:
0x157: {  	[tilespmem:s18+$0xFFFFFE50] =	vst v4;
	v1 =	vld.idx.msk [tilespmem:v10+s4+$0x0], $0xffff;
	(pc) =	sbr.rel @p3 .LBB2_7-.Ltmp5, $4  }
0x158: {  	[tilespmem:s18+$0xFFFFFE60] =	vst v5;
	v2 =	vld.idx.msk [tilespmem:v11+s4+$0x0], $0xffff  }
0x159: {  	[tilespmem:s18+$0xFFFFFE70] =	vst v7;
	v3 =	vld.idx.msk [tilespmem:v12+s4+$0x0], $0xffff  }
0x15a: {  	[tilespmem:s18+$0xFFFFFE00] =	vst v14;
	v4 =	vld.idx.msk [tilespmem:v13+s4+$0x0], $0xffff  }
0x15b: {  	s3 =	sadd.s32 $0x100, s3;
	[tilespmem:s18+$0x0] =	vst v8;
	v5 =	vld.idx.msk [tilespmem:v6+s4+$0x0], $0xffff  }
0x15c: {  	[tilespmem:s18+$0x10] =	vst v0  }
0x15d: {  	[tilespmem:s18+$0x20] =	vst v1  }
0x15e: {  	[tilespmem:s18+$0x30] =	vst v2  }
0x15f: {  	[tilespmem:s18+$0x40] =	vst v3  }
0x160: {  	[tilespmem:s18+$0x50] =	vst v4  }
0x161: {  	[tilespmem:s18+$0x60] =	vst v5  }
0x162: {  	s1 =	rddreg [dreg:$0x9]  }
0x163: {  	s3 =	simm.s32 $0x1C800;
	s1 =	sadd.s32 s16, s1  }
0x164: {  	[hbm4b:s1+s4] =	stream.linear.scatter [tilespmem:s3], [sflag:$0x4], $0x80, $0x38;
	[tilespmem:$0x1E700] =	vst v63  }
0x165: {  	s18 =	simm.s32 $0x1CA00;
	s3 =	sadd.s32 $0x80, s1  }
0x166: {  	[hbm4b:s3+s4] =	stream.linear.scatter [tilespmem:s18], [sflag:$0x4], $0x80, $0x38;
	[tilespmem:$0x1E700] =	vst v63  }
0x167: {  	s3 =	sadd.s32 $0x100, s1;
	s18 =	simm.s32 $0x1CC00  }
0x168: {  	[hbm4b:s3+s4] =	stream.linear.scatter [tilespmem:s18], [sflag:$0x4], $0x80, $0x38;
	[tilespmem:$0x1E700] =	vst v63  }
0x169: {  	s3 =	sadd.s32 $0x180, s1;
	s18 =	simm.s32 $0x1CE00  }
0x16a: {  	[hbm4b:s3+s4] =	stream.linear.scatter [tilespmem:s18], [sflag:$0x4], $0x80, $0x38;
	[tilespmem:$0x1E700] =	vst v63  }
0x16b: {  	s3 =	sadd.s32 $0x200, s1;
	s18 =	simm.s32 $0x1D000  }
0x16c: {  	[hbm4b:s3+s4] =	stream.linear.scatter [tilespmem:s18], [sflag:$0x4], $0x80, $0x38;
	[tilespmem:$0x1E700] =	vst v63  }
0x16d: {  	s3 =	sadd.s32 $0x280, s1;
	s18 =	simm.s32 $0x1D200  }
0x16e: {  	[hbm4b:s3+s4] =	stream.linear.scatter [tilespmem:s18], [sflag:$0x4], $0x80, $0x38;
	[tilespmem:$0x1E700] =	vst v63  }
0x16f: {  	s3 =	sadd.s32 $0x300, s1;
	s18 =	simm.s32 $0x1D400  }
0x170: {  	[hbm4b:s3+s4] =	stream.linear.scatter [tilespmem:s18], [sflag:$0x4], $0x80, $0x38;
	[tilespmem:$0x1E700] =	vst v63  }
0x171: {  	s3 =	sadd.s32 $0x380, s1;
	s18 =	simm.s32 $0x1D600  }
0x172: {  	[hbm4b:s3+s4] =	stream.linear.scatter [tilespmem:s18], [sflag:$0x4], $0x80, $0x38;
	[tilespmem:$0x1E700] =	vst v63  }
0x173: {  	s3 =	sadd.s32 $0x400, s1;
	s18 =	simm.s32 $0x1D800  }
0x174: {  	[hbm4b:s3+s4] =	stream.linear.scatter [tilespmem:s18], [sflag:$0x4], $0x80, $0x38;
	[tilespmem:$0x1E700] =	vst v63  }
0x175: {  	s3 =	sadd.s32 $0x480, s1;
	s18 =	simm.s32 $0x1DA00  }
0x176: {  	[hbm4b:s3+s4] =	stream.linear.scatter [tilespmem:s18], [sflag:$0x4], $0x80, $0x38;
	[tilespmem:$0x1E700] =	vst v63  }
0x177: {  	s3 =	sadd.s32 $0x500, s1;
	s18 =	simm.s32 $0x1DC00  }
0x178: {  	[hbm4b:s3+s4] =	stream.linear.scatter [tilespmem:s18], [sflag:$0x4], $0x80, $0x38;
	[tilespmem:$0x1E700] =	vst v63  }
0x179: {  	s3 =	sadd.s32 $0x580, s1;
	s18 =	simm.s32 $0x1DE00  }
0x17a: {  	[hbm4b:s3+s4] =	stream.linear.scatter [tilespmem:s18], [sflag:$0x4], $0x80, $0x38;
	[tilespmem:$0x1E700] =	vst v63  }
0x17b: {  	s3 =	sadd.s32 $0x600, s1;
	s18 =	simm.s32 $0x1E000  }
0x17c: {  	[hbm4b:s3+s4] =	stream.linear.scatter [tilespmem:s18], [sflag:$0x4], $0x80, $0x38;
	[tilespmem:$0x1E700] =	vst v63  }
0x17d: {  	s3 =	sadd.s32 $0x680, s1;
	s18 =	simm.s32 $0x1E200  }
0x17e: {  	[hbm4b:s3+s4] =	stream.linear.scatter [tilespmem:s18], [sflag:$0x4], $0x80, $0x38;
	[tilespmem:$0x1E700] =	vst v63  }
0x17f: {  	s18 =	sadd.s32 $0x700, s1  }
0x180: {  	[hbm4b:s18+s4] =	stream.linear.scatter [tilespmem:s8], [sflag:$0x4], $0x80, $0x38;
	[tilespmem:$0x1E700] =	vst v63  }
0x181: {  	s1 =	sadd.s32 $0x780, s1;
	s18 =	simm.s32 $0x19FF0  }
0x182: {  	[hbm4b:s1+s4] =	stream.linear.scatter [tilespmem:s17], [sflag:$0x4], $0x80, $0x38;
	[tilespmem:$0x1E700] =	vst v63  }
0x183: {  	v0 =	vld [tilespmem:s18+$0x0]  }
0x184: {  	v1 =	vld [tilespmem:s18+$0xFFFFFF20]  }
0x185: {  	v2 =	vld [tilespmem:s18+$0xFFFFFF30]  }
0x186: {  	v3 =	vld [tilespmem:s18+$0xFFFFFF40]  }
0x187: {  	v4 =	vld [tilespmem:s18+$0xFFFFFF50]  }
0x188: {  	v5 =	vld [tilespmem:s18+$0xFFFFFF60]  }
0x189: {  	v6 =	vld [tilespmem:s18+$0xFFFFFF70]  }
0x18a: {  	v7 =	vld [tilespmem:s18+$0xFFFFFF80]  }
0x18b: {  	v8 =	vld [tilespmem:s18+$0xFFFFFF90]  }
0x18c: {  	v9 =	vld [tilespmem:s18+$0xFFFFFFA0]  }
0x18d: {  	v10 =	vld [tilespmem:s18+$0xFFFFFFB0]  }
0x18e: {  	v11 =	vld [tilespmem:s18+$0xFFFFFFC0]  }
0x18f: {  	v12 =	vld [tilespmem:s18+$0xFFFFFFD0]  }
0x190: {  	v13 =	vld [tilespmem:s18+$0xFFFFFFE0]  }
0x191: {  	v14 =	vld [tilespmem:s18+$0xFFFFFFF0]  }
0x192: {  	v15 =	vld [tilespmem:s18+$0xFFFFFF10]  }
0x193: {  	v0 =	vld.idx.msk [tilespmem:v0+s4+$0x0], $0xffff  }
0x194: {  	v1 =	vld.idx.msk [tilespmem:v1+s4+$0x0], $0xffff  }
0x195: {  	v2 =	vld.idx.msk [tilespmem:v2+s4+$0x0], $0xffff  }
0x196: {  	v3 =	vld.idx.msk [tilespmem:v3+s4+$0x0], $0xffff  }
0x197: {  	v4 =	vld.idx.msk [tilespmem:v4+s4+$0x0], $0xffff  }
0x198: {  	s18 =	simm.s32 $0x1CA80;
	v5 =	vld.idx.msk [tilespmem:v5+s4+$0x0], $0xffff  }
0x199: {  	v6 =	vld.idx.msk [tilespmem:v6+s4+$0x0], $0xffff;
	[tilespmem:s18+$0x70] =	vst v0  }
0x19a: {  	v7 =	vld.idx.msk [tilespmem:v7+s4+$0x0], $0xffff;
	[tilespmem:s18+$0xFFFFFE10] =	vst v1  }
0x19b: {  	v15 =	vld.idx.msk [tilespmem:v15+s4+$0x0], $0xffff;
	[tilespmem:s18+$0xFFFFFE20] =	vst v2  }
0x19c: {  	v8 =	vld.idx.msk [tilespmem:v8+s4+$0x0], $0xffff;
	[tilespmem:s18+$0xFFFFFE30] =	vst v3  }
0x19d: {  	[tilespmem:s18+$0xFFFFFE40] =	vst v4;
	v0 =	vld.idx.msk [tilespmem:v9+s4+$0x0], $0xffff  }
0x19e: {  	[tilespmem:s18+$0xFFFFFE50] =	vst v5;
	v1 =	vld.idx.msk [tilespmem:v10+s4+$0x0], $0xffff  }
0x19f: {  	[tilespmem:s18+$0xFFFFFE60] =	vst v6;
	v2 =	vld.idx.msk [tilespmem:v11+s4+$0x0], $0xffff  }
0x1a0: {  	[tilespmem:s18+$0xFFFFFE70] =	vst v7;
	v3 =	vld.idx.msk [tilespmem:v12+s4+$0x0], $0xffff  }
0x1a1: {  	[tilespmem:s18+$0xFFFFFE00] =	vst v15;
	v4 =	vld.idx.msk [tilespmem:v13+s4+$0x0], $0xffff  }
0x1a2: {  	s3 =	simm.s32 $0x1A0F0;
	s1 =	simm.s32 $0x0;
	[tilespmem:s18+$0x0] =	vst v8;
	v5 =	vld.idx.msk [tilespmem:v14+s4+$0x0], $0xffff  }
.LBB2_9:
0x1a3: {  	v6 =	vld [tilespmem:s3+$0x0];
	s1 =	sadd.s32 $0x10, s1;
	[tilespmem:s18+$0x10] =	vst v0  }
0x1a4: {  	v0 =	vld [tilespmem:s3+$0xFFFFFF20];
	p3 =	slt.u32 s1, $0x70;
	[tilespmem:s18+$0x20] =	vst v1  }
0x1a5: {  	v1 =	vld [tilespmem:s3+$0xFFFFFF30];
	[tilespmem:s18+$0x30] =	vst v2  }
0x1a6: {  	v2 =	vld [tilespmem:s3+$0xFFFFFF40];
	[tilespmem:s18+$0x40] =	vst v3  }
0x1a7: {  	v3 =	vld [tilespmem:s3+$0xFFFFFF50];
	[tilespmem:s18+$0x50] =	vst v4  }
0x1a8: {  	v4 =	vld [tilespmem:s3+$0xFFFFFF60];
	[tilespmem:s18+$0x60] =	vst v5  }
0x1a9: {  	v5 =	vld [tilespmem:s3+$0xFFFFFF70]  }
0x1aa: {  	v7 =	vld [tilespmem:s3+$0xFFFFFF80]  }
0x1ab: {  	v6 =	vld.idx.msk [tilespmem:v6+s4+$0x0], $0xffff  }
0x1ac: {  	v8 =	vld [tilespmem:s3+$0xFFFFFF90]  }
0x1ad: {  	v9 =	vld [tilespmem:s3+$0xFFFFFFA0]  }
0x1ae: {  	v10 =	vld [tilespmem:s3+$0xFFFFFFB0]  }
0x1af: {  	v11 =	vld [tilespmem:s3+$0xFFFFFFC0]  }
0x1b0: {  	s18 =	sadd.s32 $0x400, s18;
	v12 =	vld [tilespmem:s3+$0xFFFFFFD0]  }
0x1b1: {  	v13 =	vld [tilespmem:s3+$0xFFFFFFE0];
	[tilespmem:s18+$0x70] =	vst v6  }
0x1b2: {  	v6 =	vld [tilespmem:s3+$0xFFFFFFF0]  }
0x1b3: {  	v14 =	vld [tilespmem:s3+$0xFFFFFF10]  }
0x1b4: {  	v0 =	vld.idx.msk [tilespmem:v0+s4+$0x0], $0xffff  }
0x1b5: {  	v1 =	vld.idx.msk [tilespmem:v1+s4+$0x0], $0xffff  }
0x1b6: {  	v2 =	vld.idx.msk [tilespmem:v2+s4+$0x0], $0xffff  }
0x1b7: {  	v3 =	vld.idx.msk [tilespmem:v3+s4+$0x0], $0xffff  }
0x1b8: {  	v4 =	vld.idx.msk [tilespmem:v4+s4+$0x0], $0xffff  }
0x1b9: {  	v5 =	vld.idx.msk [tilespmem:v5+s4+$0x0], $0xffff  }
0x1ba: {  	[tilespmem:s18+$0xFFFFFE10] =	vst v0;
	v7 =	vld.idx.msk [tilespmem:v7+s4+$0x0], $0xffff  }
0x1bb: {  	v14 =	vld.idx.msk [tilespmem:v14+s4+$0x0], $0xffff;
	[tilespmem:s18+$0xFFFFFE20] =	vst v1  }
0x1bc: {  	[tilespmem:s18+$0xFFFFFE30] =	vst v2;
	v8 =	vld.idx.msk [tilespmem:v8+s4+$0x0], $0xffff  }
0x1bd: {  	[tilespmem:s18+$0xFFFFFE40] =	vst v3;
	v0 =	vld.idx.msk [tilespmem:v9+s4+$0x0], $0xffff  }
.Ltmp6:
0x1be: {  	[tilespmem:s18+$0xFFFFFE50] =	vst v4;
	v1 =	vld.idx.msk [tilespmem:v10+s4+$0x0], $0xffff;
	(pc) =	sbr.rel @p3 .LBB2_9-.Ltmp6, $4  }
0x1bf: {  	[tilespmem:s18+$0xFFFFFE60] =	vst v5;
	v2 =	vld.idx.msk [tilespmem:v11+s4+$0x0], $0xffff  }
0x1c0: {  	[tilespmem:s18+$0xFFFFFE70] =	vst v7;
	v3 =	vld.idx.msk [tilespmem:v12+s4+$0x0], $0xffff  }
0x1c1: {  	[tilespmem:s18+$0xFFFFFE00] =	vst v14;
	v4 =	vld.idx.msk [tilespmem:v13+s4+$0x0], $0xffff  }
0x1c2: {  	s3 =	sadd.s32 $0x100, s3;
	[tilespmem:s18+$0x0] =	vst v8;
	v5 =	vld.idx.msk [tilespmem:v6+s4+$0x0], $0xffff  }
0x1c3: {  	[tilespmem:s18+$0x10] =	vst v0  }
0x1c4: {  	[tilespmem:s18+$0x20] =	vst v1  }
0x1c5: {  	[tilespmem:s18+$0x30] =	vst v2  }
0x1c6: {  	[tilespmem:s18+$0x40] =	vst v3  }
0x1c7: {  	[tilespmem:s18+$0x50] =	vst v4  }
0x1c8: {  	[tilespmem:s18+$0x60] =	vst v5  }
0x1c9: {  	s1 =	rddreg [dreg:$0xa]  }
0x1ca: {  	s1 =	sadd.s32 s16, s1  }
0x1cb: {  	[hbm4b:s1+s4] =	stream.linear.scatter [tilespmem:s19], [sflag:$0x5], $0x80, $0x38;
	[tilespmem:$0x1E700] =	vst v63  }
0x1cc: {  	s3 =	sadd.s32 $0x80, s1  }
0x1cd: {  	[hbm4b:s3+s4] =	stream.linear.scatter [tilespmem:s20], [sflag:$0x5], $0x80, $0x38;
	[tilespmem:$0x1E700] =	vst v63  }
0x1ce: {  	s18 =	sadd.s32 $0x100, s1  }
0x1cf: {  	[hbm4b:s18+s4] =	stream.linear.scatter [tilespmem:s5], [sflag:$0x5], $0x80, $0x38;
	[tilespmem:$0x1E700] =	vst v63  }
0x1d0: {  	s18 =	sadd.s32 $0x180, s1  }
0x1d1: {  	[hbm4b:s18+s4] =	stream.linear.scatter [tilespmem:s9], [sflag:$0x5], $0x80, $0x38;
	[tilespmem:$0x1E700] =	vst v63  }
0x1d2: {  	s18 =	sadd.s32 $0x200, s1  }
0x1d3: {  	[hbm4b:s18+s4] =	stream.linear.scatter [tilespmem:s10], [sflag:$0x5], $0x80, $0x38;
	[tilespmem:$0x1E700] =	vst v63  }
0x1d4: {  	s18 =	sadd.s32 $0x280, s1  }
0x1d5: {  	[hbm4b:s18+s4] =	stream.linear.scatter [tilespmem:s11], [sflag:$0x5], $0x80, $0x38;
	[tilespmem:$0x1E700] =	vst v63  }
0x1d6: {  	s18 =	sadd.s32 $0x300, s1  }
0x1d7: {  	[hbm4b:s18+s4] =	stream.linear.scatter [tilespmem:s12], [sflag:$0x5], $0x80, $0x38;
	[tilespmem:$0x1E700] =	vst v63  }
0x1d8: {  	s18 =	sadd.s32 $0x380, s1  }
0x1d9: {  	[hbm4b:s18+s4] =	stream.linear.scatter [tilespmem:s13], [sflag:$0x5], $0x80, $0x38;
	[tilespmem:$0x1E700] =	vst v63  }
0x1da: {  	s18 =	sadd.s32 $0x400, s1  }
0x1db: {  	[hbm4b:s18+s4] =	stream.linear.scatter [tilespmem:s14], [sflag:$0x5], $0x80, $0x38;
	[tilespmem:$0x1E700] =	vst v63  }
0x1dc: {  	s18 =	sadd.s32 $0x480, s1  }
0x1dd: {  	[hbm4b:s18+s4] =	stream.linear.scatter [tilespmem:s15], [sflag:$0x5], $0x80, $0x38;
	[tilespmem:$0x1E700] =	vst v63  }
0x1de: {  	s18 =	sadd.s32 $0x500, s1  }
0x1df: {  	[hbm4b:s18+s4] =	stream.linear.scatter [tilespmem:s24], [sflag:$0x5], $0x80, $0x38;
	[tilespmem:$0x1E700] =	vst v63  }
0x1e0: {  	s18 =	sadd.s32 $0x580, s1  }
0x1e1: {  	[hbm4b:s18+s4] =	stream.linear.scatter [tilespmem:s25], [sflag:$0x5], $0x80, $0x38;
	[tilespmem:$0x1E700] =	vst v63  }
0x1e2: {  	s18 =	sadd.s32 $0x600, s1  }
0x1e3: {  	[hbm4b:s18+s4] =	stream.linear.scatter [tilespmem:s26], [sflag:$0x5], $0x80, $0x38;
	[tilespmem:$0x1E700] =	vst v63  }
0x1e4: {  	s18 =	sadd.s32 $0x680, s1  }
0x1e5: {  	[hbm4b:s18+s4] =	stream.linear.scatter [tilespmem:s28], [sflag:$0x5], $0x80, $0x38;
	[tilespmem:$0x1E700] =	vst v63  }
0x1e6: {  	s18 =	sadd.s32 $0x700, s1  }
0x1e7: {  	[hbm4b:s18+s4] =	stream.linear.scatter [tilespmem:s29], [sflag:$0x5], $0x80, $0x38;
	[tilespmem:$0x1E700] =	vst v63  }
0x1e8: {  	s1 =	sadd.s32 $0x780, s1  }
0x1e9: {  	[hbm4b:s1+s4] =	stream.linear.scatter [tilespmem:s30], [sflag:$0x5], $0x80, $0x38;
	[tilespmem:$0x1E700] =	vst v63  }
0x1ea: {  	_ =	swait.ge [sflag:s31], $0x800  }
0x1eb: {  	[sflag:s31] =	ssyncset.done $0x0  }
0x1ec: {  	s18 =	simm.s32 $0x1A7F0;
	[sflag:s31] =	ssyncadd.s32 $0xFFFFF800  }
0x1ed: {  	v0 =	vld [tilespmem:s18+$0x0]  }
0x1ee: {  	v1 =	vld [tilespmem:s18+$0xFFFFFF20]  }
0x1ef: {  	v2 =	vld [tilespmem:s18+$0xFFFFFF30]  }
0x1f0: {  	v3 =	vld [tilespmem:s18+$0xFFFFFF40]  }
0x1f1: {  	v4 =	vld [tilespmem:s18+$0xFFFFFF50]  }
0x1f2: {  	v5 =	vld [tilespmem:s18+$0xFFFFFF60]  }
0x1f3: {  	v6 =	vld [tilespmem:s18+$0xFFFFFF70]  }
0x1f4: {  	v7 =	vld [tilespmem:s18+$0xFFFFFF80]  }
0x1f5: {  	v8 =	vld [tilespmem:s18+$0xFFFFFF90]  }
0x1f6: {  	v9 =	vld [tilespmem:s18+$0xFFFFFFA0]  }
0x1f7: {  	v10 =	vld [tilespmem:s18+$0xFFFFFFB0]  }
0x1f8: {  	v11 =	vld [tilespmem:s18+$0xFFFFFFC0]  }
0x1f9: {  	v12 =	vld [tilespmem:s18+$0xFFFFFFD0]  }
0x1fa: {  	v13 =	vld [tilespmem:s18+$0xFFFFFFE0]  }
0x1fb: {  	v14 =	vld [tilespmem:s18+$0xFFFFFFF0]  }
0x1fc: {  	v15 =	vld [tilespmem:s18+$0xFFFFFF10]  }
0x1fd: {  	v0 =	vld.idx.msk [tilespmem:v0+s4+$0x0], $0xffff  }
0x1fe: {  	v1 =	vld.idx.msk [tilespmem:v1+s4+$0x0], $0xffff  }
0x1ff: {  	v2 =	vld.idx.msk [tilespmem:v2+s4+$0x0], $0xffff  }
0x200: {  	v3 =	vld.idx.msk [tilespmem:v3+s4+$0x0], $0xffff  }
0x201: {  	v4 =	vld.idx.msk [tilespmem:v4+s4+$0x0], $0xffff  }
0x202: {  	s18 =	simm.s32 $0x1C900;
	v5 =	vld.idx.msk [tilespmem:v5+s4+$0x0], $0xffff  }
0x203: {  	v6 =	vld.idx.msk [tilespmem:v6+s4+$0x0], $0xffff;
	[tilespmem:s18+$0x70] =	vst v0  }
0x204: {  	v7 =	vld.idx.msk [tilespmem:v7+s4+$0x0], $0xffff;
	[tilespmem:s18+$0xFFFFFE10] =	vst v1  }
0x205: {  	v15 =	vld.idx.msk [tilespmem:v15+s4+$0x0], $0xffff;
	[tilespmem:s18+$0xFFFFFE20] =	vst v2  }
0x206: {  	v8 =	vld.idx.msk [tilespmem:v8+s4+$0x0], $0xffff;
	[tilespmem:s18+$0xFFFFFE30] =	vst v3  }
0x207: {  	[tilespmem:s18+$0xFFFFFE40] =	vst v4;
	v0 =	vld.idx.msk [tilespmem:v9+s4+$0x0], $0xffff  }
0x208: {  	[tilespmem:s18+$0xFFFFFE50] =	vst v5;
	v1 =	vld.idx.msk [tilespmem:v10+s4+$0x0], $0xffff  }
0x209: {  	[tilespmem:s18+$0xFFFFFE60] =	vst v6;
	v2 =	vld.idx.msk [tilespmem:v11+s4+$0x0], $0xffff  }
0x20a: {  	[tilespmem:s18+$0xFFFFFE70] =	vst v7;
	v3 =	vld.idx.msk [tilespmem:v12+s4+$0x0], $0xffff  }
0x20b: {  	[tilespmem:s18+$0xFFFFFE00] =	vst v15;
	v4 =	vld.idx.msk [tilespmem:v13+s4+$0x0], $0xffff  }
0x20c: {  	s3 =	simm.s32 $0x1A8F0;
	s1 =	simm.s32 $0x0;
	[tilespmem:s18+$0x0] =	vst v8;
	v5 =	vld.idx.msk [tilespmem:v14+s4+$0x0], $0xffff  }
.LBB2_11:
0x20d: {  	v6 =	vld [tilespmem:s3+$0x0];
	s1 =	sadd.s32 $0x10, s1;
	[tilespmem:s18+$0x10] =	vst v0  }
0x20e: {  	v0 =	vld [tilespmem:s3+$0xFFFFFF20];
	p3 =	slt.u32 s1, $0x70;
	[tilespmem:s18+$0x20] =	vst v1  }
0x20f: {  	v1 =	vld [tilespmem:s3+$0xFFFFFF30];
	[tilespmem:s18+$0x30] =	vst v2  }
0x210: {  	v2 =	vld [tilespmem:s3+$0xFFFFFF40];
	[tilespmem:s18+$0x40] =	vst v3  }
0x211: {  	v3 =	vld [tilespmem:s3+$0xFFFFFF50];
	[tilespmem:s18+$0x50] =	vst v4  }
0x212: {  	v4 =	vld [tilespmem:s3+$0xFFFFFF60];
	[tilespmem:s18+$0x60] =	vst v5  }
0x213: {  	v5 =	vld [tilespmem:s3+$0xFFFFFF70]  }
0x214: {  	v7 =	vld [tilespmem:s3+$0xFFFFFF80]  }
0x215: {  	v6 =	vld.idx.msk [tilespmem:v6+s4+$0x0], $0xffff  }
0x216: {  	v8 =	vld [tilespmem:s3+$0xFFFFFF90]  }
0x217: {  	v9 =	vld [tilespmem:s3+$0xFFFFFFA0]  }
0x218: {  	v10 =	vld [tilespmem:s3+$0xFFFFFFB0]  }
0x219: {  	v11 =	vld [tilespmem:s3+$0xFFFFFFC0]  }
0x21a: {  	s18 =	sadd.s32 $0x400, s18;
	v12 =	vld [tilespmem:s3+$0xFFFFFFD0]  }
0x21b: {  	v13 =	vld [tilespmem:s3+$0xFFFFFFE0];
	[tilespmem:s18+$0x70] =	vst v6  }
0x21c: {  	v6 =	vld [tilespmem:s3+$0xFFFFFFF0]  }
0x21d: {  	v14 =	vld [tilespmem:s3+$0xFFFFFF10]  }
0x21e: {  	v0 =	vld.idx.msk [tilespmem:v0+s4+$0x0], $0xffff  }
0x21f: {  	v1 =	vld.idx.msk [tilespmem:v1+s4+$0x0], $0xffff  }
0x220: {  	v2 =	vld.idx.msk [tilespmem:v2+s4+$0x0], $0xffff  }
0x221: {  	v3 =	vld.idx.msk [tilespmem:v3+s4+$0x0], $0xffff  }
0x222: {  	v4 =	vld.idx.msk [tilespmem:v4+s4+$0x0], $0xffff  }
0x223: {  	v5 =	vld.idx.msk [tilespmem:v5+s4+$0x0], $0xffff  }
0x224: {  	[tilespmem:s18+$0xFFFFFE10] =	vst v0;
	v7 =	vld.idx.msk [tilespmem:v7+s4+$0x0], $0xffff  }
0x225: {  	v14 =	vld.idx.msk [tilespmem:v14+s4+$0x0], $0xffff;
	[tilespmem:s18+$0xFFFFFE20] =	vst v1  }
0x226: {  	[tilespmem:s18+$0xFFFFFE30] =	vst v2;
	v8 =	vld.idx.msk [tilespmem:v8+s4+$0x0], $0xffff  }
0x227: {  	[tilespmem:s18+$0xFFFFFE40] =	vst v3;
	v0 =	vld.idx.msk [tilespmem:v9+s4+$0x0], $0xffff  }
.Ltmp7:
0x228: {  	[tilespmem:s18+$0xFFFFFE50] =	vst v4;
	v1 =	vld.idx.msk [tilespmem:v10+s4+$0x0], $0xffff;
	(pc) =	sbr.rel @p3 .LBB2_11-.Ltmp7, $4  }
0x229: {  	[tilespmem:s18+$0xFFFFFE60] =	vst v5;
	v2 =	vld.idx.msk [tilespmem:v11+s4+$0x0], $0xffff  }
0x22a: {  	[tilespmem:s18+$0xFFFFFE70] =	vst v7;
	v3 =	vld.idx.msk [tilespmem:v12+s4+$0x0], $0xffff  }
0x22b: {  	[tilespmem:s18+$0xFFFFFE00] =	vst v14;
	v4 =	vld.idx.msk [tilespmem:v13+s4+$0x0], $0xffff  }
0x22c: {  	s3 =	sadd.s32 $0x100, s3;
	[tilespmem:s18+$0x0] =	vst v8;
	v5 =	vld.idx.msk [tilespmem:v6+s4+$0x0], $0xffff  }
0x22d: {  	[tilespmem:s18+$0x10] =	vst v0  }
0x22e: {  	[tilespmem:s18+$0x20] =	vst v1  }
0x22f: {  	[tilespmem:s18+$0x30] =	vst v2  }
0x230: {  	[tilespmem:s18+$0x40] =	vst v3  }
0x231: {  	[tilespmem:s18+$0x50] =	vst v4  }
0x232: {  	[tilespmem:s18+$0x60] =	vst v5  }
0x233: {  	s1 =	rddreg [dreg:$0xb]  }
0x234: {  	s1 =	sadd.s32 s16, s1  }
0x235: {  	[hbm4b:s1+s4] =	stream.linear.scatter [tilespmem:s6], [sflag:$0x2], $0x80, $0x38;
	[tilespmem:$0x1E700] =	vst v63  }
0x236: {  	s18 =	simm.s32 $0x1C900;
	s3 =	sadd.s32 $0x80, s1  }
0x237: {  	[hbm4b:s3+s4] =	stream.linear.scatter [tilespmem:s18], [sflag:$0x2], $0x80, $0x38;
	[tilespmem:$0x1E700] =	vst v63  }
0x238: {  	s3 =	sadd.s32 $0x100, s1;
	s18 =	simm.s32 $0x1CB00  }
0x239: {  	[hbm4b:s3+s4] =	stream.linear.scatter [tilespmem:s18], [sflag:$0x2], $0x80, $0x38;
	[tilespmem:$0x1E700] =	vst v63  }
0x23a: {  	s3 =	sadd.s32 $0x180, s1;
	s18 =	simm.s32 $0x1CD00  }
0x23b: {  	[hbm4b:s3+s4] =	stream.linear.scatter [tilespmem:s18], [sflag:$0x2], $0x80, $0x38;
	[tilespmem:$0x1E700] =	vst v63  }
0x23c: {  	s3 =	sadd.s32 $0x200, s1;
	s18 =	simm.s32 $0x1CF00  }
0x23d: {  	[hbm4b:s3+s4] =	stream.linear.scatter [tilespmem:s18], [sflag:$0x2], $0x80, $0x38;
	[tilespmem:$0x1E700] =	vst v63  }
0x23e: {  	s3 =	sadd.s32 $0x280, s1;
	s18 =	simm.s32 $0x1D100  }
0x23f: {  	[hbm4b:s3+s4] =	stream.linear.scatter [tilespmem:s18], [sflag:$0x2], $0x80, $0x38;
	[tilespmem:$0x1E700] =	vst v63  }
0x240: {  	s3 =	sadd.s32 $0x300, s1;
	s18 =	simm.s32 $0x1D300  }
0x241: {  	[hbm4b:s3+s4] =	stream.linear.scatter [tilespmem:s18], [sflag:$0x2], $0x80, $0x38;
	[tilespmem:$0x1E700] =	vst v63  }
0x242: {  	s3 =	sadd.s32 $0x380, s1;
	s18 =	simm.s32 $0x1D500  }
0x243: {  	[hbm4b:s3+s4] =	stream.linear.scatter [tilespmem:s18], [sflag:$0x2], $0x80, $0x38;
	[tilespmem:$0x1E700] =	vst v63  }
0x244: {  	s3 =	sadd.s32 $0x400, s1;
	s18 =	simm.s32 $0x1D700  }
0x245: {  	[hbm4b:s3+s4] =	stream.linear.scatter [tilespmem:s18], [sflag:$0x2], $0x80, $0x38;
	[tilespmem:$0x1E700] =	vst v63  }
0x246: {  	s3 =	sadd.s32 $0x480, s1;
	s18 =	simm.s32 $0x1D900  }
0x247: {  	[hbm4b:s3+s4] =	stream.linear.scatter [tilespmem:s18], [sflag:$0x2], $0x80, $0x38;
	[tilespmem:$0x1E700] =	vst v63  }
0x248: {  	s3 =	sadd.s32 $0x500, s1;
	s18 =	simm.s32 $0x1DB00  }
0x249: {  	[hbm4b:s3+s4] =	stream.linear.scatter [tilespmem:s18], [sflag:$0x2], $0x80, $0x38;
	[tilespmem:$0x1E700] =	vst v63  }
0x24a: {  	s3 =	sadd.s32 $0x580, s1;
	s18 =	simm.s32 $0x1DD00  }
0x24b: {  	[hbm4b:s3+s4] =	stream.linear.scatter [tilespmem:s18], [sflag:$0x2], $0x80, $0x38;
	[tilespmem:$0x1E700] =	vst v63  }
0x24c: {  	s3 =	sadd.s32 $0x600, s1;
	s18 =	simm.s32 $0x1DF00  }
0x24d: {  	[hbm4b:s3+s4] =	stream.linear.scatter [tilespmem:s18], [sflag:$0x2], $0x80, $0x38;
	[tilespmem:$0x1E700] =	vst v63  }
0x24e: {  	s3 =	sadd.s32 $0x680, s1;
	s18 =	simm.s32 $0x1E100  }
0x24f: {  	[hbm4b:s3+s4] =	stream.linear.scatter [tilespmem:s18], [sflag:$0x2], $0x80, $0x38;
	[tilespmem:$0x1E700] =	vst v63  }
0x250: {  	s3 =	sadd.s32 $0x700, s1;
	s18 =	simm.s32 $0x1E300  }
0x251: {  	[hbm4b:s3+s4] =	stream.linear.scatter [tilespmem:s18], [sflag:$0x2], $0x80, $0x38;
	[tilespmem:$0x1E700] =	vst v63  }
0x252: {  	s1 =	sadd.s32 $0x780, s1;
	s18 =	simm.s32 $0x1E500  }
0x253: {  	[hbm4b:s1+s4] =	stream.linear.scatter [tilespmem:s18], [sflag:$0x2], $0x80, $0x38;
	[tilespmem:$0x1E700] =	vst v63  }
0x254: {  	_ =	swait.ge [sflag:s2], $0x800  }
0x255: {  	[sflag:s2] =	ssyncset.done $0x0  }
0x256: {  	s18 =	simm.s32 $0x1AFF0;
	[sflag:s2] =	ssyncadd.s32 $0xFFFFF800  }
0x257: {  	v0 =	vld [tilespmem:s18+$0x0]  }
0x258: {  	v1 =	vld [tilespmem:s18+$0xFFFFFF20]  }
0x259: {  	v2 =	vld [tilespmem:s18+$0xFFFFFF30]  }
0x25a: {  	v3 =	vld [tilespmem:s18+$0xFFFFFF40]  }
0x25b: {  	v4 =	vld [tilespmem:s18+$0xFFFFFF50]  }
0x25c: {  	v5 =	vld [tilespmem:s18+$0xFFFFFF60]  }
0x25d: {  	v6 =	vld [tilespmem:s18+$0xFFFFFF70]  }
0x25e: {  	v7 =	vld [tilespmem:s18+$0xFFFFFF80]  }
0x25f: {  	v8 =	vld [tilespmem:s18+$0xFFFFFF90]  }
0x260: {  	v9 =	vld [tilespmem:s18+$0xFFFFFFA0]  }
0x261: {  	v10 =	vld [tilespmem:s18+$0xFFFFFFB0]  }
0x262: {  	v11 =	vld [tilespmem:s18+$0xFFFFFFC0]  }
0x263: {  	v12 =	vld [tilespmem:s18+$0xFFFFFFD0]  }
0x264: {  	v13 =	vld [tilespmem:s18+$0xFFFFFFE0]  }
0x265: {  	v14 =	vld [tilespmem:s18+$0xFFFFFFF0]  }
0x266: {  	v15 =	vld [tilespmem:s18+$0xFFFFFF10]  }
0x267: {  	v0 =	vld.idx.msk [tilespmem:v0+s4+$0x0], $0xffff  }
0x268: {  	v1 =	vld.idx.msk [tilespmem:v1+s4+$0x0], $0xffff  }
0x269: {  	v2 =	vld.idx.msk [tilespmem:v2+s4+$0x0], $0xffff  }
0x26a: {  	v3 =	vld.idx.msk [tilespmem:v3+s4+$0x0], $0xffff  }
0x26b: {  	v4 =	vld.idx.msk [tilespmem:v4+s4+$0x0], $0xffff  }
0x26c: {  	s18 =	simm.s32 $0x1C980;
	v5 =	vld.idx.msk [tilespmem:v5+s4+$0x0], $0xffff  }
0x26d: {  	v6 =	vld.idx.msk [tilespmem:v6+s4+$0x0], $0xffff;
	[tilespmem:s18+$0x70] =	vst v0  }
0x26e: {  	v7 =	vld.idx.msk [tilespmem:v7+s4+$0x0], $0xffff;
	[tilespmem:s18+$0xFFFFFE10] =	vst v1  }
0x26f: {  	v15 =	vld.idx.msk [tilespmem:v15+s4+$0x0], $0xffff;
	[tilespmem:s18+$0xFFFFFE20] =	vst v2  }
0x270: {  	v8 =	vld.idx.msk [tilespmem:v8+s4+$0x0], $0xffff;
	[tilespmem:s18+$0xFFFFFE30] =	vst v3  }
0x271: {  	[tilespmem:s18+$0xFFFFFE40] =	vst v4;
	v0 =	vld.idx.msk [tilespmem:v9+s4+$0x0], $0xffff  }
0x272: {  	[tilespmem:s18+$0xFFFFFE50] =	vst v5;
	v1 =	vld.idx.msk [tilespmem:v10+s4+$0x0], $0xffff  }
0x273: {  	[tilespmem:s18+$0xFFFFFE60] =	vst v6;
	v2 =	vld.idx.msk [tilespmem:v11+s4+$0x0], $0xffff  }
0x274: {  	[tilespmem:s18+$0xFFFFFE70] =	vst v7;
	v3 =	vld.idx.msk [tilespmem:v12+s4+$0x0], $0xffff  }
0x275: {  	[tilespmem:s18+$0xFFFFFE00] =	vst v15;
	v4 =	vld.idx.msk [tilespmem:v13+s4+$0x0], $0xffff  }
0x276: {  	s3 =	simm.s32 $0x1B0F0;
	s1 =	simm.s32 $0x0;
	[tilespmem:s18+$0x0] =	vst v8;
	v5 =	vld.idx.msk [tilespmem:v14+s4+$0x0], $0xffff  }
.LBB2_13:
0x277: {  	v6 =	vld [tilespmem:s3+$0x0];
	s1 =	sadd.s32 $0x10, s1;
	[tilespmem:s18+$0x10] =	vst v0  }
0x278: {  	v0 =	vld [tilespmem:s3+$0xFFFFFF20];
	p3 =	slt.u32 s1, $0x70;
	[tilespmem:s18+$0x20] =	vst v1  }
0x279: {  	v1 =	vld [tilespmem:s3+$0xFFFFFF30];
	[tilespmem:s18+$0x30] =	vst v2  }
0x27a: {  	v2 =	vld [tilespmem:s3+$0xFFFFFF40];
	[tilespmem:s18+$0x40] =	vst v3  }
0x27b: {  	v3 =	vld [tilespmem:s3+$0xFFFFFF50];
	[tilespmem:s18+$0x50] =	vst v4  }
0x27c: {  	v4 =	vld [tilespmem:s3+$0xFFFFFF60];
	[tilespmem:s18+$0x60] =	vst v5  }
0x27d: {  	v5 =	vld [tilespmem:s3+$0xFFFFFF70]  }
0x27e: {  	v7 =	vld [tilespmem:s3+$0xFFFFFF80]  }
0x27f: {  	v6 =	vld.idx.msk [tilespmem:v6+s4+$0x0], $0xffff  }
0x280: {  	v8 =	vld [tilespmem:s3+$0xFFFFFF90]  }
0x281: {  	v9 =	vld [tilespmem:s3+$0xFFFFFFA0]  }
0x282: {  	v10 =	vld [tilespmem:s3+$0xFFFFFFB0]  }
0x283: {  	v11 =	vld [tilespmem:s3+$0xFFFFFFC0]  }
0x284: {  	s18 =	sadd.s32 $0x400, s18;
	v12 =	vld [tilespmem:s3+$0xFFFFFFD0]  }
0x285: {  	v13 =	vld [tilespmem:s3+$0xFFFFFFE0];
	[tilespmem:s18+$0x70] =	vst v6  }
0x286: {  	v6 =	vld [tilespmem:s3+$0xFFFFFFF0]  }
0x287: {  	v14 =	vld [tilespmem:s3+$0xFFFFFF10]  }
0x288: {  	v0 =	vld.idx.msk [tilespmem:v0+s4+$0x0], $0xffff  }
0x289: {  	v1 =	vld.idx.msk [tilespmem:v1+s4+$0x0], $0xffff  }
0x28a: {  	v2 =	vld.idx.msk [tilespmem:v2+s4+$0x0], $0xffff  }
0x28b: {  	v3 =	vld.idx.msk [tilespmem:v3+s4+$0x0], $0xffff  }
0x28c: {  	v4 =	vld.idx.msk [tilespmem:v4+s4+$0x0], $0xffff  }
0x28d: {  	v5 =	vld.idx.msk [tilespmem:v5+s4+$0x0], $0xffff  }
0x28e: {  	[tilespmem:s18+$0xFFFFFE10] =	vst v0;
	v7 =	vld.idx.msk [tilespmem:v7+s4+$0x0], $0xffff  }
0x28f: {  	v14 =	vld.idx.msk [tilespmem:v14+s4+$0x0], $0xffff;
	[tilespmem:s18+$0xFFFFFE20] =	vst v1  }
0x290: {  	[tilespmem:s18+$0xFFFFFE30] =	vst v2;
	v8 =	vld.idx.msk [tilespmem:v8+s4+$0x0], $0xffff  }
0x291: {  	[tilespmem:s18+$0xFFFFFE40] =	vst v3;
	v0 =	vld.idx.msk [tilespmem:v9+s4+$0x0], $0xffff  }
.Ltmp8:
0x292: {  	[tilespmem:s18+$0xFFFFFE50] =	vst v4;
	v1 =	vld.idx.msk [tilespmem:v10+s4+$0x0], $0xffff;
	(pc) =	sbr.rel @p3 .LBB2_13-.Ltmp8, $4  }
0x293: {  	[tilespmem:s18+$0xFFFFFE60] =	vst v5;
	v2 =	vld.idx.msk [tilespmem:v11+s4+$0x0], $0xffff  }
0x294: {  	[tilespmem:s18+$0xFFFFFE70] =	vst v7;
	v3 =	vld.idx.msk [tilespmem:v12+s4+$0x0], $0xffff  }
0x295: {  	[tilespmem:s18+$0xFFFFFE00] =	vst v14;
	v4 =	vld.idx.msk [tilespmem:v13+s4+$0x0], $0xffff  }
0x296: {  	s3 =	sadd.s32 $0x100, s3;
	[tilespmem:s18+$0x0] =	vst v8;
	v5 =	vld.idx.msk [tilespmem:v6+s4+$0x0], $0xffff  }
0x297: {  	[tilespmem:s18+$0x10] =	vst v0  }
0x298: {  	[tilespmem:s18+$0x20] =	vst v1  }
0x299: {  	[tilespmem:s18+$0x30] =	vst v2  }
0x29a: {  	[tilespmem:s18+$0x40] =	vst v3  }
0x29b: {  	[tilespmem:s18+$0x50] =	vst v4  }
0x29c: {  	[tilespmem:s18+$0x60] =	vst v5  }
0x29d: {  	s1 =	rddreg [dreg:$0xc]  }
0x29e: {  	s1 =	sadd.s32 s16, s1  }
0x29f: {  	[hbm4b:s1+s4] =	stream.linear.scatter [tilespmem:s22], [sflag:$0x3], $0x80, $0x38;
	[tilespmem:$0x1E700] =	vst v63  }
0x2a0: {  	s3 =	sadd.s32 $0x80, s1;
	s22 =	simm.s32 $0x1C980  }
0x2a1: {  	[hbm4b:s3+s4] =	stream.linear.scatter [tilespmem:s22], [sflag:$0x3], $0x80, $0x38;
	[tilespmem:$0x1E700] =	vst v63  }
0x2a2: {  	s18 =	sadd.s32 $0x100, s1;
	s22 =	simm.s32 $0x1CB80  }
0x2a3: {  	[hbm4b:s18+s4] =	stream.linear.scatter [tilespmem:s22], [sflag:$0x3], $0x80, $0x38;
	[tilespmem:$0x1E700] =	vst v63  }
0x2a4: {  	s18 =	sadd.s32 $0x180, s1;
	s22 =	simm.s32 $0x1CD80  }
0x2a5: {  	[hbm4b:s18+s4] =	stream.linear.scatter [tilespmem:s22], [sflag:$0x3], $0x80, $0x38;
	[tilespmem:$0x1E700] =	vst v63  }
0x2a6: {  	s18 =	sadd.s32 $0x200, s1;
	s22 =	simm.s32 $0x1CF80  }
0x2a7: {  	[hbm4b:s18+s4] =	stream.linear.scatter [tilespmem:s22], [sflag:$0x3], $0x80, $0x38;
	[tilespmem:$0x1E700] =	vst v63  }
0x2a8: {  	s18 =	sadd.s32 $0x280, s1;
	s22 =	simm.s32 $0x1D180  }
0x2a9: {  	[hbm4b:s18+s4] =	stream.linear.scatter [tilespmem:s22], [sflag:$0x3], $0x80, $0x38;
	[tilespmem:$0x1E700] =	vst v63  }
0x2aa: {  	s18 =	sadd.s32 $0x300, s1;
	s22 =	simm.s32 $0x1D380  }
0x2ab: {  	[hbm4b:s18+s4] =	stream.linear.scatter [tilespmem:s22], [sflag:$0x3], $0x80, $0x38;
	[tilespmem:$0x1E700] =	vst v63  }
0x2ac: {  	s18 =	sadd.s32 $0x380, s1;
	s22 =	simm.s32 $0x1D580  }
0x2ad: {  	[hbm4b:s18+s4] =	stream.linear.scatter [tilespmem:s22], [sflag:$0x3], $0x80, $0x38;
	[tilespmem:$0x1E700] =	vst v63  }
0x2ae: {  	s18 =	sadd.s32 $0x400, s1;
	s22 =	simm.s32 $0x1D780  }
0x2af: {  	[hbm4b:s18+s4] =	stream.linear.scatter [tilespmem:s22], [sflag:$0x3], $0x80, $0x38;
	[tilespmem:$0x1E700] =	vst v63  }
0x2b0: {  	s18 =	sadd.s32 $0x480, s1;
	s22 =	simm.s32 $0x1D980  }
0x2b1: {  	[hbm4b:s18+s4] =	stream.linear.scatter [tilespmem:s22], [sflag:$0x3], $0x80, $0x38;
	[tilespmem:$0x1E700] =	vst v63  }
0x2b2: {  	s18 =	sadd.s32 $0x500, s1;
	s22 =	simm.s32 $0x1DB80  }
0x2b3: {  	[hbm4b:s18+s4] =	stream.linear.scatter [tilespmem:s22], [sflag:$0x3], $0x80, $0x38;
	[tilespmem:$0x1E700] =	vst v63  }
0x2b4: {  	s18 =	sadd.s32 $0x580, s1;
	s22 =	simm.s32 $0x1DD80  }
0x2b5: {  	[hbm4b:s18+s4] =	stream.linear.scatter [tilespmem:s22], [sflag:$0x3], $0x80, $0x38;
	[tilespmem:$0x1E700] =	vst v63  }
0x2b6: {  	s18 =	sadd.s32 $0x600, s1;
	s22 =	simm.s32 $0x1DF80  }
0x2b7: {  	[hbm4b:s18+s4] =	stream.linear.scatter [tilespmem:s22], [sflag:$0x3], $0x80, $0x38;
	[tilespmem:$0x1E700] =	vst v63  }
0x2b8: {  	s18 =	sadd.s32 $0x680, s1;
	s22 =	simm.s32 $0x1E180  }
0x2b9: {  	[hbm4b:s18+s4] =	stream.linear.scatter [tilespmem:s22], [sflag:$0x3], $0x80, $0x38;
	[tilespmem:$0x1E700] =	vst v63  }
0x2ba: {  	s18 =	sadd.s32 $0x700, s1;
	s22 =	simm.s32 $0x1E380  }
0x2bb: {  	[hbm4b:s18+s4] =	stream.linear.scatter [tilespmem:s22], [sflag:$0x3], $0x80, $0x38;
	[tilespmem:$0x1E700] =	vst v63  }
0x2bc: {  	s1 =	sadd.s32 $0x780, s1;
	s18 =	simm.s32 $0x1E580  }
0x2bd: {  	[hbm4b:s1+s4] =	stream.linear.scatter [tilespmem:s18], [sflag:$0x3], $0x80, $0x38;
	[tilespmem:$0x1E700] =	vst v63  }
0x2be: {  	_ =	swait.ge [sflag:s0], $0x800  }
0x2bf: {  	[sflag:s0] =	ssyncset.done $0x0  }
0x2c0: {  	s22 =	simm.s32 $0x1B7F0;
	[sflag:s0] =	ssyncadd.s32 $0xFFFFF800  }
0x2c1: {  	v0 =	vld [tilespmem:s22+$0x0]  }
0x2c2: {  	v1 =	vld [tilespmem:s22+$0xFFFFFF20]  }
0x2c3: {  	v2 =	vld [tilespmem:s22+$0xFFFFFF30]  }
0x2c4: {  	v3 =	vld [tilespmem:s22+$0xFFFFFF40]  }
0x2c5: {  	v4 =	vld [tilespmem:s22+$0xFFFFFF50]  }
0x2c6: {  	v5 =	vld [tilespmem:s22+$0xFFFFFF60]  }
0x2c7: {  	v6 =	vld [tilespmem:s22+$0xFFFFFF70]  }
0x2c8: {  	v7 =	vld [tilespmem:s22+$0xFFFFFF80]  }
0x2c9: {  	v8 =	vld [tilespmem:s22+$0xFFFFFF90]  }
0x2ca: {  	v9 =	vld [tilespmem:s22+$0xFFFFFFA0]  }
0x2cb: {  	v10 =	vld [tilespmem:s22+$0xFFFFFFB0]  }
0x2cc: {  	v11 =	vld [tilespmem:s22+$0xFFFFFFC0]  }
0x2cd: {  	v12 =	vld [tilespmem:s22+$0xFFFFFFD0]  }
0x2ce: {  	v13 =	vld [tilespmem:s22+$0xFFFFFFE0]  }
0x2cf: {  	v14 =	vld [tilespmem:s22+$0xFFFFFFF0]  }
0x2d0: {  	v15 =	vld [tilespmem:s22+$0xFFFFFF10]  }
0x2d1: {  	v0 =	vld.idx.msk [tilespmem:v0+s4+$0x0], $0xffff  }
0x2d2: {  	v1 =	vld.idx.msk [tilespmem:v1+s4+$0x0], $0xffff  }
0x2d3: {  	v2 =	vld.idx.msk [tilespmem:v2+s4+$0x0], $0xffff  }
0x2d4: {  	v3 =	vld.idx.msk [tilespmem:v3+s4+$0x0], $0xffff  }
0x2d5: {  	v4 =	vld.idx.msk [tilespmem:v4+s4+$0x0], $0xffff  }
0x2d6: {  	s18 =	simm.s32 $0x1CA00;
	v5 =	vld.idx.msk [tilespmem:v5+s4+$0x0], $0xffff  }
0x2d7: {  	v6 =	vld.idx.msk [tilespmem:v6+s4+$0x0], $0xffff;
	[tilespmem:s18+$0x70] =	vst v0  }
0x2d8: {  	v7 =	vld.idx.msk [tilespmem:v7+s4+$0x0], $0xffff;
	[tilespmem:s18+$0xFFFFFE10] =	vst v1  }
0x2d9: {  	v15 =	vld.idx.msk [tilespmem:v15+s4+$0x0], $0xffff;
	[tilespmem:s18+$0xFFFFFE20] =	vst v2  }
0x2da: {  	v8 =	vld.idx.msk [tilespmem:v8+s4+$0x0], $0xffff;
	[tilespmem:s18+$0xFFFFFE30] =	vst v3  }
0x2db: {  	[tilespmem:s18+$0xFFFFFE40] =	vst v4;
	v0 =	vld.idx.msk [tilespmem:v9+s4+$0x0], $0xffff  }
0x2dc: {  	[tilespmem:s18+$0xFFFFFE50] =	vst v5;
	v1 =	vld.idx.msk [tilespmem:v10+s4+$0x0], $0xffff  }
0x2dd: {  	[tilespmem:s18+$0xFFFFFE60] =	vst v6;
	v2 =	vld.idx.msk [tilespmem:v11+s4+$0x0], $0xffff  }
0x2de: {  	[tilespmem:s18+$0xFFFFFE70] =	vst v7;
	v3 =	vld.idx.msk [tilespmem:v12+s4+$0x0], $0xffff  }
0x2df: {  	[tilespmem:s18+$0xFFFFFE00] =	vst v15;
	v4 =	vld.idx.msk [tilespmem:v13+s4+$0x0], $0xffff  }
0x2e0: {  	s3 =	simm.s32 $0x1B8F0;
	s1 =	simm.s32 $0x0;
	[tilespmem:s18+$0x0] =	vst v8;
	v5 =	vld.idx.msk [tilespmem:v14+s4+$0x0], $0xffff  }
.LBB2_15:
0x2e1: {  	v6 =	vld [tilespmem:s3+$0x0];
	s1 =	sadd.s32 $0x10, s1;
	[tilespmem:s18+$0x10] =	vst v0  }
0x2e2: {  	v0 =	vld [tilespmem:s3+$0xFFFFFF20];
	p3 =	slt.u32 s1, $0x70;
	[tilespmem:s18+$0x20] =	vst v1  }
0x2e3: {  	v1 =	vld [tilespmem:s3+$0xFFFFFF30];
	[tilespmem:s18+$0x30] =	vst v2  }
0x2e4: {  	v2 =	vld [tilespmem:s3+$0xFFFFFF40];
	[tilespmem:s18+$0x40] =	vst v3  }
0x2e5: {  	v3 =	vld [tilespmem:s3+$0xFFFFFF50];
	[tilespmem:s18+$0x50] =	vst v4  }
0x2e6: {  	v4 =	vld [tilespmem:s3+$0xFFFFFF60];
	[tilespmem:s18+$0x60] =	vst v5  }
0x2e7: {  	v5 =	vld [tilespmem:s3+$0xFFFFFF70]  }
0x2e8: {  	v7 =	vld [tilespmem:s3+$0xFFFFFF80]  }
0x2e9: {  	v6 =	vld.idx.msk [tilespmem:v6+s4+$0x0], $0xffff  }
0x2ea: {  	v8 =	vld [tilespmem:s3+$0xFFFFFF90]  }
0x2eb: {  	v9 =	vld [tilespmem:s3+$0xFFFFFFA0]  }
0x2ec: {  	v10 =	vld [tilespmem:s3+$0xFFFFFFB0]  }
0x2ed: {  	v11 =	vld [tilespmem:s3+$0xFFFFFFC0]  }
0x2ee: {  	s18 =	sadd.s32 $0x400, s18;
	v12 =	vld [tilespmem:s3+$0xFFFFFFD0]  }
0x2ef: {  	v13 =	vld [tilespmem:s3+$0xFFFFFFE0];
	[tilespmem:s18+$0x70] =	vst v6  }
0x2f0: {  	v6 =	vld [tilespmem:s3+$0xFFFFFFF0]  }
0x2f1: {  	v14 =	vld [tilespmem:s3+$0xFFFFFF10]  }
0x2f2: {  	v0 =	vld.idx.msk [tilespmem:v0+s4+$0x0], $0xffff  }
0x2f3: {  	v1 =	vld.idx.msk [tilespmem:v1+s4+$0x0], $0xffff  }
0x2f4: {  	v2 =	vld.idx.msk [tilespmem:v2+s4+$0x0], $0xffff  }
0x2f5: {  	v3 =	vld.idx.msk [tilespmem:v3+s4+$0x0], $0xffff  }
0x2f6: {  	v4 =	vld.idx.msk [tilespmem:v4+s4+$0x0], $0xffff  }
0x2f7: {  	v5 =	vld.idx.msk [tilespmem:v5+s4+$0x0], $0xffff  }
0x2f8: {  	[tilespmem:s18+$0xFFFFFE10] =	vst v0;
	v7 =	vld.idx.msk [tilespmem:v7+s4+$0x0], $0xffff  }
0x2f9: {  	v14 =	vld.idx.msk [tilespmem:v14+s4+$0x0], $0xffff;
	[tilespmem:s18+$0xFFFFFE20] =	vst v1  }
0x2fa: {  	[tilespmem:s18+$0xFFFFFE30] =	vst v2;
	v8 =	vld.idx.msk [tilespmem:v8+s4+$0x0], $0xffff  }
0x2fb: {  	[tilespmem:s18+$0xFFFFFE40] =	vst v3;
	v0 =	vld.idx.msk [tilespmem:v9+s4+$0x0], $0xffff  }
.Ltmp9:
0x2fc: {  	[tilespmem:s18+$0xFFFFFE50] =	vst v4;
	v1 =	vld.idx.msk [tilespmem:v10+s4+$0x0], $0xffff;
	(pc) =	sbr.rel @p3 .LBB2_15-.Ltmp9, $4  }
0x2fd: {  	[tilespmem:s18+$0xFFFFFE60] =	vst v5;
	v2 =	vld.idx.msk [tilespmem:v11+s4+$0x0], $0xffff  }
0x2fe: {  	[tilespmem:s18+$0xFFFFFE70] =	vst v7;
	v3 =	vld.idx.msk [tilespmem:v12+s4+$0x0], $0xffff  }
0x2ff: {  	[tilespmem:s18+$0xFFFFFE00] =	vst v14;
	v4 =	vld.idx.msk [tilespmem:v13+s4+$0x0], $0xffff  }
0x300: {  	s3 =	sadd.s32 $0x100, s3;
	[tilespmem:s18+$0x0] =	vst v8;
	v5 =	vld.idx.msk [tilespmem:v6+s4+$0x0], $0xffff  }
0x301: {  	[tilespmem:s18+$0x10] =	vst v0  }
0x302: {  	[tilespmem:s18+$0x20] =	vst v1  }
0x303: {  	[tilespmem:s18+$0x30] =	vst v2  }
0x304: {  	[tilespmem:s18+$0x40] =	vst v3  }
0x305: {  	[tilespmem:s18+$0x50] =	vst v4  }
0x306: {  	[tilespmem:s18+$0x60] =	vst v5  }
0x307: {  	s1 =	rddreg [dreg:$0xd]  }
0x308: {  	s3 =	simm.s32 $0x1C800;
	s1 =	sadd.s32 s16, s1  }
0x309: {  	[hbm4b:s1+s4] =	stream.linear.scatter [tilespmem:s3], [sflag:$0x4], $0x80, $0x38;
	[tilespmem:$0x1E700] =	vst v63  }
0x30a: {  	s22 =	simm.s32 $0x1CA00;
	s18 =	sadd.s32 $0x80, s1  }
0x30b: {  	[hbm4b:s18+s4] =	stream.linear.scatter [tilespmem:s22], [sflag:$0x4], $0x80, $0x38;
	[tilespmem:$0x1E700] =	vst v63  }
0x30c: {  	s18 =	sadd.s32 $0x100, s1;
	s22 =	simm.s32 $0x1CC00  }
0x30d: {  	[hbm4b:s18+s4] =	stream.linear.scatter [tilespmem:s22], [sflag:$0x4], $0x80, $0x38;
	[tilespmem:$0x1E700] =	vst v63  }
0x30e: {  	s18 =	sadd.s32 $0x180, s1;
	s22 =	simm.s32 $0x1CE00  }
0x30f: {  	[hbm4b:s18+s4] =	stream.linear.scatter [tilespmem:s22], [sflag:$0x4], $0x80, $0x38;
	[tilespmem:$0x1E700] =	vst v63  }
0x310: {  	s18 =	sadd.s32 $0x200, s1;
	s22 =	simm.s32 $0x1D000  }
0x311: {  	[hbm4b:s18+s4] =	stream.linear.scatter [tilespmem:s22], [sflag:$0x4], $0x80, $0x38;
	[tilespmem:$0x1E700] =	vst v63  }
0x312: {  	s18 =	sadd.s32 $0x280, s1;
	s22 =	simm.s32 $0x1D200  }
0x313: {  	[hbm4b:s18+s4] =	stream.linear.scatter [tilespmem:s22], [sflag:$0x4], $0x80, $0x38;
	[tilespmem:$0x1E700] =	vst v63  }
0x314: {  	s18 =	sadd.s32 $0x300, s1;
	s22 =	simm.s32 $0x1D400  }
0x315: {  	[hbm4b:s18+s4] =	stream.linear.scatter [tilespmem:s22], [sflag:$0x4], $0x80, $0x38;
	[tilespmem:$0x1E700] =	vst v63  }
0x316: {  	s18 =	sadd.s32 $0x380, s1;
	s22 =	simm.s32 $0x1D600  }
0x317: {  	[hbm4b:s18+s4] =	stream.linear.scatter [tilespmem:s22], [sflag:$0x4], $0x80, $0x38;
	[tilespmem:$0x1E700] =	vst v63  }
0x318: {  	s18 =	sadd.s32 $0x400, s1;
	s22 =	simm.s32 $0x1D800  }
0x319: {  	[hbm4b:s18+s4] =	stream.linear.scatter [tilespmem:s22], [sflag:$0x4], $0x80, $0x38;
	[tilespmem:$0x1E700] =	vst v63  }
0x31a: {  	s18 =	sadd.s32 $0x480, s1;
	s22 =	simm.s32 $0x1DA00  }
0x31b: {  	[hbm4b:s18+s4] =	stream.linear.scatter [tilespmem:s22], [sflag:$0x4], $0x80, $0x38;
	[tilespmem:$0x1E700] =	vst v63  }
0x31c: {  	s18 =	sadd.s32 $0x500, s1;
	s22 =	simm.s32 $0x1DC00  }
0x31d: {  	[hbm4b:s18+s4] =	stream.linear.scatter [tilespmem:s22], [sflag:$0x4], $0x80, $0x38;
	[tilespmem:$0x1E700] =	vst v63  }
0x31e: {  	s18 =	sadd.s32 $0x580, s1;
	s22 =	simm.s32 $0x1DE00  }
0x31f: {  	[hbm4b:s18+s4] =	stream.linear.scatter [tilespmem:s22], [sflag:$0x4], $0x80, $0x38;
	[tilespmem:$0x1E700] =	vst v63  }
0x320: {  	s18 =	sadd.s32 $0x600, s1;
	s22 =	simm.s32 $0x1E000  }
0x321: {  	[hbm4b:s18+s4] =	stream.linear.scatter [tilespmem:s22], [sflag:$0x4], $0x80, $0x38;
	[tilespmem:$0x1E700] =	vst v63  }
0x322: {  	s18 =	sadd.s32 $0x680, s1;
	s22 =	simm.s32 $0x1E200  }
0x323: {  	[hbm4b:s18+s4] =	stream.linear.scatter [tilespmem:s22], [sflag:$0x4], $0x80, $0x38;
	[tilespmem:$0x1E700] =	vst v63  }
0x324: {  	s18 =	sadd.s32 $0x700, s1  }
0x325: {  	[hbm4b:s18+s4] =	stream.linear.scatter [tilespmem:s8], [sflag:$0x4], $0x80, $0x38;
	[tilespmem:$0x1E700] =	vst v63  }
0x326: {  	s1 =	sadd.s32 $0x780, s1  }
0x327: {  	[hbm4b:s1+s4] =	stream.linear.scatter [tilespmem:s17], [sflag:$0x4], $0x80, $0x38;
	[tilespmem:$0x1E700] =	vst v63  }
0x328: {  	_ =	swait.ge [sflag:s21], $0x800  }
0x329: {  	[sflag:s21] =	ssyncset.done $0x0  }
0x32a: {  	s22 =	simm.s32 $0x1BFF0;
	[sflag:s21] =	ssyncadd.s32 $0xFFFFF800  }
0x32b: {  	v0 =	vld [tilespmem:s22+$0x0]  }
0x32c: {  	v1 =	vld [tilespmem:s22+$0xFFFFFF20]  }
0x32d: {  	v2 =	vld [tilespmem:s22+$0xFFFFFF30]  }
0x32e: {  	v3 =	vld [tilespmem:s22+$0xFFFFFF40]  }
0x32f: {  	v4 =	vld [tilespmem:s22+$0xFFFFFF50]  }
0x330: {  	v5 =	vld [tilespmem:s22+$0xFFFFFF60]  }
0x331: {  	v6 =	vld [tilespmem:s22+$0xFFFFFF70]  }
0x332: {  	v7 =	vld [tilespmem:s22+$0xFFFFFF80]  }
0x333: {  	v8 =	vld [tilespmem:s22+$0xFFFFFF90]  }
0x334: {  	v9 =	vld [tilespmem:s22+$0xFFFFFFA0]  }
0x335: {  	v10 =	vld [tilespmem:s22+$0xFFFFFFB0]  }
0x336: {  	v11 =	vld [tilespmem:s22+$0xFFFFFFC0]  }
0x337: {  	v12 =	vld [tilespmem:s22+$0xFFFFFFD0]  }
0x338: {  	v13 =	vld [tilespmem:s22+$0xFFFFFFE0]  }
0x339: {  	v14 =	vld [tilespmem:s22+$0xFFFFFFF0]  }
0x33a: {  	v15 =	vld [tilespmem:s22+$0xFFFFFF10]  }
0x33b: {  	v0 =	vld.idx.msk [tilespmem:v0+s4+$0x0], $0xffff  }
0x33c: {  	v1 =	vld.idx.msk [tilespmem:v1+s4+$0x0], $0xffff  }
0x33d: {  	v2 =	vld.idx.msk [tilespmem:v2+s4+$0x0], $0xffff  }
0x33e: {  	v3 =	vld.idx.msk [tilespmem:v3+s4+$0x0], $0xffff  }
0x33f: {  	v4 =	vld.idx.msk [tilespmem:v4+s4+$0x0], $0xffff  }
0x340: {  	s18 =	simm.s32 $0x1CA80;
	v5 =	vld.idx.msk [tilespmem:v5+s4+$0x0], $0xffff  }
0x341: {  	v6 =	vld.idx.msk [tilespmem:v6+s4+$0x0], $0xffff;
	[tilespmem:s18+$0x70] =	vst v0  }
0x342: {  	v7 =	vld.idx.msk [tilespmem:v7+s4+$0x0], $0xffff;
	[tilespmem:s18+$0xFFFFFE10] =	vst v1  }
0x343: {  	v15 =	vld.idx.msk [tilespmem:v15+s4+$0x0], $0xffff;
	[tilespmem:s18+$0xFFFFFE20] =	vst v2  }
0x344: {  	v8 =	vld.idx.msk [tilespmem:v8+s4+$0x0], $0xffff;
	[tilespmem:s18+$0xFFFFFE30] =	vst v3  }
0x345: {  	[tilespmem:s18+$0xFFFFFE40] =	vst v4;
	v0 =	vld.idx.msk [tilespmem:v9+s4+$0x0], $0xffff  }
0x346: {  	[tilespmem:s18+$0xFFFFFE50] =	vst v5;
	v1 =	vld.idx.msk [tilespmem:v10+s4+$0x0], $0xffff  }
0x347: {  	[tilespmem:s18+$0xFFFFFE60] =	vst v6;
	v2 =	vld.idx.msk [tilespmem:v11+s4+$0x0], $0xffff  }
0x348: {  	[tilespmem:s18+$0xFFFFFE70] =	vst v7;
	v3 =	vld.idx.msk [tilespmem:v12+s4+$0x0], $0xffff  }
0x349: {  	[tilespmem:s18+$0xFFFFFE00] =	vst v15;
	v4 =	vld.idx.msk [tilespmem:v13+s4+$0x0], $0xffff  }
0x34a: {  	s3 =	simm.s32 $0x1C0F0;
	s1 =	simm.s32 $0x0;
	[tilespmem:s18+$0x0] =	vst v8;
	v5 =	vld.idx.msk [tilespmem:v14+s4+$0x0], $0xffff  }
.LBB2_17:
0x34b: {  	v6 =	vld [tilespmem:s3+$0x0];
	s1 =	sadd.s32 $0x10, s1;
	[tilespmem:s18+$0x10] =	vst v0  }
0x34c: {  	v0 =	vld [tilespmem:s3+$0xFFFFFF20];
	p3 =	slt.u32 s1, $0x70;
	[tilespmem:s18+$0x20] =	vst v1  }
0x34d: {  	v1 =	vld [tilespmem:s3+$0xFFFFFF30];
	[tilespmem:s18+$0x30] =	vst v2  }
0x34e: {  	v2 =	vld [tilespmem:s3+$0xFFFFFF40];
	[tilespmem:s18+$0x40] =	vst v3  }
0x34f: {  	v3 =	vld [tilespmem:s3+$0xFFFFFF50];
	[tilespmem:s18+$0x50] =	vst v4  }
0x350: {  	v4 =	vld [tilespmem:s3+$0xFFFFFF60];
	[tilespmem:s18+$0x60] =	vst v5  }
0x351: {  	v5 =	vld [tilespmem:s3+$0xFFFFFF70]  }
0x352: {  	v7 =	vld [tilespmem:s3+$0xFFFFFF80]  }
0x353: {  	v6 =	vld.idx.msk [tilespmem:v6+s4+$0x0], $0xffff  }
0x354: {  	v8 =	vld [tilespmem:s3+$0xFFFFFF90]  }
0x355: {  	v9 =	vld [tilespmem:s3+$0xFFFFFFA0]  }
0x356: {  	v10 =	vld [tilespmem:s3+$0xFFFFFFB0]  }
0x357: {  	v11 =	vld [tilespmem:s3+$0xFFFFFFC0]  }
0x358: {  	s18 =	sadd.s32 $0x400, s18;
	v12 =	vld [tilespmem:s3+$0xFFFFFFD0]  }
0x359: {  	v13 =	vld [tilespmem:s3+$0xFFFFFFE0];
	[tilespmem:s18+$0x70] =	vst v6  }
0x35a: {  	v6 =	vld [tilespmem:s3+$0xFFFFFFF0]  }
0x35b: {  	v14 =	vld [tilespmem:s3+$0xFFFFFF10]  }
0x35c: {  	v0 =	vld.idx.msk [tilespmem:v0+s4+$0x0], $0xffff  }
0x35d: {  	v1 =	vld.idx.msk [tilespmem:v1+s4+$0x0], $0xffff  }
0x35e: {  	v2 =	vld.idx.msk [tilespmem:v2+s4+$0x0], $0xffff  }
0x35f: {  	v3 =	vld.idx.msk [tilespmem:v3+s4+$0x0], $0xffff  }
0x360: {  	v4 =	vld.idx.msk [tilespmem:v4+s4+$0x0], $0xffff  }
0x361: {  	v5 =	vld.idx.msk [tilespmem:v5+s4+$0x0], $0xffff  }
0x362: {  	[tilespmem:s18+$0xFFFFFE10] =	vst v0;
	v7 =	vld.idx.msk [tilespmem:v7+s4+$0x0], $0xffff  }
0x363: {  	v14 =	vld.idx.msk [tilespmem:v14+s4+$0x0], $0xffff;
	[tilespmem:s18+$0xFFFFFE20] =	vst v1  }
0x364: {  	[tilespmem:s18+$0xFFFFFE30] =	vst v2;
	v8 =	vld.idx.msk [tilespmem:v8+s4+$0x0], $0xffff  }
0x365: {  	[tilespmem:s18+$0xFFFFFE40] =	vst v3;
	v0 =	vld.idx.msk [tilespmem:v9+s4+$0x0], $0xffff  }
.Ltmp10:
0x366: {  	[tilespmem:s18+$0xFFFFFE50] =	vst v4;
	v1 =	vld.idx.msk [tilespmem:v10+s4+$0x0], $0xffff;
	(pc) =	sbr.rel @p3 .LBB2_17-.Ltmp10, $4  }
0x367: {  	[tilespmem:s18+$0xFFFFFE60] =	vst v5;
	v2 =	vld.idx.msk [tilespmem:v11+s4+$0x0], $0xffff  }
0x368: {  	[tilespmem:s18+$0xFFFFFE70] =	vst v7;
	v3 =	vld.idx.msk [tilespmem:v12+s4+$0x0], $0xffff  }
0x369: {  	[tilespmem:s18+$0xFFFFFE00] =	vst v14;
	v4 =	vld.idx.msk [tilespmem:v13+s4+$0x0], $0xffff  }
0x36a: {  	s3 =	sadd.s32 $0x100, s3;
	[tilespmem:s18+$0x0] =	vst v8;
	v5 =	vld.idx.msk [tilespmem:v6+s4+$0x0], $0xffff  }
0x36b: {  	[tilespmem:s18+$0x10] =	vst v0  }
0x36c: {  	[tilespmem:s18+$0x20] =	vst v1  }
0x36d: {  	[tilespmem:s18+$0x30] =	vst v2  }
0x36e: {  	[tilespmem:s18+$0x40] =	vst v3  }
0x36f: {  	[tilespmem:s18+$0x50] =	vst v4  }
0x370: {  	[tilespmem:s18+$0x60] =	vst v5  }
0x371: {  	s1 =	rddreg [dreg:$0xe]  }
0x372: {  	s1 =	sadd.s32 s16, s1  }
0x373: {  	[hbm4b:s1+s4] =	stream.linear.scatter [tilespmem:s19], [sflag:$0x5], $0x80, $0x38;
	[tilespmem:$0x1E700] =	vst v63  }
0x374: {  	s3 =	sadd.s32 $0x80, s1  }
0x375: {  	[hbm4b:s3+s4] =	stream.linear.scatter [tilespmem:s20], [sflag:$0x5], $0x80, $0x38;
	[tilespmem:$0x1E700] =	vst v63  }
0x376: {  	s18 =	sadd.s32 $0x100, s1  }
0x377: {  	[hbm4b:s18+s4] =	stream.linear.scatter [tilespmem:s5], [sflag:$0x5], $0x80, $0x38;
	[tilespmem:$0x1E700] =	vst v63  }
0x378: {  	s22 =	sadd.s32 $0x180, s1  }
0x379: {  	[hbm4b:s22+s4] =	stream.linear.scatter [tilespmem:s9], [sflag:$0x5], $0x80, $0x38;
	[tilespmem:$0x1E700] =	vst v63  }
0x37a: {  	s16 =	sadd.s32 $0x200, s1  }
0x37b: {  	[hbm4b:s16+s4] =	stream.linear.scatter [tilespmem:s10], [sflag:$0x5], $0x80, $0x38;
	[tilespmem:$0x1E700] =	vst v63  }
0x37c: {  	s18 =	sadd.s32 $0x280, s1  }
0x37d: {  	[hbm4b:s18+s4] =	stream.linear.scatter [tilespmem:s11], [sflag:$0x5], $0x80, $0x38;
	[tilespmem:$0x1E700] =	vst v63  }
0x37e: {  	s22 =	sadd.s32 $0x300, s1  }
0x37f: {  	[hbm4b:s22+s4] =	stream.linear.scatter [tilespmem:s12], [sflag:$0x5], $0x80, $0x38;
	[tilespmem:$0x1E700] =	vst v63  }
0x380: {  	s16 =	sadd.s32 $0x380, s1  }
0x381: {  	[hbm4b:s16+s4] =	stream.linear.scatter [tilespmem:s13], [sflag:$0x5], $0x80, $0x38;
	[tilespmem:$0x1E700] =	vst v63  }
0x382: {  	s18 =	sadd.s32 $0x400, s1  }
0x383: {  	[hbm4b:s18+s4] =	stream.linear.scatter [tilespmem:s14], [sflag:$0x5], $0x80, $0x38;
	[tilespmem:$0x1E700] =	vst v63  }
0x384: {  	s22 =	sadd.s32 $0x480, s1  }
0x385: {  	[hbm4b:s22+s4] =	stream.linear.scatter [tilespmem:s15], [sflag:$0x5], $0x80, $0x38;
	[tilespmem:$0x1E700] =	vst v63  }
0x386: {  	s16 =	sadd.s32 $0x500, s1  }
0x387: {  	[hbm4b:s16+s4] =	stream.linear.scatter [tilespmem:s24], [sflag:$0x5], $0x80, $0x38;
	[tilespmem:$0x1E700] =	vst v63  }
0x388: {  	s18 =	sadd.s32 $0x580, s1  }
0x389: {  	[hbm4b:s18+s4] =	stream.linear.scatter [tilespmem:s25], [sflag:$0x5], $0x80, $0x38;
	[tilespmem:$0x1E700] =	vst v63  }
0x38a: {  	s22 =	sadd.s32 $0x600, s1  }
0x38b: {  	[hbm4b:s22+s4] =	stream.linear.scatter [tilespmem:s26], [sflag:$0x5], $0x80, $0x38;
	[tilespmem:$0x1E700] =	vst v63  }
0x38c: {  	s7 =	sadd.s32 $0x1, s7;
	s22 =	rddreg [dreg:$0x7]  }
0x38d: {  	s16 =	sadd.s32 $0x680, s1;
	p3 =	slt.s32 s7, s22  }
0x38e: {  	[hbm4b:s16+s4] =	stream.linear.scatter [tilespmem:s28], [sflag:$0x5], $0x80, $0x38;
	[tilespmem:$0x1E700] =	vst v63  }
.Ltmp11:
0x38f: {  	_ = 	snop;
	(pc) =	sbr.rel @p3 .LBB2_2-.Ltmp11, $4  }
0x390: {  	s18 =	sadd.s32 $0x700, s1  }
0x391: {  	[hbm4b:s18+s4] =	stream.linear.scatter [tilespmem:s29], [sflag:$0x5], $0x80, $0x38;
	[tilespmem:$0x1E700] =	vst v63  }
0x392: {  	s1 =	sadd.s32 $0x780, s1  }
0x393: {  	[hbm4b:s1+s4] =	stream.linear.scatter [tilespmem:s30], [sflag:$0x5], $0x80, $0x38;
	[tilespmem:$0x1E700] =	vst v63  }
.LBB2_19:
0x394: {  	s1 =	simm.s32 @!p1 $0x80  }
0x395: {  	s3 =	simm.s32 @!p1 $0x400;
	s7 =	simm.s32 @!p1 $0x18700;
	s16 =	rddreg [dreg:$0xf]  }
0x396: {  	[tilespmem:s7], [sflag:$0x6] =	stream.strided.gather @!p1 [hbm4b:s16+s1], $0x4000, s3, s1, $0x38;
	[tilespmem:$0x1E700] =	vst v63  }
.Ltmp12:
0x397: {  	_ = 	snop;
	(pc) =	sbr.rel @p2 .LBB2_37-.Ltmp12, $4  }
0x398: {  	s1 =	simm.s32 @!p1 $0x6  }
0x399: {  	_ =	swait.ge @!p1 [sflag:s1], $0x4000  }
0x39a: {  	[sflag:s1] =	ssyncset.done @!p1 $0x0  }
0x39b: {  	s7 =	simm.s32 @!p1 $0x0;
	[sflag:s1] =	ssyncadd.s32 @!p1 $0xFFFFC000  }
.LBB2_20:
0x39c: {  	s1 =	rddreg [dreg:$0x5]  }
0x39d: {  	s1 =	sadd.s32 s1, s7  }
0x39e: {  	s16 =	sshrl.u32 s1, $0x3  }
0x39f: {  	s3 =	sshll.u32 s1, $0x7;
	s22 =	smul.u32 $0xC3800, s16  }
0x3a0: {  	s18 =	sand.u32 $0x380, s3  }
0x3a1: {  	s3 =	sor.u32 s18, s22  }
0x3a2: {  	s6 =	rddreg [dreg:$0x0];
	s3 =	sshrl.u32 s3, $0x3  }
0x3a3: {  	s22 =	simm.s32 $0x80;
	s3 =	sadd.s32 s6, s3;
	s6 =	simm.s32 $0x400  }
0x3a4: {  	[tilespmem:s4], [sflag:$0x1] =	stream.strided.gather [hbm4b:s3+s22], $0x18700, s6, s22, $0x38;
	[tilespmem:$0x1E700] =	vst v63  }
0x3a5: {  	s6 =	rddreg [dreg:$0x4]  }
0x3a6: {  	p3 =	sle.u32 s1, s6  }
0x3a7: {  	s1 =	simm.s32 @!p3 $0x2  }
0x3a8: {  	_ =	swait.ge @!p3 [sflag:s1], $0x800  }
0x3a9: {  	[sflag:s1] =	ssyncset.done @!p3 $0x0  }
0x3aa: {  	[sflag:s1] =	ssyncadd.s32 @!p3 $0xFFFFF800;
	s1 =	simm.s32 @!p3 $0x3  }
0x3ab: {  	_ =	swait.ge @!p3 [sflag:s1], $0x800  }
0x3ac: {  	[sflag:s1] =	ssyncset.done @!p3 $0x0  }
0x3ad: {  	[sflag:s1] =	ssyncadd.s32 @!p3 $0xFFFFF800;
	s1 =	simm.s32 @!p3 $0x4  }
0x3ae: {  	_ =	swait.ge @!p3 [sflag:s1], $0x800  }
0x3af: {  	[sflag:s1] =	ssyncset.done @!p3 $0x0  }
0x3b0: {  	[sflag:s1] =	ssyncadd.s32 @!p3 $0xFFFFF800;
	s1 =	simm.s32 @!p3 $0x5  }
0x3b1: {  	_ =	swait.ge @!p3 [sflag:s1], $0x800  }
0x3b2: {  	[sflag:s1] =	ssyncset.done @!p3 $0x0  }
0x3b3: {  	[sflag:s1] =	ssyncadd.s32 @!p3 $0xFFFFF800  }
0x3b4: {  	_ =	swait.ge [sflag:s23], $0x18700  }
0x3b5: {  	[sflag:s23] =	ssyncset.done $0x0  }
0x3b6: {  	s22 =	simm.s32 $0x18780;
	[sflag:s23] =	ssyncadd.s32 $0xFFFE7900  }
0x3b7: {  	v0 =	vld [tilespmem:s22+$0x70]  }
0x3b8: {  	v1 =	vld [tilespmem:s22+$0xFFFFFF90]  }
0x3b9: {  	v2 =	vld [tilespmem:s22+$0xFFFFFFA0]  }
0x3ba: {  	v3 =	vld [tilespmem:s22+$0xFFFFFFB0]  }
0x3bb: {  	v4 =	vld [tilespmem:s22+$0xFFFFFFC0]  }
0x3bc: {  	v5 =	vld [tilespmem:s22+$0xFFFFFFD0]  }
0x3bd: {  	v6 =	vld [tilespmem:s22+$0xFFFFFFE0]  }
0x3be: {  	v7 =	vld [tilespmem:s22+$0xFFFFFFF0]  }
0x3bf: {  	v8 =	vld [tilespmem:s22+$0x0]  }
0x3c0: {  	v9 =	vld [tilespmem:s22+$0x10]  }
0x3c1: {  	v10 =	vld [tilespmem:s22+$0x20]  }
0x3c2: {  	v11 =	vld [tilespmem:s22+$0x30]  }
0x3c3: {  	v12 =	vld [tilespmem:s22+$0x40]  }
0x3c4: {  	v13 =	vld [tilespmem:s22+$0x50]  }
0x3c5: {  	v14 =	vld [tilespmem:s22+$0x60]  }
0x3c6: {  	v15 =	vld [tilespmem:s22+$0xFFFFFF80]  }
0x3c7: {  	v0 =	vld.idx.msk [tilespmem:v0+s4+$0x0], $0xffff  }
0x3c8: {  	v1 =	vld.idx.msk [tilespmem:v1+s4+$0x0], $0xffff  }
0x3c9: {  	v2 =	vld.idx.msk [tilespmem:v2+s4+$0x0], $0xffff  }
0x3ca: {  	v3 =	vld.idx.msk [tilespmem:v3+s4+$0x0], $0xffff  }
0x3cb: {  	v4 =	vld.idx.msk [tilespmem:v4+s4+$0x0], $0xffff  }
0x3cc: {  	s22 =	simm.s32 $0x1C900;
	v5 =	vld.idx.msk [tilespmem:v5+s4+$0x0], $0xffff  }
0x3cd: {  	v6 =	vld.idx.msk [tilespmem:v6+s4+$0x0], $0xffff;
	[tilespmem:s22+$0x70] =	vst v0  }
0x3ce: {  	v7 =	vld.idx.msk [tilespmem:v7+s4+$0x0], $0xffff;
	[tilespmem:s22+$0xFFFFFE10] =	vst v1  }
0x3cf: {  	v15 =	vld.idx.msk [tilespmem:v15+s4+$0x0], $0xffff;
	[tilespmem:s22+$0xFFFFFE20] =	vst v2  }
0x3d0: {  	v8 =	vld.idx.msk [tilespmem:v8+s4+$0x0], $0xffff;
	[tilespmem:s22+$0xFFFFFE30] =	vst v3  }
0x3d1: {  	[tilespmem:s22+$0xFFFFFE40] =	vst v4;
	v0 =	vld.idx.msk [tilespmem:v9+s4+$0x0], $0xffff  }
0x3d2: {  	[tilespmem:s22+$0xFFFFFE50] =	vst v5;
	v1 =	vld.idx.msk [tilespmem:v10+s4+$0x0], $0xffff  }
0x3d3: {  	[tilespmem:s22+$0xFFFFFE60] =	vst v6;
	v2 =	vld.idx.msk [tilespmem:v11+s4+$0x0], $0xffff  }
0x3d4: {  	[tilespmem:s22+$0xFFFFFE70] =	vst v7;
	v3 =	vld.idx.msk [tilespmem:v12+s4+$0x0], $0xffff  }
0x3d5: {  	[tilespmem:s22+$0xFFFFFE00] =	vst v15;
	v4 =	vld.idx.msk [tilespmem:v13+s4+$0x0], $0xffff  }
0x3d6: {  	s3 =	simm.s32 $0x18880;
	s1 =	simm.s32 $0x0;
	[tilespmem:s22+$0x0] =	vst v8;
	v5 =	vld.idx.msk [tilespmem:v14+s4+$0x0], $0xffff  }
.LBB2_21:
0x3d7: {  	v6 =	vld [tilespmem:s3+$0x70];
	s1 =	sadd.s32 $0x10, s1;
	[tilespmem:s22+$0x10] =	vst v0  }
0x3d8: {  	v0 =	vld [tilespmem:s3+$0xFFFFFF90];
	p3 =	slt.u32 s1, $0x70;
	[tilespmem:s22+$0x20] =	vst v1  }
0x3d9: {  	v1 =	vld [tilespmem:s3+$0xFFFFFFA0];
	[tilespmem:s22+$0x30] =	vst v2  }
0x3da: {  	v2 =	vld [tilespmem:s3+$0xFFFFFFB0];
	[tilespmem:s22+$0x40] =	vst v3  }
0x3db: {  	v3 =	vld [tilespmem:s3+$0xFFFFFFC0];
	[tilespmem:s22+$0x50] =	vst v4  }
0x3dc: {  	v4 =	vld [tilespmem:s3+$0xFFFFFFD0];
	[tilespmem:s22+$0x60] =	vst v5  }
0x3dd: {  	v5 =	vld [tilespmem:s3+$0xFFFFFFE0]  }
0x3de: {  	v7 =	vld [tilespmem:s3+$0xFFFFFFF0]  }
0x3df: {  	v6 =	vld.idx.msk [tilespmem:v6+s4+$0x0], $0xffff  }
0x3e0: {  	v8 =	vld [tilespmem:s3+$0x0]  }
0x3e1: {  	v9 =	vld [tilespmem:s3+$0x10]  }
0x3e2: {  	v10 =	vld [tilespmem:s3+$0x20]  }
0x3e3: {  	v11 =	vld [tilespmem:s3+$0x30]  }
0x3e4: {  	s22 =	sadd.s32 $0x400, s22;
	v12 =	vld [tilespmem:s3+$0x40]  }
0x3e5: {  	v13 =	vld [tilespmem:s3+$0x50];
	[tilespmem:s22+$0x70] =	vst v6  }
0x3e6: {  	v6 =	vld [tilespmem:s3+$0x60]  }
0x3e7: {  	v14 =	vld [tilespmem:s3+$0xFFFFFF80]  }
0x3e8: {  	v0 =	vld.idx.msk [tilespmem:v0+s4+$0x0], $0xffff  }
0x3e9: {  	v1 =	vld.idx.msk [tilespmem:v1+s4+$0x0], $0xffff  }
0x3ea: {  	v2 =	vld.idx.msk [tilespmem:v2+s4+$0x0], $0xffff  }
0x3eb: {  	v3 =	vld.idx.msk [tilespmem:v3+s4+$0x0], $0xffff  }
0x3ec: {  	v4 =	vld.idx.msk [tilespmem:v4+s4+$0x0], $0xffff  }
0x3ed: {  	v5 =	vld.idx.msk [tilespmem:v5+s4+$0x0], $0xffff  }
0x3ee: {  	[tilespmem:s22+$0xFFFFFE10] =	vst v0;
	v7 =	vld.idx.msk [tilespmem:v7+s4+$0x0], $0xffff  }
0x3ef: {  	v14 =	vld.idx.msk [tilespmem:v14+s4+$0x0], $0xffff;
	[tilespmem:s22+$0xFFFFFE20] =	vst v1  }
0x3f0: {  	[tilespmem:s22+$0xFFFFFE30] =	vst v2;
	v8 =	vld.idx.msk [tilespmem:v8+s4+$0x0], $0xffff  }
0x3f1: {  	[tilespmem:s22+$0xFFFFFE40] =	vst v3;
	v0 =	vld.idx.msk [tilespmem:v9+s4+$0x0], $0xffff  }
.Ltmp13:
0x3f2: {  	[tilespmem:s22+$0xFFFFFE50] =	vst v4;
	v1 =	vld.idx.msk [tilespmem:v10+s4+$0x0], $0xffff;
	(pc) =	sbr.rel @p3 .LBB2_21-.Ltmp13, $4  }
0x3f3: {  	[tilespmem:s22+$0xFFFFFE60] =	vst v5;
	v2 =	vld.idx.msk [tilespmem:v11+s4+$0x0], $0xffff  }
0x3f4: {  	[tilespmem:s22+$0xFFFFFE70] =	vst v7;
	v3 =	vld.idx.msk [tilespmem:v12+s4+$0x0], $0xffff  }
0x3f5: {  	[tilespmem:s22+$0xFFFFFE00] =	vst v14;
	v4 =	vld.idx.msk [tilespmem:v13+s4+$0x0], $0xffff  }
0x3f6: {  	s3 =	sadd.s32 $0x100, s3;
	[tilespmem:s22+$0x0] =	vst v8;
	v5 =	vld.idx.msk [tilespmem:v6+s4+$0x0], $0xffff  }
0x3f7: {  	[tilespmem:s22+$0x10] =	vst v0  }
0x3f8: {  	[tilespmem:s22+$0x20] =	vst v1  }
0x3f9: {  	s1 =	sshll.u32 s16, $0x11;
	[tilespmem:s22+$0x30] =	vst v2  }
0x3fa: {  	s1 =	sor.u32 s18, s1;
	[tilespmem:s22+$0x40] =	vst v3  }
0x3fb: {  	s18 =	rddreg [dreg:$0x2];
	s16 =	sshrl.u32 s1, $0x3;
	[tilespmem:s22+$0x50] =	vst v4  }
0x3fc: {  	s6 =	simm.s32 $0x1C700;
	s1 =	sadd.s32 s18, s16;
	[tilespmem:s22+$0x60] =	vst v5  }
0x3fd: {  	[hbm4b:s1+s4] =	stream.linear.scatter [tilespmem:s6], [sflag:$0x2], $0x80, $0x38;
	[tilespmem:$0x1E700] =	vst v63  }
0x3fe: {  	s3 =	sadd.s32 $0x80, s1;
	s22 =	simm.s32 $0x1C900  }
0x3ff: {  	[hbm4b:s3+s4] =	stream.linear.scatter [tilespmem:s22], [sflag:$0x2], $0x80, $0x38;
	[tilespmem:$0x1E700] =	vst v63  }
0x400: {  	s18 =	sadd.s32 $0x100, s1;
	s22 =	simm.s32 $0x1CB00  }
0x401: {  	[hbm4b:s18+s4] =	stream.linear.scatter [tilespmem:s22], [sflag:$0x2], $0x80, $0x38;
	[tilespmem:$0x1E700] =	vst v63  }
0x402: {  	s18 =	sadd.s32 $0x180, s1;
	s22 =	simm.s32 $0x1CD00  }
0x403: {  	[hbm4b:s18+s4] =	stream.linear.scatter [tilespmem:s22], [sflag:$0x2], $0x80, $0x38;
	[tilespmem:$0x1E700] =	vst v63  }
0x404: {  	s18 =	sadd.s32 $0x200, s1;
	s22 =	simm.s32 $0x1CF00  }
0x405: {  	[hbm4b:s18+s4] =	stream.linear.scatter [tilespmem:s22], [sflag:$0x2], $0x80, $0x38;
	[tilespmem:$0x1E700] =	vst v63  }
0x406: {  	s18 =	sadd.s32 $0x280, s1;
	s22 =	simm.s32 $0x1D100  }
0x407: {  	[hbm4b:s18+s4] =	stream.linear.scatter [tilespmem:s22], [sflag:$0x2], $0x80, $0x38;
	[tilespmem:$0x1E700] =	vst v63  }
0x408: {  	s18 =	sadd.s32 $0x300, s1;
	s22 =	simm.s32 $0x1D300  }
0x409: {  	[hbm4b:s18+s4] =	stream.linear.scatter [tilespmem:s22], [sflag:$0x2], $0x80, $0x38;
	[tilespmem:$0x1E700] =	vst v63  }
0x40a: {  	s18 =	sadd.s32 $0x380, s1;
	s22 =	simm.s32 $0x1D500  }
0x40b: {  	[hbm4b:s18+s4] =	stream.linear.scatter [tilespmem:s22], [sflag:$0x2], $0x80, $0x38;
	[tilespmem:$0x1E700] =	vst v63  }
0x40c: {  	s18 =	sadd.s32 $0x400, s1;
	s22 =	simm.s32 $0x1D700  }
0x40d: {  	[hbm4b:s18+s4] =	stream.linear.scatter [tilespmem:s22], [sflag:$0x2], $0x80, $0x38;
	[tilespmem:$0x1E700] =	vst v63  }
0x40e: {  	s18 =	sadd.s32 $0x480, s1;
	s22 =	simm.s32 $0x1D900  }
0x40f: {  	[hbm4b:s18+s4] =	stream.linear.scatter [tilespmem:s22], [sflag:$0x2], $0x80, $0x38;
	[tilespmem:$0x1E700] =	vst v63  }
0x410: {  	s18 =	sadd.s32 $0x500, s1;
	s22 =	simm.s32 $0x1DB00  }
0x411: {  	[hbm4b:s18+s4] =	stream.linear.scatter [tilespmem:s22], [sflag:$0x2], $0x80, $0x38;
	[tilespmem:$0x1E700] =	vst v63  }
0x412: {  	s18 =	sadd.s32 $0x580, s1;
	s22 =	simm.s32 $0x1DD00  }
0x413: {  	[hbm4b:s18+s4] =	stream.linear.scatter [tilespmem:s22], [sflag:$0x2], $0x80, $0x38;
	[tilespmem:$0x1E700] =	vst v63  }
0x414: {  	s18 =	sadd.s32 $0x600, s1;
	s22 =	simm.s32 $0x1DF00  }
0x415: {  	[hbm4b:s18+s4] =	stream.linear.scatter [tilespmem:s22], [sflag:$0x2], $0x80, $0x38;
	[tilespmem:$0x1E700] =	vst v63  }
0x416: {  	s18 =	sadd.s32 $0x680, s1;
	s22 =	simm.s32 $0x1E100  }
0x417: {  	[hbm4b:s18+s4] =	stream.linear.scatter [tilespmem:s22], [sflag:$0x2], $0x80, $0x38;
	[tilespmem:$0x1E700] =	vst v63  }
0x418: {  	s18 =	sadd.s32 $0x700, s1;
	s22 =	simm.s32 $0x1E300  }
0x419: {  	[hbm4b:s18+s4] =	stream.linear.scatter [tilespmem:s22], [sflag:$0x2], $0x80, $0x38;
	[tilespmem:$0x1E700] =	vst v63  }
0x41a: {  	s1 =	sadd.s32 $0x780, s1;
	s18 =	simm.s32 $0x1E500;
	s22 =	simm.s32 $0x18FF0  }
0x41b: {  	[hbm4b:s1+s4] =	stream.linear.scatter [tilespmem:s18], [sflag:$0x2], $0x80, $0x38;
	[tilespmem:$0x1E700] =	vst v63  }
0x41c: {  	v0 =	vld [tilespmem:s22+$0x0]  }
0x41d: {  	v1 =	vld [tilespmem:s22+$0xFFFFFF20]  }
0x41e: {  	v2 =	vld [tilespmem:s22+$0xFFFFFF30]  }
0x41f: {  	v3 =	vld [tilespmem:s22+$0xFFFFFF40]  }
0x420: {  	v4 =	vld [tilespmem:s22+$0xFFFFFF50]  }
0x421: {  	v5 =	vld [tilespmem:s22+$0xFFFFFF60]  }
0x422: {  	v6 =	vld [tilespmem:s22+$0xFFFFFF70]  }
0x423: {  	v7 =	vld [tilespmem:s22+$0xFFFFFF80]  }
0x424: {  	v8 =	vld [tilespmem:s22+$0xFFFFFF90]  }
0x425: {  	v9 =	vld [tilespmem:s22+$0xFFFFFFA0]  }
0x426: {  	v10 =	vld [tilespmem:s22+$0xFFFFFFB0]  }
0x427: {  	v11 =	vld [tilespmem:s22+$0xFFFFFFC0]  }
0x428: {  	v12 =	vld [tilespmem:s22+$0xFFFFFFD0]  }
0x429: {  	v13 =	vld [tilespmem:s22+$0xFFFFFFE0]  }
0x42a: {  	v14 =	vld [tilespmem:s22+$0xFFFFFFF0]  }
0x42b: {  	v15 =	vld [tilespmem:s22+$0xFFFFFF10]  }
0x42c: {  	v0 =	vld.idx.msk [tilespmem:v0+s4+$0x0], $0xffff  }
0x42d: {  	v1 =	vld.idx.msk [tilespmem:v1+s4+$0x0], $0xffff  }
0x42e: {  	v2 =	vld.idx.msk [tilespmem:v2+s4+$0x0], $0xffff  }
0x42f: {  	v3 =	vld.idx.msk [tilespmem:v3+s4+$0x0], $0xffff  }
0x430: {  	v4 =	vld.idx.msk [tilespmem:v4+s4+$0x0], $0xffff  }
0x431: {  	s18 =	simm.s32 $0x1C980;
	v5 =	vld.idx.msk [tilespmem:v5+s4+$0x0], $0xffff  }
0x432: {  	v6 =	vld.idx.msk [tilespmem:v6+s4+$0x0], $0xffff;
	[tilespmem:s18+$0x70] =	vst v0  }
0x433: {  	v7 =	vld.idx.msk [tilespmem:v7+s4+$0x0], $0xffff;
	[tilespmem:s18+$0xFFFFFE10] =	vst v1  }
0x434: {  	v15 =	vld.idx.msk [tilespmem:v15+s4+$0x0], $0xffff;
	[tilespmem:s18+$0xFFFFFE20] =	vst v2  }
0x435: {  	v8 =	vld.idx.msk [tilespmem:v8+s4+$0x0], $0xffff;
	[tilespmem:s18+$0xFFFFFE30] =	vst v3  }
0x436: {  	[tilespmem:s18+$0xFFFFFE40] =	vst v4;
	v0 =	vld.idx.msk [tilespmem:v9+s4+$0x0], $0xffff  }
0x437: {  	[tilespmem:s18+$0xFFFFFE50] =	vst v5;
	v1 =	vld.idx.msk [tilespmem:v10+s4+$0x0], $0xffff  }
0x438: {  	[tilespmem:s18+$0xFFFFFE60] =	vst v6;
	v2 =	vld.idx.msk [tilespmem:v11+s4+$0x0], $0xffff  }
0x439: {  	[tilespmem:s18+$0xFFFFFE70] =	vst v7;
	v3 =	vld.idx.msk [tilespmem:v12+s4+$0x0], $0xffff  }
0x43a: {  	[tilespmem:s18+$0xFFFFFE00] =	vst v15;
	v4 =	vld.idx.msk [tilespmem:v13+s4+$0x0], $0xffff  }
0x43b: {  	s3 =	simm.s32 $0x190F0;
	s1 =	simm.s32 $0x0;
	[tilespmem:s18+$0x0] =	vst v8;
	v5 =	vld.idx.msk [tilespmem:v14+s4+$0x0], $0xffff  }
.LBB2_23:
0x43c: {  	v6 =	vld [tilespmem:s3+$0x0];
	s1 =	sadd.s32 $0x10, s1;
	[tilespmem:s18+$0x10] =	vst v0  }
0x43d: {  	v0 =	vld [tilespmem:s3+$0xFFFFFF20];
	p3 =	slt.u32 s1, $0x70;
	[tilespmem:s18+$0x20] =	vst v1  }
0x43e: {  	v1 =	vld [tilespmem:s3+$0xFFFFFF30];
	[tilespmem:s18+$0x30] =	vst v2  }
0x43f: {  	v2 =	vld [tilespmem:s3+$0xFFFFFF40];
	[tilespmem:s18+$0x40] =	vst v3  }
0x440: {  	v3 =	vld [tilespmem:s3+$0xFFFFFF50];
	[tilespmem:s18+$0x50] =	vst v4  }
0x441: {  	v4 =	vld [tilespmem:s3+$0xFFFFFF60];
	[tilespmem:s18+$0x60] =	vst v5  }
0x442: {  	v5 =	vld [tilespmem:s3+$0xFFFFFF70]  }
0x443: {  	v7 =	vld [tilespmem:s3+$0xFFFFFF80]  }
0x444: {  	v6 =	vld.idx.msk [tilespmem:v6+s4+$0x0], $0xffff  }
0x445: {  	v8 =	vld [tilespmem:s3+$0xFFFFFF90]  }
0x446: {  	v9 =	vld [tilespmem:s3+$0xFFFFFFA0]  }
0x447: {  	v10 =	vld [tilespmem:s3+$0xFFFFFFB0]  }
0x448: {  	v11 =	vld [tilespmem:s3+$0xFFFFFFC0]  }
0x449: {  	s18 =	sadd.s32 $0x400, s18;
	v12 =	vld [tilespmem:s3+$0xFFFFFFD0]  }
0x44a: {  	v13 =	vld [tilespmem:s3+$0xFFFFFFE0];
	[tilespmem:s18+$0x70] =	vst v6  }
0x44b: {  	v6 =	vld [tilespmem:s3+$0xFFFFFFF0]  }
0x44c: {  	v14 =	vld [tilespmem:s3+$0xFFFFFF10]  }
0x44d: {  	v0 =	vld.idx.msk [tilespmem:v0+s4+$0x0], $0xffff  }
0x44e: {  	v1 =	vld.idx.msk [tilespmem:v1+s4+$0x0], $0xffff  }
0x44f: {  	v2 =	vld.idx.msk [tilespmem:v2+s4+$0x0], $0xffff  }
0x450: {  	v3 =	vld.idx.msk [tilespmem:v3+s4+$0x0], $0xffff  }
0x451: {  	v4 =	vld.idx.msk [tilespmem:v4+s4+$0x0], $0xffff  }
0x452: {  	v5 =	vld.idx.msk [tilespmem:v5+s4+$0x0], $0xffff  }
0x453: {  	[tilespmem:s18+$0xFFFFFE10] =	vst v0;
	v7 =	vld.idx.msk [tilespmem:v7+s4+$0x0], $0xffff  }
0x454: {  	v14 =	vld.idx.msk [tilespmem:v14+s4+$0x0], $0xffff;
	[tilespmem:s18+$0xFFFFFE20] =	vst v1  }
0x455: {  	[tilespmem:s18+$0xFFFFFE30] =	vst v2;
	v8 =	vld.idx.msk [tilespmem:v8+s4+$0x0], $0xffff  }
0x456: {  	[tilespmem:s18+$0xFFFFFE40] =	vst v3;
	v0 =	vld.idx.msk [tilespmem:v9+s4+$0x0], $0xffff  }
.Ltmp14:
0x457: {  	[tilespmem:s18+$0xFFFFFE50] =	vst v4;
	v1 =	vld.idx.msk [tilespmem:v10+s4+$0x0], $0xffff;
	(pc) =	sbr.rel @p3 .LBB2_23-.Ltmp14, $4  }
0x458: {  	[tilespmem:s18+$0xFFFFFE60] =	vst v5;
	v2 =	vld.idx.msk [tilespmem:v11+s4+$0x0], $0xffff  }
0x459: {  	[tilespmem:s18+$0xFFFFFE70] =	vst v7;
	v3 =	vld.idx.msk [tilespmem:v12+s4+$0x0], $0xffff  }
0x45a: {  	[tilespmem:s18+$0xFFFFFE00] =	vst v14;
	v4 =	vld.idx.msk [tilespmem:v13+s4+$0x0], $0xffff  }
0x45b: {  	s3 =	sadd.s32 $0x100, s3;
	[tilespmem:s18+$0x0] =	vst v8;
	v5 =	vld.idx.msk [tilespmem:v6+s4+$0x0], $0xffff  }
0x45c: {  	[tilespmem:s18+$0x10] =	vst v0  }
0x45d: {  	[tilespmem:s18+$0x20] =	vst v1  }
0x45e: {  	[tilespmem:s18+$0x30] =	vst v2  }
0x45f: {  	[tilespmem:s18+$0x40] =	vst v3  }
0x460: {  	[tilespmem:s18+$0x50] =	vst v4  }
0x461: {  	[tilespmem:s18+$0x60] =	vst v5  }
0x462: {  	s1 =	rddreg [dreg:$0x8]  }
0x463: {  	s22 =	simm.s32 $0x1C780;
	s1 =	sadd.s32 s16, s1  }
0x464: {  	[hbm4b:s1+s4] =	stream.linear.scatter [tilespmem:s22], [sflag:$0x3], $0x80, $0x38;
	[tilespmem:$0x1E700] =	vst v63  }
0x465: {  	s18 =	simm.s32 $0x1C980;
	s3 =	sadd.s32 $0x80, s1  }
0x466: {  	[hbm4b:s3+s4] =	stream.linear.scatter [tilespmem:s18], [sflag:$0x3], $0x80, $0x38;
	[tilespmem:$0x1E700] =	vst v63  }
0x467: {  	s3 =	sadd.s32 $0x100, s1;
	s18 =	simm.s32 $0x1CB80  }
0x468: {  	[hbm4b:s3+s4] =	stream.linear.scatter [tilespmem:s18], [sflag:$0x3], $0x80, $0x38;
	[tilespmem:$0x1E700] =	vst v63  }
0x469: {  	s3 =	sadd.s32 $0x180, s1;
	s18 =	simm.s32 $0x1CD80  }
0x46a: {  	[hbm4b:s3+s4] =	stream.linear.scatter [tilespmem:s18], [sflag:$0x3], $0x80, $0x38;
	[tilespmem:$0x1E700] =	vst v63  }
0x46b: {  	s3 =	sadd.s32 $0x200, s1;
	s18 =	simm.s32 $0x1CF80  }
0x46c: {  	[hbm4b:s3+s4] =	stream.linear.scatter [tilespmem:s18], [sflag:$0x3], $0x80, $0x38;
	[tilespmem:$0x1E700] =	vst v63  }
0x46d: {  	s3 =	sadd.s32 $0x280, s1;
	s18 =	simm.s32 $0x1D180  }
0x46e: {  	[hbm4b:s3+s4] =	stream.linear.scatter [tilespmem:s18], [sflag:$0x3], $0x80, $0x38;
	[tilespmem:$0x1E700] =	vst v63  }
0x46f: {  	s3 =	sadd.s32 $0x300, s1;
	s18 =	simm.s32 $0x1D380  }
0x470: {  	[hbm4b:s3+s4] =	stream.linear.scatter [tilespmem:s18], [sflag:$0x3], $0x80, $0x38;
	[tilespmem:$0x1E700] =	vst v63  }
0x471: {  	s3 =	sadd.s32 $0x380, s1;
	s18 =	simm.s32 $0x1D580  }
0x472: {  	[hbm4b:s3+s4] =	stream.linear.scatter [tilespmem:s18], [sflag:$0x3], $0x80, $0x38;
	[tilespmem:$0x1E700] =	vst v63  }
0x473: {  	s3 =	sadd.s32 $0x400, s1;
	s18 =	simm.s32 $0x1D780  }
0x474: {  	[hbm4b:s3+s4] =	stream.linear.scatter [tilespmem:s18], [sflag:$0x3], $0x80, $0x38;
	[tilespmem:$0x1E700] =	vst v63  }
0x475: {  	s3 =	sadd.s32 $0x480, s1;
	s18 =	simm.s32 $0x1D980  }
0x476: {  	[hbm4b:s3+s4] =	stream.linear.scatter [tilespmem:s18], [sflag:$0x3], $0x80, $0x38;
	[tilespmem:$0x1E700] =	vst v63  }
0x477: {  	s3 =	sadd.s32 $0x500, s1;
	s18 =	simm.s32 $0x1DB80  }
0x478: {  	[hbm4b:s3+s4] =	stream.linear.scatter [tilespmem:s18], [sflag:$0x3], $0x80, $0x38;
	[tilespmem:$0x1E700] =	vst v63  }
0x479: {  	s3 =	sadd.s32 $0x580, s1;
	s18 =	simm.s32 $0x1DD80  }
0x47a: {  	[hbm4b:s3+s4] =	stream.linear.scatter [tilespmem:s18], [sflag:$0x3], $0x80, $0x38;
	[tilespmem:$0x1E700] =	vst v63  }
0x47b: {  	s3 =	sadd.s32 $0x600, s1;
	s18 =	simm.s32 $0x1DF80  }
0x47c: {  	[hbm4b:s3+s4] =	stream.linear.scatter [tilespmem:s18], [sflag:$0x3], $0x80, $0x38;
	[tilespmem:$0x1E700] =	vst v63  }
0x47d: {  	s3 =	sadd.s32 $0x680, s1;
	s18 =	simm.s32 $0x1E180  }
0x47e: {  	[hbm4b:s3+s4] =	stream.linear.scatter [tilespmem:s18], [sflag:$0x3], $0x80, $0x38;
	[tilespmem:$0x1E700] =	vst v63  }
0x47f: {  	s3 =	sadd.s32 $0x700, s1;
	s18 =	simm.s32 $0x1E380  }
0x480: {  	[hbm4b:s3+s4] =	stream.linear.scatter [tilespmem:s18], [sflag:$0x3], $0x80, $0x38;
	[tilespmem:$0x1E700] =	vst v63  }
0x481: {  	s1 =	sadd.s32 $0x780, s1;
	s18 =	simm.s32 $0x1E580  }
0x482: {  	[hbm4b:s1+s4] =	stream.linear.scatter [tilespmem:s18], [sflag:$0x3], $0x80, $0x38;
	[tilespmem:$0x1E700] =	vst v63  }
0x483: {  	s18 =	simm.s32 $0x197F0  }
0x484: {  	v0 =	vld [tilespmem:s18+$0x0]  }
0x485: {  	v1 =	vld [tilespmem:s18+$0xFFFFFF20]  }
0x486: {  	v2 =	vld [tilespmem:s18+$0xFFFFFF30]  }
0x487: {  	v3 =	vld [tilespmem:s18+$0xFFFFFF40]  }
0x488: {  	v4 =	vld [tilespmem:s18+$0xFFFFFF50]  }
0x489: {  	v5 =	vld [tilespmem:s18+$0xFFFFFF60]  }
0x48a: {  	v6 =	vld [tilespmem:s18+$0xFFFFFF70]  }
0x48b: {  	v7 =	vld [tilespmem:s18+$0xFFFFFF80]  }
0x48c: {  	v8 =	vld [tilespmem:s18+$0xFFFFFF90]  }
0x48d: {  	v9 =	vld [tilespmem:s18+$0xFFFFFFA0]  }
0x48e: {  	v10 =	vld [tilespmem:s18+$0xFFFFFFB0]  }
0x48f: {  	v11 =	vld [tilespmem:s18+$0xFFFFFFC0]  }
0x490: {  	v12 =	vld [tilespmem:s18+$0xFFFFFFD0]  }
0x491: {  	v13 =	vld [tilespmem:s18+$0xFFFFFFE0]  }
0x492: {  	v14 =	vld [tilespmem:s18+$0xFFFFFFF0]  }
0x493: {  	v15 =	vld [tilespmem:s18+$0xFFFFFF10]  }
0x494: {  	v0 =	vld.idx.msk [tilespmem:v0+s4+$0x0], $0xffff  }
0x495: {  	v1 =	vld.idx.msk [tilespmem:v1+s4+$0x0], $0xffff  }
0x496: {  	v2 =	vld.idx.msk [tilespmem:v2+s4+$0x0], $0xffff  }
0x497: {  	v3 =	vld.idx.msk [tilespmem:v3+s4+$0x0], $0xffff  }
0x498: {  	v4 =	vld.idx.msk [tilespmem:v4+s4+$0x0], $0xffff  }
0x499: {  	s18 =	simm.s32 $0x1CA00;
	v5 =	vld.idx.msk [tilespmem:v5+s4+$0x0], $0xffff  }
0x49a: {  	v6 =	vld.idx.msk [tilespmem:v6+s4+$0x0], $0xffff;
	[tilespmem:s18+$0x70] =	vst v0  }
0x49b: {  	v7 =	vld.idx.msk [tilespmem:v7+s4+$0x0], $0xffff;
	[tilespmem:s18+$0xFFFFFE10] =	vst v1  }
0x49c: {  	v15 =	vld.idx.msk [tilespmem:v15+s4+$0x0], $0xffff;
	[tilespmem:s18+$0xFFFFFE20] =	vst v2  }
0x49d: {  	v8 =	vld.idx.msk [tilespmem:v8+s4+$0x0], $0xffff;
	[tilespmem:s18+$0xFFFFFE30] =	vst v3  }
0x49e: {  	[tilespmem:s18+$0xFFFFFE40] =	vst v4;
	v0 =	vld.idx.msk [tilespmem:v9+s4+$0x0], $0xffff  }
0x49f: {  	[tilespmem:s18+$0xFFFFFE50] =	vst v5;
	v1 =	vld.idx.msk [tilespmem:v10+s4+$0x0], $0xffff  }
0x4a0: {  	[tilespmem:s18+$0xFFFFFE60] =	vst v6;
	v2 =	vld.idx.msk [tilespmem:v11+s4+$0x0], $0xffff  }
0x4a1: {  	[tilespmem:s18+$0xFFFFFE70] =	vst v7;
	v3 =	vld.idx.msk [tilespmem:v12+s4+$0x0], $0xffff  }
0x4a2: {  	[tilespmem:s18+$0xFFFFFE00] =	vst v15;
	v4 =	vld.idx.msk [tilespmem:v13+s4+$0x0], $0xffff  }
0x4a3: {  	s3 =	simm.s32 $0x198F0;
	s1 =	simm.s32 $0x0;
	[tilespmem:s18+$0x0] =	vst v8;
	v5 =	vld.idx.msk [tilespmem:v14+s4+$0x0], $0xffff  }
.LBB2_25:
0x4a4: {  	v6 =	vld [tilespmem:s3+$0x0];
	s1 =	sadd.s32 $0x10, s1;
	[tilespmem:s18+$0x10] =	vst v0  }
0x4a5: {  	v0 =	vld [tilespmem:s3+$0xFFFFFF20];
	p3 =	slt.u32 s1, $0x70;
	[tilespmem:s18+$0x20] =	vst v1  }
0x4a6: {  	v1 =	vld [tilespmem:s3+$0xFFFFFF30];
	[tilespmem:s18+$0x30] =	vst v2  }
0x4a7: {  	v2 =	vld [tilespmem:s3+$0xFFFFFF40];
	[tilespmem:s18+$0x40] =	vst v3  }
0x4a8: {  	v3 =	vld [tilespmem:s3+$0xFFFFFF50];
	[tilespmem:s18+$0x50] =	vst v4  }
0x4a9: {  	v4 =	vld [tilespmem:s3+$0xFFFFFF60];
	[tilespmem:s18+$0x60] =	vst v5  }
0x4aa: {  	v5 =	vld [tilespmem:s3+$0xFFFFFF70]  }
0x4ab: {  	v7 =	vld [tilespmem:s3+$0xFFFFFF80]  }
0x4ac: {  	v6 =	vld.idx.msk [tilespmem:v6+s4+$0x0], $0xffff  }
0x4ad: {  	v8 =	vld [tilespmem:s3+$0xFFFFFF90]  }
0x4ae: {  	v9 =	vld [tilespmem:s3+$0xFFFFFFA0]  }
0x4af: {  	v10 =	vld [tilespmem:s3+$0xFFFFFFB0]  }
0x4b0: {  	v11 =	vld [tilespmem:s3+$0xFFFFFFC0]  }
0x4b1: {  	s18 =	sadd.s32 $0x400, s18;
	v12 =	vld [tilespmem:s3+$0xFFFFFFD0]  }
0x4b2: {  	v13 =	vld [tilespmem:s3+$0xFFFFFFE0];
	[tilespmem:s18+$0x70] =	vst v6  }
0x4b3: {  	v6 =	vld [tilespmem:s3+$0xFFFFFFF0]  }
0x4b4: {  	v14 =	vld [tilespmem:s3+$0xFFFFFF10]  }
0x4b5: {  	v0 =	vld.idx.msk [tilespmem:v0+s4+$0x0], $0xffff  }
0x4b6: {  	v1 =	vld.idx.msk [tilespmem:v1+s4+$0x0], $0xffff  }
0x4b7: {  	v2 =	vld.idx.msk [tilespmem:v2+s4+$0x0], $0xffff  }
0x4b8: {  	v3 =	vld.idx.msk [tilespmem:v3+s4+$0x0], $0xffff  }
0x4b9: {  	v4 =	vld.idx.msk [tilespmem:v4+s4+$0x0], $0xffff  }
0x4ba: {  	v5 =	vld.idx.msk [tilespmem:v5+s4+$0x0], $0xffff  }
0x4bb: {  	[tilespmem:s18+$0xFFFFFE10] =	vst v0;
	v7 =	vld.idx.msk [tilespmem:v7+s4+$0x0], $0xffff  }
0x4bc: {  	v14 =	vld.idx.msk [tilespmem:v14+s4+$0x0], $0xffff;
	[tilespmem:s18+$0xFFFFFE20] =	vst v1  }
0x4bd: {  	[tilespmem:s18+$0xFFFFFE30] =	vst v2;
	v8 =	vld.idx.msk [tilespmem:v8+s4+$0x0], $0xffff  }
0x4be: {  	[tilespmem:s18+$0xFFFFFE40] =	vst v3;
	v0 =	vld.idx.msk [tilespmem:v9+s4+$0x0], $0xffff  }
.Ltmp15:
0x4bf: {  	[tilespmem:s18+$0xFFFFFE50] =	vst v4;
	v1 =	vld.idx.msk [tilespmem:v10+s4+$0x0], $0xffff;
	(pc) =	sbr.rel @p3 .LBB2_25-.Ltmp15, $4  }
0x4c0: {  	[tilespmem:s18+$0xFFFFFE60] =	vst v5;
	v2 =	vld.idx.msk [tilespmem:v11+s4+$0x0], $0xffff  }
0x4c1: {  	[tilespmem:s18+$0xFFFFFE70] =	vst v7;
	v3 =	vld.idx.msk [tilespmem:v12+s4+$0x0], $0xffff  }
0x4c2: {  	[tilespmem:s18+$0xFFFFFE00] =	vst v14;
	v4 =	vld.idx.msk [tilespmem:v13+s4+$0x0], $0xffff  }
0x4c3: {  	s3 =	sadd.s32 $0x100, s3;
	[tilespmem:s18+$0x0] =	vst v8;
	v5 =	vld.idx.msk [tilespmem:v6+s4+$0x0], $0xffff  }
0x4c4: {  	[tilespmem:s18+$0x10] =	vst v0  }
0x4c5: {  	[tilespmem:s18+$0x20] =	vst v1  }
0x4c6: {  	[tilespmem:s18+$0x30] =	vst v2  }
0x4c7: {  	[tilespmem:s18+$0x40] =	vst v3  }
0x4c8: {  	[tilespmem:s18+$0x50] =	vst v4  }
0x4c9: {  	[tilespmem:s18+$0x60] =	vst v5  }
0x4ca: {  	s1 =	rddreg [dreg:$0x9]  }
0x4cb: {  	s3 =	simm.s32 $0x1C800;
	s1 =	sadd.s32 s16, s1  }
0x4cc: {  	[hbm4b:s1+s4] =	stream.linear.scatter [tilespmem:s3], [sflag:$0x4], $0x80, $0x38;
	[tilespmem:$0x1E700] =	vst v63  }
0x4cd: {  	s18 =	simm.s32 $0x1CA00;
	s3 =	sadd.s32 $0x80, s1  }
0x4ce: {  	[hbm4b:s3+s4] =	stream.linear.scatter [tilespmem:s18], [sflag:$0x4], $0x80, $0x38;
	[tilespmem:$0x1E700] =	vst v63  }
0x4cf: {  	s3 =	sadd.s32 $0x100, s1;
	s18 =	simm.s32 $0x1CC00  }
0x4d0: {  	[hbm4b:s3+s4] =	stream.linear.scatter [tilespmem:s18], [sflag:$0x4], $0x80, $0x38;
	[tilespmem:$0x1E700] =	vst v63  }
0x4d1: {  	s3 =	sadd.s32 $0x180, s1;
	s18 =	simm.s32 $0x1CE00  }
0x4d2: {  	[hbm4b:s3+s4] =	stream.linear.scatter [tilespmem:s18], [sflag:$0x4], $0x80, $0x38;
	[tilespmem:$0x1E700] =	vst v63  }
0x4d3: {  	s3 =	sadd.s32 $0x200, s1;
	s18 =	simm.s32 $0x1D000  }
0x4d4: {  	[hbm4b:s3+s4] =	stream.linear.scatter [tilespmem:s18], [sflag:$0x4], $0x80, $0x38;
	[tilespmem:$0x1E700] =	vst v63  }
0x4d5: {  	s3 =	sadd.s32 $0x280, s1;
	s18 =	simm.s32 $0x1D200  }
0x4d6: {  	[hbm4b:s3+s4] =	stream.linear.scatter [tilespmem:s18], [sflag:$0x4], $0x80, $0x38;
	[tilespmem:$0x1E700] =	vst v63  }
0x4d7: {  	s3 =	sadd.s32 $0x300, s1;
	s18 =	simm.s32 $0x1D400  }
0x4d8: {  	[hbm4b:s3+s4] =	stream.linear.scatter [tilespmem:s18], [sflag:$0x4], $0x80, $0x38;
	[tilespmem:$0x1E700] =	vst v63  }
0x4d9: {  	s3 =	sadd.s32 $0x380, s1;
	s18 =	simm.s32 $0x1D600  }
0x4da: {  	[hbm4b:s3+s4] =	stream.linear.scatter [tilespmem:s18], [sflag:$0x4], $0x80, $0x38;
	[tilespmem:$0x1E700] =	vst v63  }
0x4db: {  	s3 =	sadd.s32 $0x400, s1;
	s18 =	simm.s32 $0x1D800  }
0x4dc: {  	[hbm4b:s3+s4] =	stream.linear.scatter [tilespmem:s18], [sflag:$0x4], $0x80, $0x38;
	[tilespmem:$0x1E700] =	vst v63  }
0x4dd: {  	s3 =	sadd.s32 $0x480, s1;
	s18 =	simm.s32 $0x1DA00  }
0x4de: {  	[hbm4b:s3+s4] =	stream.linear.scatter [tilespmem:s18], [sflag:$0x4], $0x80, $0x38;
	[tilespmem:$0x1E700] =	vst v63  }
0x4df: {  	s3 =	sadd.s32 $0x500, s1;
	s18 =	simm.s32 $0x1DC00  }
0x4e0: {  	[hbm4b:s3+s4] =	stream.linear.scatter [tilespmem:s18], [sflag:$0x4], $0x80, $0x38;
	[tilespmem:$0x1E700] =	vst v63  }
0x4e1: {  	s3 =	sadd.s32 $0x580, s1;
	s18 =	simm.s32 $0x1DE00  }
0x4e2: {  	[hbm4b:s3+s4] =	stream.linear.scatter [tilespmem:s18], [sflag:$0x4], $0x80, $0x38;
	[tilespmem:$0x1E700] =	vst v63  }
0x4e3: {  	s3 =	sadd.s32 $0x600, s1;
	s18 =	simm.s32 $0x1E000  }
0x4e4: {  	[hbm4b:s3+s4] =	stream.linear.scatter [tilespmem:s18], [sflag:$0x4], $0x80, $0x38;
	[tilespmem:$0x1E700] =	vst v63  }
0x4e5: {  	s3 =	sadd.s32 $0x680, s1;
	s18 =	simm.s32 $0x1E200  }
0x4e6: {  	[hbm4b:s3+s4] =	stream.linear.scatter [tilespmem:s18], [sflag:$0x4], $0x80, $0x38;
	[tilespmem:$0x1E700] =	vst v63  }
0x4e7: {  	s18 =	sadd.s32 $0x700, s1  }
0x4e8: {  	[hbm4b:s18+s4] =	stream.linear.scatter [tilespmem:s8], [sflag:$0x4], $0x80, $0x38;
	[tilespmem:$0x1E700] =	vst v63  }
0x4e9: {  	s1 =	sadd.s32 $0x780, s1;
	s18 =	simm.s32 $0x19FF0  }
0x4ea: {  	[hbm4b:s1+s4] =	stream.linear.scatter [tilespmem:s17], [sflag:$0x4], $0x80, $0x38;
	[tilespmem:$0x1E700] =	vst v63  }
0x4eb: {  	v0 =	vld [tilespmem:s18+$0x0]  }
0x4ec: {  	v1 =	vld [tilespmem:s18+$0xFFFFFF20]  }
0x4ed: {  	v2 =	vld [tilespmem:s18+$0xFFFFFF30]  }
0x4ee: {  	v3 =	vld [tilespmem:s18+$0xFFFFFF40]  }
0x4ef: {  	v4 =	vld [tilespmem:s18+$0xFFFFFF50]  }
0x4f0: {  	v5 =	vld [tilespmem:s18+$0xFFFFFF60]  }
0x4f1: {  	v6 =	vld [tilespmem:s18+$0xFFFFFF70]  }
0x4f2: {  	v7 =	vld [tilespmem:s18+$0xFFFFFF80]  }
0x4f3: {  	v8 =	vld [tilespmem:s18+$0xFFFFFF90]  }
0x4f4: {  	v9 =	vld [tilespmem:s18+$0xFFFFFFA0]  }
0x4f5: {  	v10 =	vld [tilespmem:s18+$0xFFFFFFB0]  }
0x4f6: {  	v11 =	vld [tilespmem:s18+$0xFFFFFFC0]  }
0x4f7: {  	v12 =	vld [tilespmem:s18+$0xFFFFFFD0]  }
0x4f8: {  	v13 =	vld [tilespmem:s18+$0xFFFFFFE0]  }
0x4f9: {  	v14 =	vld [tilespmem:s18+$0xFFFFFFF0]  }
0x4fa: {  	v15 =	vld [tilespmem:s18+$0xFFFFFF10]  }
0x4fb: {  	v0 =	vld.idx.msk [tilespmem:v0+s4+$0x0], $0xffff  }
0x4fc: {  	v1 =	vld.idx.msk [tilespmem:v1+s4+$0x0], $0xffff  }
0x4fd: {  	v2 =	vld.idx.msk [tilespmem:v2+s4+$0x0], $0xffff  }
0x4fe: {  	v3 =	vld.idx.msk [tilespmem:v3+s4+$0x0], $0xffff  }
0x4ff: {  	v4 =	vld.idx.msk [tilespmem:v4+s4+$0x0], $0xffff  }
0x500: {  	s18 =	simm.s32 $0x1CA80;
	v5 =	vld.idx.msk [tilespmem:v5+s4+$0x0], $0xffff  }
0x501: {  	v6 =	vld.idx.msk [tilespmem:v6+s4+$0x0], $0xffff;
	[tilespmem:s18+$0x70] =	vst v0  }
0x502: {  	v7 =	vld.idx.msk [tilespmem:v7+s4+$0x0], $0xffff;
	[tilespmem:s18+$0xFFFFFE10] =	vst v1  }
0x503: {  	v15 =	vld.idx.msk [tilespmem:v15+s4+$0x0], $0xffff;
	[tilespmem:s18+$0xFFFFFE20] =	vst v2  }
0x504: {  	v8 =	vld.idx.msk [tilespmem:v8+s4+$0x0], $0xffff;
	[tilespmem:s18+$0xFFFFFE30] =	vst v3  }
0x505: {  	[tilespmem:s18+$0xFFFFFE40] =	vst v4;
	v0 =	vld.idx.msk [tilespmem:v9+s4+$0x0], $0xffff  }
0x506: {  	[tilespmem:s18+$0xFFFFFE50] =	vst v5;
	v1 =	vld.idx.msk [tilespmem:v10+s4+$0x0], $0xffff  }
0x507: {  	[tilespmem:s18+$0xFFFFFE60] =	vst v6;
	v2 =	vld.idx.msk [tilespmem:v11+s4+$0x0], $0xffff  }
0x508: {  	[tilespmem:s18+$0xFFFFFE70] =	vst v7;
	v3 =	vld.idx.msk [tilespmem:v12+s4+$0x0], $0xffff  }
0x509: {  	[tilespmem:s18+$0xFFFFFE00] =	vst v15;
	v4 =	vld.idx.msk [tilespmem:v13+s4+$0x0], $0xffff  }
0x50a: {  	s3 =	simm.s32 $0x1A0F0;
	s1 =	simm.s32 $0x0;
	[tilespmem:s18+$0x0] =	vst v8;
	v5 =	vld.idx.msk [tilespmem:v14+s4+$0x0], $0xffff  }
.LBB2_27:
0x50b: {  	v6 =	vld [tilespmem:s3+$0x0];
	s1 =	sadd.s32 $0x10, s1;
	[tilespmem:s18+$0x10] =	vst v0  }
0x50c: {  	v0 =	vld [tilespmem:s3+$0xFFFFFF20];
	p3 =	slt.u32 s1, $0x70;
	[tilespmem:s18+$0x20] =	vst v1  }
0x50d: {  	v1 =	vld [tilespmem:s3+$0xFFFFFF30];
	[tilespmem:s18+$0x30] =	vst v2  }
0x50e: {  	v2 =	vld [tilespmem:s3+$0xFFFFFF40];
	[tilespmem:s18+$0x40] =	vst v3  }
0x50f: {  	v3 =	vld [tilespmem:s3+$0xFFFFFF50];
	[tilespmem:s18+$0x50] =	vst v4  }
0x510: {  	v4 =	vld [tilespmem:s3+$0xFFFFFF60];
	[tilespmem:s18+$0x60] =	vst v5  }
0x511: {  	v5 =	vld [tilespmem:s3+$0xFFFFFF70]  }
0x512: {  	v7 =	vld [tilespmem:s3+$0xFFFFFF80]  }
0x513: {  	v6 =	vld.idx.msk [tilespmem:v6+s4+$0x0], $0xffff  }
0x514: {  	v8 =	vld [tilespmem:s3+$0xFFFFFF90]  }
0x515: {  	v9 =	vld [tilespmem:s3+$0xFFFFFFA0]  }
0x516: {  	v10 =	vld [tilespmem:s3+$0xFFFFFFB0]  }
0x517: {  	v11 =	vld [tilespmem:s3+$0xFFFFFFC0]  }
0x518: {  	s18 =	sadd.s32 $0x400, s18;
	v12 =	vld [tilespmem:s3+$0xFFFFFFD0]  }
0x519: {  	v13 =	vld [tilespmem:s3+$0xFFFFFFE0];
	[tilespmem:s18+$0x70] =	vst v6  }
0x51a: {  	v6 =	vld [tilespmem:s3+$0xFFFFFFF0]  }
0x51b: {  	v14 =	vld [tilespmem:s3+$0xFFFFFF10]  }
0x51c: {  	v0 =	vld.idx.msk [tilespmem:v0+s4+$0x0], $0xffff  }
0x51d: {  	v1 =	vld.idx.msk [tilespmem:v1+s4+$0x0], $0xffff  }
0x51e: {  	v2 =	vld.idx.msk [tilespmem:v2+s4+$0x0], $0xffff  }
0x51f: {  	v3 =	vld.idx.msk [tilespmem:v3+s4+$0x0], $0xffff  }
0x520: {  	v4 =	vld.idx.msk [tilespmem:v4+s4+$0x0], $0xffff  }
0x521: {  	v5 =	vld.idx.msk [tilespmem:v5+s4+$0x0], $0xffff  }
0x522: {  	[tilespmem:s18+$0xFFFFFE10] =	vst v0;
	v7 =	vld.idx.msk [tilespmem:v7+s4+$0x0], $0xffff  }
0x523: {  	v14 =	vld.idx.msk [tilespmem:v14+s4+$0x0], $0xffff;
	[tilespmem:s18+$0xFFFFFE20] =	vst v1  }
0x524: {  	[tilespmem:s18+$0xFFFFFE30] =	vst v2;
	v8 =	vld.idx.msk [tilespmem:v8+s4+$0x0], $0xffff  }
0x525: {  	[tilespmem:s18+$0xFFFFFE40] =	vst v3;
	v0 =	vld.idx.msk [tilespmem:v9+s4+$0x0], $0xffff  }
.Ltmp16:
0x526: {  	[tilespmem:s18+$0xFFFFFE50] =	vst v4;
	v1 =	vld.idx.msk [tilespmem:v10+s4+$0x0], $0xffff;
	(pc) =	sbr.rel @p3 .LBB2_27-.Ltmp16, $4  }
0x527: {  	[tilespmem:s18+$0xFFFFFE60] =	vst v5;
	v2 =	vld.idx.msk [tilespmem:v11+s4+$0x0], $0xffff  }
0x528: {  	[tilespmem:s18+$0xFFFFFE70] =	vst v7;
	v3 =	vld.idx.msk [tilespmem:v12+s4+$0x0], $0xffff  }
0x529: {  	[tilespmem:s18+$0xFFFFFE00] =	vst v14;
	v4 =	vld.idx.msk [tilespmem:v13+s4+$0x0], $0xffff  }
0x52a: {  	s3 =	sadd.s32 $0x100, s3;
	[tilespmem:s18+$0x0] =	vst v8;
	v5 =	vld.idx.msk [tilespmem:v6+s4+$0x0], $0xffff  }
0x52b: {  	[tilespmem:s18+$0x10] =	vst v0  }
0x52c: {  	[tilespmem:s18+$0x20] =	vst v1  }
0x52d: {  	[tilespmem:s18+$0x30] =	vst v2  }
0x52e: {  	[tilespmem:s18+$0x40] =	vst v3  }
0x52f: {  	[tilespmem:s18+$0x50] =	vst v4  }
0x530: {  	[tilespmem:s18+$0x60] =	vst v5  }
0x531: {  	s1 =	rddreg [dreg:$0xa]  }
0x532: {  	s1 =	sadd.s32 s16, s1  }
0x533: {  	[hbm4b:s1+s4] =	stream.linear.scatter [tilespmem:s19], [sflag:$0x5], $0x80, $0x38;
	[tilespmem:$0x1E700] =	vst v63  }
0x534: {  	s3 =	sadd.s32 $0x80, s1  }
0x535: {  	[hbm4b:s3+s4] =	stream.linear.scatter [tilespmem:s20], [sflag:$0x5], $0x80, $0x38;
	[tilespmem:$0x1E700] =	vst v63  }
0x536: {  	s18 =	sadd.s32 $0x100, s1  }
0x537: {  	[hbm4b:s18+s4] =	stream.linear.scatter [tilespmem:s5], [sflag:$0x5], $0x80, $0x38;
	[tilespmem:$0x1E700] =	vst v63  }
0x538: {  	s18 =	sadd.s32 $0x180, s1  }
0x539: {  	[hbm4b:s18+s4] =	stream.linear.scatter [tilespmem:s9], [sflag:$0x5], $0x80, $0x38;
	[tilespmem:$0x1E700] =	vst v63  }
0x53a: {  	s18 =	sadd.s32 $0x200, s1  }
0x53b: {  	[hbm4b:s18+s4] =	stream.linear.scatter [tilespmem:s10], [sflag:$0x5], $0x80, $0x38;
	[tilespmem:$0x1E700] =	vst v63  }
0x53c: {  	s18 =	sadd.s32 $0x280, s1  }
0x53d: {  	[hbm4b:s18+s4] =	stream.linear.scatter [tilespmem:s11], [sflag:$0x5], $0x80, $0x38;
	[tilespmem:$0x1E700] =	vst v63  }
0x53e: {  	s18 =	sadd.s32 $0x300, s1  }
0x53f: {  	[hbm4b:s18+s4] =	stream.linear.scatter [tilespmem:s12], [sflag:$0x5], $0x80, $0x38;
	[tilespmem:$0x1E700] =	vst v63  }
0x540: {  	s18 =	sadd.s32 $0x380, s1  }
0x541: {  	[hbm4b:s18+s4] =	stream.linear.scatter [tilespmem:s13], [sflag:$0x5], $0x80, $0x38;
	[tilespmem:$0x1E700] =	vst v63  }
0x542: {  	s18 =	sadd.s32 $0x400, s1  }
0x543: {  	[hbm4b:s18+s4] =	stream.linear.scatter [tilespmem:s14], [sflag:$0x5], $0x80, $0x38;
	[tilespmem:$0x1E700] =	vst v63  }
0x544: {  	s18 =	sadd.s32 $0x480, s1  }
0x545: {  	[hbm4b:s18+s4] =	stream.linear.scatter [tilespmem:s15], [sflag:$0x5], $0x80, $0x38;
	[tilespmem:$0x1E700] =	vst v63  }
0x546: {  	s18 =	sadd.s32 $0x500, s1  }
0x547: {  	[hbm4b:s18+s4] =	stream.linear.scatter [tilespmem:s24], [sflag:$0x5], $0x80, $0x38;
	[tilespmem:$0x1E700] =	vst v63  }
0x548: {  	s18 =	sadd.s32 $0x580, s1  }
0x549: {  	[hbm4b:s18+s4] =	stream.linear.scatter [tilespmem:s25], [sflag:$0x5], $0x80, $0x38;
	[tilespmem:$0x1E700] =	vst v63  }
0x54a: {  	s18 =	sadd.s32 $0x600, s1  }
0x54b: {  	[hbm4b:s18+s4] =	stream.linear.scatter [tilespmem:s26], [sflag:$0x5], $0x80, $0x38;
	[tilespmem:$0x1E700] =	vst v63  }
0x54c: {  	s18 =	sadd.s32 $0x680, s1  }
0x54d: {  	[hbm4b:s18+s4] =	stream.linear.scatter [tilespmem:s28], [sflag:$0x5], $0x80, $0x38;
	[tilespmem:$0x1E700] =	vst v63  }
0x54e: {  	s18 =	sadd.s32 $0x700, s1  }
0x54f: {  	[hbm4b:s18+s4] =	stream.linear.scatter [tilespmem:s29], [sflag:$0x5], $0x80, $0x38;
	[tilespmem:$0x1E700] =	vst v63  }
0x550: {  	s1 =	sadd.s32 $0x780, s1  }
0x551: {  	[hbm4b:s1+s4] =	stream.linear.scatter [tilespmem:s30], [sflag:$0x5], $0x80, $0x38;
	[tilespmem:$0x1E700] =	vst v63  }
0x552: {  	_ =	swait.ge [sflag:s31], $0x800  }
0x553: {  	[sflag:s31] =	ssyncset.done $0x0  }
0x554: {  	s18 =	simm.s32 $0x1A7F0;
	[sflag:s31] =	ssyncadd.s32 $0xFFFFF800  }
0x555: {  	v0 =	vld [tilespmem:s18+$0x0]  }
0x556: {  	v1 =	vld [tilespmem:s18+$0xFFFFFF20]  }
0x557: {  	v2 =	vld [tilespmem:s18+$0xFFFFFF30]  }
0x558: {  	v3 =	vld [tilespmem:s18+$0xFFFFFF40]  }
0x559: {  	v4 =	vld [tilespmem:s18+$0xFFFFFF50]  }
0x55a: {  	v5 =	vld [tilespmem:s18+$0xFFFFFF60]  }
0x55b: {  	v6 =	vld [tilespmem:s18+$0xFFFFFF70]  }
0x55c: {  	v7 =	vld [tilespmem:s18+$0xFFFFFF80]  }
0x55d: {  	v8 =	vld [tilespmem:s18+$0xFFFFFF90]  }
0x55e: {  	v9 =	vld [tilespmem:s18+$0xFFFFFFA0]  }
0x55f: {  	v10 =	vld [tilespmem:s18+$0xFFFFFFB0]  }
0x560: {  	v11 =	vld [tilespmem:s18+$0xFFFFFFC0]  }
0x561: {  	v12 =	vld [tilespmem:s18+$0xFFFFFFD0]  }
0x562: {  	v13 =	vld [tilespmem:s18+$0xFFFFFFE0]  }
0x563: {  	v14 =	vld [tilespmem:s18+$0xFFFFFFF0]  }
0x564: {  	v15 =	vld [tilespmem:s18+$0xFFFFFF10]  }
0x565: {  	v0 =	vld.idx.msk [tilespmem:v0+s4+$0x0], $0xffff  }
0x566: {  	v1 =	vld.idx.msk [tilespmem:v1+s4+$0x0], $0xffff  }
0x567: {  	v2 =	vld.idx.msk [tilespmem:v2+s4+$0x0], $0xffff  }
0x568: {  	v3 =	vld.idx.msk [tilespmem:v3+s4+$0x0], $0xffff  }
0x569: {  	v4 =	vld.idx.msk [tilespmem:v4+s4+$0x0], $0xffff  }
0x56a: {  	s18 =	simm.s32 $0x1C900;
	v5 =	vld.idx.msk [tilespmem:v5+s4+$0x0], $0xffff  }
0x56b: {  	v6 =	vld.idx.msk [tilespmem:v6+s4+$0x0], $0xffff;
	[tilespmem:s18+$0x70] =	vst v0  }
0x56c: {  	v7 =	vld.idx.msk [tilespmem:v7+s4+$0x0], $0xffff;
	[tilespmem:s18+$0xFFFFFE10] =	vst v1  }
0x56d: {  	v15 =	vld.idx.msk [tilespmem:v15+s4+$0x0], $0xffff;
	[tilespmem:s18+$0xFFFFFE20] =	vst v2  }
0x56e: {  	v8 =	vld.idx.msk [tilespmem:v8+s4+$0x0], $0xffff;
	[tilespmem:s18+$0xFFFFFE30] =	vst v3  }
0x56f: {  	[tilespmem:s18+$0xFFFFFE40] =	vst v4;
	v0 =	vld.idx.msk [tilespmem:v9+s4+$0x0], $0xffff  }
0x570: {  	[tilespmem:s18+$0xFFFFFE50] =	vst v5;
	v1 =	vld.idx.msk [tilespmem:v10+s4+$0x0], $0xffff  }
0x571: {  	[tilespmem:s18+$0xFFFFFE60] =	vst v6;
	v2 =	vld.idx.msk [tilespmem:v11+s4+$0x0], $0xffff  }
0x572: {  	[tilespmem:s18+$0xFFFFFE70] =	vst v7;
	v3 =	vld.idx.msk [tilespmem:v12+s4+$0x0], $0xffff  }
0x573: {  	[tilespmem:s18+$0xFFFFFE00] =	vst v15;
	v4 =	vld.idx.msk [tilespmem:v13+s4+$0x0], $0xffff  }
0x574: {  	s3 =	simm.s32 $0x1A8F0;
	s1 =	simm.s32 $0x0;
	[tilespmem:s18+$0x0] =	vst v8;
	v5 =	vld.idx.msk [tilespmem:v14+s4+$0x0], $0xffff  }
.LBB2_29:
0x575: {  	v6 =	vld [tilespmem:s3+$0x0];
	s1 =	sadd.s32 $0x10, s1;
	[tilespmem:s18+$0x10] =	vst v0  }
0x576: {  	v0 =	vld [tilespmem:s3+$0xFFFFFF20];
	p3 =	slt.u32 s1, $0x70;
	[tilespmem:s18+$0x20] =	vst v1  }
0x577: {  	v1 =	vld [tilespmem:s3+$0xFFFFFF30];
	[tilespmem:s18+$0x30] =	vst v2  }
0x578: {  	v2 =	vld [tilespmem:s3+$0xFFFFFF40];
	[tilespmem:s18+$0x40] =	vst v3  }
0x579: {  	v3 =	vld [tilespmem:s3+$0xFFFFFF50];
	[tilespmem:s18+$0x50] =	vst v4  }
0x57a: {  	v4 =	vld [tilespmem:s3+$0xFFFFFF60];
	[tilespmem:s18+$0x60] =	vst v5  }
0x57b: {  	v5 =	vld [tilespmem:s3+$0xFFFFFF70]  }
0x57c: {  	v7 =	vld [tilespmem:s3+$0xFFFFFF80]  }
0x57d: {  	v6 =	vld.idx.msk [tilespmem:v6+s4+$0x0], $0xffff  }
0x57e: {  	v8 =	vld [tilespmem:s3+$0xFFFFFF90]  }
0x57f: {  	v9 =	vld [tilespmem:s3+$0xFFFFFFA0]  }
0x580: {  	v10 =	vld [tilespmem:s3+$0xFFFFFFB0]  }
0x581: {  	v11 =	vld [tilespmem:s3+$0xFFFFFFC0]  }
0x582: {  	s18 =	sadd.s32 $0x400, s18;
	v12 =	vld [tilespmem:s3+$0xFFFFFFD0]  }
0x583: {  	v13 =	vld [tilespmem:s3+$0xFFFFFFE0];
	[tilespmem:s18+$0x70] =	vst v6  }
0x584: {  	v6 =	vld [tilespmem:s3+$0xFFFFFFF0]  }
0x585: {  	v14 =	vld [tilespmem:s3+$0xFFFFFF10]  }
0x586: {  	v0 =	vld.idx.msk [tilespmem:v0+s4+$0x0], $0xffff  }
0x587: {  	v1 =	vld.idx.msk [tilespmem:v1+s4+$0x0], $0xffff  }
0x588: {  	v2 =	vld.idx.msk [tilespmem:v2+s4+$0x0], $0xffff  }
0x589: {  	v3 =	vld.idx.msk [tilespmem:v3+s4+$0x0], $0xffff  }
0x58a: {  	v4 =	vld.idx.msk [tilespmem:v4+s4+$0x0], $0xffff  }
0x58b: {  	v5 =	vld.idx.msk [tilespmem:v5+s4+$0x0], $0xffff  }
0x58c: {  	[tilespmem:s18+$0xFFFFFE10] =	vst v0;
	v7 =	vld.idx.msk [tilespmem:v7+s4+$0x0], $0xffff  }
0x58d: {  	v14 =	vld.idx.msk [tilespmem:v14+s4+$0x0], $0xffff;
	[tilespmem:s18+$0xFFFFFE20] =	vst v1  }
0x58e: {  	[tilespmem:s18+$0xFFFFFE30] =	vst v2;
	v8 =	vld.idx.msk [tilespmem:v8+s4+$0x0], $0xffff  }
0x58f: {  	[tilespmem:s18+$0xFFFFFE40] =	vst v3;
	v0 =	vld.idx.msk [tilespmem:v9+s4+$0x0], $0xffff  }
.Ltmp17:
0x590: {  	[tilespmem:s18+$0xFFFFFE50] =	vst v4;
	v1 =	vld.idx.msk [tilespmem:v10+s4+$0x0], $0xffff;
	(pc) =	sbr.rel @p3 .LBB2_29-.Ltmp17, $4  }
0x591: {  	[tilespmem:s18+$0xFFFFFE60] =	vst v5;
	v2 =	vld.idx.msk [tilespmem:v11+s4+$0x0], $0xffff  }
0x592: {  	[tilespmem:s18+$0xFFFFFE70] =	vst v7;
	v3 =	vld.idx.msk [tilespmem:v12+s4+$0x0], $0xffff  }
0x593: {  	[tilespmem:s18+$0xFFFFFE00] =	vst v14;
	v4 =	vld.idx.msk [tilespmem:v13+s4+$0x0], $0xffff  }
0x594: {  	s3 =	sadd.s32 $0x100, s3;
	[tilespmem:s18+$0x0] =	vst v8;
	v5 =	vld.idx.msk [tilespmem:v6+s4+$0x0], $0xffff  }
0x595: {  	[tilespmem:s18+$0x10] =	vst v0  }
0x596: {  	[tilespmem:s18+$0x20] =	vst v1  }
0x597: {  	[tilespmem:s18+$0x30] =	vst v2  }
0x598: {  	[tilespmem:s18+$0x40] =	vst v3  }
0x599: {  	[tilespmem:s18+$0x50] =	vst v4  }
0x59a: {  	[tilespmem:s18+$0x60] =	vst v5  }
0x59b: {  	s1 =	rddreg [dreg:$0xb]  }
0x59c: {  	s1 =	sadd.s32 s16, s1  }
0x59d: {  	[hbm4b:s1+s4] =	stream.linear.scatter [tilespmem:s6], [sflag:$0x2], $0x80, $0x38;
	[tilespmem:$0x1E700] =	vst v63  }
0x59e: {  	s18 =	simm.s32 $0x1C900;
	s3 =	sadd.s32 $0x80, s1  }
0x59f: {  	[hbm4b:s3+s4] =	stream.linear.scatter [tilespmem:s18], [sflag:$0x2], $0x80, $0x38;
	[tilespmem:$0x1E700] =	vst v63  }
0x5a0: {  	s6 =	sadd.s32 $0x100, s1;
	s18 =	simm.s32 $0x1CB00  }
0x5a1: {  	[hbm4b:s6+s4] =	stream.linear.scatter [tilespmem:s18], [sflag:$0x2], $0x80, $0x38;
	[tilespmem:$0x1E700] =	vst v63  }
0x5a2: {  	s6 =	sadd.s32 $0x180, s1;
	s18 =	simm.s32 $0x1CD00  }
0x5a3: {  	[hbm4b:s6+s4] =	stream.linear.scatter [tilespmem:s18], [sflag:$0x2], $0x80, $0x38;
	[tilespmem:$0x1E700] =	vst v63  }
0x5a4: {  	s6 =	sadd.s32 $0x200, s1;
	s18 =	simm.s32 $0x1CF00  }
0x5a5: {  	[hbm4b:s6+s4] =	stream.linear.scatter [tilespmem:s18], [sflag:$0x2], $0x80, $0x38;
	[tilespmem:$0x1E700] =	vst v63  }
0x5a6: {  	s6 =	sadd.s32 $0x280, s1;
	s18 =	simm.s32 $0x1D100  }
0x5a7: {  	[hbm4b:s6+s4] =	stream.linear.scatter [tilespmem:s18], [sflag:$0x2], $0x80, $0x38;
	[tilespmem:$0x1E700] =	vst v63  }
0x5a8: {  	s6 =	sadd.s32 $0x300, s1;
	s18 =	simm.s32 $0x1D300  }
0x5a9: {  	[hbm4b:s6+s4] =	stream.linear.scatter [tilespmem:s18], [sflag:$0x2], $0x80, $0x38;
	[tilespmem:$0x1E700] =	vst v63  }
0x5aa: {  	s6 =	sadd.s32 $0x380, s1;
	s18 =	simm.s32 $0x1D500  }
0x5ab: {  	[hbm4b:s6+s4] =	stream.linear.scatter [tilespmem:s18], [sflag:$0x2], $0x80, $0x38;
	[tilespmem:$0x1E700] =	vst v63  }
0x5ac: {  	s6 =	sadd.s32 $0x400, s1;
	s18 =	simm.s32 $0x1D700  }
0x5ad: {  	[hbm4b:s6+s4] =	stream.linear.scatter [tilespmem:s18], [sflag:$0x2], $0x80, $0x38;
	[tilespmem:$0x1E700] =	vst v63  }
0x5ae: {  	s6 =	sadd.s32 $0x480, s1;
	s18 =	simm.s32 $0x1D900  }
0x5af: {  	[hbm4b:s6+s4] =	stream.linear.scatter [tilespmem:s18], [sflag:$0x2], $0x80, $0x38;
	[tilespmem:$0x1E700] =	vst v63  }
0x5b0: {  	s6 =	sadd.s32 $0x500, s1;
	s18 =	simm.s32 $0x1DB00  }
0x5b1: {  	[hbm4b:s6+s4] =	stream.linear.scatter [tilespmem:s18], [sflag:$0x2], $0x80, $0x38;
	[tilespmem:$0x1E700] =	vst v63  }
0x5b2: {  	s6 =	sadd.s32 $0x580, s1;
	s18 =	simm.s32 $0x1DD00  }
0x5b3: {  	[hbm4b:s6+s4] =	stream.linear.scatter [tilespmem:s18], [sflag:$0x2], $0x80, $0x38;
	[tilespmem:$0x1E700] =	vst v63  }
0x5b4: {  	s6 =	sadd.s32 $0x600, s1;
	s18 =	simm.s32 $0x1DF00  }
0x5b5: {  	[hbm4b:s6+s4] =	stream.linear.scatter [tilespmem:s18], [sflag:$0x2], $0x80, $0x38;
	[tilespmem:$0x1E700] =	vst v63  }
0x5b6: {  	s6 =	sadd.s32 $0x680, s1;
	s18 =	simm.s32 $0x1E100  }
0x5b7: {  	[hbm4b:s6+s4] =	stream.linear.scatter [tilespmem:s18], [sflag:$0x2], $0x80, $0x38;
	[tilespmem:$0x1E700] =	vst v63  }
0x5b8: {  	s6 =	sadd.s32 $0x700, s1;
	s18 =	simm.s32 $0x1E300  }
0x5b9: {  	[hbm4b:s6+s4] =	stream.linear.scatter [tilespmem:s18], [sflag:$0x2], $0x80, $0x38;
	[tilespmem:$0x1E700] =	vst v63  }
0x5ba: {  	s1 =	sadd.s32 $0x780, s1;
	s6 =	simm.s32 $0x1E500  }
0x5bb: {  	[hbm4b:s1+s4] =	stream.linear.scatter [tilespmem:s6], [sflag:$0x2], $0x80, $0x38;
	[tilespmem:$0x1E700] =	vst v63  }
0x5bc: {  	_ =	swait.ge [sflag:s2], $0x800  }
0x5bd: {  	[sflag:s2] =	ssyncset.done $0x0  }
0x5be: {  	s18 =	simm.s32 $0x1AFF0;
	[sflag:s2] =	ssyncadd.s32 $0xFFFFF800  }
0x5bf: {  	v0 =	vld [tilespmem:s18+$0x0]  }
0x5c0: {  	v1 =	vld [tilespmem:s18+$0xFFFFFF20]  }
0x5c1: {  	v2 =	vld [tilespmem:s18+$0xFFFFFF30]  }
0x5c2: {  	v3 =	vld [tilespmem:s18+$0xFFFFFF40]  }
0x5c3: {  	v4 =	vld [tilespmem:s18+$0xFFFFFF50]  }
0x5c4: {  	v5 =	vld [tilespmem:s18+$0xFFFFFF60]  }
0x5c5: {  	v6 =	vld [tilespmem:s18+$0xFFFFFF70]  }
0x5c6: {  	v7 =	vld [tilespmem:s18+$0xFFFFFF80]  }
0x5c7: {  	v8 =	vld [tilespmem:s18+$0xFFFFFF90]  }
0x5c8: {  	v9 =	vld [tilespmem:s18+$0xFFFFFFA0]  }
0x5c9: {  	v10 =	vld [tilespmem:s18+$0xFFFFFFB0]  }
0x5ca: {  	v11 =	vld [tilespmem:s18+$0xFFFFFFC0]  }
0x5cb: {  	v12 =	vld [tilespmem:s18+$0xFFFFFFD0]  }
0x5cc: {  	v13 =	vld [tilespmem:s18+$0xFFFFFFE0]  }
0x5cd: {  	v14 =	vld [tilespmem:s18+$0xFFFFFFF0]  }
0x5ce: {  	v15 =	vld [tilespmem:s18+$0xFFFFFF10]  }
0x5cf: {  	v0 =	vld.idx.msk [tilespmem:v0+s4+$0x0], $0xffff  }
0x5d0: {  	v1 =	vld.idx.msk [tilespmem:v1+s4+$0x0], $0xffff  }
0x5d1: {  	v2 =	vld.idx.msk [tilespmem:v2+s4+$0x0], $0xffff  }
0x5d2: {  	v3 =	vld.idx.msk [tilespmem:v3+s4+$0x0], $0xffff  }
0x5d3: {  	v4 =	vld.idx.msk [tilespmem:v4+s4+$0x0], $0xffff  }
0x5d4: {  	s18 =	simm.s32 $0x1C980;
	v5 =	vld.idx.msk [tilespmem:v5+s4+$0x0], $0xffff  }
0x5d5: {  	v6 =	vld.idx.msk [tilespmem:v6+s4+$0x0], $0xffff;
	[tilespmem:s18+$0x70] =	vst v0  }
0x5d6: {  	v7 =	vld.idx.msk [tilespmem:v7+s4+$0x0], $0xffff;
	[tilespmem:s18+$0xFFFFFE10] =	vst v1  }
0x5d7: {  	v15 =	vld.idx.msk [tilespmem:v15+s4+$0x0], $0xffff;
	[tilespmem:s18+$0xFFFFFE20] =	vst v2  }
0x5d8: {  	v8 =	vld.idx.msk [tilespmem:v8+s4+$0x0], $0xffff;
	[tilespmem:s18+$0xFFFFFE30] =	vst v3  }
0x5d9: {  	[tilespmem:s18+$0xFFFFFE40] =	vst v4;
	v0 =	vld.idx.msk [tilespmem:v9+s4+$0x0], $0xffff  }
0x5da: {  	[tilespmem:s18+$0xFFFFFE50] =	vst v5;
	v1 =	vld.idx.msk [tilespmem:v10+s4+$0x0], $0xffff  }
0x5db: {  	[tilespmem:s18+$0xFFFFFE60] =	vst v6;
	v2 =	vld.idx.msk [tilespmem:v11+s4+$0x0], $0xffff  }
0x5dc: {  	[tilespmem:s18+$0xFFFFFE70] =	vst v7;
	v3 =	vld.idx.msk [tilespmem:v12+s4+$0x0], $0xffff  }
0x5dd: {  	[tilespmem:s18+$0xFFFFFE00] =	vst v15;
	v4 =	vld.idx.msk [tilespmem:v13+s4+$0x0], $0xffff  }
0x5de: {  	s3 =	simm.s32 $0x1B0F0;
	s1 =	simm.s32 $0x0;
	[tilespmem:s18+$0x0] =	vst v8;
	v5 =	vld.idx.msk [tilespmem:v14+s4+$0x0], $0xffff  }
.LBB2_31:
0x5df: {  	v6 =	vld [tilespmem:s3+$0x0];
	s1 =	sadd.s32 $0x10, s1;
	[tilespmem:s18+$0x10] =	vst v0  }
0x5e0: {  	v0 =	vld [tilespmem:s3+$0xFFFFFF20];
	p3 =	slt.u32 s1, $0x70;
	[tilespmem:s18+$0x20] =	vst v1  }
0x5e1: {  	v1 =	vld [tilespmem:s3+$0xFFFFFF30];
	[tilespmem:s18+$0x30] =	vst v2  }
0x5e2: {  	v2 =	vld [tilespmem:s3+$0xFFFFFF40];
	[tilespmem:s18+$0x40] =	vst v3  }
0x5e3: {  	v3 =	vld [tilespmem:s3+$0xFFFFFF50];
	[tilespmem:s18+$0x50] =	vst v4  }
0x5e4: {  	v4 =	vld [tilespmem:s3+$0xFFFFFF60];
	[tilespmem:s18+$0x60] =	vst v5  }
0x5e5: {  	v5 =	vld [tilespmem:s3+$0xFFFFFF70]  }
0x5e6: {  	v7 =	vld [tilespmem:s3+$0xFFFFFF80]  }
0x5e7: {  	v6 =	vld.idx.msk [tilespmem:v6+s4+$0x0], $0xffff  }
0x5e8: {  	v8 =	vld [tilespmem:s3+$0xFFFFFF90]  }
0x5e9: {  	v9 =	vld [tilespmem:s3+$0xFFFFFFA0]  }
0x5ea: {  	v10 =	vld [tilespmem:s3+$0xFFFFFFB0]  }
0x5eb: {  	v11 =	vld [tilespmem:s3+$0xFFFFFFC0]  }
0x5ec: {  	s18 =	sadd.s32 $0x400, s18;
	v12 =	vld [tilespmem:s3+$0xFFFFFFD0]  }
0x5ed: {  	v13 =	vld [tilespmem:s3+$0xFFFFFFE0];
	[tilespmem:s18+$0x70] =	vst v6  }
0x5ee: {  	v6 =	vld [tilespmem:s3+$0xFFFFFFF0]  }
0x5ef: {  	v14 =	vld [tilespmem:s3+$0xFFFFFF10]  }
0x5f0: {  	v0 =	vld.idx.msk [tilespmem:v0+s4+$0x0], $0xffff  }
0x5f1: {  	v1 =	vld.idx.msk [tilespmem:v1+s4+$0x0], $0xffff  }
0x5f2: {  	v2 =	vld.idx.msk [tilespmem:v2+s4+$0x0], $0xffff  }
0x5f3: {  	v3 =	vld.idx.msk [tilespmem:v3+s4+$0x0], $0xffff  }
0x5f4: {  	v4 =	vld.idx.msk [tilespmem:v4+s4+$0x0], $0xffff  }
0x5f5: {  	v5 =	vld.idx.msk [tilespmem:v5+s4+$0x0], $0xffff  }
0x5f6: {  	[tilespmem:s18+$0xFFFFFE10] =	vst v0;
	v7 =	vld.idx.msk [tilespmem:v7+s4+$0x0], $0xffff  }
0x5f7: {  	v14 =	vld.idx.msk [tilespmem:v14+s4+$0x0], $0xffff;
	[tilespmem:s18+$0xFFFFFE20] =	vst v1  }
0x5f8: {  	[tilespmem:s18+$0xFFFFFE30] =	vst v2;
	v8 =	vld.idx.msk [tilespmem:v8+s4+$0x0], $0xffff  }
0x5f9: {  	[tilespmem:s18+$0xFFFFFE40] =	vst v3;
	v0 =	vld.idx.msk [tilespmem:v9+s4+$0x0], $0xffff  }
.Ltmp18:
0x5fa: {  	[tilespmem:s18+$0xFFFFFE50] =	vst v4;
	v1 =	vld.idx.msk [tilespmem:v10+s4+$0x0], $0xffff;
	(pc) =	sbr.rel @p3 .LBB2_31-.Ltmp18, $4  }
0x5fb: {  	[tilespmem:s18+$0xFFFFFE60] =	vst v5;
	v2 =	vld.idx.msk [tilespmem:v11+s4+$0x0], $0xffff  }
0x5fc: {  	[tilespmem:s18+$0xFFFFFE70] =	vst v7;
	v3 =	vld.idx.msk [tilespmem:v12+s4+$0x0], $0xffff  }
0x5fd: {  	[tilespmem:s18+$0xFFFFFE00] =	vst v14;
	v4 =	vld.idx.msk [tilespmem:v13+s4+$0x0], $0xffff  }
0x5fe: {  	s3 =	sadd.s32 $0x100, s3;
	[tilespmem:s18+$0x0] =	vst v8;
	v5 =	vld.idx.msk [tilespmem:v6+s4+$0x0], $0xffff  }
0x5ff: {  	[tilespmem:s18+$0x10] =	vst v0  }
0x600: {  	[tilespmem:s18+$0x20] =	vst v1  }
0x601: {  	[tilespmem:s18+$0x30] =	vst v2  }
0x602: {  	[tilespmem:s18+$0x40] =	vst v3  }
0x603: {  	[tilespmem:s18+$0x50] =	vst v4  }
0x604: {  	[tilespmem:s18+$0x60] =	vst v5  }
0x605: {  	s1 =	rddreg [dreg:$0xc]  }
0x606: {  	s1 =	sadd.s32 s16, s1  }
0x607: {  	[hbm4b:s1+s4] =	stream.linear.scatter [tilespmem:s22], [sflag:$0x3], $0x80, $0x38;
	[tilespmem:$0x1E700] =	vst v63  }
0x608: {  	s6 =	simm.s32 $0x1C980;
	s3 =	sadd.s32 $0x80, s1  }
0x609: {  	[hbm4b:s3+s4] =	stream.linear.scatter [tilespmem:s6], [sflag:$0x3], $0x80, $0x38;
	[tilespmem:$0x1E700] =	vst v63  }
0x60a: {  	s18 =	sadd.s32 $0x100, s1;
	s22 =	simm.s32 $0x1CB80  }
0x60b: {  	[hbm4b:s18+s4] =	stream.linear.scatter [tilespmem:s22], [sflag:$0x3], $0x80, $0x38;
	[tilespmem:$0x1E700] =	vst v63  }
0x60c: {  	s18 =	sadd.s32 $0x180, s1;
	s22 =	simm.s32 $0x1CD80  }
0x60d: {  	[hbm4b:s18+s4] =	stream.linear.scatter [tilespmem:s22], [sflag:$0x3], $0x80, $0x38;
	[tilespmem:$0x1E700] =	vst v63  }
0x60e: {  	s18 =	sadd.s32 $0x200, s1;
	s22 =	simm.s32 $0x1CF80  }
0x60f: {  	[hbm4b:s18+s4] =	stream.linear.scatter [tilespmem:s22], [sflag:$0x3], $0x80, $0x38;
	[tilespmem:$0x1E700] =	vst v63  }
0x610: {  	s18 =	sadd.s32 $0x280, s1;
	s22 =	simm.s32 $0x1D180  }
0x611: {  	[hbm4b:s18+s4] =	stream.linear.scatter [tilespmem:s22], [sflag:$0x3], $0x80, $0x38;
	[tilespmem:$0x1E700] =	vst v63  }
0x612: {  	s18 =	sadd.s32 $0x300, s1;
	s22 =	simm.s32 $0x1D380  }
0x613: {  	[hbm4b:s18+s4] =	stream.linear.scatter [tilespmem:s22], [sflag:$0x3], $0x80, $0x38;
	[tilespmem:$0x1E700] =	vst v63  }
0x614: {  	s18 =	sadd.s32 $0x380, s1;
	s22 =	simm.s32 $0x1D580  }
0x615: {  	[hbm4b:s18+s4] =	stream.linear.scatter [tilespmem:s22], [sflag:$0x3], $0x80, $0x38;
	[tilespmem:$0x1E700] =	vst v63  }
0x616: {  	s18 =	sadd.s32 $0x400, s1;
	s22 =	simm.s32 $0x1D780  }
0x617: {  	[hbm4b:s18+s4] =	stream.linear.scatter [tilespmem:s22], [sflag:$0x3], $0x80, $0x38;
	[tilespmem:$0x1E700] =	vst v63  }
0x618: {  	s18 =	sadd.s32 $0x480, s1;
	s22 =	simm.s32 $0x1D980  }
0x619: {  	[hbm4b:s18+s4] =	stream.linear.scatter [tilespmem:s22], [sflag:$0x3], $0x80, $0x38;
	[tilespmem:$0x1E700] =	vst v63  }
0x61a: {  	s18 =	sadd.s32 $0x500, s1;
	s22 =	simm.s32 $0x1DB80  }
0x61b: {  	[hbm4b:s18+s4] =	stream.linear.scatter [tilespmem:s22], [sflag:$0x3], $0x80, $0x38;
	[tilespmem:$0x1E700] =	vst v63  }
0x61c: {  	s18 =	sadd.s32 $0x580, s1;
	s22 =	simm.s32 $0x1DD80  }
0x61d: {  	[hbm4b:s18+s4] =	stream.linear.scatter [tilespmem:s22], [sflag:$0x3], $0x80, $0x38;
	[tilespmem:$0x1E700] =	vst v63  }
0x61e: {  	s18 =	sadd.s32 $0x600, s1;
	s22 =	simm.s32 $0x1DF80  }
0x61f: {  	[hbm4b:s18+s4] =	stream.linear.scatter [tilespmem:s22], [sflag:$0x3], $0x80, $0x38;
	[tilespmem:$0x1E700] =	vst v63  }
0x620: {  	s18 =	sadd.s32 $0x680, s1;
	s22 =	simm.s32 $0x1E180  }
0x621: {  	[hbm4b:s18+s4] =	stream.linear.scatter [tilespmem:s22], [sflag:$0x3], $0x80, $0x38;
	[tilespmem:$0x1E700] =	vst v63  }
0x622: {  	s18 =	sadd.s32 $0x700, s1;
	s22 =	simm.s32 $0x1E380  }
0x623: {  	[hbm4b:s18+s4] =	stream.linear.scatter [tilespmem:s22], [sflag:$0x3], $0x80, $0x38;
	[tilespmem:$0x1E700] =	vst v63  }
0x624: {  	s1 =	sadd.s32 $0x780, s1;
	s18 =	simm.s32 $0x1E580  }
0x625: {  	[hbm4b:s1+s4] =	stream.linear.scatter [tilespmem:s18], [sflag:$0x3], $0x80, $0x38;
	[tilespmem:$0x1E700] =	vst v63  }
0x626: {  	_ =	swait.ge [sflag:s0], $0x800  }
0x627: {  	[sflag:s0] =	ssyncset.done $0x0  }
0x628: {  	s22 =	simm.s32 $0x1B7F0;
	[sflag:s0] =	ssyncadd.s32 $0xFFFFF800  }
0x629: {  	v0 =	vld [tilespmem:s22+$0x0]  }
0x62a: {  	v1 =	vld [tilespmem:s22+$0xFFFFFF20]  }
0x62b: {  	v2 =	vld [tilespmem:s22+$0xFFFFFF30]  }
0x62c: {  	v3 =	vld [tilespmem:s22+$0xFFFFFF40]  }
0x62d: {  	v4 =	vld [tilespmem:s22+$0xFFFFFF50]  }
0x62e: {  	v5 =	vld [tilespmem:s22+$0xFFFFFF60]  }
0x62f: {  	v6 =	vld [tilespmem:s22+$0xFFFFFF70]  }
0x630: {  	v7 =	vld [tilespmem:s22+$0xFFFFFF80]  }
0x631: {  	v8 =	vld [tilespmem:s22+$0xFFFFFF90]  }
0x632: {  	v9 =	vld [tilespmem:s22+$0xFFFFFFA0]  }
0x633: {  	v10 =	vld [tilespmem:s22+$0xFFFFFFB0]  }
0x634: {  	v11 =	vld [tilespmem:s22+$0xFFFFFFC0]  }
0x635: {  	v12 =	vld [tilespmem:s22+$0xFFFFFFD0]  }
0x636: {  	v13 =	vld [tilespmem:s22+$0xFFFFFFE0]  }
0x637: {  	v14 =	vld [tilespmem:s22+$0xFFFFFFF0]  }
0x638: {  	v15 =	vld [tilespmem:s22+$0xFFFFFF10]  }
0x639: {  	v0 =	vld.idx.msk [tilespmem:v0+s4+$0x0], $0xffff  }
0x63a: {  	v1 =	vld.idx.msk [tilespmem:v1+s4+$0x0], $0xffff  }
0x63b: {  	v2 =	vld.idx.msk [tilespmem:v2+s4+$0x0], $0xffff  }
0x63c: {  	v3 =	vld.idx.msk [tilespmem:v3+s4+$0x0], $0xffff  }
0x63d: {  	v4 =	vld.idx.msk [tilespmem:v4+s4+$0x0], $0xffff  }
0x63e: {  	s18 =	simm.s32 $0x1CA00;
	v5 =	vld.idx.msk [tilespmem:v5+s4+$0x0], $0xffff  }
0x63f: {  	v6 =	vld.idx.msk [tilespmem:v6+s4+$0x0], $0xffff;
	[tilespmem:s18+$0x70] =	vst v0  }
0x640: {  	v7 =	vld.idx.msk [tilespmem:v7+s4+$0x0], $0xffff;
	[tilespmem:s18+$0xFFFFFE10] =	vst v1  }
0x641: {  	v15 =	vld.idx.msk [tilespmem:v15+s4+$0x0], $0xffff;
	[tilespmem:s18+$0xFFFFFE20] =	vst v2  }
0x642: {  	v8 =	vld.idx.msk [tilespmem:v8+s4+$0x0], $0xffff;
	[tilespmem:s18+$0xFFFFFE30] =	vst v3  }
0x643: {  	[tilespmem:s18+$0xFFFFFE40] =	vst v4;
	v0 =	vld.idx.msk [tilespmem:v9+s4+$0x0], $0xffff  }
0x644: {  	[tilespmem:s18+$0xFFFFFE50] =	vst v5;
	v1 =	vld.idx.msk [tilespmem:v10+s4+$0x0], $0xffff  }
0x645: {  	[tilespmem:s18+$0xFFFFFE60] =	vst v6;
	v2 =	vld.idx.msk [tilespmem:v11+s4+$0x0], $0xffff  }
0x646: {  	[tilespmem:s18+$0xFFFFFE70] =	vst v7;
	v3 =	vld.idx.msk [tilespmem:v12+s4+$0x0], $0xffff  }
0x647: {  	[tilespmem:s18+$0xFFFFFE00] =	vst v15;
	v4 =	vld.idx.msk [tilespmem:v13+s4+$0x0], $0xffff  }
0x648: {  	s3 =	simm.s32 $0x1B8F0;
	s1 =	simm.s32 $0x0;
	[tilespmem:s18+$0x0] =	vst v8;
	v5 =	vld.idx.msk [tilespmem:v14+s4+$0x0], $0xffff  }
.LBB2_33:
0x649: {  	v6 =	vld [tilespmem:s3+$0x0];
	s1 =	sadd.s32 $0x10, s1;
	[tilespmem:s18+$0x10] =	vst v0  }
0x64a: {  	v0 =	vld [tilespmem:s3+$0xFFFFFF20];
	p3 =	slt.u32 s1, $0x70;
	[tilespmem:s18+$0x20] =	vst v1  }
0x64b: {  	v1 =	vld [tilespmem:s3+$0xFFFFFF30];
	[tilespmem:s18+$0x30] =	vst v2  }
0x64c: {  	v2 =	vld [tilespmem:s3+$0xFFFFFF40];
	[tilespmem:s18+$0x40] =	vst v3  }
0x64d: {  	v3 =	vld [tilespmem:s3+$0xFFFFFF50];
	[tilespmem:s18+$0x50] =	vst v4  }
0x64e: {  	v4 =	vld [tilespmem:s3+$0xFFFFFF60];
	[tilespmem:s18+$0x60] =	vst v5  }
0x64f: {  	v5 =	vld [tilespmem:s3+$0xFFFFFF70]  }
0x650: {  	v7 =	vld [tilespmem:s3+$0xFFFFFF80]  }
0x651: {  	v6 =	vld.idx.msk [tilespmem:v6+s4+$0x0], $0xffff  }
0x652: {  	v8 =	vld [tilespmem:s3+$0xFFFFFF90]  }
0x653: {  	v9 =	vld [tilespmem:s3+$0xFFFFFFA0]  }
0x654: {  	v10 =	vld [tilespmem:s3+$0xFFFFFFB0]  }
0x655: {  	v11 =	vld [tilespmem:s3+$0xFFFFFFC0]  }
0x656: {  	s18 =	sadd.s32 $0x400, s18;
	v12 =	vld [tilespmem:s3+$0xFFFFFFD0]  }
0x657: {  	v13 =	vld [tilespmem:s3+$0xFFFFFFE0];
	[tilespmem:s18+$0x70] =	vst v6  }
0x658: {  	v6 =	vld [tilespmem:s3+$0xFFFFFFF0]  }
0x659: {  	v14 =	vld [tilespmem:s3+$0xFFFFFF10]  }
0x65a: {  	v0 =	vld.idx.msk [tilespmem:v0+s4+$0x0], $0xffff  }
0x65b: {  	v1 =	vld.idx.msk [tilespmem:v1+s4+$0x0], $0xffff  }
0x65c: {  	v2 =	vld.idx.msk [tilespmem:v2+s4+$0x0], $0xffff  }
0x65d: {  	v3 =	vld.idx.msk [tilespmem:v3+s4+$0x0], $0xffff  }
0x65e: {  	v4 =	vld.idx.msk [tilespmem:v4+s4+$0x0], $0xffff  }
0x65f: {  	v5 =	vld.idx.msk [tilespmem:v5+s4+$0x0], $0xffff  }
0x660: {  	[tilespmem:s18+$0xFFFFFE10] =	vst v0;
	v7 =	vld.idx.msk [tilespmem:v7+s4+$0x0], $0xffff  }
0x661: {  	v14 =	vld.idx.msk [tilespmem:v14+s4+$0x0], $0xffff;
	[tilespmem:s18+$0xFFFFFE20] =	vst v1  }
0x662: {  	[tilespmem:s18+$0xFFFFFE30] =	vst v2;
	v8 =	vld.idx.msk [tilespmem:v8+s4+$0x0], $0xffff  }
0x663: {  	[tilespmem:s18+$0xFFFFFE40] =	vst v3;
	v0 =	vld.idx.msk [tilespmem:v9+s4+$0x0], $0xffff  }
.Ltmp19:
0x664: {  	[tilespmem:s18+$0xFFFFFE50] =	vst v4;
	v1 =	vld.idx.msk [tilespmem:v10+s4+$0x0], $0xffff;
	(pc) =	sbr.rel @p3 .LBB2_33-.Ltmp19, $4  }
0x665: {  	[tilespmem:s18+$0xFFFFFE60] =	vst v5;
	v2 =	vld.idx.msk [tilespmem:v11+s4+$0x0], $0xffff  }
0x666: {  	[tilespmem:s18+$0xFFFFFE70] =	vst v7;
	v3 =	vld.idx.msk [tilespmem:v12+s4+$0x0], $0xffff  }
0x667: {  	[tilespmem:s18+$0xFFFFFE00] =	vst v14;
	v4 =	vld.idx.msk [tilespmem:v13+s4+$0x0], $0xffff  }
0x668: {  	s3 =	sadd.s32 $0x100, s3;
	[tilespmem:s18+$0x0] =	vst v8;
	v5 =	vld.idx.msk [tilespmem:v6+s4+$0x0], $0xffff  }
0x669: {  	[tilespmem:s18+$0x10] =	vst v0  }
0x66a: {  	[tilespmem:s18+$0x20] =	vst v1  }
0x66b: {  	[tilespmem:s18+$0x30] =	vst v2  }
0x66c: {  	[tilespmem:s18+$0x40] =	vst v3  }
0x66d: {  	[tilespmem:s18+$0x50] =	vst v4  }
0x66e: {  	[tilespmem:s18+$0x60] =	vst v5  }
0x66f: {  	s1 =	rddreg [dreg:$0xd]  }
0x670: {  	s3 =	simm.s32 $0x1C800;
	s1 =	sadd.s32 s16, s1  }
0x671: {  	[hbm4b:s1+s4] =	stream.linear.scatter [tilespmem:s3], [sflag:$0x4], $0x80, $0x38;
	[tilespmem:$0x1E700] =	vst v63  }
0x672: {  	s6 =	simm.s32 $0x1CA00;
	s22 =	sadd.s32 $0x80, s1  }
0x673: {  	[hbm4b:s22+s4] =	stream.linear.scatter [tilespmem:s6], [sflag:$0x4], $0x80, $0x38;
	[tilespmem:$0x1E700] =	vst v63  }
0x674: {  	s18 =	sadd.s32 $0x100, s1;
	s22 =	simm.s32 $0x1CC00  }
0x675: {  	[hbm4b:s18+s4] =	stream.linear.scatter [tilespmem:s22], [sflag:$0x4], $0x80, $0x38;
	[tilespmem:$0x1E700] =	vst v63  }
0x676: {  	s18 =	sadd.s32 $0x180, s1;
	s22 =	simm.s32 $0x1CE00  }
0x677: {  	[hbm4b:s18+s4] =	stream.linear.scatter [tilespmem:s22], [sflag:$0x4], $0x80, $0x38;
	[tilespmem:$0x1E700] =	vst v63  }
0x678: {  	s18 =	sadd.s32 $0x200, s1;
	s22 =	simm.s32 $0x1D000  }
0x679: {  	[hbm4b:s18+s4] =	stream.linear.scatter [tilespmem:s22], [sflag:$0x4], $0x80, $0x38;
	[tilespmem:$0x1E700] =	vst v63  }
0x67a: {  	s18 =	sadd.s32 $0x280, s1;
	s22 =	simm.s32 $0x1D200  }
0x67b: {  	[hbm4b:s18+s4] =	stream.linear.scatter [tilespmem:s22], [sflag:$0x4], $0x80, $0x38;
	[tilespmem:$0x1E700] =	vst v63  }
0x67c: {  	s18 =	sadd.s32 $0x300, s1;
	s22 =	simm.s32 $0x1D400  }
0x67d: {  	[hbm4b:s18+s4] =	stream.linear.scatter [tilespmem:s22], [sflag:$0x4], $0x80, $0x38;
	[tilespmem:$0x1E700] =	vst v63  }
0x67e: {  	s18 =	sadd.s32 $0x380, s1;
	s22 =	simm.s32 $0x1D600  }
0x67f: {  	[hbm4b:s18+s4] =	stream.linear.scatter [tilespmem:s22], [sflag:$0x4], $0x80, $0x38;
	[tilespmem:$0x1E700] =	vst v63  }
0x680: {  	s18 =	sadd.s32 $0x400, s1;
	s22 =	simm.s32 $0x1D800  }
0x681: {  	[hbm4b:s18+s4] =	stream.linear.scatter [tilespmem:s22], [sflag:$0x4], $0x80, $0x38;
	[tilespmem:$0x1E700] =	vst v63  }
0x682: {  	s18 =	sadd.s32 $0x480, s1;
	s22 =	simm.s32 $0x1DA00  }
0x683: {  	[hbm4b:s18+s4] =	stream.linear.scatter [tilespmem:s22], [sflag:$0x4], $0x80, $0x38;
	[tilespmem:$0x1E700] =	vst v63  }
0x684: {  	s18 =	sadd.s32 $0x500, s1;
	s22 =	simm.s32 $0x1DC00  }
0x685: {  	[hbm4b:s18+s4] =	stream.linear.scatter [tilespmem:s22], [sflag:$0x4], $0x80, $0x38;
	[tilespmem:$0x1E700] =	vst v63  }
0x686: {  	s18 =	sadd.s32 $0x580, s1;
	s22 =	simm.s32 $0x1DE00  }
0x687: {  	[hbm4b:s18+s4] =	stream.linear.scatter [tilespmem:s22], [sflag:$0x4], $0x80, $0x38;
	[tilespmem:$0x1E700] =	vst v63  }
0x688: {  	s18 =	sadd.s32 $0x600, s1;
	s22 =	simm.s32 $0x1E000  }
0x689: {  	[hbm4b:s18+s4] =	stream.linear.scatter [tilespmem:s22], [sflag:$0x4], $0x80, $0x38;
	[tilespmem:$0x1E700] =	vst v63  }
0x68a: {  	s18 =	sadd.s32 $0x680, s1;
	s22 =	simm.s32 $0x1E200  }
0x68b: {  	[hbm4b:s18+s4] =	stream.linear.scatter [tilespmem:s22], [sflag:$0x4], $0x80, $0x38;
	[tilespmem:$0x1E700] =	vst v63  }
0x68c: {  	s18 =	sadd.s32 $0x700, s1  }
0x68d: {  	[hbm4b:s18+s4] =	stream.linear.scatter [tilespmem:s8], [sflag:$0x4], $0x80, $0x38;
	[tilespmem:$0x1E700] =	vst v63  }
0x68e: {  	s1 =	sadd.s32 $0x780, s1  }
0x68f: {  	[hbm4b:s1+s4] =	stream.linear.scatter [tilespmem:s17], [sflag:$0x4], $0x80, $0x38;
	[tilespmem:$0x1E700] =	vst v63  }
0x690: {  	_ =	swait.ge [sflag:s21], $0x800  }
0x691: {  	[sflag:s21] =	ssyncset.done $0x0  }
0x692: {  	s22 =	simm.s32 $0x1BFF0;
	[sflag:s21] =	ssyncadd.s32 $0xFFFFF800  }
0x693: {  	v0 =	vld [tilespmem:s22+$0x0]  }
0x694: {  	v1 =	vld [tilespmem:s22+$0xFFFFFF20]  }
0x695: {  	v2 =	vld [tilespmem:s22+$0xFFFFFF30]  }
0x696: {  	v3 =	vld [tilespmem:s22+$0xFFFFFF40]  }
0x697: {  	v4 =	vld [tilespmem:s22+$0xFFFFFF50]  }
0x698: {  	v5 =	vld [tilespmem:s22+$0xFFFFFF60]  }
0x699: {  	v6 =	vld [tilespmem:s22+$0xFFFFFF70]  }
0x69a: {  	v7 =	vld [tilespmem:s22+$0xFFFFFF80]  }
0x69b: {  	v8 =	vld [tilespmem:s22+$0xFFFFFF90]  }
0x69c: {  	v9 =	vld [tilespmem:s22+$0xFFFFFFA0]  }
0x69d: {  	v10 =	vld [tilespmem:s22+$0xFFFFFFB0]  }
0x69e: {  	v11 =	vld [tilespmem:s22+$0xFFFFFFC0]  }
0x69f: {  	v12 =	vld [tilespmem:s22+$0xFFFFFFD0]  }
0x6a0: {  	v13 =	vld [tilespmem:s22+$0xFFFFFFE0]  }
0x6a1: {  	v14 =	vld [tilespmem:s22+$0xFFFFFFF0]  }
0x6a2: {  	v15 =	vld [tilespmem:s22+$0xFFFFFF10]  }
0x6a3: {  	v0 =	vld.idx.msk [tilespmem:v0+s4+$0x0], $0xffff  }
0x6a4: {  	v1 =	vld.idx.msk [tilespmem:v1+s4+$0x0], $0xffff  }
0x6a5: {  	v2 =	vld.idx.msk [tilespmem:v2+s4+$0x0], $0xffff  }
0x6a6: {  	v3 =	vld.idx.msk [tilespmem:v3+s4+$0x0], $0xffff  }
0x6a7: {  	v4 =	vld.idx.msk [tilespmem:v4+s4+$0x0], $0xffff  }
0x6a8: {  	s18 =	simm.s32 $0x1CA80;
	v5 =	vld.idx.msk [tilespmem:v5+s4+$0x0], $0xffff  }
0x6a9: {  	v6 =	vld.idx.msk [tilespmem:v6+s4+$0x0], $0xffff;
	[tilespmem:s18+$0x70] =	vst v0  }
0x6aa: {  	v7 =	vld.idx.msk [tilespmem:v7+s4+$0x0], $0xffff;
	[tilespmem:s18+$0xFFFFFE10] =	vst v1  }
0x6ab: {  	v15 =	vld.idx.msk [tilespmem:v15+s4+$0x0], $0xffff;
	[tilespmem:s18+$0xFFFFFE20] =	vst v2  }
0x6ac: {  	v8 =	vld.idx.msk [tilespmem:v8+s4+$0x0], $0xffff;
	[tilespmem:s18+$0xFFFFFE30] =	vst v3  }
0x6ad: {  	[tilespmem:s18+$0xFFFFFE40] =	vst v4;
	v0 =	vld.idx.msk [tilespmem:v9+s4+$0x0], $0xffff  }
0x6ae: {  	[tilespmem:s18+$0xFFFFFE50] =	vst v5;
	v1 =	vld.idx.msk [tilespmem:v10+s4+$0x0], $0xffff  }
0x6af: {  	[tilespmem:s18+$0xFFFFFE60] =	vst v6;
	v2 =	vld.idx.msk [tilespmem:v11+s4+$0x0], $0xffff  }
0x6b0: {  	[tilespmem:s18+$0xFFFFFE70] =	vst v7;
	v3 =	vld.idx.msk [tilespmem:v12+s4+$0x0], $0xffff  }
0x6b1: {  	[tilespmem:s18+$0xFFFFFE00] =	vst v15;
	v4 =	vld.idx.msk [tilespmem:v13+s4+$0x0], $0xffff  }
0x6b2: {  	s3 =	simm.s32 $0x1C0F0;
	s1 =	simm.s32 $0x0;
	[tilespmem:s18+$0x0] =	vst v8;
	v5 =	vld.idx.msk [tilespmem:v14+s4+$0x0], $0xffff  }
.LBB2_35:
0x6b3: {  	v6 =	vld [tilespmem:s3+$0x0];
	s1 =	sadd.s32 $0x10, s1;
	[tilespmem:s18+$0x10] =	vst v0  }
0x6b4: {  	v0 =	vld [tilespmem:s3+$0xFFFFFF20];
	p3 =	slt.u32 s1, $0x70;
	[tilespmem:s18+$0x20] =	vst v1  }
0x6b5: {  	v1 =	vld [tilespmem:s3+$0xFFFFFF30];
	[tilespmem:s18+$0x30] =	vst v2  }
0x6b6: {  	v2 =	vld [tilespmem:s3+$0xFFFFFF40];
	[tilespmem:s18+$0x40] =	vst v3  }
0x6b7: {  	v3 =	vld [tilespmem:s3+$0xFFFFFF50];
	[tilespmem:s18+$0x50] =	vst v4  }
0x6b8: {  	v4 =	vld [tilespmem:s3+$0xFFFFFF60];
	[tilespmem:s18+$0x60] =	vst v5  }
0x6b9: {  	v5 =	vld [tilespmem:s3+$0xFFFFFF70]  }
0x6ba: {  	v7 =	vld [tilespmem:s3+$0xFFFFFF80]  }
0x6bb: {  	v6 =	vld.idx.msk [tilespmem:v6+s4+$0x0], $0xffff  }
0x6bc: {  	v8 =	vld [tilespmem:s3+$0xFFFFFF90]  }
0x6bd: {  	v9 =	vld [tilespmem:s3+$0xFFFFFFA0]  }
0x6be: {  	v10 =	vld [tilespmem:s3+$0xFFFFFFB0]  }
0x6bf: {  	v11 =	vld [tilespmem:s3+$0xFFFFFFC0]  }
0x6c0: {  	s18 =	sadd.s32 $0x400, s18;
	v12 =	vld [tilespmem:s3+$0xFFFFFFD0]  }
0x6c1: {  	v13 =	vld [tilespmem:s3+$0xFFFFFFE0];
	[tilespmem:s18+$0x70] =	vst v6  }
0x6c2: {  	v6 =	vld [tilespmem:s3+$0xFFFFFFF0]  }
0x6c3: {  	v14 =	vld [tilespmem:s3+$0xFFFFFF10]  }
0x6c4: {  	v0 =	vld.idx.msk [tilespmem:v0+s4+$0x0], $0xffff  }
0x6c5: {  	v1 =	vld.idx.msk [tilespmem:v1+s4+$0x0], $0xffff  }
0x6c6: {  	v2 =	vld.idx.msk [tilespmem:v2+s4+$0x0], $0xffff  }
0x6c7: {  	v3 =	vld.idx.msk [tilespmem:v3+s4+$0x0], $0xffff  }
0x6c8: {  	v4 =	vld.idx.msk [tilespmem:v4+s4+$0x0], $0xffff  }
0x6c9: {  	v5 =	vld.idx.msk [tilespmem:v5+s4+$0x0], $0xffff  }
0x6ca: {  	[tilespmem:s18+$0xFFFFFE10] =	vst v0;
	v7 =	vld.idx.msk [tilespmem:v7+s4+$0x0], $0xffff  }
0x6cb: {  	v14 =	vld.idx.msk [tilespmem:v14+s4+$0x0], $0xffff;
	[tilespmem:s18+$0xFFFFFE20] =	vst v1  }
0x6cc: {  	[tilespmem:s18+$0xFFFFFE30] =	vst v2;
	v8 =	vld.idx.msk [tilespmem:v8+s4+$0x0], $0xffff  }
0x6cd: {  	[tilespmem:s18+$0xFFFFFE40] =	vst v3;
	v0 =	vld.idx.msk [tilespmem:v9+s4+$0x0], $0xffff  }
.Ltmp20:
0x6ce: {  	[tilespmem:s18+$0xFFFFFE50] =	vst v4;
	v1 =	vld.idx.msk [tilespmem:v10+s4+$0x0], $0xffff;
	(pc) =	sbr.rel @p3 .LBB2_35-.Ltmp20, $4  }
0x6cf: {  	[tilespmem:s18+$0xFFFFFE60] =	vst v5;
	v2 =	vld.idx.msk [tilespmem:v11+s4+$0x0], $0xffff  }
0x6d0: {  	[tilespmem:s18+$0xFFFFFE70] =	vst v7;
	v3 =	vld.idx.msk [tilespmem:v12+s4+$0x0], $0xffff  }
0x6d1: {  	[tilespmem:s18+$0xFFFFFE00] =	vst v14;
	v4 =	vld.idx.msk [tilespmem:v13+s4+$0x0], $0xffff  }
0x6d2: {  	s3 =	sadd.s32 $0x100, s3;
	[tilespmem:s18+$0x0] =	vst v8;
	v5 =	vld.idx.msk [tilespmem:v6+s4+$0x0], $0xffff  }
0x6d3: {  	[tilespmem:s18+$0x10] =	vst v0  }
0x6d4: {  	[tilespmem:s18+$0x20] =	vst v1  }
0x6d5: {  	[tilespmem:s18+$0x30] =	vst v2  }
0x6d6: {  	[tilespmem:s18+$0x40] =	vst v3  }
0x6d7: {  	[tilespmem:s18+$0x50] =	vst v4  }
0x6d8: {  	[tilespmem:s18+$0x60] =	vst v5  }
0x6d9: {  	s1 =	rddreg [dreg:$0xe]  }
0x6da: {  	s1 =	sadd.s32 s16, s1  }
0x6db: {  	[hbm4b:s1+s4] =	stream.linear.scatter [tilespmem:s19], [sflag:$0x5], $0x80, $0x38;
	[tilespmem:$0x1E700] =	vst v63  }
0x6dc: {  	s3 =	sadd.s32 $0x80, s1  }
0x6dd: {  	[hbm4b:s3+s4] =	stream.linear.scatter [tilespmem:s20], [sflag:$0x5], $0x80, $0x38;
	[tilespmem:$0x1E700] =	vst v63  }
0x6de: {  	s18 =	sadd.s32 $0x100, s1  }
0x6df: {  	[hbm4b:s18+s4] =	stream.linear.scatter [tilespmem:s5], [sflag:$0x5], $0x80, $0x38;
	[tilespmem:$0x1E700] =	vst v63  }
0x6e0: {  	s22 =	sadd.s32 $0x180, s1  }
0x6e1: {  	[hbm4b:s22+s4] =	stream.linear.scatter [tilespmem:s9], [sflag:$0x5], $0x80, $0x38;
	[tilespmem:$0x1E700] =	vst v63  }
0x6e2: {  	s6 =	sadd.s32 $0x200, s1  }
0x6e3: {  	[hbm4b:s6+s4] =	stream.linear.scatter [tilespmem:s10], [sflag:$0x5], $0x80, $0x38;
	[tilespmem:$0x1E700] =	vst v63  }
0x6e4: {  	s16 =	sadd.s32 $0x280, s1  }
0x6e5: {  	[hbm4b:s16+s4] =	stream.linear.scatter [tilespmem:s11], [sflag:$0x5], $0x80, $0x38;
	[tilespmem:$0x1E700] =	vst v63  }
0x6e6: {  	s18 =	sadd.s32 $0x300, s1  }
0x6e7: {  	[hbm4b:s18+s4] =	stream.linear.scatter [tilespmem:s12], [sflag:$0x5], $0x80, $0x38;
	[tilespmem:$0x1E700] =	vst v63  }
0x6e8: {  	s22 =	sadd.s32 $0x380, s1  }
0x6e9: {  	[hbm4b:s22+s4] =	stream.linear.scatter [tilespmem:s13], [sflag:$0x5], $0x80, $0x38;
	[tilespmem:$0x1E700] =	vst v63  }
0x6ea: {  	s6 =	sadd.s32 $0x400, s1  }
0x6eb: {  	[hbm4b:s6+s4] =	stream.linear.scatter [tilespmem:s14], [sflag:$0x5], $0x80, $0x38;
	[tilespmem:$0x1E700] =	vst v63  }
0x6ec: {  	s16 =	sadd.s32 $0x480, s1  }
0x6ed: {  	[hbm4b:s16+s4] =	stream.linear.scatter [tilespmem:s15], [sflag:$0x5], $0x80, $0x38;
	[tilespmem:$0x1E700] =	vst v63  }
0x6ee: {  	s18 =	sadd.s32 $0x500, s1  }
0x6ef: {  	[hbm4b:s18+s4] =	stream.linear.scatter [tilespmem:s24], [sflag:$0x5], $0x80, $0x38;
	[tilespmem:$0x1E700] =	vst v63  }
0x6f0: {  	s22 =	sadd.s32 $0x580, s1  }
0x6f1: {  	[hbm4b:s22+s4] =	stream.linear.scatter [tilespmem:s25], [sflag:$0x5], $0x80, $0x38;
	[tilespmem:$0x1E700] =	vst v63  }
0x6f2: {  	s7 =	sadd.s32 $0x1, s7;
	s6 =	sadd.s32 $0x600, s1;
	s22 =	rddreg [dreg:$0x10]  }
0x6f3: {  	[hbm4b:s6+s4] =	stream.linear.scatter [tilespmem:s26], [sflag:$0x5], $0x80, $0x38;
	[tilespmem:$0x1E700] =	vst v63  }
0x6f4: {  	s16 =	sadd.s32 $0x680, s1;
	p3 =	slt.s32 s7, s22  }
0x6f5: {  	[hbm4b:s16+s4] =	stream.linear.scatter [tilespmem:s28], [sflag:$0x5], $0x80, $0x38;
	[tilespmem:$0x1E700] =	vst v63  }
.Ltmp21:
0x6f6: {  	_ = 	snop;
	(pc) =	sbr.rel @p3 .LBB2_20-.Ltmp21, $4  }
.Ltmp22:
0x6f7: {  	s18 =	sadd.s32 $0x700, s1;
	(pc) =	sbr.rel @!p3 .LBB2_37-.Ltmp22, $4  }
0x6f8: {  	[hbm4b:s18+s4] =	stream.linear.scatter [tilespmem:s29], [sflag:$0x5], $0x80, $0x38;
	[tilespmem:$0x1E700] =	vst v63  }
0x6f9: {  	s1 =	sadd.s32 $0x780, s1  }
0x6fa: {  	[hbm4b:s1+s4] =	stream.linear.scatter [tilespmem:s30], [sflag:$0x5], $0x80, $0x38;
	[tilespmem:$0x1E700] =	vst v63  }
0x6fb: {  	_ = 	snop  }
.LBB2_38:
0x6fc: {  	_ =	sfence.sel $0x180000  }
0x6fd: {  	[bflag:$0x0] =	sbarrier.arrive $0xFFFF  }
0x6fe: {  	_ =	strace $0x90000047  }
0x6ff: {  	s0 =	stileid.u32;
	[bflag:$0x2] =	sbarrier.arrive $0xFFFF  }
0x700: {  	p0 =	sne.s32 s0, $0x0;
	s0 =	rddreg [dreg:$0x3]  }
0x701: {  	s0 =	sadd.s32 @!p0 $0x100000, s0  }
0x702: {  	[sflag:s0] =	ssyncadd.tile.s32 @!p0 $0x1;
	_ =	shalt  }
.Lfunc_end2:
_tile_overlayer_lowered:
.L_overlay_start_2:
0x703: {  	(tag) =	ssettag $0x2  }
0x704: {  	s0 =	rddreg [dreg:$0x0];
	s2 =	stileid.u32  }
0x705: {  	s1 =	rddreg [dreg:$0x1];
	p0 =	sne.s32 s2, $0x0  }
0x706: {  	s3 =	rddreg [dreg:$0x2];
	[bflag:$0x3] =	sbarrier.arrive $0xFFFF;
	s2 =	simm.s32 @!p0 $0x1C06  }
0x707: {  	[timem:s3], [sflag:s2] =	dma.local @!p0 [hbm:s0], s1  }
0x708: {  	s0 =	simm.s32 @!p0 $0x6  }
0x709: {  	_ =	swait.ge @!p0 [sflag:s0], s1  }
0x70a: {  	s1 =	ssub.s32 @!p0 $0x0, s1;
	[sflag:s0] =	ssyncset.done @!p0 $0x0  }
0x70b: {  	[sflag:s0] =	ssyncadd.s32 @!p0 s1  }
0x70c: {  	[bflag:$0x3] =	sbarrier.arrive $0xFFFF  }
0x70d: {  	_ =	shalt  }

</sc_bundles>
